<compile_context>
chip_gen: v7x
topology: tpu7x:2x2x1
jax: 0.10.2.dev20260603
libtpu: 0.0.44.dev20260713+nightly
codegen_flags: <defaults>
</compile_context>

<pallas_src>
import functools

import jax
import jax.numpy as jnp
from jax import lax
from jax.experimental import pallas as pl
from jax.experimental.pallas import tpu as pltpu
from jax.experimental.pallas import tpu_sc as plsc

N_NODES = 10000
N_EDGES = 320000
D = 128

NC = 2
NS = 16
NW = NC * NS
EPW = N_EDGES // NW
B = 80
NB = EPW // B
CH = 5
NCH = NB // CH
NBUF = 3
SEG = CH * NBUF

_mesh = plsc.VectorSubcoreMesh(core_axis_name="c", subcore_axis_name="s")


@functools.partial(
    pl.kernel,
    mesh=_mesh,
    out_type=jax.ShapeDtypeStruct((NC, N_NODES, D), jnp.float32),
    scratch_types=[
        pltpu.VMEM((CH, B), jnp.int32),
        pltpu.VMEM((CH, B), jnp.int32),
        pltpu.VMEM((CH, B), jnp.int32),
        pltpu.VMEM((CH, B), jnp.int32),
        pltpu.VMEM((CH, B), jnp.int32),
        pltpu.VMEM((CH, B), jnp.int32),
        pltpu.VMEM((B, D), jnp.float32),
        pltpu.VMEM((B, D), jnp.float32),
        pltpu.VMEM((B, D), jnp.float32),
        pltpu.VMEM_SHARED((N_NODES, D), jnp.float32),
        pltpu.SemaphoreType.DMA,
        pltpu.SemaphoreType.DMA,
        pltpu.SemaphoreType.DMA,
        pltpu.SemaphoreType.DMA,
        pltpu.SemaphoreType.DMA,
        pltpu.SemaphoreType.DMA,
        pltpu.SemaphoreType.DMA,
        pltpu.SemaphoreType.DMA,
        pltpu.SemaphoreType.DMA,
    ],
)
def _message_pass(feat_hbm, idx_hbm, out_hbm,
                  src0, dst0, src1, dst1, src2, dst2,
                  rows0, rows1, rows2, h_sh,
                  sem0, sem1, sem2, ssem0, ssem1, ssem2,
                  isem0, isem1, isem2):
    c = lax.axis_index("c")
    s = lax.axis_index("s")
    wid = s * NC + c
    rpt = 624
    tail_base = NS * rpt
    tail = N_NODES - tail_base

    zv = jnp.zeros((16,), jnp.float32)

    def zb(j, c2):
        r = j // (D // 16)
        col = (j % (D // 16)) * 16
        rows0[r, pl.ds(col, 16)] = zv
        return c2

    lax.fori_loop(0, B * D // 16, zb, 0)

    bufs = (rows0, rows1, rows2)
    sems = (sem0, sem1, sem2)
    ssems = (ssem0, ssem1, ssem2)
    srcs = (src0, src1, src2)
    dsts = (dst0, dst1, dst2)
    isems = (isem0, isem1, isem2)

    def iload(ch, st):
        pltpu.async_copy(idx_hbm.at[0].at[wid].at[ch], srcs[st], isems[st])
        pltpu.async_copy(idx_hbm.at[1].at[wid].at[ch], dsts[st], isems[st])

    def iwait(st):
        pltpu.make_async_copy(idx_hbm.at[0].at[wid].at[0], srcs[st],
                              isems[st]).wait()
        pltpu.make_async_copy(idx_hbm.at[1].at[wid].at[0], dsts[st],
                              isems[st]).wait()

    def start(st, r, b):
        pltpu.async_copy(feat_hbm.at[srcs[st].at[r]], bufs[b], sems[b])

    def wait(b):
        pltpu.make_async_copy(feat_hbm.at[src0.at[0]], bufs[b], sems[b]).wait()

    def scatter_start(st, r, b):
        pltpu.async_copy(bufs[b], h_sh.at[dsts[st].at[r]], ssems[b], add=True)

    def scatter_wait(b):
        pltpu.make_async_copy(bufs[b], h_sh.at[dst0.at[0]], ssems[b]).wait()

    def emit_steps(bc, length, tail_chunks=None, first=False):
        for o in range(length):
            j = o + NBUF - 1
            j_valid = tail_chunks is None or j <= length - 1
            if j_valid and not (first and o == 0):
                scatter_wait(j % NBUF)
            if o % CH == 0:
                co = o // CH
                skip = (first and co == 0) or (
                    tail_chunks is not None and co + 2 >= tail_chunks)
                if not skip:
                    iload(bc + co + 2, (co + 2) % 3)
            if j_valid:
                if j % CH == 0:
                    iwait((j // CH) % 3)
                start((j // CH) % 3, j % CH, j % NBUF)
            wait(o % NBUF)
            scatter_start((o // CH) % 3, o % CH, o % NBUF)

    iload(0, 0)
    iload(1, 1)
    iload(2, 2)
    nfull = rpt // B
    rem = rpt - nfull * B
    for k in range(nfull):
        pltpu.async_copy(rows0, h_sh.at[pl.ds(s * rpt + k * B, B)],
                         ssems[k % 3])
    pltpu.async_copy(rows0.at[pl.ds(0, rem)],
                     h_sh.at[pl.ds(s * rpt + nfull * B, rem)], ssems[1])

    @pl.when(s == NS - 1)
    def _():
        pltpu.async_copy(rows0.at[pl.ds(0, tail)],
                         h_sh.at[pl.ds(tail_base, tail)], ssems[2])

    for k in range(nfull):
        pltpu.make_async_copy(rows0, h_sh.at[pl.ds(s * rpt + k * B, B)],
                              ssems[k % 3]).wait()
    pltpu.make_async_copy(rows0.at[pl.ds(0, rem)],
                          h_sh.at[pl.ds(s * rpt + nfull * B, rem)],
                          ssems[1]).wait()

    @pl.when(s == NS - 1)
    def _():
        pltpu.make_async_copy(rows0.at[pl.ds(0, tail)],
                              h_sh.at[pl.ds(tail_base, tail)],
                              ssems[2]).wait()

    plsc.subcore_barrier()
    iwait(0)
    start(0, 0, 0)
    start(0, 1, 1)

    emit_steps(0, SEG, first=True)

    def body(it, carry):
        emit_steps(3 * it, SEG)
        return carry

    lax.fori_loop(1, 7, body, 0)

    emit_steps(21, (NCH - 21) * CH, tail_chunks=NCH - 21)

    for g in range(NB - NBUF, NB):
        scatter_wait(g % NBUF)

    plsc.subcore_barrier()
    pltpu.sync_copy(h_sh.at[pl.ds(s * rpt, rpt)],
                    out_hbm.at[c].at[pl.ds(s * rpt, rpt)])

    @pl.when(s == NS - 1)
    def _():
        pltpu.sync_copy(h_sh.at[pl.ds(tail_base, tail)],
                        out_hbm.at[c].at[pl.ds(tail_base, tail)])


def _linear_body(p_ref, w_ref, b_ref, o_ref):
    h = p_ref[0] + p_ref[1]
    o_ref[...] = lax.dot_general(
        h, w_ref[...], (((1,), (1,)), ((), ())),
        preferred_element_type=jnp.float32) + b_ref[...]


def _linear(part, W, b):
    return pl.pallas_call(
        _linear_body,
        in_specs=[
            pl.BlockSpec((NC, N_NODES, D), lambda: (0, 0, 0)),
            pl.BlockSpec((D, D), lambda: (0, 0)),
            pl.BlockSpec((1, D), lambda: (0, 0)),
        ],
        out_specs=pl.BlockSpec((N_NODES, D), lambda: (0, 0)),
        out_shape=jax.ShapeDtypeStruct((N_NODES, D), jnp.float32),
    )(part, W, b.reshape(1, D))


@jax.jit
def kernel(feature, edge_index, W, b):
    idx = edge_index.astype(jnp.int32).reshape(2, NW, NCH, CH, B)
    part = _message_pass(feature, idx)
    return _linear(part, W, b)

# --- scband reference (transcript-rebuilt; emitter-appended) ---
"""Pipeline reference for scband-gcnlayer-1194000908631 (READ-ONLY COPY).

The authoritative reference and input builder live on the scoring server;
editing this copy changes nothing except your own understanding.
"""

import jax, jax.numpy as jnp
import numpy as np

N_NODES = 10000
N_EDGES = 320000
D_IN = 128
D_OUT = 128

def setup_inputs(seed: int = 0) -> dict:
    key = jax.random.key(seed)
    k1, k2, k3, k4 = jax.random.split(key, 4)
    feature = jax.random.normal(k1, (N_NODES, D_IN), dtype=jnp.float32)
    edge_index = jax.random.randint(k2, (2, N_EDGES), 0, N_NODES, dtype=jnp.int64)
    # nn.Linear(in_feats, out_feats) parameters
    bound = 1.0 / np.sqrt(D_IN)
    W = jax.random.uniform(k3, (D_OUT, D_IN), dtype=jnp.float32, minval=-bound, maxval=bound)
    b = jax.random.uniform(k4, (D_OUT,), dtype=jnp.float32, minval=-bound, maxval=bound)
    return {"feature": feature, "edge_index": edge_index, "W": W, "b": b}

def reference(feature, edge_index, W, b):
    # gcn_msg = fn.copy_u('h','m'): message is source node feature
    src = edge_index[0]
    dst = edge_index[1]
    msgs = jnp.take(feature, src, axis=0)            # gather (SparseCore)
    # gcn_reduce = fn.sum: scatter-add messages to destination nodes
    h = jax.ops.segment_sum(msgs, dst, num_segments=N_NODES)
    # self.linear(h)
    return h @ W.T + b

if __name__ == "__main__":
    import jax
    _d = setup_inputs()
    print(jax.jit(kernel)(*tuple(_d.values())))

</pallas_src>

<mosaic_0001>
#map = affine_map<(d0, d1) -> (0, 0)>
#map1 = affine_map<(d0, d1) -> (0, 0, 0, 0, 0)>
#map2 = affine_map<(d0, d1) -> (0, 0, 0)>
module attributes {stable_mosaic.version = 14 : i64} {
  func.func @_message_pass(%arg0: i32, %arg1: i32, %arg2: memref<10000x128xf32, #tpu.memory_space<hbm>>, %arg3: memref<2x32x25x5x80xi32, #tpu.memory_space<hbm>>, %arg4: memref<2x10000x128xf32, #tpu.memory_space<hbm>>, %arg5: memref<5x80xi32, #tpu.memory_space<vmem>>, %arg6: memref<5x80xi32, #tpu.memory_space<vmem>>, %arg7: memref<5x80xi32, #tpu.memory_space<vmem>>, %arg8: memref<5x80xi32, #tpu.memory_space<vmem>>, %arg9: memref<5x80xi32, #tpu.memory_space<vmem>>, %arg10: memref<5x80xi32, #tpu.memory_space<vmem>>, %arg11: memref<80x128xf32, #tpu.memory_space<vmem>>, %arg12: memref<80x128xf32, #tpu.memory_space<vmem>>, %arg13: memref<80x128xf32, #tpu.memory_space<vmem>>, %arg14: memref<10000x128xf32, #tpu.memory_space<vmem_shared>>, %arg15: memref<!tpu.dma_semaphore, #tpu.memory_space<semaphore_mem>>, %arg16: memref<!tpu.dma_semaphore, #tpu.memory_space<semaphore_mem>>, %arg17: memref<!tpu.dma_semaphore, #tpu.memory_space<semaphore_mem>>, %arg18: memref<!tpu.dma_semaphore, #tpu.memory_space<semaphore_mem>>, %arg19: memref<!tpu.dma_semaphore, #tpu.memory_space<semaphore_mem>>, %arg20: memref<!tpu.dma_semaphore, #tpu.memory_space<semaphore_mem>>, %arg21: memref<!tpu.dma_semaphore, #tpu.memory_space<semaphore_mem>>, %arg22: memref<!tpu.dma_semaphore, #tpu.memory_space<semaphore_mem>>, %arg23: memref<!tpu.dma_semaphore, #tpu.memory_space<semaphore_mem>>) attributes {dimension_semantics = [#tpu.dimension_semantics<core_parallel>, #tpu.dimension_semantics<subcore_parallel>], iteration_bounds = array<i64: 2, 16>, scalar_prefetch = 0 : i64, scratch_operands = 19 : i64, tpu.core_type = #tpu.core_type<sc_vector_subcore>, window_params = [{transform_indices = #map}, {transform_indices = #map1}, {transform_indices = #map2}]} {
    %mul3A = arith.constant 2 : i32
    %mul3A_0 = arith.muli %arg1, %mul3A : i32
    %add3A = arith.addi %mul3A_0, %arg0 : i32
    %broadcast_in_dim3A = arith.constant 0.000000e+00 : f32
    %broadcast_in_dim3A_1 = vector.broadcast %broadcast_in_dim3A : f32 to vector<16xf32>
    %scan3A = arith.constant 0 : i32
    %scan3A_2 = arith.constant 0 : i32
    %scan3A_3 = arith.constant 640 : i32
    %scan3A_4 = arith.addi %scan3A_2, %scan3A_3 : i32
    %scan3A_5 = arith.constant 1 : i32
    scf.for %scan3A_2044 = %scan3A_2 to %scan3A_4 step %scan3A_5  : i32 {
      %jit3A = arith.constant 8 : i32
      %div3A = arith.divsi %scan3A_2044, %jit3A : i32
      %sign3A = arith.constant 0 : i32
      %sign3A_2045 = arith.cmpi sgt, %scan3A_2044, %sign3A : i32
      %sign3A_2046 = arith.extui %sign3A_2045 : i1 to i32
      %sign3A_2047 = arith.constant 0 : i32
      %sign3A_2048 = arith.cmpi slt, %scan3A_2044, %sign3A_2047 : i32
      %sign3A_2049 = arith.extui %sign3A_2048 : i1 to i32
      %sign3A_2050 = arith.subi %sign3A_2046, %sign3A_2049 : i32
      %sign3A_2051 = arith.constant 0 : i32
      %sign3A_2052 = arith.cmpi sgt, %jit3A, %sign3A_2051 : i32
      %sign3A_2053 = arith.extui %sign3A_2052 : i1 to i32
      %sign3A_2054 = arith.constant 0 : i32
      %sign3A_2055 = arith.cmpi slt, %jit3A, %sign3A_2054 : i32
      %sign3A_2056 = arith.extui %sign3A_2055 : i1 to i32
      %sign3A_2057 = arith.subi %sign3A_2053, %sign3A_2056 : i32
      %ne3A = arith.cmpi ne, %sign3A_2050, %sign3A_2057 : i32
      %rem3A = arith.remsi %scan3A_2044, %jit3A : i32
      %ne3A_2058 = arith.constant 0 : i32
      %ne3A_2059 = arith.cmpi ne, %rem3A, %ne3A_2058 : i32
      %and3A = arith.andi %ne3A, %ne3A_2059 : i1
      %sub3A = arith.constant 1 : i32
      %sub3A_2060 = arith.subi %div3A, %sub3A : i32
      %select_n3A = arith.select %and3A, %sub3A_2060, %div3A : i32
      %jit3A_2061 = arith.constant 8 : i32
      %eq3A_2062 = arith.constant 0 : i32
      %eq3A_2063 = arith.cmpi eq, %jit3A_2061, %eq3A_2062 : i32
      %jit3A_2064 = arith.constant 1 : i32
      %select_n3A_2065 = arith.select %eq3A_2063, %jit3A_2064, %jit3A_2061 : i32
      %rem3A_2066 = arith.remsi %scan3A_2044, %select_n3A_2065 : i32
      %ne3A_2067 = arith.constant 0 : i32
      %ne3A_2068 = arith.cmpi ne, %rem3A_2066, %ne3A_2067 : i32
      %lt3A = arith.constant 0 : i32
      %lt3A_2069 = arith.cmpi slt, %rem3A_2066, %lt3A : i32
      %lt3A_2070 = arith.constant 0 : i32
      %lt3A_2071 = arith.cmpi slt, %select_n3A_2065, %lt3A_2070 : i32
      %ne3A_2072 = arith.xori %lt3A_2069, %lt3A_2071 : i1
      %and3A_2073 = arith.andi %ne3A_2072, %ne3A_2068 : i1
      %add3A_2074 = arith.addi %rem3A_2066, %select_n3A_2065 : i32
      %select_n3A_2075 = arith.select %and3A_2073, %add3A_2074, %rem3A_2066 : i32
      %mul3A_2076 = arith.constant 16 : i32
      %mul3A_2077 = arith.muli %select_n3A_2075, %mul3A_2076 : i32
      %swap3A = arith.index_cast %select_n3A : i32 to index
      %swap3A_2078 = arith.index_cast %mul3A_2077 : i32 to index
      %swap3A_2079 = tpu.vector_load %arg11[%swap3A, %swap3A_2078] {strides = array<i32>} : memref<80x128xf32, #tpu.memory_space<vmem>>, vector<1x16xf32>,
      %swap3A_2080 = vector.shape_cast %swap3A_2079 : vector<1x16xf32> to vector<16xf32>
      %swap3A_2081 = vector.shape_cast %broadcast_in_dim3A_1 : vector<16xf32> to vector<1x16xf32>
      tpu.vector_store %arg11[%swap3A, %swap3A_2078], %swap3A_2081 {strides = array<i32>} : memref<80x128xf32, #tpu.memory_space<vmem>>, vector<1x16xf32>,
    }
    %scan3A_6 = arith.constant 640 : i32
    %dma_start3A = arith.constant 0 : i32
    %dma_start3A_7 = arith.constant 0 : i32
    %dma_start3A_8 = arith.constant 0 : i32
    %dma_start3A_9 = arith.constant 0 : i32
    %dma_start3A_10 = arith.constant 0 : i32
    %dma_start3A_11 = arith.constant 0 : i32
    %dma_start3A_12 = tpu.memref_slice %arg3[%dma_start3A, %dma_start3A_8, %dma_start3A_9, %dma_start3A_10, %dma_start3A_11] : memref<2x32x25x5x80xi32, #tpu.memory_space<hbm>> -> memref<1x32x25x5x80xi32, #tpu.memory_space<hbm>>
    %dma_start3A_13 = tpu.memref_squeeze %dma_start3A_12 : memref<1x32x25x5x80xi32, #tpu.memory_space<hbm>> -> memref<32x25x5x80xi32, #tpu.memory_space<hbm>>
    %dma_start3A_14 = arith.constant 0 : i32
    %dma_start3A_15 = arith.constant 0 : i32
    %dma_start3A_16 = arith.constant 0 : i32
    %dma_start3A_17 = tpu.memref_slice %dma_start3A_13[%add3A, %dma_start3A_14, %dma_start3A_15, %dma_start3A_16] : memref<32x25x5x80xi32, #tpu.memory_space<hbm>> -> memref<1x25x5x80xi32, #tpu.memory_space<hbm>>
    %dma_start3A_18 = tpu.memref_squeeze %dma_start3A_17 : memref<1x25x5x80xi32, #tpu.memory_space<hbm>> -> memref<25x5x80xi32, #tpu.memory_space<hbm>>
    %dma_start3A_19 = arith.constant 0 : i32
    %dma_start3A_20 = arith.constant 0 : i32
    %dma_start3A_21 = tpu.memref_slice %dma_start3A_18[%dma_start3A_7, %dma_start3A_19, %dma_start3A_20] : memref<25x5x80xi32, #tpu.memory_space<hbm>> -> memref<1x5x80xi32, #tpu.memory_space<hbm>>
    %dma_start3A_22 = tpu.memref_squeeze %dma_start3A_21 : memref<1x5x80xi32, #tpu.memory_space<hbm>> -> memref<5x80xi32, #tpu.memory_space<hbm>>
    %dma_start3A_23 = arith.constant 0 : i32
    %dma_start3A_24 = arith.constant 0 : i32
    %dma_start3A_25 = arith.constant 0 : i32
    %dma_start3A_26 = arith.constant 0 : i32
    %dma_start3A_27 = tpu.memref_slice %arg3[%dma_start3A, %dma_start3A_23, %dma_start3A_24, %dma_start3A_25, %dma_start3A_26] : memref<2x32x25x5x80xi32, #tpu.memory_space<hbm>> -> memref<1x32x25x5x80xi32, #tpu.memory_space<hbm>>
    %dma_start3A_28 = tpu.memref_squeeze %dma_start3A_27 : memref<1x32x25x5x80xi32, #tpu.memory_space<hbm>> -> memref<32x25x5x80xi32, #tpu.memory_space<hbm>>
    %dma_start3A_29 = arith.constant 0 : i32
    %dma_start3A_30 = arith.constant 0 : i32
    %dma_start3A_31 = arith.constant 0 : i32
    %dma_start3A_32 = tpu.memref_slice %dma_start3A_28[%add3A, %dma_start3A_29, %dma_start3A_30, %dma_start3A_31] : memref<32x25x5x80xi32, #tpu.memory_space<hbm>> -> memref<1x25x5x80xi32, #tpu.memory_space<hbm>>
    %dma_start3A_33 = tpu.memref_squeeze %dma_start3A_32 : memref<1x25x5x80xi32, #tpu.memory_space<hbm>> -> memref<25x5x80xi32, #tpu.memory_space<hbm>>
    %dma_start3A_34 = arith.constant 0 : i32
    %dma_start3A_35 = arith.constant 0 : i32
    %dma_start3A_36 = tpu.memref_slice %dma_start3A_33[%dma_start3A_7, %dma_start3A_34, %dma_start3A_35] : memref<25x5x80xi32, #tpu.memory_space<hbm>> -> memref<1x5x80xi32, #tpu.memory_space<hbm>>
    %dma_start3A_37 = tpu.memref_squeeze %dma_start3A_36 : memref<1x5x80xi32, #tpu.memory_space<hbm>> -> memref<5x80xi32, #tpu.memory_space<hbm>>
    tpu.enqueue_dma source(%dma_start3A_37 : memref<5x80xi32, #tpu.memory_space<hbm>>) target(%arg5 : memref<5x80xi32, #tpu.memory_space<vmem>>) target_semaphore(%arg21 : memref<!tpu.dma_semaphore, #tpu.memory_space<semaphore_mem>>)
    %dma_start3A_38 = arith.constant 1 : i32
    %dma_start3A_39 = arith.constant 0 : i32
    %dma_start3A_40 = arith.constant 0 : i32
    %dma_start3A_41 = arith.constant 0 : i32
    %dma_start3A_42 = arith.constant 0 : i32
    %dma_start3A_43 = arith.constant 0 : i32
    %dma_start3A_44 = tpu.memref_slice %arg3[%dma_start3A_38, %dma_start3A_40, %dma_start3A_41, %dma_start3A_42, %dma_start3A_43] : memref<2x32x25x5x80xi32, #tpu.memory_space<hbm>> -> memref<1x32x25x5x80xi32, #tpu.memory_space<hbm>>
    %dma_start3A_45 = tpu.memref_squeeze %dma_start3A_44 : memref<1x32x25x5x80xi32, #tpu.memory_space<hbm>> -> memref<32x25x5x80xi32, #tpu.memory_space<hbm>>
    %dma_start3A_46 = arith.constant 0 : i32
    %dma_start3A_47 = arith.constant 0 : i32
    %dma_start3A_48 = arith.constant 0 : i32
    %dma_start3A_49 = tpu.memref_slice %dma_start3A_45[%add3A, %dma_start3A_46, %dma_start3A_47, %dma_start3A_48] : memref<32x25x5x80xi32, #tpu.memory_space<hbm>> -> memref<1x25x5x80xi32, #tpu.memory_space<hbm>>
    %dma_start3A_50 = tpu.memref_squeeze %dma_start3A_49 : memref<1x25x5x80xi32, #tpu.memory_space<hbm>> -> memref<25x5x80xi32, #tpu.memory_space<hbm>>
    %dma_start3A_51 = arith.constant 0 : i32
    %dma_start3A_52 = arith.constant 0 : i32
    %dma_start3A_53 = tpu.memref_slice %dma_start3A_50[%dma_start3A_39, %dma_start3A_51, %dma_start3A_52] : memref<25x5x80xi32, #tpu.memory_space<hbm>> -> memref<1x5x80xi32, #tpu.memory_space<hbm>>
    %dma_start3A_54 = tpu.memref_squeeze %dma_start3A_53 : memref<1x5x80xi32, #tpu.memory_space<hbm>> -> memref<5x80xi32, #tpu.memory_space<hbm>>
    %dma_start3A_55 = arith.constant 0 : i32
    %dma_start3A_56 = arith.constant 0 : i32
    %dma_start3A_57 = arith.constant 0 : i32
    %dma_start3A_58 = arith.constant 0 : i32
    %dma_start3A_59 = tpu.memref_slice %arg3[%dma_start3A_38, %dma_start3A_55, %dma_start3A_56, %dma_start3A_57, %dma_start3A_58] : memref<2x32x25x5x80xi32, #tpu.memory_space<hbm>> -> memref<1x32x25x5x80xi32, #tpu.memory_space<hbm>>
    %dma_start3A_60 = tpu.memref_squeeze %dma_start3A_59 : memref<1x32x25x5x80xi32, #tpu.memory_space<hbm>> -> memref<32x25x5x80xi32, #tpu.memory_space<hbm>>
    %dma_start3A_61 = arith.constant 0 : i32
    %dma_start3A_62 = arith.constant 0 : i32
    %dma_start3A_63 = arith.constant 0 : i32
    %dma_start3A_64 = tpu.memref_slice %dma_start3A_60[%add3A, %dma_start3A_61, %dma_start3A_62, %dma_start3A_63] : memref<32x25x5x80xi32, #tpu.memory_space<hbm>> -> memref<1x25x5x80xi32, #tpu.memory_space<hbm>>
    %dma_start3A_65 = tpu.memref_squeeze %dma_start3A_64 : memref<1x25x5x80xi32, #tpu.memory_space<hbm>> -> memref<25x5x80xi32, #tpu.memory_space<hbm>>
    %dma_start3A_66 = arith.constant 0 : i32
    %dma_start3A_67 = arith.constant 0 : i32
    %dma_start3A_68 = tpu.memref_slice %dma_start3A_65[%dma_start3A_39, %dma_start3A_66, %dma_start3A_67] : memref<25x5x80xi32, #tpu.memory_space<hbm>> -> memref<1x5x80xi32, #tpu.memory_space<hbm>>
    %dma_start3A_69 = tpu.memref_squeeze %dma_start3A_68 : memref<1x5x80xi32, #tpu.memory_space<hbm>> -> memref<5x80xi32, #tpu.memory_space<hbm>>
    tpu.enqueue_dma source(%dma_start3A_69 : memref<5x80xi32, #tpu.memory_space<hbm>>) target(%arg6 : memref<5x80xi32, #tpu.memory_space<vmem>>) target_semaphore(%arg21 : memref<!tpu.dma_semaphore, #tpu.memory_space<semaphore_mem>>)
    %dma_start3A_70 = arith.constant 0 : i32
    %dma_start3A_71 = arith.constant 1 : i32
    %dma_start3A_72 = arith.constant 0 : i32
    %dma_start3A_73 = arith.constant 0 : i32
    %dma_start3A_74 = arith.constant 0 : i32
    %dma_start3A_75 = arith.constant 0 : i32
    %dma_start3A_76 = tpu.memref_slice %arg3[%dma_start3A_70, %dma_start3A_72, %dma_start3A_73, %dma_start3A_74, %dma_start3A_75] : memref<2x32x25x5x80xi32, #tpu.memory_space<hbm>> -> memref<1x32x25x5x80xi32, #tpu.memory_space<hbm>>
    %dma_start3A_77 = tpu.memref_squeeze %dma_start3A_76 : memref<1x32x25x5x80xi32, #tpu.memory_space<hbm>> -> memref<32x25x5x80xi32, #tpu.memory_space<hbm>>
    %dma_start3A_78 = arith.constant 0 : i32
    %dma_start3A_79 = arith.constant 0 : i32
    %dma_start3A_80 = arith.constant 0 : i32
    %dma_start3A_81 = tpu.memref_slice %dma_start3A_77[%add3A, %dma_start3A_78, %dma_start3A_79, %dma_start3A_80] : memref<32x25x5x80xi32, #tpu.memory_space<hbm>> -> memref<1x25x5x80xi32, #tpu.memory_space<hbm>>
    %dma_start3A_82 = tpu.memref_squeeze %dma_start3A_81 : memref<1x25x5x80xi32, #tpu.memory_space<hbm>> -> memref<25x5x80xi32, #tpu.memory_space<hbm>>
    %dma_start3A_83 = arith.constant 0 : i32
    %dma_start3A_84 = arith.constant 0 : i32
    %dma_start3A_85 = tpu.memref_slice %dma_start3A_82[%dma_start3A_71, %dma_start3A_83, %dma_start3A_84] : memref<25x5x80xi32, #tpu.memory_space<hbm>> -> memref<1x5x80xi32, #tpu.memory_space<hbm>>
    %dma_start3A_86 = tpu.memref_squeeze %dma_start3A_85 : memref<1x5x80xi32, #tpu.memory_space<hbm>> -> memref<5x80xi32, #tpu.memory_space<hbm>>
    %dma_start3A_87 = arith.constant 0 : i32
    %dma_start3A_88 = arith.constant 0 : i32
    %dma_start3A_89 = arith.constant 0 : i32
    %dma_start3A_90 = arith.constant 0 : i32
    %dma_start3A_91 = tpu.memref_slice %arg3[%dma_start3A_70, %dma_start3A_87, %dma_start3A_88, %dma_start3A_89, %dma_start3A_90] : memref<2x32x25x5x80xi32, #tpu.memory_space<hbm>> -> memref<1x32x25x5x80xi32, #tpu.memory_space<hbm>>
    %dma_start3A_92 = tpu.memref_squeeze %dma_start3A_91 : memref<1x32x25x5x80xi32, #tpu.memory_space<hbm>> -> memref<32x25x5x80xi32, #tpu.memory_space<hbm>>
    %dma_start3A_93 = arith.constant 0 : i32
    %dma_start3A_94 = arith.constant 0 : i32
    %dma_start3A_95 = arith.constant 0 : i32
    %dma_start3A_96 = tpu.memref_slice %dma_start3A_92[%add3A, %dma_start3A_93, %dma_start3A_94, %dma_start3A_95] : memref<32x25x5x80xi32, #tpu.memory_space<hbm>> -> memref<1x25x5x80xi32, #tpu.memory_space<hbm>>
    %dma_start3A_97 = tpu.memref_squeeze %dma_start3A_96 : memref<1x25x5x80xi32, #tpu.memory_space<hbm>> -> memref<25x5x80xi32, #tpu.memory_space<hbm>>
    %dma_start3A_98 = arith.constant 0 : i32
    %dma_start3A_99 = arith.constant 0 : i32
    %dma_start3A_100 = tpu.memref_slice %dma_start3A_97[%dma_start3A_71, %dma_start3A_98, %dma_start3A_99] : memref<25x5x80xi32, #tpu.memory_space<hbm>> -> memref<1x5x80xi32, #tpu.memory_space<hbm>>
    %dma_start3A_101 = tpu.memref_squeeze %dma_start3A_100 : memref<1x5x80xi32, #tpu.memory_space<hbm>> -> memref<5x80xi32, #tpu.memory_space<hbm>>
    tpu.enqueue_dma source(%dma_start3A_101 : memref<5x80xi32, #tpu.memory_space<hbm>>) target(%arg7 : memref<5x80xi32, #tpu.memory_space<vmem>>) target_semaphore(%arg22 : memref<!tpu.dma_semaphore, #tpu.memory_space<semaphore_mem>>)
    %dma_start3A_102 = arith.constant 1 : i32
    %dma_start3A_103 = arith.constant 1 : i32
    %dma_start3A_104 = arith.constant 0 : i32
    %dma_start3A_105 = arith.constant 0 : i32
    %dma_start3A_106 = arith.constant 0 : i32
    %dma_start3A_107 = arith.constant 0 : i32
    %dma_start3A_108 = tpu.memref_slice %arg3[%dma_start3A_102, %dma_start3A_104, %dma_start3A_105, %dma_start3A_106, %dma_start3A_107] : memref<2x32x25x5x80xi32, #tpu.memory_space<hbm>> -> memref<1x32x25x5x80xi32, #tpu.memory_space<hbm>>
    %dma_start3A_109 = tpu.memref_squeeze %dma_start3A_108 : memref<1x32x25x5x80xi32, #tpu.memory_space<hbm>> -> memref<32x25x5x80xi32, #tpu.memory_space<hbm>>
    %dma_start3A_110 = arith.constant 0 : i32
    %dma_start3A_111 = arith.constant 0 : i32
    %dma_start3A_112 = arith.constant 0 : i32
    %dma_start3A_113 = tpu.memref_slice %dma_start3A_109[%add3A, %dma_start3A_110, %dma_start3A_111, %dma_start3A_112] : memref<32x25x5x80xi32, #tpu.memory_space<hbm>> -> memref<1x25x5x80xi32, #tpu.memory_space<hbm>>
    %dma_start3A_114 = tpu.memref_squeeze %dma_start3A_113 : memref<1x25x5x80xi32, #tpu.memory_space<hbm>> -> memref<25x5x80xi32, #tpu.memory_space<hbm>>
    %dma_start3A_115 = arith.constant 0 : i32
    %dma_start3A_116 = arith.constant 0 : i32
    %dma_start3A_117 = tpu.memref_slice %dma_start3A_114[%dma_start3A_103, %dma_start3A_115, %dma_start3A_116] : memref<25x5x80xi32, #tpu.memory_space<hbm>> -> memref<1x5x80xi32, #tpu.memory_space<hbm>>
    %dma_start3A_118 = tpu.memref_squeeze %dma_start3A_117 : memref<1x5x80xi32, #tpu.memory_space<hbm>> -> memref<5x80xi32, #tpu.memory_space<hbm>>
    %dma_start3A_119 = arith.constant 0 : i32
    %dma_start3A_120 = arith.constant 0 : i32
    %dma_start3A_121 = arith.constant 0 : i32
    %dma_start3A_122 = arith.constant 0 : i32
    %dma_start3A_123 = tpu.memref_slice %arg3[%dma_start3A_102, %dma_start3A_119, %dma_start3A_120, %dma_start3A_121, %dma_start3A_122] : memref<2x32x25x5x80xi32, #tpu.memory_space<hbm>> -> memref<1x32x25x5x80xi32, #tpu.memory_space<hbm>>
    %dma_start3A_124 = tpu.memref_squeeze %dma_start3A_123 : memref<1x32x25x5x80xi32, #tpu.memory_space<hbm>> -> memref<32x25x5x80xi32, #tpu.memory_space<hbm>>
    %dma_start3A_125 = arith.constant 0 : i32
    %dma_start3A_126 = arith.constant 0 : i32
    %dma_start3A_127 = arith.constant 0 : i32
    %dma_start3A_128 = tpu.memref_slice %dma_start3A_124[%add3A, %dma_start3A_125, %dma_start3A_126, %dma_start3A_127] : memref<32x25x5x80xi32, #tpu.memory_space<hbm>> -> memref<1x25x5x80xi32, #tpu.memory_space<hbm>>
    %dma_start3A_129 = tpu.memref_squeeze %dma_start3A_128 : memref<1x25x5x80xi32, #tpu.memory_space<hbm>> -> memref<25x5x80xi32, #tpu.memory_space<hbm>>
    %dma_start3A_130 = arith.constant 0 : i32
    %dma_start3A_131 = arith.constant 0 : i32
    %dma_start3A_132 = tpu.memref_slice %dma_start3A_129[%dma_start3A_103, %dma_start3A_130, %dma_start3A_131] : memref<25x5x80xi32, #tpu.memory_space<hbm>> -> memref<1x5x80xi32, #tpu.memory_space<hbm>>
    %dma_start3A_133 = tpu.memref_squeeze %dma_start3A_132 : memref<1x5x80xi32, #tpu.memory_space<hbm>> -> memref<5x80xi32, #tpu.memory_space<hbm>>
    tpu.enqueue_dma source(%dma_start3A_133 : memref<5x80xi32, #tpu.memory_space<hbm>>) target(%arg8 : memref<5x80xi32, #tpu.memory_space<vmem>>) target_semaphore(%arg22 : memref<!tpu.dma_semaphore, #tpu.memory_space<semaphore_mem>>)
    %dma_start3A_134 = arith.constant 0 : i32
    %dma_start3A_135 = arith.constant 2 : i32
    %dma_start3A_136 = arith.constant 0 : i32
    %dma_start3A_137 = arith.constant 0 : i32
    %dma_start3A_138 = arith.constant 0 : i32
    %dma_start3A_139 = arith.constant 0 : i32
    %dma_start3A_140 = tpu.memref_slice %arg3[%dma_start3A_134, %dma_start3A_136, %dma_start3A_137, %dma_start3A_138, %dma_start3A_139] : memref<2x32x25x5x80xi32, #tpu.memory_space<hbm>> -> memref<1x32x25x5x80xi32, #tpu.memory_space<hbm>>
    %dma_start3A_141 = tpu.memref_squeeze %dma_start3A_140 : memref<1x32x25x5x80xi32, #tpu.memory_space<hbm>> -> memref<32x25x5x80xi32, #tpu.memory_space<hbm>>
    %dma_start3A_142 = arith.constant 0 : i32
    %dma_start3A_143 = arith.constant 0 : i32
    %dma_start3A_144 = arith.constant 0 : i32
    %dma_start3A_145 = tpu.memref_slice %dma_start3A_141[%add3A, %dma_start3A_142, %dma_start3A_143, %dma_start3A_144] : memref<32x25x5x80xi32, #tpu.memory_space<hbm>> -> memref<1x25x5x80xi32, #tpu.memory_space<hbm>>
    %dma_start3A_146 = tpu.memref_squeeze %dma_start3A_145 : memref<1x25x5x80xi32, #tpu.memory_space<hbm>> -> memref<25x5x80xi32, #tpu.memory_space<hbm>>
    %dma_start3A_147 = arith.constant 0 : i32
    %dma_start3A_148 = arith.constant 0 : i32
    %dma_start3A_149 = tpu.memref_slice %dma_start3A_146[%dma_start3A_135, %dma_start3A_147, %dma_start3A_148] : memref<25x5x80xi32, #tpu.memory_space<hbm>> -> memref<1x5x80xi32, #tpu.memory_space<hbm>>
    %dma_start3A_150 = tpu.memref_squeeze %dma_start3A_149 : memref<1x5x80xi32, #tpu.memory_space<hbm>> -> memref<5x80xi32, #tpu.memory_space<hbm>>
    %dma_start3A_151 = arith.constant 0 : i32
    %dma_start3A_152 = arith.constant 0 : i32
    %dma_start3A_153 = arith.constant 0 : i32
    %dma_start3A_154 = arith.constant 0 : i32
    %dma_start3A_155 = tpu.memref_slice %arg3[%dma_start3A_134, %dma_start3A_151, %dma_start3A_152, %dma_start3A_153, %dma_start3A_154] : memref<2x32x25x5x80xi32, #tpu.memory_space<hbm>> -> memref<1x32x25x5x80xi32, #tpu.memory_space<hbm>>
    %dma_start3A_156 = tpu.memref_squeeze %dma_start3A_155 : memref<1x32x25x5x80xi32, #tpu.memory_space<hbm>> -> memref<32x25x5x80xi32, #tpu.memory_space<hbm>>
    %dma_start3A_157 = arith.constant 0 : i32
    %dma_start3A_158 = arith.constant 0 : i32
    %dma_start3A_159 = arith.constant 0 : i32
    %dma_start3A_160 = tpu.memref_slice %dma_start3A_156[%add3A, %dma_start3A_157, %dma_start3A_158, %dma_start3A_159] : memref<32x25x5x80xi32, #tpu.memory_space<hbm>> -> memref<1x25x5x80xi32, #tpu.memory_space<hbm>>
    %dma_start3A_161 = tpu.memref_squeeze %dma_start3A_160 : memref<1x25x5x80xi32, #tpu.memory_space<hbm>> -> memref<25x5x80xi32, #tpu.memory_space<hbm>>
    %dma_start3A_162 = arith.constant 0 : i32
    %dma_start3A_163 = arith.constant 0 : i32
    %dma_start3A_164 = tpu.memref_slice %dma_start3A_161[%dma_start3A_135, %dma_start3A_162, %dma_start3A_163] : memref<25x5x80xi32, #tpu.memory_space<hbm>> -> memref<1x5x80xi32, #tpu.memory_space<hbm>>
    %dma_start3A_165 = tpu.memref_squeeze %dma_start3A_164 : memref<1x5x80xi32, #tpu.memory_space<hbm>> -> memref<5x80xi32, #tpu.memory_space<hbm>>
    tpu.enqueue_dma source(%dma_start3A_165 : memref<5x80xi32, #tpu.memory_space<hbm>>) target(%arg9 : memref<5x80xi32, #tpu.memory_space<vmem>>) target_semaphore(%arg23 : memref<!tpu.dma_semaphore, #tpu.memory_space<semaphore_mem>>)
    %dma_start3A_166 = arith.constant 1 : i32
    %dma_start3A_167 = arith.constant 2 : i32
    %dma_start3A_168 = arith.constant 0 : i32
    %dma_start3A_169 = arith.constant 0 : i32
    %dma_start3A_170 = arith.constant 0 : i32
    %dma_start3A_171 = arith.constant 0 : i32
    %dma_start3A_172 = tpu.memref_slice %arg3[%dma_start3A_166, %dma_start3A_168, %dma_start3A_169, %dma_start3A_170, %dma_start3A_171] : memref<2x32x25x5x80xi32, #tpu.memory_space<hbm>> -> memref<1x32x25x5x80xi32, #tpu.memory_space<hbm>>
    %dma_start3A_173 = tpu.memref_squeeze %dma_start3A_172 : memref<1x32x25x5x80xi32, #tpu.memory_space<hbm>> -> memref<32x25x5x80xi32, #tpu.memory_space<hbm>>
    %dma_start3A_174 = arith.constant 0 : i32
    %dma_start3A_175 = arith.constant 0 : i32
    %dma_start3A_176 = arith.constant 0 : i32
    %dma_start3A_177 = tpu.memref_slice %dma_start3A_173[%add3A, %dma_start3A_174, %dma_start3A_175, %dma_start3A_176] : memref<32x25x5x80xi32, #tpu.memory_space<hbm>> -> memref<1x25x5x80xi32, #tpu.memory_space<hbm>>
    %dma_start3A_178 = tpu.memref_squeeze %dma_start3A_177 : memref<1x25x5x80xi32, #tpu.memory_space<hbm>> -> memref<25x5x80xi32, #tpu.memory_space<hbm>>
    %dma_start3A_179 = arith.constant 0 : i32
    %dma_start3A_180 = arith.constant 0 : i32
    %dma_start3A_181 = tpu.memref_slice %dma_start3A_178[%dma_start3A_167, %dma_start3A_179, %dma_start3A_180] : memref<25x5x80xi32, #tpu.memory_space<hbm>> -> memref<1x5x80xi32, #tpu.memory_space<hbm>>
    %dma_start3A_182 = tpu.memref_squeeze %dma_start3A_181 : memref<1x5x80xi32, #tpu.memory_space<hbm>> -> memref<5x80xi32, #tpu.memory_space<hbm>>
    %dma_start3A_183 = arith.constant 0 : i32
    %dma_start3A_184 = arith.constant 0 : i32
    %dma_start3A_185 = arith.constant 0 : i32
    %dma_start3A_186 = arith.constant 0 : i32
    %dma_start3A_187 = tpu.memref_slice %arg3[%dma_start3A_166, %dma_start3A_183, %dma_start3A_184, %dma_start3A_185, %dma_start3A_186] : memref<2x32x25x5x80xi32, #tpu.memory_space<hbm>> -> memref<1x32x25x5x80xi32, #tpu.memory_space<hbm>>
    %dma_start3A_188 = tpu.memref_squeeze %dma_start3A_187 : memref<1x32x25x5x80xi32, #tpu.memory_space<hbm>> -> memref<32x25x5x80xi32, #tpu.memory_space<hbm>>
    %dma_start3A_189 = arith.constant 0 : i32
    %dma_start3A_190 = arith.constant 0 : i32
    %dma_start3A_191 = arith.constant 0 : i32
    %dma_start3A_192 = tpu.memref_slice %dma_start3A_188[%add3A, %dma_start3A_189, %dma_start3A_190, %dma_start3A_191] : memref<32x25x5x80xi32, #tpu.memory_space<hbm>> -> memref<1x25x5x80xi32, #tpu.memory_space<hbm>>
    %dma_start3A_193 = tpu.memref_squeeze %dma_start3A_192 : memref<1x25x5x80xi32, #tpu.memory_space<hbm>> -> memref<25x5x80xi32, #tpu.memory_space<hbm>>
    %dma_start3A_194 = arith.constant 0 : i32
    %dma_start3A_195 = arith.constant 0 : i32
    %dma_start3A_196 = tpu.memref_slice %dma_start3A_193[%dma_start3A_167, %dma_start3A_194, %dma_start3A_195] : memref<25x5x80xi32, #tpu.memory_space<hbm>> -> memref<1x5x80xi32, #tpu.memory_space<hbm>>
    %dma_start3A_197 = tpu.memref_squeeze %dma_start3A_196 : memref<1x5x80xi32, #tpu.memory_space<hbm>> -> memref<5x80xi32, #tpu.memory_space<hbm>>
    tpu.enqueue_dma source(%dma_start3A_197 : memref<5x80xi32, #tpu.memory_space<hbm>>) target(%arg10 : memref<5x80xi32, #tpu.memory_space<vmem>>) target_semaphore(%arg23 : memref<!tpu.dma_semaphore, #tpu.memory_space<semaphore_mem>>)
    %mul3A_198 = arith.constant 624 : i32
    %mul3A_199 = arith.muli %arg1, %mul3A_198 : i32
    %add3A_200 = arith.constant 0 : i32
    %add3A_201 = arith.addi %mul3A_199, %add3A_200 : i32
    %dma_start3A_202 = arith.constant 0 : i32
    %dma_start3A_203 = tpu.memref_slice %arg14[%add3A_201, %dma_start3A_202] : memref<10000x128xf32, #tpu.memory_space<vmem_shared>> -> memref<80x128xf32, #tpu.memory_space<vmem_shared>>
    %dma_start3A_204 = arith.constant 0 : i32
    %dma_start3A_205 = tpu.memref_slice %arg14[%add3A_201, %dma_start3A_204] : memref<10000x128xf32, #tpu.memory_space<vmem_shared>> -> memref<80x128xf32, #tpu.memory_space<vmem_shared>>
    tpu.enqueue_dma source(%arg11 : memref<80x128xf32, #tpu.memory_space<vmem>>) target(%dma_start3A_205 : memref<80x128xf32, #tpu.memory_space<vmem_shared>>) target_semaphore(%arg18 : memref<!tpu.dma_semaphore, #tpu.memory_space<semaphore_mem>>)
    %mul3A_206 = arith.constant 624 : i32
    %mul3A_207 = arith.muli %arg1, %mul3A_206 : i32
    %add3A_208 = arith.constant 80 : i32
    %add3A_209 = arith.addi %mul3A_207, %add3A_208 : i32
    %dma_start3A_210 = arith.constant 0 : i32
    %dma_start3A_211 = tpu.memref_slice %arg14[%add3A_209, %dma_start3A_210] : memref<10000x128xf32, #tpu.memory_space<vmem_shared>> -> memref<80x128xf32, #tpu.memory_space<vmem_shared>>
    %dma_start3A_212 = arith.constant 0 : i32
    %dma_start3A_213 = tpu.memref_slice %arg14[%add3A_209, %dma_start3A_212] : memref<10000x128xf32, #tpu.memory_space<vmem_shared>> -> memref<80x128xf32, #tpu.memory_space<vmem_shared>>
    tpu.enqueue_dma source(%arg11 : memref<80x128xf32, #tpu.memory_space<vmem>>) target(%dma_start3A_213 : memref<80x128xf32, #tpu.memory_space<vmem_shared>>) target_semaphore(%arg19 : memref<!tpu.dma_semaphore, #tpu.memory_space<semaphore_mem>>)
    %mul3A_214 = arith.constant 624 : i32
    %mul3A_215 = arith.muli %arg1, %mul3A_214 : i32
    %add3A_216 = arith.constant 160 : i32
    %add3A_217 = arith.addi %mul3A_215, %add3A_216 : i32
    %dma_start3A_218 = arith.constant 0 : i32
    %dma_start3A_219 = tpu.memref_slice %arg14[%add3A_217, %dma_start3A_218] : memref<10000x128xf32, #tpu.memory_space<vmem_shared>> -> memref<80x128xf32, #tpu.memory_space<vmem_shared>>
    %dma_start3A_220 = arith.constant 0 : i32
    %dma_start3A_221 = tpu.memref_slice %arg14[%add3A_217, %dma_start3A_220] : memref<10000x128xf32, #tpu.memory_space<vmem_shared>> -> memref<80x128xf32, #tpu.memory_space<vmem_shared>>
    tpu.enqueue_dma source(%arg11 : memref<80x128xf32, #tpu.memory_space<vmem>>) target(%dma_start3A_221 : memref<80x128xf32, #tpu.memory_space<vmem_shared>>) target_semaphore(%arg20 : memref<!tpu.dma_semaphore, #tpu.memory_space<semaphore_mem>>)
    %mul3A_222 = arith.constant 624 : i32
    %mul3A_223 = arith.muli %arg1, %mul3A_222 : i32
    %add3A_224 = arith.constant 240 : i32
    %add3A_225 = arith.addi %mul3A_223, %add3A_224 : i32
    %dma_start3A_226 = arith.constant 0 : i32
    %dma_start3A_227 = tpu.memref_slice %arg14[%add3A_225, %dma_start3A_226] : memref<10000x128xf32, #tpu.memory_space<vmem_shared>> -> memref<80x128xf32, #tpu.memory_space<vmem_shared>>
    %dma_start3A_228 = arith.constant 0 : i32
    %dma_start3A_229 = tpu.memref_slice %arg14[%add3A_225, %dma_start3A_228] : memref<10000x128xf32, #tpu.memory_space<vmem_shared>> -> memref<80x128xf32, #tpu.memory_space<vmem_shared>>
    tpu.enqueue_dma source(%arg11 : memref<80x128xf32, #tpu.memory_space<vmem>>) target(%dma_start3A_229 : memref<80x128xf32, #tpu.memory_space<vmem_shared>>) target_semaphore(%arg18 : memref<!tpu.dma_semaphore, #tpu.memory_space<semaphore_mem>>)
    %mul3A_230 = arith.constant 624 : i32
    %mul3A_231 = arith.muli %arg1, %mul3A_230 : i32
    %add3A_232 = arith.constant 320 : i32
    %add3A_233 = arith.addi %mul3A_231, %add3A_232 : i32
    %dma_start3A_234 = arith.constant 0 : i32
    %dma_start3A_235 = tpu.memref_slice %arg14[%add3A_233, %dma_start3A_234] : memref<10000x128xf32, #tpu.memory_space<vmem_shared>> -> memref<80x128xf32, #tpu.memory_space<vmem_shared>>
    %dma_start3A_236 = arith.constant 0 : i32
    %dma_start3A_237 = tpu.memref_slice %arg14[%add3A_233, %dma_start3A_236] : memref<10000x128xf32, #tpu.memory_space<vmem_shared>> -> memref<80x128xf32, #tpu.memory_space<vmem_shared>>
    tpu.enqueue_dma source(%arg11 : memref<80x128xf32, #tpu.memory_space<vmem>>) target(%dma_start3A_237 : memref<80x128xf32, #tpu.memory_space<vmem_shared>>) target_semaphore(%arg19 : memref<!tpu.dma_semaphore, #tpu.memory_space<semaphore_mem>>)
    %mul3A_238 = arith.constant 624 : i32
    %mul3A_239 = arith.muli %arg1, %mul3A_238 : i32
    %add3A_240 = arith.constant 400 : i32
    %add3A_241 = arith.addi %mul3A_239, %add3A_240 : i32
    %dma_start3A_242 = arith.constant 0 : i32
    %dma_start3A_243 = tpu.memref_slice %arg14[%add3A_241, %dma_start3A_242] : memref<10000x128xf32, #tpu.memory_space<vmem_shared>> -> memref<80x128xf32, #tpu.memory_space<vmem_shared>>
    %dma_start3A_244 = arith.constant 0 : i32
    %dma_start3A_245 = tpu.memref_slice %arg14[%add3A_241, %dma_start3A_244] : memref<10000x128xf32, #tpu.memory_space<vmem_shared>> -> memref<80x128xf32, #tpu.memory_space<vmem_shared>>
    tpu.enqueue_dma source(%arg11 : memref<80x128xf32, #tpu.memory_space<vmem>>) target(%dma_start3A_245 : memref<80x128xf32, #tpu.memory_space<vmem_shared>>) target_semaphore(%arg20 : memref<!tpu.dma_semaphore, #tpu.memory_space<semaphore_mem>>)
    %mul3A_246 = arith.constant 624 : i32
    %mul3A_247 = arith.muli %arg1, %mul3A_246 : i32
    %add3A_248 = arith.constant 480 : i32
    %add3A_249 = arith.addi %mul3A_247, %add3A_248 : i32
    %dma_start3A_250 = arith.constant 0 : i32
    %dma_start3A_251 = tpu.memref_slice %arg14[%add3A_249, %dma_start3A_250] : memref<10000x128xf32, #tpu.memory_space<vmem_shared>> -> memref<80x128xf32, #tpu.memory_space<vmem_shared>>
    %dma_start3A_252 = arith.constant 0 : i32
    %dma_start3A_253 = tpu.memref_slice %arg14[%add3A_249, %dma_start3A_252] : memref<10000x128xf32, #tpu.memory_space<vmem_shared>> -> memref<80x128xf32, #tpu.memory_space<vmem_shared>>
    tpu.enqueue_dma source(%arg11 : memref<80x128xf32, #tpu.memory_space<vmem>>) target(%dma_start3A_253 : memref<80x128xf32, #tpu.memory_space<vmem_shared>>) target_semaphore(%arg18 : memref<!tpu.dma_semaphore, #tpu.memory_space<semaphore_mem>>)
    %mul3A_254 = arith.constant 624 : i32
    %mul3A_255 = arith.muli %arg1, %mul3A_254 : i32
    %add3A_256 = arith.constant 560 : i32
    %add3A_257 = arith.addi %mul3A_255, %add3A_256 : i32
    %dma_start3A_258 = arith.constant 0 : i32
    %dma_start3A_259 = arith.constant 0 : i32
    %dma_start3A_260 = tpu.memref_slice %arg11[%dma_start3A_258, %dma_start3A_259] : memref<80x128xf32, #tpu.memory_space<vmem>> -> memref<64x128xf32, #tpu.memory_space<vmem>>
    %dma_start3A_261 = arith.constant 0 : i32
    %dma_start3A_262 = tpu.memref_slice %arg14[%add3A_257, %dma_start3A_261] : memref<10000x128xf32, #tpu.memory_space<vmem_shared>> -> memref<64x128xf32, #tpu.memory_space<vmem_shared>>
    %dma_start3A_263 = arith.constant 0 : i32
    %dma_start3A_264 = tpu.memref_slice %arg14[%add3A_257, %dma_start3A_263] : memref<10000x128xf32, #tpu.memory_space<vmem_shared>> -> memref<64x128xf32, #tpu.memory_space<vmem_shared>>
    %dma_start3A_265 = arith.constant 0 : i32
    %dma_start3A_266 = arith.constant 0 : i32
    %dma_start3A_267 = tpu.memref_slice %arg11[%dma_start3A_265, %dma_start3A_266] : memref<80x128xf32, #tpu.memory_space<vmem>> -> memref<64x128xf32, #tpu.memory_space<vmem>>
    tpu.enqueue_dma source(%dma_start3A_267 : memref<64x128xf32, #tpu.memory_space<vmem>>) target(%dma_start3A_264 : memref<64x128xf32, #tpu.memory_space<vmem_shared>>) target_semaphore(%arg19 : memref<!tpu.dma_semaphore, #tpu.memory_space<semaphore_mem>>)
    %eq3A = arith.constant 15 : i32
    %eq3A_268 = arith.cmpi eq, %arg1, %eq3A : i32
    %convert_element_type3A = arith.extui %eq3A_268 : i1 to i32
    %cond3A = arith.constant 0 : i32
    %cond3A_269 = arith.cmpi ne, %convert_element_type3A, %cond3A : i32
    scf.if %cond3A_269 {
      %dma_start3A_2044 = arith.constant 0 : i32
      %dma_start3A_2045 = arith.constant 0 : i32
      %dma_start3A_2046 = tpu.memref_slice %arg11[%dma_start3A_2044, %dma_start3A_2045] : memref<80x128xf32, #tpu.memory_space<vmem>> -> memref<16x128xf32, #tpu.memory_space<vmem>>
      %dma_start3A_2047 = arith.constant 9984 : i32
      %dma_start3A_2048 = arith.constant 0 : i32
      %dma_start3A_2049 = tpu.memref_slice %arg14[%dma_start3A_2047, %dma_start3A_2048] : memref<10000x128xf32, #tpu.memory_space<vmem_shared>> -> memref<16x128xf32, #tpu.memory_space<vmem_shared>>
      %dma_start3A_2050 = arith.constant 9984 : i32
      %dma_start3A_2051 = arith.constant 0 : i32
      %dma_start3A_2052 = tpu.memref_slice %arg14[%dma_start3A_2050, %dma_start3A_2051] : memref<10000x128xf32, #tpu.memory_space<vmem_shared>> -> memref<16x128xf32, #tpu.memory_space<vmem_shared>>
      %dma_start3A_2053 = arith.constant 0 : i32
      %dma_start3A_2054 = arith.constant 0 : i32
      %dma_start3A_2055 = tpu.memref_slice %arg11[%dma_start3A_2053, %dma_start3A_2054] : memref<80x128xf32, #tpu.memory_space<vmem>> -> memref<16x128xf32, #tpu.memory_space<vmem>>
      tpu.enqueue_dma source(%dma_start3A_2055 : memref<16x128xf32, #tpu.memory_space<vmem>>) target(%dma_start3A_2052 : memref<16x128xf32, #tpu.memory_space<vmem_shared>>) target_semaphore(%arg20 : memref<!tpu.dma_semaphore, #tpu.memory_space<semaphore_mem>>)
    } else {
    }
    %mul3A_270 = arith.constant 624 : i32
    %mul3A_271 = arith.muli %arg1, %mul3A_270 : i32
    %add3A_272 = arith.constant 0 : i32
    %add3A_273 = arith.addi %mul3A_271, %add3A_272 : i32
    %dma_wait3A = arith.constant 0 : i32
    %dma_wait3A_274 = tpu.memref_slice %arg14[%add3A_273, %dma_wait3A] : memref<10000x128xf32, #tpu.memory_space<vmem_shared>> -> memref<80x128xf32, #tpu.memory_space<vmem_shared>>
    %dma_wait3A_275 = arith.constant 0 : i32
    %dma_wait3A_276 = tpu.memref_slice %arg14[%add3A_273, %dma_wait3A_275] : memref<10000x128xf32, #tpu.memory_space<vmem_shared>> -> memref<80x128xf32, #tpu.memory_space<vmem_shared>>
    tpu.wait_dma2 semaphore(%arg18 : memref<!tpu.dma_semaphore, #tpu.memory_space<semaphore_mem>>) src(%arg11 : memref<80x128xf32, #tpu.memory_space<vmem>>) dst(%dma_wait3A_276 : memref<80x128xf32, #tpu.memory_space<vmem_shared>>)
    %mul3A_277 = arith.constant 624 : i32
    %mul3A_278 = arith.muli %arg1, %mul3A_277 : i32
    %add3A_279 = arith.constant 80 : i32
    %add3A_280 = arith.addi %mul3A_278, %add3A_279 : i32
    %dma_wait3A_281 = arith.constant 0 : i32
    %dma_wait3A_282 = tpu.memref_slice %arg14[%add3A_280, %dma_wait3A_281] : memref<10000x128xf32, #tpu.memory_space<vmem_shared>> -> memref<80x128xf32, #tpu.memory_space<vmem_shared>>
    %dma_wait3A_283 = arith.constant 0 : i32
    %dma_wait3A_284 = tpu.memref_slice %arg14[%add3A_280, %dma_wait3A_283] : memref<10000x128xf32, #tpu.memory_space<vmem_shared>> -> memref<80x128xf32, #tpu.memory_space<vmem_shared>>
    tpu.wait_dma2 semaphore(%arg19 : memref<!tpu.dma_semaphore, #tpu.memory_space<semaphore_mem>>) src(%arg11 : memref<80x128xf32, #tpu.memory_space<vmem>>) dst(%dma_wait3A_284 : memref<80x128xf32, #tpu.memory_space<vmem_shared>>)
    %mul3A_285 = arith.constant 624 : i32
    %mul3A_286 = arith.muli %arg1, %mul3A_285 : i32
    %add3A_287 = arith.constant 160 : i32
    %add3A_288 = arith.addi %mul3A_286, %add3A_287 : i32
    %dma_wait3A_289 = arith.constant 0 : i32
    %dma_wait3A_290 = tpu.memref_slice %arg14[%add3A_288, %dma_wait3A_289] : memref<10000x128xf32, #tpu.memory_space<vmem_shared>> -> memref<80x128xf32, #tpu.memory_space<vmem_shared>>
    %dma_wait3A_291 = arith.constant 0 : i32
    %dma_wait3A_292 = tpu.memref_slice %arg14[%add3A_288, %dma_wait3A_291] : memref<10000x128xf32, #tpu.memory_space<vmem_shared>> -> memref<80x128xf32, #tpu.memory_space<vmem_shared>>
    tpu.wait_dma2 semaphore(%arg20 : memref<!tpu.dma_semaphore, #tpu.memory_space<semaphore_mem>>) src(%arg11 : memref<80x128xf32, #tpu.memory_space<vmem>>) dst(%dma_wait3A_292 : memref<80x128xf32, #tpu.memory_space<vmem_shared>>)
    %mul3A_293 = arith.constant 624 : i32
    %mul3A_294 = arith.muli %arg1, %mul3A_293 : i32
    %add3A_295 = arith.constant 240 : i32
    %add3A_296 = arith.addi %mul3A_294, %add3A_295 : i32
    %dma_wait3A_297 = arith.constant 0 : i32
    %dma_wait3A_298 = tpu.memref_slice %arg14[%add3A_296, %dma_wait3A_297] : memref<10000x128xf32, #tpu.memory_space<vmem_shared>> -> memref<80x128xf32, #tpu.memory_space<vmem_shared>>
    %dma_wait3A_299 = arith.constant 0 : i32
    %dma_wait3A_300 = tpu.memref_slice %arg14[%add3A_296, %dma_wait3A_299] : memref<10000x128xf32, #tpu.memory_space<vmem_shared>> -> memref<80x128xf32, #tpu.memory_space<vmem_shared>>
    tpu.wait_dma2 semaphore(%arg18 : memref<!tpu.dma_semaphore, #tpu.memory_space<semaphore_mem>>) src(%arg11 : memref<80x128xf32, #tpu.memory_space<vmem>>) dst(%dma_wait3A_300 : memref<80x128xf32, #tpu.memory_space<vmem_shared>>)
    %mul3A_301 = arith.constant 624 : i32
    %mul3A_302 = arith.muli %arg1, %mul3A_301 : i32
    %add3A_303 = arith.constant 320 : i32
    %add3A_304 = arith.addi %mul3A_302, %add3A_303 : i32
    %dma_wait3A_305 = arith.constant 0 : i32
    %dma_wait3A_306 = tpu.memref_slice %arg14[%add3A_304, %dma_wait3A_305] : memref<10000x128xf32, #tpu.memory_space<vmem_shared>> -> memref<80x128xf32, #tpu.memory_space<vmem_shared>>
    %dma_wait3A_307 = arith.constant 0 : i32
    %dma_wait3A_308 = tpu.memref_slice %arg14[%add3A_304, %dma_wait3A_307] : memref<10000x128xf32, #tpu.memory_space<vmem_shared>> -> memref<80x128xf32, #tpu.memory_space<vmem_shared>>
    tpu.wait_dma2 semaphore(%arg19 : memref<!tpu.dma_semaphore, #tpu.memory_space<semaphore_mem>>) src(%arg11 : memref<80x128xf32, #tpu.memory_space<vmem>>) dst(%dma_wait3A_308 : memref<80x128xf32, #tpu.memory_space<vmem_shared>>)
    %mul3A_309 = arith.constant 624 : i32
    %mul3A_310 = arith.muli %arg1, %mul3A_309 : i32
    %add3A_311 = arith.constant 400 : i32
    %add3A_312 = arith.addi %mul3A_310, %add3A_311 : i32
    %dma_wait3A_313 = arith.constant 0 : i32
    %dma_wait3A_314 = tpu.memref_slice %arg14[%add3A_312, %dma_wait3A_313] : memref<10000x128xf32, #tpu.memory_space<vmem_shared>> -> memref<80x128xf32, #tpu.memory_space<vmem_shared>>
    %dma_wait3A_315 = arith.constant 0 : i32
    %dma_wait3A_316 = tpu.memref_slice %arg14[%add3A_312, %dma_wait3A_315] : memref<10000x128xf32, #tpu.memory_space<vmem_shared>> -> memref<80x128xf32, #tpu.memory_space<vmem_shared>>
    tpu.wait_dma2 semaphore(%arg20 : memref<!tpu.dma_semaphore, #tpu.memory_space<semaphore_mem>>) src(%arg11 : memref<80x128xf32, #tpu.memory_space<vmem>>) dst(%dma_wait3A_316 : memref<80x128xf32, #tpu.memory_space<vmem_shared>>)
    %mul3A_317 = arith.constant 624 : i32
    %mul3A_318 = arith.muli %arg1, %mul3A_317 : i32
    %add3A_319 = arith.constant 480 : i32
    %add3A_320 = arith.addi %mul3A_318, %add3A_319 : i32
    %dma_wait3A_321 = arith.constant 0 : i32
    %dma_wait3A_322 = tpu.memref_slice %arg14[%add3A_320, %dma_wait3A_321] : memref<10000x128xf32, #tpu.memory_space<vmem_shared>> -> memref<80x128xf32, #tpu.memory_space<vmem_shared>>
    %dma_wait3A_323 = arith.constant 0 : i32
    %dma_wait3A_324 = tpu.memref_slice %arg14[%add3A_320, %dma_wait3A_323] : memref<10000x128xf32, #tpu.memory_space<vmem_shared>> -> memref<80x128xf32, #tpu.memory_space<vmem_shared>>
    tpu.wait_dma2 semaphore(%arg18 : memref<!tpu.dma_semaphore, #tpu.memory_space<semaphore_mem>>) src(%arg11 : memref<80x128xf32, #tpu.memory_space<vmem>>) dst(%dma_wait3A_324 : memref<80x128xf32, #tpu.memory_space<vmem_shared>>)
    %mul3A_325 = arith.constant 624 : i32
    %mul3A_326 = arith.muli %arg1, %mul3A_325 : i32
    %add3A_327 = arith.constant 560 : i32
    %add3A_328 = arith.addi %mul3A_326, %add3A_327 : i32
    %dma_wait3A_329 = arith.constant 0 : i32
    %dma_wait3A_330 = arith.constant 0 : i32
    %dma_wait3A_331 = tpu.memref_slice %arg11[%dma_wait3A_329, %dma_wait3A_330] : memref<80x128xf32, #tpu.memory_space<vmem>> -> memref<64x128xf32, #tpu.memory_space<vmem>>
    %dma_wait3A_332 = arith.constant 0 : i32
    %dma_wait3A_333 = tpu.memref_slice %arg14[%add3A_328, %dma_wait3A_332] : memref<10000x128xf32, #tpu.memory_space<vmem_shared>> -> memref<64x128xf32, #tpu.memory_space<vmem_shared>>
    %dma_wait3A_334 = arith.constant 0 : i32
    %dma_wait3A_335 = tpu.memref_slice %arg14[%add3A_328, %dma_wait3A_334] : memref<10000x128xf32, #tpu.memory_space<vmem_shared>> -> memref<64x128xf32, #tpu.memory_space<vmem_shared>>
    %dma_wait3A_336 = arith.constant 0 : i32
    %dma_wait3A_337 = arith.constant 0 : i32
    %dma_wait3A_338 = tpu.memref_slice %arg11[%dma_wait3A_336, %dma_wait3A_337] : memref<80x128xf32, #tpu.memory_space<vmem>> -> memref<64x128xf32, #tpu.memory_space<vmem>>
    tpu.wait_dma2 semaphore(%arg19 : memref<!tpu.dma_semaphore, #tpu.memory_space<semaphore_mem>>) src(%dma_wait3A_338 : memref<64x128xf32, #tpu.memory_space<vmem>>) dst(%dma_wait3A_335 : memref<64x128xf32, #tpu.memory_space<vmem_shared>>)
    %eq3A_339 = arith.constant 15 : i32
    %eq3A_340 = arith.cmpi eq, %arg1, %eq3A_339 : i32
    %convert_element_type3A_341 = arith.extui %eq3A_340 : i1 to i32
    %cond3A_342 = arith.constant 0 : i32
    %cond3A_343 = arith.cmpi ne, %convert_element_type3A_341, %cond3A_342 : i32
    scf.if %cond3A_343 {
      %dma_wait3A_2044 = arith.constant 0 : i32
      %dma_wait3A_2045 = arith.constant 0 : i32
      %dma_wait3A_2046 = tpu.memref_slice %arg11[%dma_wait3A_2044, %dma_wait3A_2045] : memref<80x128xf32, #tpu.memory_space<vmem>> -> memref<16x128xf32, #tpu.memory_space<vmem>>
      %dma_wait3A_2047 = arith.constant 9984 : i32
      %dma_wait3A_2048 = arith.constant 0 : i32
      %dma_wait3A_2049 = tpu.memref_slice %arg14[%dma_wait3A_2047, %dma_wait3A_2048] : memref<10000x128xf32, #tpu.memory_space<vmem_shared>> -> memref<16x128xf32, #tpu.memory_space<vmem_shared>>
      %dma_wait3A_2050 = arith.constant 9984 : i32
      %dma_wait3A_2051 = arith.constant 0 : i32
      %dma_wait3A_2052 = tpu.memref_slice %arg14[%dma_wait3A_2050, %dma_wait3A_2051] : memref<10000x128xf32, #tpu.memory_space<vmem_shared>> -> memref<16x128xf32, #tpu.memory_space<vmem_shared>>
      %dma_wait3A_2053 = arith.constant 0 : i32
      %dma_wait3A_2054 = arith.constant 0 : i32
      %dma_wait3A_2055 = tpu.memref_slice %arg11[%dma_wait3A_2053, %dma_wait3A_2054] : memref<80x128xf32, #tpu.memory_space<vmem>> -> memref<16x128xf32, #tpu.memory_space<vmem>>
      tpu.wait_dma2 semaphore(%arg20 : memref<!tpu.dma_semaphore, #tpu.memory_space<semaphore_mem>>) src(%dma_wait3A_2055 : memref<16x128xf32, #tpu.memory_space<vmem>>) dst(%dma_wait3A_2052 : memref<16x128xf32, #tpu.memory_space<vmem_shared>>)
    } else {
    }
    %barrier3A = arith.constant 0 : index
    tpu.barrier barrier_id(%barrier3A)
    %dma_wait3A_344 = arith.constant 0 : i32
    %dma_wait3A_345 = arith.constant 0 : i32
    %dma_wait3A_346 = arith.constant 0 : i32
    %dma_wait3A_347 = arith.constant 0 : i32
    %dma_wait3A_348 = arith.constant 0 : i32
    %dma_wait3A_349 = arith.constant 0 : i32
    %dma_wait3A_350 = tpu.memref_slice %arg3[%dma_wait3A_344, %dma_wait3A_346, %dma_wait3A_347, %dma_wait3A_348, %dma_wait3A_349] : memref<2x32x25x5x80xi32, #tpu.memory_space<hbm>> -> memref<1x32x25x5x80xi32, #tpu.memory_space<hbm>>
    %dma_wait3A_351 = tpu.memref_squeeze %dma_wait3A_350 : memref<1x32x25x5x80xi32, #tpu.memory_space<hbm>> -> memref<32x25x5x80xi32, #tpu.memory_space<hbm>>
    %dma_wait3A_352 = arith.constant 0 : i32
    %dma_wait3A_353 = arith.constant 0 : i32
    %dma_wait3A_354 = arith.constant 0 : i32
    %dma_wait3A_355 = tpu.memref_slice %dma_wait3A_351[%add3A, %dma_wait3A_352, %dma_wait3A_353, %dma_wait3A_354] : memref<32x25x5x80xi32, #tpu.memory_space<hbm>> -> memref<1x25x5x80xi32, #tpu.memory_space<hbm>>
    %dma_wait3A_356 = tpu.memref_squeeze %dma_wait3A_355 : memref<1x25x5x80xi32, #tpu.memory_space<hbm>> -> memref<25x5x80xi32, #tpu.memory_space<hbm>>
    %dma_wait3A_357 = arith.constant 0 : i32
    %dma_wait3A_358 = arith.constant 0 : i32
    %dma_wait3A_359 = tpu.memref_slice %dma_wait3A_356[%dma_wait3A_345, %dma_wait3A_357, %dma_wait3A_358] : memref<25x5x80xi32, #tpu.memory_space<hbm>> -> memref<1x5x80xi32, #tpu.memory_space<hbm>>
    %dma_wait3A_360 = tpu.memref_squeeze %dma_wait3A_359 : memref<1x5x80xi32, #tpu.memory_space<hbm>> -> memref<5x80xi32, #tpu.memory_space<hbm>>
    %dma_wait3A_361 = arith.constant 0 : i32
    %dma_wait3A_362 = arith.constant 0 : i32
    %dma_wait3A_363 = arith.constant 0 : i32
    %dma_wait3A_364 = arith.constant 0 : i32
    %dma_wait3A_365 = tpu.memref_slice %arg3[%dma_wait3A_344, %dma_wait3A_361, %dma_wait3A_362, %dma_wait3A_363, %dma_wait3A_364] : memref<2x32x25x5x80xi32, #tpu.memory_space<hbm>> -> memref<1x32x25x5x80xi32, #tpu.memory_space<hbm>>
    %dma_wait3A_366 = tpu.memref_squeeze %dma_wait3A_365 : memref<1x32x25x5x80xi32, #tpu.memory_space<hbm>> -> memref<32x25x5x80xi32, #tpu.memory_space<hbm>>
    %dma_wait3A_367 = arith.constant 0 : i32
    %dma_wait3A_368 = arith.constant 0 : i32
    %dma_wait3A_369 = arith.constant 0 : i32
    %dma_wait3A_370 = tpu.memref_slice %dma_wait3A_366[%add3A, %dma_wait3A_367, %dma_wait3A_368, %dma_wait3A_369] : memref<32x25x5x80xi32, #tpu.memory_space<hbm>> -> memref<1x25x5x80xi32, #tpu.memory_space<hbm>>
    %dma_wait3A_371 = tpu.memref_squeeze %dma_wait3A_370 : memref<1x25x5x80xi32, #tpu.memory_space<hbm>> -> memref<25x5x80xi32, #tpu.memory_space<hbm>>
    %dma_wait3A_372 = arith.constant 0 : i32
    %dma_wait3A_373 = arith.constant 0 : i32
    %dma_wait3A_374 = tpu.memref_slice %dma_wait3A_371[%dma_wait3A_345, %dma_wait3A_372, %dma_wait3A_373] : memref<25x5x80xi32, #tpu.memory_space<hbm>> -> memref<1x5x80xi32, #tpu.memory_space<hbm>>
    %dma_wait3A_375 = tpu.memref_squeeze %dma_wait3A_374 : memref<1x5x80xi32, #tpu.memory_space<hbm>> -> memref<5x80xi32, #tpu.memory_space<hbm>>
    tpu.wait_dma2 semaphore(%arg21 : memref<!tpu.dma_semaphore, #tpu.memory_space<semaphore_mem>>) src(%dma_wait3A_375 : memref<5x80xi32, #tpu.memory_space<hbm>>) dst(%arg5 : memref<5x80xi32, #tpu.memory_space<vmem>>)
    %dma_wait3A_376 = arith.constant 1 : i32
    %dma_wait3A_377 = arith.constant 0 : i32
    %dma_wait3A_378 = arith.constant 0 : i32
    %dma_wait3A_379 = arith.constant 0 : i32
    %dma_wait3A_380 = arith.constant 0 : i32
    %dma_wait3A_381 = arith.constant 0 : i32
    %dma_wait3A_382 = tpu.memref_slice %arg3[%dma_wait3A_376, %dma_wait3A_378, %dma_wait3A_379, %dma_wait3A_380, %dma_wait3A_381] : memref<2x32x25x5x80xi32, #tpu.memory_space<hbm>> -> memref<1x32x25x5x80xi32, #tpu.memory_space<hbm>>
    %dma_wait3A_383 = tpu.memref_squeeze %dma_wait3A_382 : memref<1x32x25x5x80xi32, #tpu.memory_space<hbm>> -> memref<32x25x5x80xi32, #tpu.memory_space<hbm>>
    %dma_wait3A_384 = arith.constant 0 : i32
    %dma_wait3A_385 = arith.constant 0 : i32
    %dma_wait3A_386 = arith.constant 0 : i32
    %dma_wait3A_387 = tpu.memref_slice %dma_wait3A_383[%add3A, %dma_wait3A_384, %dma_wait3A_385, %dma_wait3A_386] : memref<32x25x5x80xi32, #tpu.memory_space<hbm>> -> memref<1x25x5x80xi32, #tpu.memory_space<hbm>>
    %dma_wait3A_388 = tpu.memref_squeeze %dma_wait3A_387 : memref<1x25x5x80xi32, #tpu.memory_space<hbm>> -> memref<25x5x80xi32, #tpu.memory_space<hbm>>
    %dma_wait3A_389 = arith.constant 0 : i32
    %dma_wait3A_390 = arith.constant 0 : i32
    %dma_wait3A_391 = tpu.memref_slice %dma_wait3A_388[%dma_wait3A_377, %dma_wait3A_389, %dma_wait3A_390] : memref<25x5x80xi32, #tpu.memory_space<hbm>> -> memref<1x5x80xi32, #tpu.memory_space<hbm>>
    %dma_wait3A_392 = tpu.memref_squeeze %dma_wait3A_391 : memref<1x5x80xi32, #tpu.memory_space<hbm>> -> memref<5x80xi32, #tpu.memory_space<hbm>>
    %dma_wait3A_393 = arith.constant 0 : i32
    %dma_wait3A_394 = arith.constant 0 : i32
    %dma_wait3A_395 = arith.constant 0 : i32
    %dma_wait3A_396 = arith.constant 0 : i32
    %dma_wait3A_397 = tpu.memref_slice %arg3[%dma_wait3A_376, %dma_wait3A_393, %dma_wait3A_394, %dma_wait3A_395, %dma_wait3A_396] : memref<2x32x25x5x80xi32, #tpu.memory_space<hbm>> -> memref<1x32x25x5x80xi32, #tpu.memory_space<hbm>>
    %dma_wait3A_398 = tpu.memref_squeeze %dma_wait3A_397 : memref<1x32x25x5x80xi32, #tpu.memory_space<hbm>> -> memref<32x25x5x80xi32, #tpu.memory_space<hbm>>
    %dma_wait3A_399 = arith.constant 0 : i32
    %dma_wait3A_400 = arith.constant 0 : i32
    %dma_wait3A_401 = arith.constant 0 : i32
    %dma_wait3A_402 = tpu.memref_slice %dma_wait3A_398[%add3A, %dma_wait3A_399, %dma_wait3A_400, %dma_wait3A_401] : memref<32x25x5x80xi32, #tpu.memory_space<hbm>> -> memref<1x25x5x80xi32, #tpu.memory_space<hbm>>
    %dma_wait3A_403 = tpu.memref_squeeze %dma_wait3A_402 : memref<1x25x5x80xi32, #tpu.memory_space<hbm>> -> memref<25x5x80xi32, #tpu.memory_space<hbm>>
    %dma_wait3A_404 = arith.constant 0 : i32
    %dma_wait3A_405 = arith.constant 0 : i32
    %dma_wait3A_406 = tpu.memref_slice %dma_wait3A_403[%dma_wait3A_377, %dma_wait3A_404, %dma_wait3A_405] : memref<25x5x80xi32, #tpu.memory_space<hbm>> -> memref<1x5x80xi32, #tpu.memory_space<hbm>>
    %dma_wait3A_407 = tpu.memref_squeeze %dma_wait3A_406 : memref<1x5x80xi32, #tpu.memory_space<hbm>> -> memref<5x80xi32, #tpu.memory_space<hbm>>
    tpu.wait_dma2 semaphore(%arg21 : memref<!tpu.dma_semaphore, #tpu.memory_space<semaphore_mem>>) src(%dma_wait3A_407 : memref<5x80xi32, #tpu.memory_space<hbm>>) dst(%arg6 : memref<5x80xi32, #tpu.memory_space<vmem>>)
    %dma_start3A_408 = arith.constant 0 : i32
    %dma_start3A_409 = arith.constant 0 : i32
    %dma_start3A_410 = tpu.memref_slice %arg5[%dma_start3A_408, %dma_start3A_409] : memref<5x80xi32, #tpu.memory_space<vmem>> -> memref<1x80xi32, #tpu.memory_space<vmem>>
    %dma_start3A_411 = tpu.memref_squeeze %dma_start3A_410 : memref<1x80xi32, #tpu.memory_space<vmem>> -> memref<80xi32, #tpu.memory_space<vmem>>
    %dma_start3A_412 = arith.constant 0 : i32
    %dma_start3A_413 = arith.constant 0 : i32
    %dma_start3A_414 = tpu.memref_slice %arg2[%dma_start3A_412, %dma_start3A_413] : memref<10000x128xf32, #tpu.memory_space<hbm>> -> memref<10000x128xf32, #tpu.memory_space<hbm>>
    tpu.enqueue_indirect_dma source(%dma_start3A_414 : memref<10000x128xf32, #tpu.memory_space<hbm>>) target(%arg11 : memref<80x128xf32, #tpu.memory_space<vmem>>) offsets(%dma_start3A_411 : memref<80xi32, #tpu.memory_space<vmem>>) semaphore(%arg15 : memref<!tpu.dma_semaphore, #tpu.memory_space<semaphore_mem>>)
    %dma_start3A_415 = arith.constant 1 : i32
    %dma_start3A_416 = arith.constant 0 : i32
    %dma_start3A_417 = tpu.memref_slice %arg5[%dma_start3A_415, %dma_start3A_416] : memref<5x80xi32, #tpu.memory_space<vmem>> -> memref<1x80xi32, #tpu.memory_space<vmem>>
    %dma_start3A_418 = tpu.memref_squeeze %dma_start3A_417 : memref<1x80xi32, #tpu.memory_space<vmem>> -> memref<80xi32, #tpu.memory_space<vmem>>
    %dma_start3A_419 = arith.constant 0 : i32
    %dma_start3A_420 = arith.constant 0 : i32
    %dma_start3A_421 = tpu.memref_slice %arg2[%dma_start3A_419, %dma_start3A_420] : memref<10000x128xf32, #tpu.memory_space<hbm>> -> memref<10000x128xf32, #tpu.memory_space<hbm>>
    tpu.enqueue_indirect_dma source(%dma_start3A_421 : memref<10000x128xf32, #tpu.memory_space<hbm>>) target(%arg12 : memref<80x128xf32, #tpu.memory_space<vmem>>) offsets(%dma_start3A_418 : memref<80xi32, #tpu.memory_space<vmem>>) semaphore(%arg16 : memref<!tpu.dma_semaphore, #tpu.memory_space<semaphore_mem>>)
    %dma_start3A_422 = arith.constant 2 : i32
    %dma_start3A_423 = arith.constant 0 : i32
    %dma_start3A_424 = tpu.memref_slice %arg5[%dma_start3A_422, %dma_start3A_423] : memref<5x80xi32, #tpu.memory_space<vmem>> -> memref<1x80xi32, #tpu.memory_space<vmem>>
    %dma_start3A_425 = tpu.memref_squeeze %dma_start3A_424 : memref<1x80xi32, #tpu.memory_space<vmem>> -> memref<80xi32, #tpu.memory_space<vmem>>
    %dma_start3A_426 = arith.constant 0 : i32
    %dma_start3A_427 = arith.constant 0 : i32
    %dma_start3A_428 = tpu.memref_slice %arg2[%dma_start3A_426, %dma_start3A_427] : memref<10000x128xf32, #tpu.memory_space<hbm>> -> memref<10000x128xf32, #tpu.memory_space<hbm>>
    tpu.enqueue_indirect_dma source(%dma_start3A_428 : memref<10000x128xf32, #tpu.memory_space<hbm>>) target(%arg13 : memref<80x128xf32, #tpu.memory_space<vmem>>) offsets(%dma_start3A_425 : memref<80xi32, #tpu.memory_space<vmem>>) semaphore(%arg17 : memref<!tpu.dma_semaphore, #tpu.memory_space<semaphore_mem>>)
    %dma_wait3A_429 = arith.constant 0 : i32
    %dma_wait3A_430 = arith.constant 0 : i32
    %dma_wait3A_431 = tpu.memref_slice %arg5[%dma_wait3A_429, %dma_wait3A_430] : memref<5x80xi32, #tpu.memory_space<vmem>> -> memref<1x80xi32, #tpu.memory_space<vmem>>
    %dma_wait3A_432 = tpu.memref_squeeze %dma_wait3A_431 : memref<1x80xi32, #tpu.memory_space<vmem>> -> memref<80xi32, #tpu.memory_space<vmem>>
    %dma_wait3A_433 = arith.constant 0 : i32
    %dma_wait3A_434 = arith.constant 0 : i32
    %dma_wait3A_435 = tpu.memref_slice %arg2[%dma_wait3A_433, %dma_wait3A_434] : memref<10000x128xf32, #tpu.memory_space<hbm>> -> memref<10000x128xf32, #tpu.memory_space<hbm>>
    tpu.wait_indirect_dma semaphore(%arg15 : memref<!tpu.dma_semaphore, #tpu.memory_space<semaphore_mem>>) src(%dma_wait3A_435 : memref<10000x128xf32, #tpu.memory_space<hbm>>) dst(%arg11 : memref<80x128xf32, #tpu.memory_space<vmem>>)
    %dma_start3A_436 = arith.constant 0 : i32
    %dma_start3A_437 = arith.constant 0 : i32
    %dma_start3A_438 = tpu.memref_slice %arg6[%dma_start3A_436, %dma_start3A_437] : memref<5x80xi32, #tpu.memory_space<vmem>> -> memref<1x80xi32, #tpu.memory_space<vmem>>
    %dma_start3A_439 = tpu.memref_squeeze %dma_start3A_438 : memref<1x80xi32, #tpu.memory_space<vmem>> -> memref<80xi32, #tpu.memory_space<vmem>>
    %dma_start3A_440 = arith.constant 0 : i32
    %dma_start3A_441 = arith.constant 0 : i32
    %dma_start3A_442 = tpu.memref_slice %arg14[%dma_start3A_440, %dma_start3A_441] : memref<10000x128xf32, #tpu.memory_space<vmem_shared>> -> memref<10000x128xf32, #tpu.memory_space<vmem_shared>>
    tpu.enqueue_indirect_dma source(%arg11 : memref<80x128xf32, #tpu.memory_space<vmem>>) target(%dma_start3A_442 : memref<10000x128xf32, #tpu.memory_space<vmem_shared>>) offsets(%dma_start3A_439 : memref<80xi32, #tpu.memory_space<vmem>>) semaphore(%arg18 : memref<!tpu.dma_semaphore, #tpu.memory_space<semaphore_mem>>) {add = true}
    %dma_wait3A_443 = arith.constant 0 : i32
    %dma_wait3A_444 = arith.constant 0 : i32
    %dma_wait3A_445 = tpu.memref_slice %arg6[%dma_wait3A_443, %dma_wait3A_444] : memref<5x80xi32, #tpu.memory_space<vmem>> -> memref<1x80xi32, #tpu.memory_space<vmem>>
    %dma_wait3A_446 = tpu.memref_squeeze %dma_wait3A_445 : memref<1x80xi32, #tpu.memory_space<vmem>> -> memref<80xi32, #tpu.memory_space<vmem>>
    %dma_wait3A_447 = arith.constant 0 : i32
    %dma_wait3A_448 = arith.constant 0 : i32
    %dma_wait3A_449 = tpu.memref_slice %arg14[%dma_wait3A_447, %dma_wait3A_448] : memref<10000x128xf32, #tpu.memory_space<vmem_shared>> -> memref<10000x128xf32, #tpu.memory_space<vmem_shared>>
    tpu.wait_indirect_dma semaphore(%arg18 : memref<!tpu.dma_semaphore, #tpu.memory_space<semaphore_mem>>) src(%arg11 : memref<80x128xf32, #tpu.memory_space<vmem>>) dst(%dma_wait3A_449 : memref<10000x128xf32, #tpu.memory_space<vmem_shared>>)
    %dma_start3A_450 = arith.constant 3 : i32
    %dma_start3A_451 = arith.constant 0 : i32
    %dma_start3A_452 = tpu.memref_slice %arg5[%dma_start3A_450, %dma_start3A_451] : memref<5x80xi32, #tpu.memory_space<vmem>> -> memref<1x80xi32, #tpu.memory_space<vmem>>
    %dma_start3A_453 = tpu.memref_squeeze %dma_start3A_452 : memref<1x80xi32, #tpu.memory_space<vmem>> -> memref<80xi32, #tpu.memory_space<vmem>>
    %dma_start3A_454 = arith.constant 0 : i32
    %dma_start3A_455 = arith.constant 0 : i32
    %dma_start3A_456 = tpu.memref_slice %arg2[%dma_start3A_454, %dma_start3A_455] : memref<10000x128xf32, #tpu.memory_space<hbm>> -> memref<10000x128xf32, #tpu.memory_space<hbm>>
    tpu.enqueue_indirect_dma source(%dma_start3A_456 : memref<10000x128xf32, #tpu.memory_space<hbm>>) target(%arg11 : memref<80x128xf32, #tpu.memory_space<vmem>>) offsets(%dma_start3A_453 : memref<80xi32, #tpu.memory_space<vmem>>) semaphore(%arg15 : memref<!tpu.dma_semaphore, #tpu.memory_space<semaphore_mem>>)
    %dma_wait3A_457 = arith.constant 0 : i32
    %dma_wait3A_458 = arith.constant 0 : i32
    %dma_wait3A_459 = tpu.memref_slice %arg5[%dma_wait3A_457, %dma_wait3A_458] : memref<5x80xi32, #tpu.memory_space<vmem>> -> memref<1x80xi32, #tpu.memory_space<vmem>>
    %dma_wait3A_460 = tpu.memref_squeeze %dma_wait3A_459 : memref<1x80xi32, #tpu.memory_space<vmem>> -> memref<80xi32, #tpu.memory_space<vmem>>
    %dma_wait3A_461 = arith.constant 0 : i32
    %dma_wait3A_462 = arith.constant 0 : i32
    %dma_wait3A_463 = tpu.memref_slice %arg2[%dma_wait3A_461, %dma_wait3A_462] : memref<10000x128xf32, #tpu.memory_space<hbm>> -> memref<10000x128xf32, #tpu.memory_space<hbm>>
    tpu.wait_indirect_dma semaphore(%arg16 : memref<!tpu.dma_semaphore, #tpu.memory_space<semaphore_mem>>) src(%dma_wait3A_463 : memref<10000x128xf32, #tpu.memory_space<hbm>>) dst(%arg12 : memref<80x128xf32, #tpu.memory_space<vmem>>)
    %dma_start3A_464 = arith.constant 1 : i32
    %dma_start3A_465 = arith.constant 0 : i32
    %dma_start3A_466 = tpu.memref_slice %arg6[%dma_start3A_464, %dma_start3A_465] : memref<5x80xi32, #tpu.memory_space<vmem>> -> memref<1x80xi32, #tpu.memory_space<vmem>>
    %dma_start3A_467 = tpu.memref_squeeze %dma_start3A_466 : memref<1x80xi32, #tpu.memory_space<vmem>> -> memref<80xi32, #tpu.memory_space<vmem>>
    %dma_start3A_468 = arith.constant 0 : i32
    %dma_start3A_469 = arith.constant 0 : i32
    %dma_start3A_470 = tpu.memref_slice %arg14[%dma_start3A_468, %dma_start3A_469] : memref<10000x128xf32, #tpu.memory_space<vmem_shared>> -> memref<10000x128xf32, #tpu.memory_space<vmem_shared>>
    tpu.enqueue_indirect_dma source(%arg12 : memref<80x128xf32, #tpu.memory_space<vmem>>) target(%dma_start3A_470 : memref<10000x128xf32, #tpu.memory_space<vmem_shared>>) offsets(%dma_start3A_467 : memref<80xi32, #tpu.memory_space<vmem>>) semaphore(%arg19 : memref<!tpu.dma_semaphore, #tpu.memory_space<semaphore_mem>>) {add = true}
    %dma_wait3A_471 = arith.constant 0 : i32
    %dma_wait3A_472 = arith.constant 0 : i32
    %dma_wait3A_473 = tpu.memref_slice %arg6[%dma_wait3A_471, %dma_wait3A_472] : memref<5x80xi32, #tpu.memory_space<vmem>> -> memref<1x80xi32, #tpu.memory_space<vmem>>
    %dma_wait3A_474 = tpu.memref_squeeze %dma_wait3A_473 : memref<1x80xi32, #tpu.memory_space<vmem>> -> memref<80xi32, #tpu.memory_space<vmem>>
    %dma_wait3A_475 = arith.constant 0 : i32
    %dma_wait3A_476 = arith.constant 0 : i32
    %dma_wait3A_477 = tpu.memref_slice %arg14[%dma_wait3A_475, %dma_wait3A_476] : memref<10000x128xf32, #tpu.memory_space<vmem_shared>> -> memref<10000x128xf32, #tpu.memory_space<vmem_shared>>
    tpu.wait_indirect_dma semaphore(%arg19 : memref<!tpu.dma_semaphore, #tpu.memory_space<semaphore_mem>>) src(%arg12 : memref<80x128xf32, #tpu.memory_space<vmem>>) dst(%dma_wait3A_477 : memref<10000x128xf32, #tpu.memory_space<vmem_shared>>)
    %dma_start3A_478 = arith.constant 4 : i32
    %dma_start3A_479 = arith.constant 0 : i32
    %dma_start3A_480 = tpu.memref_slice %arg5[%dma_start3A_478, %dma_start3A_479] : memref<5x80xi32, #tpu.memory_space<vmem>> -> memref<1x80xi32, #tpu.memory_space<vmem>>
    %dma_start3A_481 = tpu.memref_squeeze %dma_start3A_480 : memref<1x80xi32, #tpu.memory_space<vmem>> -> memref<80xi32, #tpu.memory_space<vmem>>
    %dma_start3A_482 = arith.constant 0 : i32
    %dma_start3A_483 = arith.constant 0 : i32
    %dma_start3A_484 = tpu.memref_slice %arg2[%dma_start3A_482, %dma_start3A_483] : memref<10000x128xf32, #tpu.memory_space<hbm>> -> memref<10000x128xf32, #tpu.memory_space<hbm>>
    tpu.enqueue_indirect_dma source(%dma_start3A_484 : memref<10000x128xf32, #tpu.memory_space<hbm>>) target(%arg12 : memref<80x128xf32, #tpu.memory_space<vmem>>) offsets(%dma_start3A_481 : memref<80xi32, #tpu.memory_space<vmem>>) semaphore(%arg16 : memref<!tpu.dma_semaphore, #tpu.memory_space<semaphore_mem>>)
    %dma_wait3A_485 = arith.constant 0 : i32
    %dma_wait3A_486 = arith.constant 0 : i32
    %dma_wait3A_487 = tpu.memref_slice %arg5[%dma_wait3A_485, %dma_wait3A_486] : memref<5x80xi32, #tpu.memory_space<vmem>> -> memref<1x80xi32, #tpu.memory_space<vmem>>
    %dma_wait3A_488 = tpu.memref_squeeze %dma_wait3A_487 : memref<1x80xi32, #tpu.memory_space<vmem>> -> memref<80xi32, #tpu.memory_space<vmem>>
    %dma_wait3A_489 = arith.constant 0 : i32
    %dma_wait3A_490 = arith.constant 0 : i32
    %dma_wait3A_491 = tpu.memref_slice %arg2[%dma_wait3A_489, %dma_wait3A_490] : memref<10000x128xf32, #tpu.memory_space<hbm>> -> memref<10000x128xf32, #tpu.memory_space<hbm>>
    tpu.wait_indirect_dma semaphore(%arg17 : memref<!tpu.dma_semaphore, #tpu.memory_space<semaphore_mem>>) src(%dma_wait3A_491 : memref<10000x128xf32, #tpu.memory_space<hbm>>) dst(%arg13 : memref<80x128xf32, #tpu.memory_space<vmem>>)
    %dma_start3A_492 = arith.constant 2 : i32
    %dma_start3A_493 = arith.constant 0 : i32
    %dma_start3A_494 = tpu.memref_slice %arg6[%dma_start3A_492, %dma_start3A_493] : memref<5x80xi32, #tpu.memory_space<vmem>> -> memref<1x80xi32, #tpu.memory_space<vmem>>
    %dma_start3A_495 = tpu.memref_squeeze %dma_start3A_494 : memref<1x80xi32, #tpu.memory_space<vmem>> -> memref<80xi32, #tpu.memory_space<vmem>>
    %dma_start3A_496 = arith.constant 0 : i32
    %dma_start3A_497 = arith.constant 0 : i32
    %dma_start3A_498 = tpu.memref_slice %arg14[%dma_start3A_496, %dma_start3A_497] : memref<10000x128xf32, #tpu.memory_space<vmem_shared>> -> memref<10000x128xf32, #tpu.memory_space<vmem_shared>>
    tpu.enqueue_indirect_dma source(%arg13 : memref<80x128xf32, #tpu.memory_space<vmem>>) target(%dma_start3A_498 : memref<10000x128xf32, #tpu.memory_space<vmem_shared>>) offsets(%dma_start3A_495 : memref<80xi32, #tpu.memory_space<vmem>>) semaphore(%arg20 : memref<!tpu.dma_semaphore, #tpu.memory_space<semaphore_mem>>) {add = true}
    %dma_wait3A_499 = arith.constant 0 : i32
    %dma_wait3A_500 = arith.constant 0 : i32
    %dma_wait3A_501 = tpu.memref_slice %arg6[%dma_wait3A_499, %dma_wait3A_500] : memref<5x80xi32, #tpu.memory_space<vmem>> -> memref<1x80xi32, #tpu.memory_space<vmem>>
    %dma_wait3A_502 = tpu.memref_squeeze %dma_wait3A_501 : memref<1x80xi32, #tpu.memory_space<vmem>> -> memref<80xi32, #tpu.memory_space<vmem>>
    %dma_wait3A_503 = arith.constant 0 : i32
    %dma_wait3A_504 = arith.constant 0 : i32
    %dma_wait3A_505 = tpu.memref_slice %arg14[%dma_wait3A_503, %dma_wait3A_504] : memref<10000x128xf32, #tpu.memory_space<vmem_shared>> -> memref<10000x128xf32, #tpu.memory_space<vmem_shared>>
    tpu.wait_indirect_dma semaphore(%arg20 : memref<!tpu.dma_semaphore, #tpu.memory_space<semaphore_mem>>) src(%arg13 : memref<80x128xf32, #tpu.memory_space<vmem>>) dst(%dma_wait3A_505 : memref<10000x128xf32, #tpu.memory_space<vmem_shared>>)
    %dma_wait3A_506 = arith.constant 0 : i32
    %dma_wait3A_507 = arith.constant 0 : i32
    %dma_wait3A_508 = arith.constant 0 : i32
    %dma_wait3A_509 = arith.constant 0 : i32
    %dma_wait3A_510 = arith.constant 0 : i32
    %dma_wait3A_511 = arith.constant 0 : i32
    %dma_wait3A_512 = tpu.memref_slice %arg3[%dma_wait3A_506, %dma_wait3A_508, %dma_wait3A_509, %dma_wait3A_510, %dma_wait3A_511] : memref<2x32x25x5x80xi32, #tpu.memory_space<hbm>> -> memref<1x32x25x5x80xi32, #tpu.memory_space<hbm>>
    %dma_wait3A_513 = tpu.memref_squeeze %dma_wait3A_512 : memref<1x32x25x5x80xi32, #tpu.memory_space<hbm>> -> memref<32x25x5x80xi32, #tpu.memory_space<hbm>>
    %dma_wait3A_514 = arith.constant 0 : i32
    %dma_wait3A_515 = arith.constant 0 : i32
    %dma_wait3A_516 = arith.constant 0 : i32
    %dma_wait3A_517 = tpu.memref_slice %dma_wait3A_513[%add3A, %dma_wait3A_514, %dma_wait3A_515, %dma_wait3A_516] : memref<32x25x5x80xi32, #tpu.memory_space<hbm>> -> memref<1x25x5x80xi32, #tpu.memory_space<hbm>>
    %dma_wait3A_518 = tpu.memref_squeeze %dma_wait3A_517 : memref<1x25x5x80xi32, #tpu.memory_space<hbm>> -> memref<25x5x80xi32, #tpu.memory_space<hbm>>
    %dma_wait3A_519 = arith.constant 0 : i32
    %dma_wait3A_520 = arith.constant 0 : i32
    %dma_wait3A_521 = tpu.memref_slice %dma_wait3A_518[%dma_wait3A_507, %dma_wait3A_519, %dma_wait3A_520] : memref<25x5x80xi32, #tpu.memory_space<hbm>> -> memref<1x5x80xi32, #tpu.memory_space<hbm>>
    %dma_wait3A_522 = tpu.memref_squeeze %dma_wait3A_521 : memref<1x5x80xi32, #tpu.memory_space<hbm>> -> memref<5x80xi32, #tpu.memory_space<hbm>>
    %dma_wait3A_523 = arith.constant 0 : i32
    %dma_wait3A_524 = arith.constant 0 : i32
    %dma_wait3A_525 = arith.constant 0 : i32
    %dma_wait3A_526 = arith.constant 0 : i32
    %dma_wait3A_527 = tpu.memref_slice %arg3[%dma_wait3A_506, %dma_wait3A_523, %dma_wait3A_524, %dma_wait3A_525, %dma_wait3A_526] : memref<2x32x25x5x80xi32, #tpu.memory_space<hbm>> -> memref<1x32x25x5x80xi32, #tpu.memory_space<hbm>>
    %dma_wait3A_528 = tpu.memref_squeeze %dma_wait3A_527 : memref<1x32x25x5x80xi32, #tpu.memory_space<hbm>> -> memref<32x25x5x80xi32, #tpu.memory_space<hbm>>
    %dma_wait3A_529 = arith.constant 0 : i32
    %dma_wait3A_530 = arith.constant 0 : i32
    %dma_wait3A_531 = arith.constant 0 : i32
    %dma_wait3A_532 = tpu.memref_slice %dma_wait3A_528[%add3A, %dma_wait3A_529, %dma_wait3A_530, %dma_wait3A_531] : memref<32x25x5x80xi32, #tpu.memory_space<hbm>> -> memref<1x25x5x80xi32, #tpu.memory_space<hbm>>
    %dma_wait3A_533 = tpu.memref_squeeze %dma_wait3A_532 : memref<1x25x5x80xi32, #tpu.memory_space<hbm>> -> memref<25x5x80xi32, #tpu.memory_space<hbm>>
    %dma_wait3A_534 = arith.constant 0 : i32
    %dma_wait3A_535 = arith.constant 0 : i32
    %dma_wait3A_536 = tpu.memref_slice %dma_wait3A_533[%dma_wait3A_507, %dma_wait3A_534, %dma_wait3A_535] : memref<25x5x80xi32, #tpu.memory_space<hbm>> -> memref<1x5x80xi32, #tpu.memory_space<hbm>>
    %dma_wait3A_537 = tpu.memref_squeeze %dma_wait3A_536 : memref<1x5x80xi32, #tpu.memory_space<hbm>> -> memref<5x80xi32, #tpu.memory_space<hbm>>
    tpu.wait_dma2 semaphore(%arg22 : memref<!tpu.dma_semaphore, #tpu.memory_space<semaphore_mem>>) src(%dma_wait3A_537 : memref<5x80xi32, #tpu.memory_space<hbm>>) dst(%arg7 : memref<5x80xi32, #tpu.memory_space<vmem>>)
    %dma_wait3A_538 = arith.constant 1 : i32
    %dma_wait3A_539 = arith.constant 0 : i32
    %dma_wait3A_540 = arith.constant 0 : i32
    %dma_wait3A_541 = arith.constant 0 : i32
    %dma_wait3A_542 = arith.constant 0 : i32
    %dma_wait3A_543 = arith.constant 0 : i32
    %dma_wait3A_544 = tpu.memref_slice %arg3[%dma_wait3A_538, %dma_wait3A_540, %dma_wait3A_541, %dma_wait3A_542, %dma_wait3A_543] : memref<2x32x25x5x80xi32, #tpu.memory_space<hbm>> -> memref<1x32x25x5x80xi32, #tpu.memory_space<hbm>>
    %dma_wait3A_545 = tpu.memref_squeeze %dma_wait3A_544 : memref<1x32x25x5x80xi32, #tpu.memory_space<hbm>> -> memref<32x25x5x80xi32, #tpu.memory_space<hbm>>
    %dma_wait3A_546 = arith.constant 0 : i32
    %dma_wait3A_547 = arith.constant 0 : i32
    %dma_wait3A_548 = arith.constant 0 : i32
    %dma_wait3A_549 = tpu.memref_slice %dma_wait3A_545[%add3A, %dma_wait3A_546, %dma_wait3A_547, %dma_wait3A_548] : memref<32x25x5x80xi32, #tpu.memory_space<hbm>> -> memref<1x25x5x80xi32, #tpu.memory_space<hbm>>
    %dma_wait3A_550 = tpu.memref_squeeze %dma_wait3A_549 : memref<1x25x5x80xi32, #tpu.memory_space<hbm>> -> memref<25x5x80xi32, #tpu.memory_space<hbm>>
    %dma_wait3A_551 = arith.constant 0 : i32
    %dma_wait3A_552 = arith.constant 0 : i32
    %dma_wait3A_553 = tpu.memref_slice %dma_wait3A_550[%dma_wait3A_539, %dma_wait3A_551, %dma_wait3A_552] : memref<25x5x80xi32, #tpu.memory_space<hbm>> -> memref<1x5x80xi32, #tpu.memory_space<hbm>>
    %dma_wait3A_554 = tpu.memref_squeeze %dma_wait3A_553 : memref<1x5x80xi32, #tpu.memory_space<hbm>> -> memref<5x80xi32, #tpu.memory_space<hbm>>
    %dma_wait3A_555 = arith.constant 0 : i32
    %dma_wait3A_556 = arith.constant 0 : i32
    %dma_wait3A_557 = arith.constant 0 : i32
    %dma_wait3A_558 = arith.constant 0 : i32
    %dma_wait3A_559 = tpu.memref_slice %arg3[%dma_wait3A_538, %dma_wait3A_555, %dma_wait3A_556, %dma_wait3A_557, %dma_wait3A_558] : memref<2x32x25x5x80xi32, #tpu.memory_space<hbm>> -> memref<1x32x25x5x80xi32, #tpu.memory_space<hbm>>
    %dma_wait3A_560 = tpu.memref_squeeze %dma_wait3A_559 : memref<1x32x25x5x80xi32, #tpu.memory_space<hbm>> -> memref<32x25x5x80xi32, #tpu.memory_space<hbm>>
    %dma_wait3A_561 = arith.constant 0 : i32
    %dma_wait3A_562 = arith.constant 0 : i32
    %dma_wait3A_563 = arith.constant 0 : i32
    %dma_wait3A_564 = tpu.memref_slice %dma_wait3A_560[%add3A, %dma_wait3A_561, %dma_wait3A_562, %dma_wait3A_563] : memref<32x25x5x80xi32, #tpu.memory_space<hbm>> -> memref<1x25x5x80xi32, #tpu.memory_space<hbm>>
    %dma_wait3A_565 = tpu.memref_squeeze %dma_wait3A_564 : memref<1x25x5x80xi32, #tpu.memory_space<hbm>> -> memref<25x5x80xi32, #tpu.memory_space<hbm>>
    %dma_wait3A_566 = arith.constant 0 : i32
    %dma_wait3A_567 = arith.constant 0 : i32
    %dma_wait3A_568 = tpu.memref_slice %dma_wait3A_565[%dma_wait3A_539, %dma_wait3A_566, %dma_wait3A_567] : memref<25x5x80xi32, #tpu.memory_space<hbm>> -> memref<1x5x80xi32, #tpu.memory_space<hbm>>
    %dma_wait3A_569 = tpu.memref_squeeze %dma_wait3A_568 : memref<1x5x80xi32, #tpu.memory_space<hbm>> -> memref<5x80xi32, #tpu.memory_space<hbm>>
    tpu.wait_dma2 semaphore(%arg22 : memref<!tpu.dma_semaphore, #tpu.memory_space<semaphore_mem>>) src(%dma_wait3A_569 : memref<5x80xi32, #tpu.memory_space<hbm>>) dst(%arg8 : memref<5x80xi32, #tpu.memory_space<vmem>>)
    %dma_start3A_570 = arith.constant 0 : i32
    %dma_start3A_571 = arith.constant 0 : i32
    %dma_start3A_572 = tpu.memref_slice %arg7[%dma_start3A_570, %dma_start3A_571] : memref<5x80xi32, #tpu.memory_space<vmem>> -> memref<1x80xi32, #tpu.memory_space<vmem>>
    %dma_start3A_573 = tpu.memref_squeeze %dma_start3A_572 : memref<1x80xi32, #tpu.memory_space<vmem>> -> memref<80xi32, #tpu.memory_space<vmem>>
    %dma_start3A_574 = arith.constant 0 : i32
    %dma_start3A_575 = arith.constant 0 : i32
    %dma_start3A_576 = tpu.memref_slice %arg2[%dma_start3A_574, %dma_start3A_575] : memref<10000x128xf32, #tpu.memory_space<hbm>> -> memref<10000x128xf32, #tpu.memory_space<hbm>>
    tpu.enqueue_indirect_dma source(%dma_start3A_576 : memref<10000x128xf32, #tpu.memory_space<hbm>>) target(%arg13 : memref<80x128xf32, #tpu.memory_space<vmem>>) offsets(%dma_start3A_573 : memref<80xi32, #tpu.memory_space<vmem>>) semaphore(%arg17 : memref<!tpu.dma_semaphore, #tpu.memory_space<semaphore_mem>>)
    %dma_wait3A_577 = arith.constant 0 : i32
    %dma_wait3A_578 = arith.constant 0 : i32
    %dma_wait3A_579 = tpu.memref_slice %arg5[%dma_wait3A_577, %dma_wait3A_578] : memref<5x80xi32, #tpu.memory_space<vmem>> -> memref<1x80xi32, #tpu.memory_space<vmem>>
    %dma_wait3A_580 = tpu.memref_squeeze %dma_wait3A_579 : memref<1x80xi32, #tpu.memory_space<vmem>> -> memref<80xi32, #tpu.memory_space<vmem>>
    %dma_wait3A_581 = arith.constant 0 : i32
    %dma_wait3A_582 = arith.constant 0 : i32
    %dma_wait3A_583 = tpu.memref_slice %arg2[%dma_wait3A_581, %dma_wait3A_582] : memref<10000x128xf32, #tpu.memory_space<hbm>> -> memref<10000x128xf32, #tpu.memory_space<hbm>>
    tpu.wait_indirect_dma semaphore(%arg15 : memref<!tpu.dma_semaphore, #tpu.memory_space<semaphore_mem>>) src(%dma_wait3A_583 : memref<10000x128xf32, #tpu.memory_space<hbm>>) dst(%arg11 : memref<80x128xf32, #tpu.memory_space<vmem>>)
    %dma_start3A_584 = arith.constant 3 : i32
    %dma_start3A_585 = arith.constant 0 : i32
    %dma_start3A_586 = tpu.memref_slice %arg6[%dma_start3A_584, %dma_start3A_585] : memref<5x80xi32, #tpu.memory_space<vmem>> -> memref<1x80xi32, #tpu.memory_space<vmem>>
    %dma_start3A_587 = tpu.memref_squeeze %dma_start3A_586 : memref<1x80xi32, #tpu.memory_space<vmem>> -> memref<80xi32, #tpu.memory_space<vmem>>
    %dma_start3A_588 = arith.constant 0 : i32
    %dma_start3A_589 = arith.constant 0 : i32
    %dma_start3A_590 = tpu.memref_slice %arg14[%dma_start3A_588, %dma_start3A_589] : memref<10000x128xf32, #tpu.memory_space<vmem_shared>> -> memref<10000x128xf32, #tpu.memory_space<vmem_shared>>
    tpu.enqueue_indirect_dma source(%arg11 : memref<80x128xf32, #tpu.memory_space<vmem>>) target(%dma_start3A_590 : memref<10000x128xf32, #tpu.memory_space<vmem_shared>>) offsets(%dma_start3A_587 : memref<80xi32, #tpu.memory_space<vmem>>) semaphore(%arg18 : memref<!tpu.dma_semaphore, #tpu.memory_space<semaphore_mem>>) {add = true}
    %dma_wait3A_591 = arith.constant 0 : i32
    %dma_wait3A_592 = arith.constant 0 : i32
    %dma_wait3A_593 = tpu.memref_slice %arg6[%dma_wait3A_591, %dma_wait3A_592] : memref<5x80xi32, #tpu.memory_space<vmem>> -> memref<1x80xi32, #tpu.memory_space<vmem>>
    %dma_wait3A_594 = tpu.memref_squeeze %dma_wait3A_593 : memref<1x80xi32, #tpu.memory_space<vmem>> -> memref<80xi32, #tpu.memory_space<vmem>>
    %dma_wait3A_595 = arith.constant 0 : i32
    %dma_wait3A_596 = arith.constant 0 : i32
    %dma_wait3A_597 = tpu.memref_slice %arg14[%dma_wait3A_595, %dma_wait3A_596] : memref<10000x128xf32, #tpu.memory_space<vmem_shared>> -> memref<10000x128xf32, #tpu.memory_space<vmem_shared>>
    tpu.wait_indirect_dma semaphore(%arg18 : memref<!tpu.dma_semaphore, #tpu.memory_space<semaphore_mem>>) src(%arg11 : memref<80x128xf32, #tpu.memory_space<vmem>>) dst(%dma_wait3A_597 : memref<10000x128xf32, #tpu.memory_space<vmem_shared>>)
    %dma_start3A_598 = arith.constant 1 : i32
    %dma_start3A_599 = arith.constant 0 : i32
    %dma_start3A_600 = tpu.memref_slice %arg7[%dma_start3A_598, %dma_start3A_599] : memref<5x80xi32, #tpu.memory_space<vmem>> -> memref<1x80xi32, #tpu.memory_space<vmem>>
    %dma_start3A_601 = tpu.memref_squeeze %dma_start3A_600 : memref<1x80xi32, #tpu.memory_space<vmem>> -> memref<80xi32, #tpu.memory_space<vmem>>
    %dma_start3A_602 = arith.constant 0 : i32
    %dma_start3A_603 = arith.constant 0 : i32
    %dma_start3A_604 = tpu.memref_slice %arg2[%dma_start3A_602, %dma_start3A_603] : memref<10000x128xf32, #tpu.memory_space<hbm>> -> memref<10000x128xf32, #tpu.memory_space<hbm>>
    tpu.enqueue_indirect_dma source(%dma_start3A_604 : memref<10000x128xf32, #tpu.memory_space<hbm>>) target(%arg11 : memref<80x128xf32, #tpu.memory_space<vmem>>) offsets(%dma_start3A_601 : memref<80xi32, #tpu.memory_space<vmem>>) semaphore(%arg15 : memref<!tpu.dma_semaphore, #tpu.memory_space<semaphore_mem>>)
    %dma_wait3A_605 = arith.constant 0 : i32
    %dma_wait3A_606 = arith.constant 0 : i32
    %dma_wait3A_607 = tpu.memref_slice %arg5[%dma_wait3A_605, %dma_wait3A_606] : memref<5x80xi32, #tpu.memory_space<vmem>> -> memref<1x80xi32, #tpu.memory_space<vmem>>
    %dma_wait3A_608 = tpu.memref_squeeze %dma_wait3A_607 : memref<1x80xi32, #tpu.memory_space<vmem>> -> memref<80xi32, #tpu.memory_space<vmem>>
    %dma_wait3A_609 = arith.constant 0 : i32
    %dma_wait3A_610 = arith.constant 0 : i32
    %dma_wait3A_611 = tpu.memref_slice %arg2[%dma_wait3A_609, %dma_wait3A_610] : memref<10000x128xf32, #tpu.memory_space<hbm>> -> memref<10000x128xf32, #tpu.memory_space<hbm>>
    tpu.wait_indirect_dma semaphore(%arg16 : memref<!tpu.dma_semaphore, #tpu.memory_space<semaphore_mem>>) src(%dma_wait3A_611 : memref<10000x128xf32, #tpu.memory_space<hbm>>) dst(%arg12 : memref<80x128xf32, #tpu.memory_space<vmem>>)
    %dma_start3A_612 = arith.constant 4 : i32
    %dma_start3A_613 = arith.constant 0 : i32
    %dma_start3A_614 = tpu.memref_slice %arg6[%dma_start3A_612, %dma_start3A_613] : memref<5x80xi32, #tpu.memory_space<vmem>> -> memref<1x80xi32, #tpu.memory_space<vmem>>
    %dma_start3A_615 = tpu.memref_squeeze %dma_start3A_614 : memref<1x80xi32, #tpu.memory_space<vmem>> -> memref<80xi32, #tpu.memory_space<vmem>>
    %dma_start3A_616 = arith.constant 0 : i32
    %dma_start3A_617 = arith.constant 0 : i32
    %dma_start3A_618 = tpu.memref_slice %arg14[%dma_start3A_616, %dma_start3A_617] : memref<10000x128xf32, #tpu.memory_space<vmem_shared>> -> memref<10000x128xf32, #tpu.memory_space<vmem_shared>>
    tpu.enqueue_indirect_dma source(%arg12 : memref<80x128xf32, #tpu.memory_space<vmem>>) target(%dma_start3A_618 : memref<10000x128xf32, #tpu.memory_space<vmem_shared>>) offsets(%dma_start3A_615 : memref<80xi32, #tpu.memory_space<vmem>>) semaphore(%arg19 : memref<!tpu.dma_semaphore, #tpu.memory_space<semaphore_mem>>) {add = true}
    %dma_wait3A_619 = arith.constant 0 : i32
    %dma_wait3A_620 = arith.constant 0 : i32
    %dma_wait3A_621 = tpu.memref_slice %arg6[%dma_wait3A_619, %dma_wait3A_620] : memref<5x80xi32, #tpu.memory_space<vmem>> -> memref<1x80xi32, #tpu.memory_space<vmem>>
    %dma_wait3A_622 = tpu.memref_squeeze %dma_wait3A_621 : memref<1x80xi32, #tpu.memory_space<vmem>> -> memref<80xi32, #tpu.memory_space<vmem>>
    %dma_wait3A_623 = arith.constant 0 : i32
    %dma_wait3A_624 = arith.constant 0 : i32
    %dma_wait3A_625 = tpu.memref_slice %arg14[%dma_wait3A_623, %dma_wait3A_624] : memref<10000x128xf32, #tpu.memory_space<vmem_shared>> -> memref<10000x128xf32, #tpu.memory_space<vmem_shared>>
    tpu.wait_indirect_dma semaphore(%arg19 : memref<!tpu.dma_semaphore, #tpu.memory_space<semaphore_mem>>) src(%arg12 : memref<80x128xf32, #tpu.memory_space<vmem>>) dst(%dma_wait3A_625 : memref<10000x128xf32, #tpu.memory_space<vmem_shared>>)
    %dma_start3A_626 = arith.constant 0 : i32
    %dma_start3A_627 = arith.constant 3 : i32
    %dma_start3A_628 = arith.constant 0 : i32
    %dma_start3A_629 = arith.constant 0 : i32
    %dma_start3A_630 = arith.constant 0 : i32
    %dma_start3A_631 = arith.constant 0 : i32
    %dma_start3A_632 = tpu.memref_slice %arg3[%dma_start3A_626, %dma_start3A_628, %dma_start3A_629, %dma_start3A_630, %dma_start3A_631] : memref<2x32x25x5x80xi32, #tpu.memory_space<hbm>> -> memref<1x32x25x5x80xi32, #tpu.memory_space<hbm>>
    %dma_start3A_633 = tpu.memref_squeeze %dma_start3A_632 : memref<1x32x25x5x80xi32, #tpu.memory_space<hbm>> -> memref<32x25x5x80xi32, #tpu.memory_space<hbm>>
    %dma_start3A_634 = arith.constant 0 : i32
    %dma_start3A_635 = arith.constant 0 : i32
    %dma_start3A_636 = arith.constant 0 : i32
    %dma_start3A_637 = tpu.memref_slice %dma_start3A_633[%add3A, %dma_start3A_634, %dma_start3A_635, %dma_start3A_636] : memref<32x25x5x80xi32, #tpu.memory_space<hbm>> -> memref<1x25x5x80xi32, #tpu.memory_space<hbm>>
    %dma_start3A_638 = tpu.memref_squeeze %dma_start3A_637 : memref<1x25x5x80xi32, #tpu.memory_space<hbm>> -> memref<25x5x80xi32, #tpu.memory_space<hbm>>
    %dma_start3A_639 = arith.constant 0 : i32
    %dma_start3A_640 = arith.constant 0 : i32
    %dma_start3A_641 = tpu.memref_slice %dma_start3A_638[%dma_start3A_627, %dma_start3A_639, %dma_start3A_640] : memref<25x5x80xi32, #tpu.memory_space<hbm>> -> memref<1x5x80xi32, #tpu.memory_space<hbm>>
    %dma_start3A_642 = tpu.memref_squeeze %dma_start3A_641 : memref<1x5x80xi32, #tpu.memory_space<hbm>> -> memref<5x80xi32, #tpu.memory_space<hbm>>
    %dma_start3A_643 = arith.constant 0 : i32
    %dma_start3A_644 = arith.constant 0 : i32
    %dma_start3A_645 = arith.constant 0 : i32
    %dma_start3A_646 = arith.constant 0 : i32
    %dma_start3A_647 = tpu.memref_slice %arg3[%dma_start3A_626, %dma_start3A_643, %dma_start3A_644, %dma_start3A_645, %dma_start3A_646] : memref<2x32x25x5x80xi32, #tpu.memory_space<hbm>> -> memref<1x32x25x5x80xi32, #tpu.memory_space<hbm>>
    %dma_start3A_648 = tpu.memref_squeeze %dma_start3A_647 : memref<1x32x25x5x80xi32, #tpu.memory_space<hbm>> -> memref<32x25x5x80xi32, #tpu.memory_space<hbm>>
    %dma_start3A_649 = arith.constant 0 : i32
    %dma_start3A_650 = arith.constant 0 : i32
    %dma_start3A_651 = arith.constant 0 : i32
    %dma_start3A_652 = tpu.memref_slice %dma_start3A_648[%add3A, %dma_start3A_649, %dma_start3A_650, %dma_start3A_651] : memref<32x25x5x80xi32, #tpu.memory_space<hbm>> -> memref<1x25x5x80xi32, #tpu.memory_space<hbm>>
    %dma_start3A_653 = tpu.memref_squeeze %dma_start3A_652 : memref<1x25x5x80xi32, #tpu.memory_space<hbm>> -> memref<25x5x80xi32, #tpu.memory_space<hbm>>
    %dma_start3A_654 = arith.constant 0 : i32
    %dma_start3A_655 = arith.constant 0 : i32
    %dma_start3A_656 = tpu.memref_slice %dma_start3A_653[%dma_start3A_627, %dma_start3A_654, %dma_start3A_655] : memref<25x5x80xi32, #tpu.memory_space<hbm>> -> memref<1x5x80xi32, #tpu.memory_space<hbm>>
    %dma_start3A_657 = tpu.memref_squeeze %dma_start3A_656 : memref<1x5x80xi32, #tpu.memory_space<hbm>> -> memref<5x80xi32, #tpu.memory_space<hbm>>
    tpu.enqueue_dma source(%dma_start3A_657 : memref<5x80xi32, #tpu.memory_space<hbm>>) target(%arg5 : memref<5x80xi32, #tpu.memory_space<vmem>>) target_semaphore(%arg21 : memref<!tpu.dma_semaphore, #tpu.memory_space<semaphore_mem>>)
    %dma_start3A_658 = arith.constant 1 : i32
    %dma_start3A_659 = arith.constant 3 : i32
    %dma_start3A_660 = arith.constant 0 : i32
    %dma_start3A_661 = arith.constant 0 : i32
    %dma_start3A_662 = arith.constant 0 : i32
    %dma_start3A_663 = arith.constant 0 : i32
    %dma_start3A_664 = tpu.memref_slice %arg3[%dma_start3A_658, %dma_start3A_660, %dma_start3A_661, %dma_start3A_662, %dma_start3A_663] : memref<2x32x25x5x80xi32, #tpu.memory_space<hbm>> -> memref<1x32x25x5x80xi32, #tpu.memory_space<hbm>>
    %dma_start3A_665 = tpu.memref_squeeze %dma_start3A_664 : memref<1x32x25x5x80xi32, #tpu.memory_space<hbm>> -> memref<32x25x5x80xi32, #tpu.memory_space<hbm>>
    %dma_start3A_666 = arith.constant 0 : i32
    %dma_start3A_667 = arith.constant 0 : i32
    %dma_start3A_668 = arith.constant 0 : i32
    %dma_start3A_669 = tpu.memref_slice %dma_start3A_665[%add3A, %dma_start3A_666, %dma_start3A_667, %dma_start3A_668] : memref<32x25x5x80xi32, #tpu.memory_space<hbm>> -> memref<1x25x5x80xi32, #tpu.memory_space<hbm>>
    %dma_start3A_670 = tpu.memref_squeeze %dma_start3A_669 : memref<1x25x5x80xi32, #tpu.memory_space<hbm>> -> memref<25x5x80xi32, #tpu.memory_space<hbm>>
    %dma_start3A_671 = arith.constant 0 : i32
    %dma_start3A_672 = arith.constant 0 : i32
    %dma_start3A_673 = tpu.memref_slice %dma_start3A_670[%dma_start3A_659, %dma_start3A_671, %dma_start3A_672] : memref<25x5x80xi32, #tpu.memory_space<hbm>> -> memref<1x5x80xi32, #tpu.memory_space<hbm>>
    %dma_start3A_674 = tpu.memref_squeeze %dma_start3A_673 : memref<1x5x80xi32, #tpu.memory_space<hbm>> -> memref<5x80xi32, #tpu.memory_space<hbm>>
    %dma_start3A_675 = arith.constant 0 : i32
    %dma_start3A_676 = arith.constant 0 : i32
    %dma_start3A_677 = arith.constant 0 : i32
    %dma_start3A_678 = arith.constant 0 : i32
    %dma_start3A_679 = tpu.memref_slice %arg3[%dma_start3A_658, %dma_start3A_675, %dma_start3A_676, %dma_start3A_677, %dma_start3A_678] : memref<2x32x25x5x80xi32, #tpu.memory_space<hbm>> -> memref<1x32x25x5x80xi32, #tpu.memory_space<hbm>>
    %dma_start3A_680 = tpu.memref_squeeze %dma_start3A_679 : memref<1x32x25x5x80xi32, #tpu.memory_space<hbm>> -> memref<32x25x5x80xi32, #tpu.memory_space<hbm>>
    %dma_start3A_681 = arith.constant 0 : i32
    %dma_start3A_682 = arith.constant 0 : i32
    %dma_start3A_683 = arith.constant 0 : i32
    %dma_start3A_684 = tpu.memref_slice %dma_start3A_680[%add3A, %dma_start3A_681, %dma_start3A_682, %dma_start3A_683] : memref<32x25x5x80xi32, #tpu.memory_space<hbm>> -> memref<1x25x5x80xi32, #tpu.memory_space<hbm>>
    %dma_start3A_685 = tpu.memref_squeeze %dma_start3A_684 : memref<1x25x5x80xi32, #tpu.memory_space<hbm>> -> memref<25x5x80xi32, #tpu.memory_space<hbm>>
    %dma_start3A_686 = arith.constant 0 : i32
    %dma_start3A_687 = arith.constant 0 : i32
    %dma_start3A_688 = tpu.memref_slice %dma_start3A_685[%dma_start3A_659, %dma_start3A_686, %dma_start3A_687] : memref<25x5x80xi32, #tpu.memory_space<hbm>> -> memref<1x5x80xi32, #tpu.memory_space<hbm>>
    %dma_start3A_689 = tpu.memref_squeeze %dma_start3A_688 : memref<1x5x80xi32, #tpu.memory_space<hbm>> -> memref<5x80xi32, #tpu.memory_space<hbm>>
    tpu.enqueue_dma source(%dma_start3A_689 : memref<5x80xi32, #tpu.memory_space<hbm>>) target(%arg6 : memref<5x80xi32, #tpu.memory_space<vmem>>) target_semaphore(%arg21 : memref<!tpu.dma_semaphore, #tpu.memory_space<semaphore_mem>>)
    %dma_start3A_690 = arith.constant 2 : i32
    %dma_start3A_691 = arith.constant 0 : i32
    %dma_start3A_692 = tpu.memref_slice %arg7[%dma_start3A_690, %dma_start3A_691] : memref<5x80xi32, #tpu.memory_space<vmem>> -> memref<1x80xi32, #tpu.memory_space<vmem>>
    %dma_start3A_693 = tpu.memref_squeeze %dma_start3A_692 : memref<1x80xi32, #tpu.memory_space<vmem>> -> memref<80xi32, #tpu.memory_space<vmem>>
    %dma_start3A_694 = arith.constant 0 : i32
    %dma_start3A_695 = arith.constant 0 : i32
    %dma_start3A_696 = tpu.memref_slice %arg2[%dma_start3A_694, %dma_start3A_695] : memref<10000x128xf32, #tpu.memory_space<hbm>> -> memref<10000x128xf32, #tpu.memory_space<hbm>>
    tpu.enqueue_indirect_dma source(%dma_start3A_696 : memref<10000x128xf32, #tpu.memory_space<hbm>>) target(%arg12 : memref<80x128xf32, #tpu.memory_space<vmem>>) offsets(%dma_start3A_693 : memref<80xi32, #tpu.memory_space<vmem>>) semaphore(%arg16 : memref<!tpu.dma_semaphore, #tpu.memory_space<semaphore_mem>>)
    %dma_wait3A_697 = arith.constant 0 : i32
    %dma_wait3A_698 = arith.constant 0 : i32
    %dma_wait3A_699 = tpu.memref_slice %arg5[%dma_wait3A_697, %dma_wait3A_698] : memref<5x80xi32, #tpu.memory_space<vmem>> -> memref<1x80xi32, #tpu.memory_space<vmem>>
    %dma_wait3A_700 = tpu.memref_squeeze %dma_wait3A_699 : memref<1x80xi32, #tpu.memory_space<vmem>> -> memref<80xi32, #tpu.memory_space<vmem>>
    %dma_wait3A_701 = arith.constant 0 : i32
    %dma_wait3A_702 = arith.constant 0 : i32
    %dma_wait3A_703 = tpu.memref_slice %arg2[%dma_wait3A_701, %dma_wait3A_702] : memref<10000x128xf32, #tpu.memory_space<hbm>> -> memref<10000x128xf32, #tpu.memory_space<hbm>>
    tpu.wait_indirect_dma semaphore(%arg17 : memref<!tpu.dma_semaphore, #tpu.memory_space<semaphore_mem>>) src(%dma_wait3A_703 : memref<10000x128xf32, #tpu.memory_space<hbm>>) dst(%arg13 : memref<80x128xf32, #tpu.memory_space<vmem>>)
    %dma_start3A_704 = arith.constant 0 : i32
    %dma_start3A_705 = arith.constant 0 : i32
    %dma_start3A_706 = tpu.memref_slice %arg8[%dma_start3A_704, %dma_start3A_705] : memref<5x80xi32, #tpu.memory_space<vmem>> -> memref<1x80xi32, #tpu.memory_space<vmem>>
    %dma_start3A_707 = tpu.memref_squeeze %dma_start3A_706 : memref<1x80xi32, #tpu.memory_space<vmem>> -> memref<80xi32, #tpu.memory_space<vmem>>
    %dma_start3A_708 = arith.constant 0 : i32
    %dma_start3A_709 = arith.constant 0 : i32
    %dma_start3A_710 = tpu.memref_slice %arg14[%dma_start3A_708, %dma_start3A_709] : memref<10000x128xf32, #tpu.memory_space<vmem_shared>> -> memref<10000x128xf32, #tpu.memory_space<vmem_shared>>
    tpu.enqueue_indirect_dma source(%arg13 : memref<80x128xf32, #tpu.memory_space<vmem>>) target(%dma_start3A_710 : memref<10000x128xf32, #tpu.memory_space<vmem_shared>>) offsets(%dma_start3A_707 : memref<80xi32, #tpu.memory_space<vmem>>) semaphore(%arg20 : memref<!tpu.dma_semaphore, #tpu.memory_space<semaphore_mem>>) {add = true}
    %dma_wait3A_711 = arith.constant 0 : i32
    %dma_wait3A_712 = arith.constant 0 : i32
    %dma_wait3A_713 = tpu.memref_slice %arg6[%dma_wait3A_711, %dma_wait3A_712] : memref<5x80xi32, #tpu.memory_space<vmem>> -> memref<1x80xi32, #tpu.memory_space<vmem>>
    %dma_wait3A_714 = tpu.memref_squeeze %dma_wait3A_713 : memref<1x80xi32, #tpu.memory_space<vmem>> -> memref<80xi32, #tpu.memory_space<vmem>>
    %dma_wait3A_715 = arith.constant 0 : i32
    %dma_wait3A_716 = arith.constant 0 : i32
    %dma_wait3A_717 = tpu.memref_slice %arg14[%dma_wait3A_715, %dma_wait3A_716] : memref<10000x128xf32, #tpu.memory_space<vmem_shared>> -> memref<10000x128xf32, #tpu.memory_space<vmem_shared>>
    tpu.wait_indirect_dma semaphore(%arg20 : memref<!tpu.dma_semaphore, #tpu.memory_space<semaphore_mem>>) src(%arg13 : memref<80x128xf32, #tpu.memory_space<vmem>>) dst(%dma_wait3A_717 : memref<10000x128xf32, #tpu.memory_space<vmem_shared>>)
    %dma_start3A_718 = arith.constant 3 : i32
    %dma_start3A_719 = arith.constant 0 : i32
    %dma_start3A_720 = tpu.memref_slice %arg7[%dma_start3A_718, %dma_start3A_719] : memref<5x80xi32, #tpu.memory_space<vmem>> -> memref<1x80xi32, #tpu.memory_space<vmem>>
    %dma_start3A_721 = tpu.memref_squeeze %dma_start3A_720 : memref<1x80xi32, #tpu.memory_space<vmem>> -> memref<80xi32, #tpu.memory_space<vmem>>
    %dma_start3A_722 = arith.constant 0 : i32
    %dma_start3A_723 = arith.constant 0 : i32
    %dma_start3A_724 = tpu.memref_slice %arg2[%dma_start3A_722, %dma_start3A_723] : memref<10000x128xf32, #tpu.memory_space<hbm>> -> memref<10000x128xf32, #tpu.memory_space<hbm>>
    tpu.enqueue_indirect_dma source(%dma_start3A_724 : memref<10000x128xf32, #tpu.memory_space<hbm>>) target(%arg13 : memref<80x128xf32, #tpu.memory_space<vmem>>) offsets(%dma_start3A_721 : memref<80xi32, #tpu.memory_space<vmem>>) semaphore(%arg17 : memref<!tpu.dma_semaphore, #tpu.memory_space<semaphore_mem>>)
    %dma_wait3A_725 = arith.constant 0 : i32
    %dma_wait3A_726 = arith.constant 0 : i32
    %dma_wait3A_727 = tpu.memref_slice %arg5[%dma_wait3A_725, %dma_wait3A_726] : memref<5x80xi32, #tpu.memory_space<vmem>> -> memref<1x80xi32, #tpu.memory_space<vmem>>
    %dma_wait3A_728 = tpu.memref_squeeze %dma_wait3A_727 : memref<1x80xi32, #tpu.memory_space<vmem>> -> memref<80xi32, #tpu.memory_space<vmem>>
    %dma_wait3A_729 = arith.constant 0 : i32
    %dma_wait3A_730 = arith.constant 0 : i32
    %dma_wait3A_731 = tpu.memref_slice %arg2[%dma_wait3A_729, %dma_wait3A_730] : memref<10000x128xf32, #tpu.memory_space<hbm>> -> memref<10000x128xf32, #tpu.memory_space<hbm>>
    tpu.wait_indirect_dma semaphore(%arg15 : memref<!tpu.dma_semaphore, #tpu.memory_space<semaphore_mem>>) src(%dma_wait3A_731 : memref<10000x128xf32, #tpu.memory_space<hbm>>) dst(%arg11 : memref<80x128xf32, #tpu.memory_space<vmem>>)
    %dma_start3A_732 = arith.constant 1 : i32
    %dma_start3A_733 = arith.constant 0 : i32
    %dma_start3A_734 = tpu.memref_slice %arg8[%dma_start3A_732, %dma_start3A_733] : memref<5x80xi32, #tpu.memory_space<vmem>> -> memref<1x80xi32, #tpu.memory_space<vmem>>
    %dma_start3A_735 = tpu.memref_squeeze %dma_start3A_734 : memref<1x80xi32, #tpu.memory_space<vmem>> -> memref<80xi32, #tpu.memory_space<vmem>>
    %dma_start3A_736 = arith.constant 0 : i32
    %dma_start3A_737 = arith.constant 0 : i32
    %dma_start3A_738 = tpu.memref_slice %arg14[%dma_start3A_736, %dma_start3A_737] : memref<10000x128xf32, #tpu.memory_space<vmem_shared>> -> memref<10000x128xf32, #tpu.memory_space<vmem_shared>>
    tpu.enqueue_indirect_dma source(%arg11 : memref<80x128xf32, #tpu.memory_space<vmem>>) target(%dma_start3A_738 : memref<10000x128xf32, #tpu.memory_space<vmem_shared>>) offsets(%dma_start3A_735 : memref<80xi32, #tpu.memory_space<vmem>>) semaphore(%arg18 : memref<!tpu.dma_semaphore, #tpu.memory_space<semaphore_mem>>) {add = true}
    %dma_wait3A_739 = arith.constant 0 : i32
    %dma_wait3A_740 = arith.constant 0 : i32
    %dma_wait3A_741 = tpu.memref_slice %arg6[%dma_wait3A_739, %dma_wait3A_740] : memref<5x80xi32, #tpu.memory_space<vmem>> -> memref<1x80xi32, #tpu.memory_space<vmem>>
    %dma_wait3A_742 = tpu.memref_squeeze %dma_wait3A_741 : memref<1x80xi32, #tpu.memory_space<vmem>> -> memref<80xi32, #tpu.memory_space<vmem>>
    %dma_wait3A_743 = arith.constant 0 : i32
    %dma_wait3A_744 = arith.constant 0 : i32
    %dma_wait3A_745 = tpu.memref_slice %arg14[%dma_wait3A_743, %dma_wait3A_744] : memref<10000x128xf32, #tpu.memory_space<vmem_shared>> -> memref<10000x128xf32, #tpu.memory_space<vmem_shared>>
    tpu.wait_indirect_dma semaphore(%arg18 : memref<!tpu.dma_semaphore, #tpu.memory_space<semaphore_mem>>) src(%arg11 : memref<80x128xf32, #tpu.memory_space<vmem>>) dst(%dma_wait3A_745 : memref<10000x128xf32, #tpu.memory_space<vmem_shared>>)
    %dma_start3A_746 = arith.constant 4 : i32
    %dma_start3A_747 = arith.constant 0 : i32
    %dma_start3A_748 = tpu.memref_slice %arg7[%dma_start3A_746, %dma_start3A_747] : memref<5x80xi32, #tpu.memory_space<vmem>> -> memref<1x80xi32, #tpu.memory_space<vmem>>
    %dma_start3A_749 = tpu.memref_squeeze %dma_start3A_748 : memref<1x80xi32, #tpu.memory_space<vmem>> -> memref<80xi32, #tpu.memory_space<vmem>>
    %dma_start3A_750 = arith.constant 0 : i32
    %dma_start3A_751 = arith.constant 0 : i32
    %dma_start3A_752 = tpu.memref_slice %arg2[%dma_start3A_750, %dma_start3A_751] : memref<10000x128xf32, #tpu.memory_space<hbm>> -> memref<10000x128xf32, #tpu.memory_space<hbm>>
    tpu.enqueue_indirect_dma source(%dma_start3A_752 : memref<10000x128xf32, #tpu.memory_space<hbm>>) target(%arg11 : memref<80x128xf32, #tpu.memory_space<vmem>>) offsets(%dma_start3A_749 : memref<80xi32, #tpu.memory_space<vmem>>) semaphore(%arg15 : memref<!tpu.dma_semaphore, #tpu.memory_space<semaphore_mem>>)
    %dma_wait3A_753 = arith.constant 0 : i32
    %dma_wait3A_754 = arith.constant 0 : i32
    %dma_wait3A_755 = tpu.memref_slice %arg5[%dma_wait3A_753, %dma_wait3A_754] : memref<5x80xi32, #tpu.memory_space<vmem>> -> memref<1x80xi32, #tpu.memory_space<vmem>>
    %dma_wait3A_756 = tpu.memref_squeeze %dma_wait3A_755 : memref<1x80xi32, #tpu.memory_space<vmem>> -> memref<80xi32, #tpu.memory_space<vmem>>
    %dma_wait3A_757 = arith.constant 0 : i32
    %dma_wait3A_758 = arith.constant 0 : i32
    %dma_wait3A_759 = tpu.memref_slice %arg2[%dma_wait3A_757, %dma_wait3A_758] : memref<10000x128xf32, #tpu.memory_space<hbm>> -> memref<10000x128xf32, #tpu.memory_space<hbm>>
    tpu.wait_indirect_dma semaphore(%arg16 : memref<!tpu.dma_semaphore, #tpu.memory_space<semaphore_mem>>) src(%dma_wait3A_759 : memref<10000x128xf32, #tpu.memory_space<hbm>>) dst(%arg12 : memref<80x128xf32, #tpu.memory_space<vmem>>)
    %dma_start3A_760 = arith.constant 2 : i32
    %dma_start3A_761 = arith.constant 0 : i32
    %dma_start3A_762 = tpu.memref_slice %arg8[%dma_start3A_760, %dma_start3A_761] : memref<5x80xi32, #tpu.memory_space<vmem>> -> memref<1x80xi32, #tpu.memory_space<vmem>>
    %dma_start3A_763 = tpu.memref_squeeze %dma_start3A_762 : memref<1x80xi32, #tpu.memory_space<vmem>> -> memref<80xi32, #tpu.memory_space<vmem>>
    %dma_start3A_764 = arith.constant 0 : i32
    %dma_start3A_765 = arith.constant 0 : i32
    %dma_start3A_766 = tpu.memref_slice %arg14[%dma_start3A_764, %dma_start3A_765] : memref<10000x128xf32, #tpu.memory_space<vmem_shared>> -> memref<10000x128xf32, #tpu.memory_space<vmem_shared>>
    tpu.enqueue_indirect_dma source(%arg12 : memref<80x128xf32, #tpu.memory_space<vmem>>) target(%dma_start3A_766 : memref<10000x128xf32, #tpu.memory_space<vmem_shared>>) offsets(%dma_start3A_763 : memref<80xi32, #tpu.memory_space<vmem>>) semaphore(%arg19 : memref<!tpu.dma_semaphore, #tpu.memory_space<semaphore_mem>>) {add = true}
    %dma_wait3A_767 = arith.constant 0 : i32
    %dma_wait3A_768 = arith.constant 0 : i32
    %dma_wait3A_769 = tpu.memref_slice %arg6[%dma_wait3A_767, %dma_wait3A_768] : memref<5x80xi32, #tpu.memory_space<vmem>> -> memref<1x80xi32, #tpu.memory_space<vmem>>
    %dma_wait3A_770 = tpu.memref_squeeze %dma_wait3A_769 : memref<1x80xi32, #tpu.memory_space<vmem>> -> memref<80xi32, #tpu.memory_space<vmem>>
    %dma_wait3A_771 = arith.constant 0 : i32
    %dma_wait3A_772 = arith.constant 0 : i32
    %dma_wait3A_773 = tpu.memref_slice %arg14[%dma_wait3A_771, %dma_wait3A_772] : memref<10000x128xf32, #tpu.memory_space<vmem_shared>> -> memref<10000x128xf32, #tpu.memory_space<vmem_shared>>
    tpu.wait_indirect_dma semaphore(%arg19 : memref<!tpu.dma_semaphore, #tpu.memory_space<semaphore_mem>>) src(%arg12 : memref<80x128xf32, #tpu.memory_space<vmem>>) dst(%dma_wait3A_773 : memref<10000x128xf32, #tpu.memory_space<vmem_shared>>)
    %dma_wait3A_774 = arith.constant 0 : i32
    %dma_wait3A_775 = arith.constant 0 : i32
    %dma_wait3A_776 = arith.constant 0 : i32
    %dma_wait3A_777 = arith.constant 0 : i32
    %dma_wait3A_778 = arith.constant 0 : i32
    %dma_wait3A_779 = arith.constant 0 : i32
    %dma_wait3A_780 = tpu.memref_slice %arg3[%dma_wait3A_774, %dma_wait3A_776, %dma_wait3A_777, %dma_wait3A_778, %dma_wait3A_779] : memref<2x32x25x5x80xi32, #tpu.memory_space<hbm>> -> memref<1x32x25x5x80xi32, #tpu.memory_space<hbm>>
    %dma_wait3A_781 = tpu.memref_squeeze %dma_wait3A_780 : memref<1x32x25x5x80xi32, #tpu.memory_space<hbm>> -> memref<32x25x5x80xi32, #tpu.memory_space<hbm>>
    %dma_wait3A_782 = arith.constant 0 : i32
    %dma_wait3A_783 = arith.constant 0 : i32
    %dma_wait3A_784 = arith.constant 0 : i32
    %dma_wait3A_785 = tpu.memref_slice %dma_wait3A_781[%add3A, %dma_wait3A_782, %dma_wait3A_783, %dma_wait3A_784] : memref<32x25x5x80xi32, #tpu.memory_space<hbm>> -> memref<1x25x5x80xi32, #tpu.memory_space<hbm>>
    %dma_wait3A_786 = tpu.memref_squeeze %dma_wait3A_785 : memref<1x25x5x80xi32, #tpu.memory_space<hbm>> -> memref<25x5x80xi32, #tpu.memory_space<hbm>>
    %dma_wait3A_787 = arith.constant 0 : i32
    %dma_wait3A_788 = arith.constant 0 : i32
    %dma_wait3A_789 = tpu.memref_slice %dma_wait3A_786[%dma_wait3A_775, %dma_wait3A_787, %dma_wait3A_788] : memref<25x5x80xi32, #tpu.memory_space<hbm>> -> memref<1x5x80xi32, #tpu.memory_space<hbm>>
    %dma_wait3A_790 = tpu.memref_squeeze %dma_wait3A_789 : memref<1x5x80xi32, #tpu.memory_space<hbm>> -> memref<5x80xi32, #tpu.memory_space<hbm>>
    %dma_wait3A_791 = arith.constant 0 : i32
    %dma_wait3A_792 = arith.constant 0 : i32
    %dma_wait3A_793 = arith.constant 0 : i32
    %dma_wait3A_794 = arith.constant 0 : i32
    %dma_wait3A_795 = tpu.memref_slice %arg3[%dma_wait3A_774, %dma_wait3A_791, %dma_wait3A_792, %dma_wait3A_793, %dma_wait3A_794] : memref<2x32x25x5x80xi32, #tpu.memory_space<hbm>> -> memref<1x32x25x5x80xi32, #tpu.memory_space<hbm>>
    %dma_wait3A_796 = tpu.memref_squeeze %dma_wait3A_795 : memref<1x32x25x5x80xi32, #tpu.memory_space<hbm>> -> memref<32x25x5x80xi32, #tpu.memory_space<hbm>>
    %dma_wait3A_797 = arith.constant 0 : i32
    %dma_wait3A_798 = arith.constant 0 : i32
    %dma_wait3A_799 = arith.constant 0 : i32
    %dma_wait3A_800 = tpu.memref_slice %dma_wait3A_796[%add3A, %dma_wait3A_797, %dma_wait3A_798, %dma_wait3A_799] : memref<32x25x5x80xi32, #tpu.memory_space<hbm>> -> memref<1x25x5x80xi32, #tpu.memory_space<hbm>>
    %dma_wait3A_801 = tpu.memref_squeeze %dma_wait3A_800 : memref<1x25x5x80xi32, #tpu.memory_space<hbm>> -> memref<25x5x80xi32, #tpu.memory_space<hbm>>
    %dma_wait3A_802 = arith.constant 0 : i32
    %dma_wait3A_803 = arith.constant 0 : i32
    %dma_wait3A_804 = tpu.memref_slice %dma_wait3A_801[%dma_wait3A_775, %dma_wait3A_802, %dma_wait3A_803] : memref<25x5x80xi32, #tpu.memory_space<hbm>> -> memref<1x5x80xi32, #tpu.memory_space<hbm>>
    %dma_wait3A_805 = tpu.memref_squeeze %dma_wait3A_804 : memref<1x5x80xi32, #tpu.memory_space<hbm>> -> memref<5x80xi32, #tpu.memory_space<hbm>>
    tpu.wait_dma2 semaphore(%arg23 : memref<!tpu.dma_semaphore, #tpu.memory_space<semaphore_mem>>) src(%dma_wait3A_805 : memref<5x80xi32, #tpu.memory_space<hbm>>) dst(%arg9 : memref<5x80xi32, #tpu.memory_space<vmem>>)
    %dma_wait3A_806 = arith.constant 1 : i32
    %dma_wait3A_807 = arith.constant 0 : i32
    %dma_wait3A_808 = arith.constant 0 : i32
    %dma_wait3A_809 = arith.constant 0 : i32
    %dma_wait3A_810 = arith.constant 0 : i32
    %dma_wait3A_811 = arith.constant 0 : i32
    %dma_wait3A_812 = tpu.memref_slice %arg3[%dma_wait3A_806, %dma_wait3A_808, %dma_wait3A_809, %dma_wait3A_810, %dma_wait3A_811] : memref<2x32x25x5x80xi32, #tpu.memory_space<hbm>> -> memref<1x32x25x5x80xi32, #tpu.memory_space<hbm>>
    %dma_wait3A_813 = tpu.memref_squeeze %dma_wait3A_812 : memref<1x32x25x5x80xi32, #tpu.memory_space<hbm>> -> memref<32x25x5x80xi32, #tpu.memory_space<hbm>>
    %dma_wait3A_814 = arith.constant 0 : i32
    %dma_wait3A_815 = arith.constant 0 : i32
    %dma_wait3A_816 = arith.constant 0 : i32
    %dma_wait3A_817 = tpu.memref_slice %dma_wait3A_813[%add3A, %dma_wait3A_814, %dma_wait3A_815, %dma_wait3A_816] : memref<32x25x5x80xi32, #tpu.memory_space<hbm>> -> memref<1x25x5x80xi32, #tpu.memory_space<hbm>>
    %dma_wait3A_818 = tpu.memref_squeeze %dma_wait3A_817 : memref<1x25x5x80xi32, #tpu.memory_space<hbm>> -> memref<25x5x80xi32, #tpu.memory_space<hbm>>
    %dma_wait3A_819 = arith.constant 0 : i32
    %dma_wait3A_820 = arith.constant 0 : i32
    %dma_wait3A_821 = tpu.memref_slice %dma_wait3A_818[%dma_wait3A_807, %dma_wait3A_819, %dma_wait3A_820] : memref<25x5x80xi32, #tpu.memory_space<hbm>> -> memref<1x5x80xi32, #tpu.memory_space<hbm>>
    %dma_wait3A_822 = tpu.memref_squeeze %dma_wait3A_821 : memref<1x5x80xi32, #tpu.memory_space<hbm>> -> memref<5x80xi32, #tpu.memory_space<hbm>>
    %dma_wait3A_823 = arith.constant 0 : i32
    %dma_wait3A_824 = arith.constant 0 : i32
    %dma_wait3A_825 = arith.constant 0 : i32
    %dma_wait3A_826 = arith.constant 0 : i32
    %dma_wait3A_827 = tpu.memref_slice %arg3[%dma_wait3A_806, %dma_wait3A_823, %dma_wait3A_824, %dma_wait3A_825, %dma_wait3A_826] : memref<2x32x25x5x80xi32, #tpu.memory_space<hbm>> -> memref<1x32x25x5x80xi32, #tpu.memory_space<hbm>>
    %dma_wait3A_828 = tpu.memref_squeeze %dma_wait3A_827 : memref<1x32x25x5x80xi32, #tpu.memory_space<hbm>> -> memref<32x25x5x80xi32, #tpu.memory_space<hbm>>
    %dma_wait3A_829 = arith.constant 0 : i32
    %dma_wait3A_830 = arith.constant 0 : i32
    %dma_wait3A_831 = arith.constant 0 : i32
    %dma_wait3A_832 = tpu.memref_slice %dma_wait3A_828[%add3A, %dma_wait3A_829, %dma_wait3A_830, %dma_wait3A_831] : memref<32x25x5x80xi32, #tpu.memory_space<hbm>> -> memref<1x25x5x80xi32, #tpu.memory_space<hbm>>
    %dma_wait3A_833 = tpu.memref_squeeze %dma_wait3A_832 : memref<1x25x5x80xi32, #tpu.memory_space<hbm>> -> memref<25x5x80xi32, #tpu.memory_space<hbm>>
    %dma_wait3A_834 = arith.constant 0 : i32
    %dma_wait3A_835 = arith.constant 0 : i32
    %dma_wait3A_836 = tpu.memref_slice %dma_wait3A_833[%dma_wait3A_807, %dma_wait3A_834, %dma_wait3A_835] : memref<25x5x80xi32, #tpu.memory_space<hbm>> -> memref<1x5x80xi32, #tpu.memory_space<hbm>>
    %dma_wait3A_837 = tpu.memref_squeeze %dma_wait3A_836 : memref<1x5x80xi32, #tpu.memory_space<hbm>> -> memref<5x80xi32, #tpu.memory_space<hbm>>
    tpu.wait_dma2 semaphore(%arg23 : memref<!tpu.dma_semaphore, #tpu.memory_space<semaphore_mem>>) src(%dma_wait3A_837 : memref<5x80xi32, #tpu.memory_space<hbm>>) dst(%arg10 : memref<5x80xi32, #tpu.memory_space<vmem>>)
    %dma_start3A_838 = arith.constant 0 : i32
    %dma_start3A_839 = arith.constant 0 : i32
    %dma_start3A_840 = tpu.memref_slice %arg9[%dma_start3A_838, %dma_start3A_839] : memref<5x80xi32, #tpu.memory_space<vmem>> -> memref<1x80xi32, #tpu.memory_space<vmem>>
    %dma_start3A_841 = tpu.memref_squeeze %dma_start3A_840 : memref<1x80xi32, #tpu.memory_space<vmem>> -> memref<80xi32, #tpu.memory_space<vmem>>
    %dma_start3A_842 = arith.constant 0 : i32
    %dma_start3A_843 = arith.constant 0 : i32
    %dma_start3A_844 = tpu.memref_slice %arg2[%dma_start3A_842, %dma_start3A_843] : memref<10000x128xf32, #tpu.memory_space<hbm>> -> memref<10000x128xf32, #tpu.memory_space<hbm>>
    tpu.enqueue_indirect_dma source(%dma_start3A_844 : memref<10000x128xf32, #tpu.memory_space<hbm>>) target(%arg12 : memref<80x128xf32, #tpu.memory_space<vmem>>) offsets(%dma_start3A_841 : memref<80xi32, #tpu.memory_space<vmem>>) semaphore(%arg16 : memref<!tpu.dma_semaphore, #tpu.memory_space<semaphore_mem>>)
    %dma_wait3A_845 = arith.constant 0 : i32
    %dma_wait3A_846 = arith.constant 0 : i32
    %dma_wait3A_847 = tpu.memref_slice %arg5[%dma_wait3A_845, %dma_wait3A_846] : memref<5x80xi32, #tpu.memory_space<vmem>> -> memref<1x80xi32, #tpu.memory_space<vmem>>
    %dma_wait3A_848 = tpu.memref_squeeze %dma_wait3A_847 : memref<1x80xi32, #tpu.memory_space<vmem>> -> memref<80xi32, #tpu.memory_space<vmem>>
    %dma_wait3A_849 = arith.constant 0 : i32
    %dma_wait3A_850 = arith.constant 0 : i32
    %dma_wait3A_851 = tpu.memref_slice %arg2[%dma_wait3A_849, %dma_wait3A_850] : memref<10000x128xf32, #tpu.memory_space<hbm>> -> memref<10000x128xf32, #tpu.memory_space<hbm>>
    tpu.wait_indirect_dma semaphore(%arg17 : memref<!tpu.dma_semaphore, #tpu.memory_space<semaphore_mem>>) src(%dma_wait3A_851 : memref<10000x128xf32, #tpu.memory_space<hbm>>) dst(%arg13 : memref<80x128xf32, #tpu.memory_space<vmem>>)
    %dma_start3A_852 = arith.constant 3 : i32
    %dma_start3A_853 = arith.constant 0 : i32
    %dma_start3A_854 = tpu.memref_slice %arg8[%dma_start3A_852, %dma_start3A_853] : memref<5x80xi32, #tpu.memory_space<vmem>> -> memref<1x80xi32, #tpu.memory_space<vmem>>
    %dma_start3A_855 = tpu.memref_squeeze %dma_start3A_854 : memref<1x80xi32, #tpu.memory_space<vmem>> -> memref<80xi32, #tpu.memory_space<vmem>>
    %dma_start3A_856 = arith.constant 0 : i32
    %dma_start3A_857 = arith.constant 0 : i32
    %dma_start3A_858 = tpu.memref_slice %arg14[%dma_start3A_856, %dma_start3A_857] : memref<10000x128xf32, #tpu.memory_space<vmem_shared>> -> memref<10000x128xf32, #tpu.memory_space<vmem_shared>>
    tpu.enqueue_indirect_dma source(%arg13 : memref<80x128xf32, #tpu.memory_space<vmem>>) target(%dma_start3A_858 : memref<10000x128xf32, #tpu.memory_space<vmem_shared>>) offsets(%dma_start3A_855 : memref<80xi32, #tpu.memory_space<vmem>>) semaphore(%arg20 : memref<!tpu.dma_semaphore, #tpu.memory_space<semaphore_mem>>) {add = true}
    %dma_wait3A_859 = arith.constant 0 : i32
    %dma_wait3A_860 = arith.constant 0 : i32
    %dma_wait3A_861 = tpu.memref_slice %arg6[%dma_wait3A_859, %dma_wait3A_860] : memref<5x80xi32, #tpu.memory_space<vmem>> -> memref<1x80xi32, #tpu.memory_space<vmem>>
    %dma_wait3A_862 = tpu.memref_squeeze %dma_wait3A_861 : memref<1x80xi32, #tpu.memory_space<vmem>> -> memref<80xi32, #tpu.memory_space<vmem>>
    %dma_wait3A_863 = arith.constant 0 : i32
    %dma_wait3A_864 = arith.constant 0 : i32
    %dma_wait3A_865 = tpu.memref_slice %arg14[%dma_wait3A_863, %dma_wait3A_864] : memref<10000x128xf32, #tpu.memory_space<vmem_shared>> -> memref<10000x128xf32, #tpu.memory_space<vmem_shared>>
    tpu.wait_indirect_dma semaphore(%arg20 : memref<!tpu.dma_semaphore, #tpu.memory_space<semaphore_mem>>) src(%arg13 : memref<80x128xf32, #tpu.memory_space<vmem>>) dst(%dma_wait3A_865 : memref<10000x128xf32, #tpu.memory_space<vmem_shared>>)
    %dma_start3A_866 = arith.constant 1 : i32
    %dma_start3A_867 = arith.constant 0 : i32
    %dma_start3A_868 = tpu.memref_slice %arg9[%dma_start3A_866, %dma_start3A_867] : memref<5x80xi32, #tpu.memory_space<vmem>> -> memref<1x80xi32, #tpu.memory_space<vmem>>
    %dma_start3A_869 = tpu.memref_squeeze %dma_start3A_868 : memref<1x80xi32, #tpu.memory_space<vmem>> -> memref<80xi32, #tpu.memory_space<vmem>>
    %dma_start3A_870 = arith.constant 0 : i32
    %dma_start3A_871 = arith.constant 0 : i32
    %dma_start3A_872 = tpu.memref_slice %arg2[%dma_start3A_870, %dma_start3A_871] : memref<10000x128xf32, #tpu.memory_space<hbm>> -> memref<10000x128xf32, #tpu.memory_space<hbm>>
    tpu.enqueue_indirect_dma source(%dma_start3A_872 : memref<10000x128xf32, #tpu.memory_space<hbm>>) target(%arg13 : memref<80x128xf32, #tpu.memory_space<vmem>>) offsets(%dma_start3A_869 : memref<80xi32, #tpu.memory_space<vmem>>) semaphore(%arg17 : memref<!tpu.dma_semaphore, #tpu.memory_space<semaphore_mem>>)
    %dma_wait3A_873 = arith.constant 0 : i32
    %dma_wait3A_874 = arith.constant 0 : i32
    %dma_wait3A_875 = tpu.memref_slice %arg5[%dma_wait3A_873, %dma_wait3A_874] : memref<5x80xi32, #tpu.memory_space<vmem>> -> memref<1x80xi32, #tpu.memory_space<vmem>>
    %dma_wait3A_876 = tpu.memref_squeeze %dma_wait3A_875 : memref<1x80xi32, #tpu.memory_space<vmem>> -> memref<80xi32, #tpu.memory_space<vmem>>
    %dma_wait3A_877 = arith.constant 0 : i32
    %dma_wait3A_878 = arith.constant 0 : i32
    %dma_wait3A_879 = tpu.memref_slice %arg2[%dma_wait3A_877, %dma_wait3A_878] : memref<10000x128xf32, #tpu.memory_space<hbm>> -> memref<10000x128xf32, #tpu.memory_space<hbm>>
    tpu.wait_indirect_dma semaphore(%arg15 : memref<!tpu.dma_semaphore, #tpu.memory_space<semaphore_mem>>) src(%dma_wait3A_879 : memref<10000x128xf32, #tpu.memory_space<hbm>>) dst(%arg11 : memref<80x128xf32, #tpu.memory_space<vmem>>)
    %dma_start3A_880 = arith.constant 4 : i32
    %dma_start3A_881 = arith.constant 0 : i32
    %dma_start3A_882 = tpu.memref_slice %arg8[%dma_start3A_880, %dma_start3A_881] : memref<5x80xi32, #tpu.memory_space<vmem>> -> memref<1x80xi32, #tpu.memory_space<vmem>>
    %dma_start3A_883 = tpu.memref_squeeze %dma_start3A_882 : memref<1x80xi32, #tpu.memory_space<vmem>> -> memref<80xi32, #tpu.memory_space<vmem>>
    %dma_start3A_884 = arith.constant 0 : i32
    %dma_start3A_885 = arith.constant 0 : i32
    %dma_start3A_886 = tpu.memref_slice %arg14[%dma_start3A_884, %dma_start3A_885] : memref<10000x128xf32, #tpu.memory_space<vmem_shared>> -> memref<10000x128xf32, #tpu.memory_space<vmem_shared>>
    tpu.enqueue_indirect_dma source(%arg11 : memref<80x128xf32, #tpu.memory_space<vmem>>) target(%dma_start3A_886 : memref<10000x128xf32, #tpu.memory_space<vmem_shared>>) offsets(%dma_start3A_883 : memref<80xi32, #tpu.memory_space<vmem>>) semaphore(%arg18 : memref<!tpu.dma_semaphore, #tpu.memory_space<semaphore_mem>>) {add = true}
    %dma_wait3A_887 = arith.constant 0 : i32
    %dma_wait3A_888 = arith.constant 0 : i32
    %dma_wait3A_889 = tpu.memref_slice %arg6[%dma_wait3A_887, %dma_wait3A_888] : memref<5x80xi32, #tpu.memory_space<vmem>> -> memref<1x80xi32, #tpu.memory_space<vmem>>
    %dma_wait3A_890 = tpu.memref_squeeze %dma_wait3A_889 : memref<1x80xi32, #tpu.memory_space<vmem>> -> memref<80xi32, #tpu.memory_space<vmem>>
    %dma_wait3A_891 = arith.constant 0 : i32
    %dma_wait3A_892 = arith.constant 0 : i32
    %dma_wait3A_893 = tpu.memref_slice %arg14[%dma_wait3A_891, %dma_wait3A_892] : memref<10000x128xf32, #tpu.memory_space<vmem_shared>> -> memref<10000x128xf32, #tpu.memory_space<vmem_shared>>
    tpu.wait_indirect_dma semaphore(%arg18 : memref<!tpu.dma_semaphore, #tpu.memory_space<semaphore_mem>>) src(%arg11 : memref<80x128xf32, #tpu.memory_space<vmem>>) dst(%dma_wait3A_893 : memref<10000x128xf32, #tpu.memory_space<vmem_shared>>)
    %dma_start3A_894 = arith.constant 0 : i32
    %dma_start3A_895 = arith.constant 4 : i32
    %dma_start3A_896 = arith.constant 0 : i32
    %dma_start3A_897 = arith.constant 0 : i32
    %dma_start3A_898 = arith.constant 0 : i32
    %dma_start3A_899 = arith.constant 0 : i32
    %dma_start3A_900 = tpu.memref_slice %arg3[%dma_start3A_894, %dma_start3A_896, %dma_start3A_897, %dma_start3A_898, %dma_start3A_899] : memref<2x32x25x5x80xi32, #tpu.memory_space<hbm>> -> memref<1x32x25x5x80xi32, #tpu.memory_space<hbm>>
    %dma_start3A_901 = tpu.memref_squeeze %dma_start3A_900 : memref<1x32x25x5x80xi32, #tpu.memory_space<hbm>> -> memref<32x25x5x80xi32, #tpu.memory_space<hbm>>
    %dma_start3A_902 = arith.constant 0 : i32
    %dma_start3A_903 = arith.constant 0 : i32
    %dma_start3A_904 = arith.constant 0 : i32
    %dma_start3A_905 = tpu.memref_slice %dma_start3A_901[%add3A, %dma_start3A_902, %dma_start3A_903, %dma_start3A_904] : memref<32x25x5x80xi32, #tpu.memory_space<hbm>> -> memref<1x25x5x80xi32, #tpu.memory_space<hbm>>
    %dma_start3A_906 = tpu.memref_squeeze %dma_start3A_905 : memref<1x25x5x80xi32, #tpu.memory_space<hbm>> -> memref<25x5x80xi32, #tpu.memory_space<hbm>>
    %dma_start3A_907 = arith.constant 0 : i32
    %dma_start3A_908 = arith.constant 0 : i32
    %dma_start3A_909 = tpu.memref_slice %dma_start3A_906[%dma_start3A_895, %dma_start3A_907, %dma_start3A_908] : memref<25x5x80xi32, #tpu.memory_space<hbm>> -> memref<1x5x80xi32, #tpu.memory_space<hbm>>
    %dma_start3A_910 = tpu.memref_squeeze %dma_start3A_909 : memref<1x5x80xi32, #tpu.memory_space<hbm>> -> memref<5x80xi32, #tpu.memory_space<hbm>>
    %dma_start3A_911 = arith.constant 0 : i32
    %dma_start3A_912 = arith.constant 0 : i32
    %dma_start3A_913 = arith.constant 0 : i32
    %dma_start3A_914 = arith.constant 0 : i32
    %dma_start3A_915 = tpu.memref_slice %arg3[%dma_start3A_894, %dma_start3A_911, %dma_start3A_912, %dma_start3A_913, %dma_start3A_914] : memref<2x32x25x5x80xi32, #tpu.memory_space<hbm>> -> memref<1x32x25x5x80xi32, #tpu.memory_space<hbm>>
    %dma_start3A_916 = tpu.memref_squeeze %dma_start3A_915 : memref<1x32x25x5x80xi32, #tpu.memory_space<hbm>> -> memref<32x25x5x80xi32, #tpu.memory_space<hbm>>
    %dma_start3A_917 = arith.constant 0 : i32
    %dma_start3A_918 = arith.constant 0 : i32
    %dma_start3A_919 = arith.constant 0 : i32
    %dma_start3A_920 = tpu.memref_slice %dma_start3A_916[%add3A, %dma_start3A_917, %dma_start3A_918, %dma_start3A_919] : memref<32x25x5x80xi32, #tpu.memory_space<hbm>> -> memref<1x25x5x80xi32, #tpu.memory_space<hbm>>
    %dma_start3A_921 = tpu.memref_squeeze %dma_start3A_920 : memref<1x25x5x80xi32, #tpu.memory_space<hbm>> -> memref<25x5x80xi32, #tpu.memory_space<hbm>>
    %dma_start3A_922 = arith.constant 0 : i32
    %dma_start3A_923 = arith.constant 0 : i32
    %dma_start3A_924 = tpu.memref_slice %dma_start3A_921[%dma_start3A_895, %dma_start3A_922, %dma_start3A_923] : memref<25x5x80xi32, #tpu.memory_space<hbm>> -> memref<1x5x80xi32, #tpu.memory_space<hbm>>
    %dma_start3A_925 = tpu.memref_squeeze %dma_start3A_924 : memref<1x5x80xi32, #tpu.memory_space<hbm>> -> memref<5x80xi32, #tpu.memory_space<hbm>>
    tpu.enqueue_dma source(%dma_start3A_925 : memref<5x80xi32, #tpu.memory_space<hbm>>) target(%arg7 : memref<5x80xi32, #tpu.memory_space<vmem>>) target_semaphore(%arg22 : memref<!tpu.dma_semaphore, #tpu.memory_space<semaphore_mem>>)
    %dma_start3A_926 = arith.constant 1 : i32
    %dma_start3A_927 = arith.constant 4 : i32
    %dma_start3A_928 = arith.constant 0 : i32
    %dma_start3A_929 = arith.constant 0 : i32
    %dma_start3A_930 = arith.constant 0 : i32
    %dma_start3A_931 = arith.constant 0 : i32
    %dma_start3A_932 = tpu.memref_slice %arg3[%dma_start3A_926, %dma_start3A_928, %dma_start3A_929, %dma_start3A_930, %dma_start3A_931] : memref<2x32x25x5x80xi32, #tpu.memory_space<hbm>> -> memref<1x32x25x5x80xi32, #tpu.memory_space<hbm>>
    %dma_start3A_933 = tpu.memref_squeeze %dma_start3A_932 : memref<1x32x25x5x80xi32, #tpu.memory_space<hbm>> -> memref<32x25x5x80xi32, #tpu.memory_space<hbm>>
    %dma_start3A_934 = arith.constant 0 : i32
    %dma_start3A_935 = arith.constant 0 : i32
    %dma_start3A_936 = arith.constant 0 : i32
    %dma_start3A_937 = tpu.memref_slice %dma_start3A_933[%add3A, %dma_start3A_934, %dma_start3A_935, %dma_start3A_936] : memref<32x25x5x80xi32, #tpu.memory_space<hbm>> -> memref<1x25x5x80xi32, #tpu.memory_space<hbm>>
    %dma_start3A_938 = tpu.memref_squeeze %dma_start3A_937 : memref<1x25x5x80xi32, #tpu.memory_space<hbm>> -> memref<25x5x80xi32, #tpu.memory_space<hbm>>
    %dma_start3A_939 = arith.constant 0 : i32
    %dma_start3A_940 = arith.constant 0 : i32
    %dma_start3A_941 = tpu.memref_slice %dma_start3A_938[%dma_start3A_927, %dma_start3A_939, %dma_start3A_940] : memref<25x5x80xi32, #tpu.memory_space<hbm>> -> memref<1x5x80xi32, #tpu.memory_space<hbm>>
    %dma_start3A_942 = tpu.memref_squeeze %dma_start3A_941 : memref<1x5x80xi32, #tpu.memory_space<hbm>> -> memref<5x80xi32, #tpu.memory_space<hbm>>
    %dma_start3A_943 = arith.constant 0 : i32
    %dma_start3A_944 = arith.constant 0 : i32
    %dma_start3A_945 = arith.constant 0 : i32
    %dma_start3A_946 = arith.constant 0 : i32
    %dma_start3A_947 = tpu.memref_slice %arg3[%dma_start3A_926, %dma_start3A_943, %dma_start3A_944, %dma_start3A_945, %dma_start3A_946] : memref<2x32x25x5x80xi32, #tpu.memory_space<hbm>> -> memref<1x32x25x5x80xi32, #tpu.memory_space<hbm>>
    %dma_start3A_948 = tpu.memref_squeeze %dma_start3A_947 : memref<1x32x25x5x80xi32, #tpu.memory_space<hbm>> -> memref<32x25x5x80xi32, #tpu.memory_space<hbm>>
    %dma_start3A_949 = arith.constant 0 : i32
    %dma_start3A_950 = arith.constant 0 : i32
    %dma_start3A_951 = arith.constant 0 : i32
    %dma_start3A_952 = tpu.memref_slice %dma_start3A_948[%add3A, %dma_start3A_949, %dma_start3A_950, %dma_start3A_951] : memref<32x25x5x80xi32, #tpu.memory_space<hbm>> -> memref<1x25x5x80xi32, #tpu.memory_space<hbm>>
    %dma_start3A_953 = tpu.memref_squeeze %dma_start3A_952 : memref<1x25x5x80xi32, #tpu.memory_space<hbm>> -> memref<25x5x80xi32, #tpu.memory_space<hbm>>
    %dma_start3A_954 = arith.constant 0 : i32
    %dma_start3A_955 = arith.constant 0 : i32
    %dma_start3A_956 = tpu.memref_slice %dma_start3A_953[%dma_start3A_927, %dma_start3A_954, %dma_start3A_955] : memref<25x5x80xi32, #tpu.memory_space<hbm>> -> memref<1x5x80xi32, #tpu.memory_space<hbm>>
    %dma_start3A_957 = tpu.memref_squeeze %dma_start3A_956 : memref<1x5x80xi32, #tpu.memory_space<hbm>> -> memref<5x80xi32, #tpu.memory_space<hbm>>
    tpu.enqueue_dma source(%dma_start3A_957 : memref<5x80xi32, #tpu.memory_space<hbm>>) target(%arg8 : memref<5x80xi32, #tpu.memory_space<vmem>>) target_semaphore(%arg22 : memref<!tpu.dma_semaphore, #tpu.memory_space<semaphore_mem>>)
    %dma_start3A_958 = arith.constant 2 : i32
    %dma_start3A_959 = arith.constant 0 : i32
    %dma_start3A_960 = tpu.memref_slice %arg9[%dma_start3A_958, %dma_start3A_959] : memref<5x80xi32, #tpu.memory_space<vmem>> -> memref<1x80xi32, #tpu.memory_space<vmem>>
    %dma_start3A_961 = tpu.memref_squeeze %dma_start3A_960 : memref<1x80xi32, #tpu.memory_space<vmem>> -> memref<80xi32, #tpu.memory_space<vmem>>
    %dma_start3A_962 = arith.constant 0 : i32
    %dma_start3A_963 = arith.constant 0 : i32
    %dma_start3A_964 = tpu.memref_slice %arg2[%dma_start3A_962, %dma_start3A_963] : memref<10000x128xf32, #tpu.memory_space<hbm>> -> memref<10000x128xf32, #tpu.memory_space<hbm>>
    tpu.enqueue_indirect_dma source(%dma_start3A_964 : memref<10000x128xf32, #tpu.memory_space<hbm>>) target(%arg11 : memref<80x128xf32, #tpu.memory_space<vmem>>) offsets(%dma_start3A_961 : memref<80xi32, #tpu.memory_space<vmem>>) semaphore(%arg15 : memref<!tpu.dma_semaphore, #tpu.memory_space<semaphore_mem>>)
    %dma_wait3A_965 = arith.constant 0 : i32
    %dma_wait3A_966 = arith.constant 0 : i32
    %dma_wait3A_967 = tpu.memref_slice %arg5[%dma_wait3A_965, %dma_wait3A_966] : memref<5x80xi32, #tpu.memory_space<vmem>> -> memref<1x80xi32, #tpu.memory_space<vmem>>
    %dma_wait3A_968 = tpu.memref_squeeze %dma_wait3A_967 : memref<1x80xi32, #tpu.memory_space<vmem>> -> memref<80xi32, #tpu.memory_space<vmem>>
    %dma_wait3A_969 = arith.constant 0 : i32
    %dma_wait3A_970 = arith.constant 0 : i32
    %dma_wait3A_971 = tpu.memref_slice %arg2[%dma_wait3A_969, %dma_wait3A_970] : memref<10000x128xf32, #tpu.memory_space<hbm>> -> memref<10000x128xf32, #tpu.memory_space<hbm>>
    tpu.wait_indirect_dma semaphore(%arg16 : memref<!tpu.dma_semaphore, #tpu.memory_space<semaphore_mem>>) src(%dma_wait3A_971 : memref<10000x128xf32, #tpu.memory_space<hbm>>) dst(%arg12 : memref<80x128xf32, #tpu.memory_space<vmem>>)
    %dma_start3A_972 = arith.constant 0 : i32
    %dma_start3A_973 = arith.constant 0 : i32
    %dma_start3A_974 = tpu.memref_slice %arg10[%dma_start3A_972, %dma_start3A_973] : memref<5x80xi32, #tpu.memory_space<vmem>> -> memref<1x80xi32, #tpu.memory_space<vmem>>
    %dma_start3A_975 = tpu.memref_squeeze %dma_start3A_974 : memref<1x80xi32, #tpu.memory_space<vmem>> -> memref<80xi32, #tpu.memory_space<vmem>>
    %dma_start3A_976 = arith.constant 0 : i32
    %dma_start3A_977 = arith.constant 0 : i32
    %dma_start3A_978 = tpu.memref_slice %arg14[%dma_start3A_976, %dma_start3A_977] : memref<10000x128xf32, #tpu.memory_space<vmem_shared>> -> memref<10000x128xf32, #tpu.memory_space<vmem_shared>>
    tpu.enqueue_indirect_dma source(%arg12 : memref<80x128xf32, #tpu.memory_space<vmem>>) target(%dma_start3A_978 : memref<10000x128xf32, #tpu.memory_space<vmem_shared>>) offsets(%dma_start3A_975 : memref<80xi32, #tpu.memory_space<vmem>>) semaphore(%arg19 : memref<!tpu.dma_semaphore, #tpu.memory_space<semaphore_mem>>) {add = true}
    %dma_wait3A_979 = arith.constant 0 : i32
    %dma_wait3A_980 = arith.constant 0 : i32
    %dma_wait3A_981 = tpu.memref_slice %arg6[%dma_wait3A_979, %dma_wait3A_980] : memref<5x80xi32, #tpu.memory_space<vmem>> -> memref<1x80xi32, #tpu.memory_space<vmem>>
    %dma_wait3A_982 = tpu.memref_squeeze %dma_wait3A_981 : memref<1x80xi32, #tpu.memory_space<vmem>> -> memref<80xi32, #tpu.memory_space<vmem>>
    %dma_wait3A_983 = arith.constant 0 : i32
    %dma_wait3A_984 = arith.constant 0 : i32
    %dma_wait3A_985 = tpu.memref_slice %arg14[%dma_wait3A_983, %dma_wait3A_984] : memref<10000x128xf32, #tpu.memory_space<vmem_shared>> -> memref<10000x128xf32, #tpu.memory_space<vmem_shared>>
    tpu.wait_indirect_dma semaphore(%arg19 : memref<!tpu.dma_semaphore, #tpu.memory_space<semaphore_mem>>) src(%arg12 : memref<80x128xf32, #tpu.memory_space<vmem>>) dst(%dma_wait3A_985 : memref<10000x128xf32, #tpu.memory_space<vmem_shared>>)
    %dma_start3A_986 = arith.constant 3 : i32
    %dma_start3A_987 = arith.constant 0 : i32
    %dma_start3A_988 = tpu.memref_slice %arg9[%dma_start3A_986, %dma_start3A_987] : memref<5x80xi32, #tpu.memory_space<vmem>> -> memref<1x80xi32, #tpu.memory_space<vmem>>
    %dma_start3A_989 = tpu.memref_squeeze %dma_start3A_988 : memref<1x80xi32, #tpu.memory_space<vmem>> -> memref<80xi32, #tpu.memory_space<vmem>>
    %dma_start3A_990 = arith.constant 0 : i32
    %dma_start3A_991 = arith.constant 0 : i32
    %dma_start3A_992 = tpu.memref_slice %arg2[%dma_start3A_990, %dma_start3A_991] : memref<10000x128xf32, #tpu.memory_space<hbm>> -> memref<10000x128xf32, #tpu.memory_space<hbm>>
    tpu.enqueue_indirect_dma source(%dma_start3A_992 : memref<10000x128xf32, #tpu.memory_space<hbm>>) target(%arg12 : memref<80x128xf32, #tpu.memory_space<vmem>>) offsets(%dma_start3A_989 : memref<80xi32, #tpu.memory_space<vmem>>) semaphore(%arg16 : memref<!tpu.dma_semaphore, #tpu.memory_space<semaphore_mem>>)
    %dma_wait3A_993 = arith.constant 0 : i32
    %dma_wait3A_994 = arith.constant 0 : i32
    %dma_wait3A_995 = tpu.memref_slice %arg5[%dma_wait3A_993, %dma_wait3A_994] : memref<5x80xi32, #tpu.memory_space<vmem>> -> memref<1x80xi32, #tpu.memory_space<vmem>>
    %dma_wait3A_996 = tpu.memref_squeeze %dma_wait3A_995 : memref<1x80xi32, #tpu.memory_space<vmem>> -> memref<80xi32, #tpu.memory_space<vmem>>
    %dma_wait3A_997 = arith.constant 0 : i32
    %dma_wait3A_998 = arith.constant 0 : i32
    %dma_wait3A_999 = tpu.memref_slice %arg2[%dma_wait3A_997, %dma_wait3A_998] : memref<10000x128xf32, #tpu.memory_space<hbm>> -> memref<10000x128xf32, #tpu.memory_space<hbm>>
    tpu.wait_indirect_dma semaphore(%arg17 : memref<!tpu.dma_semaphore, #tpu.memory_space<semaphore_mem>>) src(%dma_wait3A_999 : memref<10000x128xf32, #tpu.memory_space<hbm>>) dst(%arg13 : memref<80x128xf32, #tpu.memory_space<vmem>>)
    %dma_start3A_1000 = arith.constant 1 : i32
    %dma_start3A_1001 = arith.constant 0 : i32
    %dma_start3A_1002 = tpu.memref_slice %arg10[%dma_start3A_1000, %dma_start3A_1001] : memref<5x80xi32, #tpu.memory_space<vmem>> -> memref<1x80xi32, #tpu.memory_space<vmem>>
    %dma_start3A_1003 = tpu.memref_squeeze %dma_start3A_1002 : memref<1x80xi32, #tpu.memory_space<vmem>> -> memref<80xi32, #tpu.memory_space<vmem>>
    %dma_start3A_1004 = arith.constant 0 : i32
    %dma_start3A_1005 = arith.constant 0 : i32
    %dma_start3A_1006 = tpu.memref_slice %arg14[%dma_start3A_1004, %dma_start3A_1005] : memref<10000x128xf32, #tpu.memory_space<vmem_shared>> -> memref<10000x128xf32, #tpu.memory_space<vmem_shared>>
    tpu.enqueue_indirect_dma source(%arg13 : memref<80x128xf32, #tpu.memory_space<vmem>>) target(%dma_start3A_1006 : memref<10000x128xf32, #tpu.memory_space<vmem_shared>>) offsets(%dma_start3A_1003 : memref<80xi32, #tpu.memory_space<vmem>>) semaphore(%arg20 : memref<!tpu.dma_semaphore, #tpu.memory_space<semaphore_mem>>) {add = true}
    %dma_wait3A_1007 = arith.constant 0 : i32
    %dma_wait3A_1008 = arith.constant 0 : i32
    %dma_wait3A_1009 = tpu.memref_slice %arg6[%dma_wait3A_1007, %dma_wait3A_1008] : memref<5x80xi32, #tpu.memory_space<vmem>> -> memref<1x80xi32, #tpu.memory_space<vmem>>
    %dma_wait3A_1010 = tpu.memref_squeeze %dma_wait3A_1009 : memref<1x80xi32, #tpu.memory_space<vmem>> -> memref<80xi32, #tpu.memory_space<vmem>>
    %dma_wait3A_1011 = arith.constant 0 : i32
    %dma_wait3A_1012 = arith.constant 0 : i32
    %dma_wait3A_1013 = tpu.memref_slice %arg14[%dma_wait3A_1011, %dma_wait3A_1012] : memref<10000x128xf32, #tpu.memory_space<vmem_shared>> -> memref<10000x128xf32, #tpu.memory_space<vmem_shared>>
    tpu.wait_indirect_dma semaphore(%arg20 : memref<!tpu.dma_semaphore, #tpu.memory_space<semaphore_mem>>) src(%arg13 : memref<80x128xf32, #tpu.memory_space<vmem>>) dst(%dma_wait3A_1013 : memref<10000x128xf32, #tpu.memory_space<vmem_shared>>)
    %dma_start3A_1014 = arith.constant 4 : i32
    %dma_start3A_1015 = arith.constant 0 : i32
    %dma_start3A_1016 = tpu.memref_slice %arg9[%dma_start3A_1014, %dma_start3A_1015] : memref<5x80xi32, #tpu.memory_space<vmem>> -> memref<1x80xi32, #tpu.memory_space<vmem>>
    %dma_start3A_1017 = tpu.memref_squeeze %dma_start3A_1016 : memref<1x80xi32, #tpu.memory_space<vmem>> -> memref<80xi32, #tpu.memory_space<vmem>>
    %dma_start3A_1018 = arith.constant 0 : i32
    %dma_start3A_1019 = arith.constant 0 : i32
    %dma_start3A_1020 = tpu.memref_slice %arg2[%dma_start3A_1018, %dma_start3A_1019] : memref<10000x128xf32, #tpu.memory_space<hbm>> -> memref<10000x128xf32, #tpu.memory_space<hbm>>
    tpu.enqueue_indirect_dma source(%dma_start3A_1020 : memref<10000x128xf32, #tpu.memory_space<hbm>>) target(%arg13 : memref<80x128xf32, #tpu.memory_space<vmem>>) offsets(%dma_start3A_1017 : memref<80xi32, #tpu.memory_space<vmem>>) semaphore(%arg17 : memref<!tpu.dma_semaphore, #tpu.memory_space<semaphore_mem>>)
    %dma_wait3A_1021 = arith.constant 0 : i32
    %dma_wait3A_1022 = arith.constant 0 : i32
    %dma_wait3A_1023 = tpu.memref_slice %arg5[%dma_wait3A_1021, %dma_wait3A_1022] : memref<5x80xi32, #tpu.memory_space<vmem>> -> memref<1x80xi32, #tpu.memory_space<vmem>>
    %dma_wait3A_1024 = tpu.memref_squeeze %dma_wait3A_1023 : memref<1x80xi32, #tpu.memory_space<vmem>> -> memref<80xi32, #tpu.memory_space<vmem>>
    %dma_wait3A_1025 = arith.constant 0 : i32
    %dma_wait3A_1026 = arith.constant 0 : i32
    %dma_wait3A_1027 = tpu.memref_slice %arg2[%dma_wait3A_1025, %dma_wait3A_1026] : memref<10000x128xf32, #tpu.memory_space<hbm>> -> memref<10000x128xf32, #tpu.memory_space<hbm>>
    tpu.wait_indirect_dma semaphore(%arg15 : memref<!tpu.dma_semaphore, #tpu.memory_space<semaphore_mem>>) src(%dma_wait3A_1027 : memref<10000x128xf32, #tpu.memory_space<hbm>>) dst(%arg11 : memref<80x128xf32, #tpu.memory_space<vmem>>)
    %dma_start3A_1028 = arith.constant 2 : i32
    %dma_start3A_1029 = arith.constant 0 : i32
    %dma_start3A_1030 = tpu.memref_slice %arg10[%dma_start3A_1028, %dma_start3A_1029] : memref<5x80xi32, #tpu.memory_space<vmem>> -> memref<1x80xi32, #tpu.memory_space<vmem>>
    %dma_start3A_1031 = tpu.memref_squeeze %dma_start3A_1030 : memref<1x80xi32, #tpu.memory_space<vmem>> -> memref<80xi32, #tpu.memory_space<vmem>>
    %dma_start3A_1032 = arith.constant 0 : i32
    %dma_start3A_1033 = arith.constant 0 : i32
    %dma_start3A_1034 = tpu.memref_slice %arg14[%dma_start3A_1032, %dma_start3A_1033] : memref<10000x128xf32, #tpu.memory_space<vmem_shared>> -> memref<10000x128xf32, #tpu.memory_space<vmem_shared>>
    tpu.enqueue_indirect_dma source(%arg11 : memref<80x128xf32, #tpu.memory_space<vmem>>) target(%dma_start3A_1034 : memref<10000x128xf32, #tpu.memory_space<vmem_shared>>) offsets(%dma_start3A_1031 : memref<80xi32, #tpu.memory_space<vmem>>) semaphore(%arg18 : memref<!tpu.dma_semaphore, #tpu.memory_space<semaphore_mem>>) {add = true}
    %dma_wait3A_1035 = arith.constant 0 : i32
    %dma_wait3A_1036 = arith.constant 0 : i32
    %dma_wait3A_1037 = tpu.memref_slice %arg6[%dma_wait3A_1035, %dma_wait3A_1036] : memref<5x80xi32, #tpu.memory_space<vmem>> -> memref<1x80xi32, #tpu.memory_space<vmem>>
    %dma_wait3A_1038 = tpu.memref_squeeze %dma_wait3A_1037 : memref<1x80xi32, #tpu.memory_space<vmem>> -> memref<80xi32, #tpu.memory_space<vmem>>
    %dma_wait3A_1039 = arith.constant 0 : i32
    %dma_wait3A_1040 = arith.constant 0 : i32
    %dma_wait3A_1041 = tpu.memref_slice %arg14[%dma_wait3A_1039, %dma_wait3A_1040] : memref<10000x128xf32, #tpu.memory_space<vmem_shared>> -> memref<10000x128xf32, #tpu.memory_space<vmem_shared>>
    tpu.wait_indirect_dma semaphore(%arg18 : memref<!tpu.dma_semaphore, #tpu.memory_space<semaphore_mem>>) src(%arg11 : memref<80x128xf32, #tpu.memory_space<vmem>>) dst(%dma_wait3A_1041 : memref<10000x128xf32, #tpu.memory_space<vmem_shared>>)
    %dma_wait3A_1042 = arith.constant 0 : i32
    %dma_wait3A_1043 = arith.constant 0 : i32
    %dma_wait3A_1044 = arith.constant 0 : i32
    %dma_wait3A_1045 = arith.constant 0 : i32
    %dma_wait3A_1046 = arith.constant 0 : i32
    %dma_wait3A_1047 = arith.constant 0 : i32
    %dma_wait3A_1048 = tpu.memref_slice %arg3[%dma_wait3A_1042, %dma_wait3A_1044, %dma_wait3A_1045, %dma_wait3A_1046, %dma_wait3A_1047] : memref<2x32x25x5x80xi32, #tpu.memory_space<hbm>> -> memref<1x32x25x5x80xi32, #tpu.memory_space<hbm>>
    %dma_wait3A_1049 = tpu.memref_squeeze %dma_wait3A_1048 : memref<1x32x25x5x80xi32, #tpu.memory_space<hbm>> -> memref<32x25x5x80xi32, #tpu.memory_space<hbm>>
    %dma_wait3A_1050 = arith.constant 0 : i32
    %dma_wait3A_1051 = arith.constant 0 : i32
    %dma_wait3A_1052 = arith.constant 0 : i32
    %dma_wait3A_1053 = tpu.memref_slice %dma_wait3A_1049[%add3A, %dma_wait3A_1050, %dma_wait3A_1051, %dma_wait3A_1052] : memref<32x25x5x80xi32, #tpu.memory_space<hbm>> -> memref<1x25x5x80xi32, #tpu.memory_space<hbm>>
    %dma_wait3A_1054 = tpu.memref_squeeze %dma_wait3A_1053 : memref<1x25x5x80xi32, #tpu.memory_space<hbm>> -> memref<25x5x80xi32, #tpu.memory_space<hbm>>
    %dma_wait3A_1055 = arith.constant 0 : i32
    %dma_wait3A_1056 = arith.constant 0 : i32
    %dma_wait3A_1057 = tpu.memref_slice %dma_wait3A_1054[%dma_wait3A_1043, %dma_wait3A_1055, %dma_wait3A_1056] : memref<25x5x80xi32, #tpu.memory_space<hbm>> -> memref<1x5x80xi32, #tpu.memory_space<hbm>>
    %dma_wait3A_1058 = tpu.memref_squeeze %dma_wait3A_1057 : memref<1x5x80xi32, #tpu.memory_space<hbm>> -> memref<5x80xi32, #tpu.memory_space<hbm>>
    %dma_wait3A_1059 = arith.constant 0 : i32
    %dma_wait3A_1060 = arith.constant 0 : i32
    %dma_wait3A_1061 = arith.constant 0 : i32
    %dma_wait3A_1062 = arith.constant 0 : i32
    %dma_wait3A_1063 = tpu.memref_slice %arg3[%dma_wait3A_1042, %dma_wait3A_1059, %dma_wait3A_1060, %dma_wait3A_1061, %dma_wait3A_1062] : memref<2x32x25x5x80xi32, #tpu.memory_space<hbm>> -> memref<1x32x25x5x80xi32, #tpu.memory_space<hbm>>
    %dma_wait3A_1064 = tpu.memref_squeeze %dma_wait3A_1063 : memref<1x32x25x5x80xi32, #tpu.memory_space<hbm>> -> memref<32x25x5x80xi32, #tpu.memory_space<hbm>>
    %dma_wait3A_1065 = arith.constant 0 : i32
    %dma_wait3A_1066 = arith.constant 0 : i32
    %dma_wait3A_1067 = arith.constant 0 : i32
    %dma_wait3A_1068 = tpu.memref_slice %dma_wait3A_1064[%add3A, %dma_wait3A_1065, %dma_wait3A_1066, %dma_wait3A_1067] : memref<32x25x5x80xi32, #tpu.memory_space<hbm>> -> memref<1x25x5x80xi32, #tpu.memory_space<hbm>>
    %dma_wait3A_1069 = tpu.memref_squeeze %dma_wait3A_1068 : memref<1x25x5x80xi32, #tpu.memory_space<hbm>> -> memref<25x5x80xi32, #tpu.memory_space<hbm>>
    %dma_wait3A_1070 = arith.constant 0 : i32
    %dma_wait3A_1071 = arith.constant 0 : i32
    %dma_wait3A_1072 = tpu.memref_slice %dma_wait3A_1069[%dma_wait3A_1043, %dma_wait3A_1070, %dma_wait3A_1071] : memref<25x5x80xi32, #tpu.memory_space<hbm>> -> memref<1x5x80xi32, #tpu.memory_space<hbm>>
    %dma_wait3A_1073 = tpu.memref_squeeze %dma_wait3A_1072 : memref<1x5x80xi32, #tpu.memory_space<hbm>> -> memref<5x80xi32, #tpu.memory_space<hbm>>
    tpu.wait_dma2 semaphore(%arg21 : memref<!tpu.dma_semaphore, #tpu.memory_space<semaphore_mem>>) src(%dma_wait3A_1073 : memref<5x80xi32, #tpu.memory_space<hbm>>) dst(%arg5 : memref<5x80xi32, #tpu.memory_space<vmem>>)
    %dma_wait3A_1074 = arith.constant 1 : i32
    %dma_wait3A_1075 = arith.constant 0 : i32
    %dma_wait3A_1076 = arith.constant 0 : i32
    %dma_wait3A_1077 = arith.constant 0 : i32
    %dma_wait3A_1078 = arith.constant 0 : i32
    %dma_wait3A_1079 = arith.constant 0 : i32
    %dma_wait3A_1080 = tpu.memref_slice %arg3[%dma_wait3A_1074, %dma_wait3A_1076, %dma_wait3A_1077, %dma_wait3A_1078, %dma_wait3A_1079] : memref<2x32x25x5x80xi32, #tpu.memory_space<hbm>> -> memref<1x32x25x5x80xi32, #tpu.memory_space<hbm>>
    %dma_wait3A_1081 = tpu.memref_squeeze %dma_wait3A_1080 : memref<1x32x25x5x80xi32, #tpu.memory_space<hbm>> -> memref<32x25x5x80xi32, #tpu.memory_space<hbm>>
    %dma_wait3A_1082 = arith.constant 0 : i32
    %dma_wait3A_1083 = arith.constant 0 : i32
    %dma_wait3A_1084 = arith.constant 0 : i32
    %dma_wait3A_1085 = tpu.memref_slice %dma_wait3A_1081[%add3A, %dma_wait3A_1082, %dma_wait3A_1083, %dma_wait3A_1084] : memref<32x25x5x80xi32, #tpu.memory_space<hbm>> -> memref<1x25x5x80xi32, #tpu.memory_space<hbm>>
    %dma_wait3A_1086 = tpu.memref_squeeze %dma_wait3A_1085 : memref<1x25x5x80xi32, #tpu.memory_space<hbm>> -> memref<25x5x80xi32, #tpu.memory_space<hbm>>
    %dma_wait3A_1087 = arith.constant 0 : i32
    %dma_wait3A_1088 = arith.constant 0 : i32
    %dma_wait3A_1089 = tpu.memref_slice %dma_wait3A_1086[%dma_wait3A_1075, %dma_wait3A_1087, %dma_wait3A_1088] : memref<25x5x80xi32, #tpu.memory_space<hbm>> -> memref<1x5x80xi32, #tpu.memory_space<hbm>>
    %dma_wait3A_1090 = tpu.memref_squeeze %dma_wait3A_1089 : memref<1x5x80xi32, #tpu.memory_space<hbm>> -> memref<5x80xi32, #tpu.memory_space<hbm>>
    %dma_wait3A_1091 = arith.constant 0 : i32
    %dma_wait3A_1092 = arith.constant 0 : i32
    %dma_wait3A_1093 = arith.constant 0 : i32
    %dma_wait3A_1094 = arith.constant 0 : i32
    %dma_wait3A_1095 = tpu.memref_slice %arg3[%dma_wait3A_1074, %dma_wait3A_1091, %dma_wait3A_1092, %dma_wait3A_1093, %dma_wait3A_1094] : memref<2x32x25x5x80xi32, #tpu.memory_space<hbm>> -> memref<1x32x25x5x80xi32, #tpu.memory_space<hbm>>
    %dma_wait3A_1096 = tpu.memref_squeeze %dma_wait3A_1095 : memref<1x32x25x5x80xi32, #tpu.memory_space<hbm>> -> memref<32x25x5x80xi32, #tpu.memory_space<hbm>>
    %dma_wait3A_1097 = arith.constant 0 : i32
    %dma_wait3A_1098 = arith.constant 0 : i32
    %dma_wait3A_1099 = arith.constant 0 : i32
    %dma_wait3A_1100 = tpu.memref_slice %dma_wait3A_1096[%add3A, %dma_wait3A_1097, %dma_wait3A_1098, %dma_wait3A_1099] : memref<32x25x5x80xi32, #tpu.memory_space<hbm>> -> memref<1x25x5x80xi32, #tpu.memory_space<hbm>>
    %dma_wait3A_1101 = tpu.memref_squeeze %dma_wait3A_1100 : memref<1x25x5x80xi32, #tpu.memory_space<hbm>> -> memref<25x5x80xi32, #tpu.memory_space<hbm>>
    %dma_wait3A_1102 = arith.constant 0 : i32
    %dma_wait3A_1103 = arith.constant 0 : i32
    %dma_wait3A_1104 = tpu.memref_slice %dma_wait3A_1101[%dma_wait3A_1075, %dma_wait3A_1102, %dma_wait3A_1103] : memref<25x5x80xi32, #tpu.memory_space<hbm>> -> memref<1x5x80xi32, #tpu.memory_space<hbm>>
    %dma_wait3A_1105 = tpu.memref_squeeze %dma_wait3A_1104 : memref<1x5x80xi32, #tpu.memory_space<hbm>> -> memref<5x80xi32, #tpu.memory_space<hbm>>
    tpu.wait_dma2 semaphore(%arg21 : memref<!tpu.dma_semaphore, #tpu.memory_space<semaphore_mem>>) src(%dma_wait3A_1105 : memref<5x80xi32, #tpu.memory_space<hbm>>) dst(%arg6 : memref<5x80xi32, #tpu.memory_space<vmem>>)
    %dma_start3A_1106 = arith.constant 0 : i32
    %dma_start3A_1107 = arith.constant 0 : i32
    %dma_start3A_1108 = tpu.memref_slice %arg5[%dma_start3A_1106, %dma_start3A_1107] : memref<5x80xi32, #tpu.memory_space<vmem>> -> memref<1x80xi32, #tpu.memory_space<vmem>>
    %dma_start3A_1109 = tpu.memref_squeeze %dma_start3A_1108 : memref<1x80xi32, #tpu.memory_space<vmem>> -> memref<80xi32, #tpu.memory_space<vmem>>
    %dma_start3A_1110 = arith.constant 0 : i32
    %dma_start3A_1111 = arith.constant 0 : i32
    %dma_start3A_1112 = tpu.memref_slice %arg2[%dma_start3A_1110, %dma_start3A_1111] : memref<10000x128xf32, #tpu.memory_space<hbm>> -> memref<10000x128xf32, #tpu.memory_space<hbm>>
    tpu.enqueue_indirect_dma source(%dma_start3A_1112 : memref<10000x128xf32, #tpu.memory_space<hbm>>) target(%arg11 : memref<80x128xf32, #tpu.memory_space<vmem>>) offsets(%dma_start3A_1109 : memref<80xi32, #tpu.memory_space<vmem>>) semaphore(%arg15 : memref<!tpu.dma_semaphore, #tpu.memory_space<semaphore_mem>>)
    %dma_wait3A_1113 = arith.constant 0 : i32
    %dma_wait3A_1114 = arith.constant 0 : i32
    %dma_wait3A_1115 = tpu.memref_slice %arg5[%dma_wait3A_1113, %dma_wait3A_1114] : memref<5x80xi32, #tpu.memory_space<vmem>> -> memref<1x80xi32, #tpu.memory_space<vmem>>
    %dma_wait3A_1116 = tpu.memref_squeeze %dma_wait3A_1115 : memref<1x80xi32, #tpu.memory_space<vmem>> -> memref<80xi32, #tpu.memory_space<vmem>>
    %dma_wait3A_1117 = arith.constant 0 : i32
    %dma_wait3A_1118 = arith.constant 0 : i32
    %dma_wait3A_1119 = tpu.memref_slice %arg2[%dma_wait3A_1117, %dma_wait3A_1118] : memref<10000x128xf32, #tpu.memory_space<hbm>> -> memref<10000x128xf32, #tpu.memory_space<hbm>>
    tpu.wait_indirect_dma semaphore(%arg16 : memref<!tpu.dma_semaphore, #tpu.memory_space<semaphore_mem>>) src(%dma_wait3A_1119 : memref<10000x128xf32, #tpu.memory_space<hbm>>) dst(%arg12 : memref<80x128xf32, #tpu.memory_space<vmem>>)
    %dma_start3A_1120 = arith.constant 3 : i32
    %dma_start3A_1121 = arith.constant 0 : i32
    %dma_start3A_1122 = tpu.memref_slice %arg10[%dma_start3A_1120, %dma_start3A_1121] : memref<5x80xi32, #tpu.memory_space<vmem>> -> memref<1x80xi32, #tpu.memory_space<vmem>>
    %dma_start3A_1123 = tpu.memref_squeeze %dma_start3A_1122 : memref<1x80xi32, #tpu.memory_space<vmem>> -> memref<80xi32, #tpu.memory_space<vmem>>
    %dma_start3A_1124 = arith.constant 0 : i32
    %dma_start3A_1125 = arith.constant 0 : i32
    %dma_start3A_1126 = tpu.memref_slice %arg14[%dma_start3A_1124, %dma_start3A_1125] : memref<10000x128xf32, #tpu.memory_space<vmem_shared>> -> memref<10000x128xf32, #tpu.memory_space<vmem_shared>>
    tpu.enqueue_indirect_dma source(%arg12 : memref<80x128xf32, #tpu.memory_space<vmem>>) target(%dma_start3A_1126 : memref<10000x128xf32, #tpu.memory_space<vmem_shared>>) offsets(%dma_start3A_1123 : memref<80xi32, #tpu.memory_space<vmem>>) semaphore(%arg19 : memref<!tpu.dma_semaphore, #tpu.memory_space<semaphore_mem>>) {add = true}
    %dma_wait3A_1127 = arith.constant 0 : i32
    %dma_wait3A_1128 = arith.constant 0 : i32
    %dma_wait3A_1129 = tpu.memref_slice %arg6[%dma_wait3A_1127, %dma_wait3A_1128] : memref<5x80xi32, #tpu.memory_space<vmem>> -> memref<1x80xi32, #tpu.memory_space<vmem>>
    %dma_wait3A_1130 = tpu.memref_squeeze %dma_wait3A_1129 : memref<1x80xi32, #tpu.memory_space<vmem>> -> memref<80xi32, #tpu.memory_space<vmem>>
    %dma_wait3A_1131 = arith.constant 0 : i32
    %dma_wait3A_1132 = arith.constant 0 : i32
    %dma_wait3A_1133 = tpu.memref_slice %arg14[%dma_wait3A_1131, %dma_wait3A_1132] : memref<10000x128xf32, #tpu.memory_space<vmem_shared>> -> memref<10000x128xf32, #tpu.memory_space<vmem_shared>>
    tpu.wait_indirect_dma semaphore(%arg19 : memref<!tpu.dma_semaphore, #tpu.memory_space<semaphore_mem>>) src(%arg12 : memref<80x128xf32, #tpu.memory_space<vmem>>) dst(%dma_wait3A_1133 : memref<10000x128xf32, #tpu.memory_space<vmem_shared>>)
    %dma_start3A_1134 = arith.constant 1 : i32
    %dma_start3A_1135 = arith.constant 0 : i32
    %dma_start3A_1136 = tpu.memref_slice %arg5[%dma_start3A_1134, %dma_start3A_1135] : memref<5x80xi32, #tpu.memory_space<vmem>> -> memref<1x80xi32, #tpu.memory_space<vmem>>
    %dma_start3A_1137 = tpu.memref_squeeze %dma_start3A_1136 : memref<1x80xi32, #tpu.memory_space<vmem>> -> memref<80xi32, #tpu.memory_space<vmem>>
    %dma_start3A_1138 = arith.constant 0 : i32
    %dma_start3A_1139 = arith.constant 0 : i32
    %dma_start3A_1140 = tpu.memref_slice %arg2[%dma_start3A_1138, %dma_start3A_1139] : memref<10000x128xf32, #tpu.memory_space<hbm>> -> memref<10000x128xf32, #tpu.memory_space<hbm>>
    tpu.enqueue_indirect_dma source(%dma_start3A_1140 : memref<10000x128xf32, #tpu.memory_space<hbm>>) target(%arg12 : memref<80x128xf32, #tpu.memory_space<vmem>>) offsets(%dma_start3A_1137 : memref<80xi32, #tpu.memory_space<vmem>>) semaphore(%arg16 : memref<!tpu.dma_semaphore, #tpu.memory_space<semaphore_mem>>)
    %dma_wait3A_1141 = arith.constant 0 : i32
    %dma_wait3A_1142 = arith.constant 0 : i32
    %dma_wait3A_1143 = tpu.memref_slice %arg5[%dma_wait3A_1141, %dma_wait3A_1142] : memref<5x80xi32, #tpu.memory_space<vmem>> -> memref<1x80xi32, #tpu.memory_space<vmem>>
    %dma_wait3A_1144 = tpu.memref_squeeze %dma_wait3A_1143 : memref<1x80xi32, #tpu.memory_space<vmem>> -> memref<80xi32, #tpu.memory_space<vmem>>
    %dma_wait3A_1145 = arith.constant 0 : i32
    %dma_wait3A_1146 = arith.constant 0 : i32
    %dma_wait3A_1147 = tpu.memref_slice %arg2[%dma_wait3A_1145, %dma_wait3A_1146] : memref<10000x128xf32, #tpu.memory_space<hbm>> -> memref<10000x128xf32, #tpu.memory_space<hbm>>
    tpu.wait_indirect_dma semaphore(%arg17 : memref<!tpu.dma_semaphore, #tpu.memory_space<semaphore_mem>>) src(%dma_wait3A_1147 : memref<10000x128xf32, #tpu.memory_space<hbm>>) dst(%arg13 : memref<80x128xf32, #tpu.memory_space<vmem>>)
    %dma_start3A_1148 = arith.constant 4 : i32
    %dma_start3A_1149 = arith.constant 0 : i32
    %dma_start3A_1150 = tpu.memref_slice %arg10[%dma_start3A_1148, %dma_start3A_1149] : memref<5x80xi32, #tpu.memory_space<vmem>> -> memref<1x80xi32, #tpu.memory_space<vmem>>
    %dma_start3A_1151 = tpu.memref_squeeze %dma_start3A_1150 : memref<1x80xi32, #tpu.memory_space<vmem>> -> memref<80xi32, #tpu.memory_space<vmem>>
    %dma_start3A_1152 = arith.constant 0 : i32
    %dma_start3A_1153 = arith.constant 0 : i32
    %dma_start3A_1154 = tpu.memref_slice %arg14[%dma_start3A_1152, %dma_start3A_1153] : memref<10000x128xf32, #tpu.memory_space<vmem_shared>> -> memref<10000x128xf32, #tpu.memory_space<vmem_shared>>
    tpu.enqueue_indirect_dma source(%arg13 : memref<80x128xf32, #tpu.memory_space<vmem>>) target(%dma_start3A_1154 : memref<10000x128xf32, #tpu.memory_space<vmem_shared>>) offsets(%dma_start3A_1151 : memref<80xi32, #tpu.memory_space<vmem>>) semaphore(%arg20 : memref<!tpu.dma_semaphore, #tpu.memory_space<semaphore_mem>>) {add = true}
    %scan3A_1155 = arith.constant 0 : i32
    %scan3A_1156 = arith.constant 1 : i32
    %scan3A_1157 = arith.constant 6 : i32
    %scan3A_1158 = arith.addi %scan3A_1156, %scan3A_1157 : i32
    %scan3A_1159 = arith.constant 1 : i32
    scf.for %scan3A_2044 = %scan3A_1156 to %scan3A_1158 step %scan3A_1159  : i32 {
      %mul3A_2045 = arith.constant 3 : i32
      %mul3A_2046 = arith.muli %mul3A_2045, %scan3A_2044 : i32
      %dma_wait3A_2047 = arith.constant 0 : i32
      %dma_wait3A_2048 = arith.constant 0 : i32
      %dma_wait3A_2049 = tpu.memref_slice %arg6[%dma_wait3A_2047, %dma_wait3A_2048] : memref<5x80xi32, #tpu.memory_space<vmem>> -> memref<1x80xi32, #tpu.memory_space<vmem>>
      %dma_wait3A_2050 = tpu.memref_squeeze %dma_wait3A_2049 : memref<1x80xi32, #tpu.memory_space<vmem>> -> memref<80xi32, #tpu.memory_space<vmem>>
      %dma_wait3A_2051 = arith.constant 0 : i32
      %dma_wait3A_2052 = arith.constant 0 : i32
      %dma_wait3A_2053 = tpu.memref_slice %arg14[%dma_wait3A_2051, %dma_wait3A_2052] : memref<10000x128xf32, #tpu.memory_space<vmem_shared>> -> memref<10000x128xf32, #tpu.memory_space<vmem_shared>>
      tpu.wait_indirect_dma semaphore(%arg20 : memref<!tpu.dma_semaphore, #tpu.memory_space<semaphore_mem>>) src(%arg13 : memref<80x128xf32, #tpu.memory_space<vmem>>) dst(%dma_wait3A_2053 : memref<10000x128xf32, #tpu.memory_space<vmem_shared>>)
      %add3A_2054 = arith.constant 0 : i32
      %add3A_2055 = arith.addi %mul3A_2046, %add3A_2054 : i32
      %add3A_2056 = arith.constant 2 : i32
      %add3A_2057 = arith.addi %add3A_2055, %add3A_2056 : i32
      %dma_start3A_2058 = arith.constant 0 : i32
      %dma_start3A_2059 = arith.constant 0 : i32
      %dma_start3A_2060 = arith.constant 0 : i32
      %dma_start3A_2061 = arith.constant 0 : i32
      %dma_start3A_2062 = arith.constant 0 : i32
      %dma_start3A_2063 = tpu.memref_slice %arg3[%dma_start3A_2058, %dma_start3A_2059, %dma_start3A_2060, %dma_start3A_2061, %dma_start3A_2062] : memref<2x32x25x5x80xi32, #tpu.memory_space<hbm>> -> memref<1x32x25x5x80xi32, #tpu.memory_space<hbm>>
      %dma_start3A_2064 = tpu.memref_squeeze %dma_start3A_2063 : memref<1x32x25x5x80xi32, #tpu.memory_space<hbm>> -> memref<32x25x5x80xi32, #tpu.memory_space<hbm>>
      %dma_start3A_2065 = arith.constant 0 : i32
      %dma_start3A_2066 = arith.constant 0 : i32
      %dma_start3A_2067 = arith.constant 0 : i32
      %dma_start3A_2068 = tpu.memref_slice %dma_start3A_2064[%add3A, %dma_start3A_2065, %dma_start3A_2066, %dma_start3A_2067] : memref<32x25x5x80xi32, #tpu.memory_space<hbm>> -> memref<1x25x5x80xi32, #tpu.memory_space<hbm>>
      %dma_start3A_2069 = tpu.memref_squeeze %dma_start3A_2068 : memref<1x25x5x80xi32, #tpu.memory_space<hbm>> -> memref<25x5x80xi32, #tpu.memory_space<hbm>>
      %dma_start3A_2070 = arith.constant 0 : i32
      %dma_start3A_2071 = arith.constant 0 : i32
      %dma_start3A_2072 = tpu.memref_slice %dma_start3A_2069[%add3A_2057, %dma_start3A_2070, %dma_start3A_2071] : memref<25x5x80xi32, #tpu.memory_space<hbm>> -> memref<1x5x80xi32, #tpu.memory_space<hbm>>
      %dma_start3A_2073 = tpu.memref_squeeze %dma_start3A_2072 : memref<1x5x80xi32, #tpu.memory_space<hbm>> -> memref<5x80xi32, #tpu.memory_space<hbm>>
      %dma_start3A_2074 = arith.constant 0 : i32
      %dma_start3A_2075 = arith.constant 0 : i32
      %dma_start3A_2076 = arith.constant 0 : i32
      %dma_start3A_2077 = arith.constant 0 : i32
      %dma_start3A_2078 = tpu.memref_slice %arg3[%dma_start3A_2058, %dma_start3A_2074, %dma_start3A_2075, %dma_start3A_2076, %dma_start3A_2077] : memref<2x32x25x5x80xi32, #tpu.memory_space<hbm>> -> memref<1x32x25x5x80xi32, #tpu.memory_space<hbm>>
      %dma_start3A_2079 = tpu.memref_squeeze %dma_start3A_2078 : memref<1x32x25x5x80xi32, #tpu.memory_space<hbm>> -> memref<32x25x5x80xi32, #tpu.memory_space<hbm>>
      %dma_start3A_2080 = arith.constant 0 : i32
      %dma_start3A_2081 = arith.constant 0 : i32
      %dma_start3A_2082 = arith.constant 0 : i32
      %dma_start3A_2083 = tpu.memref_slice %dma_start3A_2079[%add3A, %dma_start3A_2080, %dma_start3A_2081, %dma_start3A_2082] : memref<32x25x5x80xi32, #tpu.memory_space<hbm>> -> memref<1x25x5x80xi32, #tpu.memory_space<hbm>>
      %dma_start3A_2084 = tpu.memref_squeeze %dma_start3A_2083 : memref<1x25x5x80xi32, #tpu.memory_space<hbm>> -> memref<25x5x80xi32, #tpu.memory_space<hbm>>
      %dma_start3A_2085 = arith.constant 0 : i32
      %dma_start3A_2086 = arith.constant 0 : i32
      %dma_start3A_2087 = tpu.memref_slice %dma_start3A_2084[%add3A_2057, %dma_start3A_2085, %dma_start3A_2086] : memref<25x5x80xi32, #tpu.memory_space<hbm>> -> memref<1x5x80xi32, #tpu.memory_space<hbm>>
      %dma_start3A_2088 = tpu.memref_squeeze %dma_start3A_2087 : memref<1x5x80xi32, #tpu.memory_space<hbm>> -> memref<5x80xi32, #tpu.memory_space<hbm>>
      tpu.enqueue_dma source(%dma_start3A_2088 : memref<5x80xi32, #tpu.memory_space<hbm>>) target(%arg9 : memref<5x80xi32, #tpu.memory_space<vmem>>) target_semaphore(%arg23 : memref<!tpu.dma_semaphore, #tpu.memory_space<semaphore_mem>>)
      %dma_start3A_2089 = arith.constant 1 : i32
      %dma_start3A_2090 = arith.constant 0 : i32
      %dma_start3A_2091 = arith.constant 0 : i32
      %dma_start3A_2092 = arith.constant 0 : i32
      %dma_start3A_2093 = arith.constant 0 : i32
      %dma_start3A_2094 = tpu.memref_slice %arg3[%dma_start3A_2089, %dma_start3A_2090, %dma_start3A_2091, %dma_start3A_2092, %dma_start3A_2093] : memref<2x32x25x5x80xi32, #tpu.memory_space<hbm>> -> memref<1x32x25x5x80xi32, #tpu.memory_space<hbm>>
      %dma_start3A_2095 = tpu.memref_squeeze %dma_start3A_2094 : memref<1x32x25x5x80xi32, #tpu.memory_space<hbm>> -> memref<32x25x5x80xi32, #tpu.memory_space<hbm>>
      %dma_start3A_2096 = arith.constant 0 : i32
      %dma_start3A_2097 = arith.constant 0 : i32
      %dma_start3A_2098 = arith.constant 0 : i32
      %dma_start3A_2099 = tpu.memref_slice %dma_start3A_2095[%add3A, %dma_start3A_2096, %dma_start3A_2097, %dma_start3A_2098] : memref<32x25x5x80xi32, #tpu.memory_space<hbm>> -> memref<1x25x5x80xi32, #tpu.memory_space<hbm>>
      %dma_start3A_2100 = tpu.memref_squeeze %dma_start3A_2099 : memref<1x25x5x80xi32, #tpu.memory_space<hbm>> -> memref<25x5x80xi32, #tpu.memory_space<hbm>>
      %dma_start3A_2101 = arith.constant 0 : i32
      %dma_start3A_2102 = arith.constant 0 : i32
      %dma_start3A_2103 = tpu.memref_slice %dma_start3A_2100[%add3A_2057, %dma_start3A_2101, %dma_start3A_2102] : memref<25x5x80xi32, #tpu.memory_space<hbm>> -> memref<1x5x80xi32, #tpu.memory_space<hbm>>
      %dma_start3A_2104 = tpu.memref_squeeze %dma_start3A_2103 : memref<1x5x80xi32, #tpu.memory_space<hbm>> -> memref<5x80xi32, #tpu.memory_space<hbm>>
      %dma_start3A_2105 = arith.constant 0 : i32
      %dma_start3A_2106 = arith.constant 0 : i32
      %dma_start3A_2107 = arith.constant 0 : i32
      %dma_start3A_2108 = arith.constant 0 : i32
      %dma_start3A_2109 = tpu.memref_slice %arg3[%dma_start3A_2089, %dma_start3A_2105, %dma_start3A_2106, %dma_start3A_2107, %dma_start3A_2108] : memref<2x32x25x5x80xi32, #tpu.memory_space<hbm>> -> memref<1x32x25x5x80xi32, #tpu.memory_space<hbm>>
      %dma_start3A_2110 = tpu.memref_squeeze %dma_start3A_2109 : memref<1x32x25x5x80xi32, #tpu.memory_space<hbm>> -> memref<32x25x5x80xi32, #tpu.memory_space<hbm>>
      %dma_start3A_2111 = arith.constant 0 : i32
      %dma_start3A_2112 = arith.constant 0 : i32
      %dma_start3A_2113 = arith.constant 0 : i32
      %dma_start3A_2114 = tpu.memref_slice %dma_start3A_2110[%add3A, %dma_start3A_2111, %dma_start3A_2112, %dma_start3A_2113] : memref<32x25x5x80xi32, #tpu.memory_space<hbm>> -> memref<1x25x5x80xi32, #tpu.memory_space<hbm>>
      %dma_start3A_2115 = tpu.memref_squeeze %dma_start3A_2114 : memref<1x25x5x80xi32, #tpu.memory_space<hbm>> -> memref<25x5x80xi32, #tpu.memory_space<hbm>>
      %dma_start3A_2116 = arith.constant 0 : i32
      %dma_start3A_2117 = arith.constant 0 : i32
      %dma_start3A_2118 = tpu.memref_slice %dma_start3A_2115[%add3A_2057, %dma_start3A_2116, %dma_start3A_2117] : memref<25x5x80xi32, #tpu.memory_space<hbm>> -> memref<1x5x80xi32, #tpu.memory_space<hbm>>
      %dma_start3A_2119 = tpu.memref_squeeze %dma_start3A_2118 : memref<1x5x80xi32, #tpu.memory_space<hbm>> -> memref<5x80xi32, #tpu.memory_space<hbm>>
      tpu.enqueue_dma source(%dma_start3A_2119 : memref<5x80xi32, #tpu.memory_space<hbm>>) target(%arg10 : memref<5x80xi32, #tpu.memory_space<vmem>>) target_semaphore(%arg23 : memref<!tpu.dma_semaphore, #tpu.memory_space<semaphore_mem>>)
      %dma_start3A_2120 = arith.constant 2 : i32
      %dma_start3A_2121 = arith.constant 0 : i32
      %dma_start3A_2122 = tpu.memref_slice %arg5[%dma_start3A_2120, %dma_start3A_2121] : memref<5x80xi32, #tpu.memory_space<vmem>> -> memref<1x80xi32, #tpu.memory_space<vmem>>
      %dma_start3A_2123 = tpu.memref_squeeze %dma_start3A_2122 : memref<1x80xi32, #tpu.memory_space<vmem>> -> memref<80xi32, #tpu.memory_space<vmem>>
      %dma_start3A_2124 = arith.constant 0 : i32
      %dma_start3A_2125 = arith.constant 0 : i32
      %dma_start3A_2126 = tpu.memref_slice %arg2[%dma_start3A_2124, %dma_start3A_2125] : memref<10000x128xf32, #tpu.memory_space<hbm>> -> memref<10000x128xf32, #tpu.memory_space<hbm>>
      tpu.enqueue_indirect_dma source(%dma_start3A_2126 : memref<10000x128xf32, #tpu.memory_space<hbm>>) target(%arg13 : memref<80x128xf32, #tpu.memory_space<vmem>>) offsets(%dma_start3A_2123 : memref<80xi32, #tpu.memory_space<vmem>>) semaphore(%arg17 : memref<!tpu.dma_semaphore, #tpu.memory_space<semaphore_mem>>)
      %dma_wait3A_2127 = arith.constant 0 : i32
      %dma_wait3A_2128 = arith.constant 0 : i32
      %dma_wait3A_2129 = tpu.memref_slice %arg5[%dma_wait3A_2127, %dma_wait3A_2128] : memref<5x80xi32, #tpu.memory_space<vmem>> -> memref<1x80xi32, #tpu.memory_space<vmem>>
      %dma_wait3A_2130 = tpu.memref_squeeze %dma_wait3A_2129 : memref<1x80xi32, #tpu.memory_space<vmem>> -> memref<80xi32, #tpu.memory_space<vmem>>
      %dma_wait3A_2131 = arith.constant 0 : i32
      %dma_wait3A_2132 = arith.constant 0 : i32
      %dma_wait3A_2133 = tpu.memref_slice %arg2[%dma_wait3A_2131, %dma_wait3A_2132] : memref<10000x128xf32, #tpu.memory_space<hbm>> -> memref<10000x128xf32, #tpu.memory_space<hbm>>
      tpu.wait_indirect_dma semaphore(%arg15 : memref<!tpu.dma_semaphore, #tpu.memory_space<semaphore_mem>>) src(%dma_wait3A_2133 : memref<10000x128xf32, #tpu.memory_space<hbm>>) dst(%arg11 : memref<80x128xf32, #tpu.memory_space<vmem>>)
      %dma_start3A_2134 = arith.constant 0 : i32
      %dma_start3A_2135 = arith.constant 0 : i32
      %dma_start3A_2136 = tpu.memref_slice %arg6[%dma_start3A_2134, %dma_start3A_2135] : memref<5x80xi32, #tpu.memory_space<vmem>> -> memref<1x80xi32, #tpu.memory_space<vmem>>
      %dma_start3A_2137 = tpu.memref_squeeze %dma_start3A_2136 : memref<1x80xi32, #tpu.memory_space<vmem>> -> memref<80xi32, #tpu.memory_space<vmem>>
      %dma_start3A_2138 = arith.constant 0 : i32
      %dma_start3A_2139 = arith.constant 0 : i32
      %dma_start3A_2140 = tpu.memref_slice %arg14[%dma_start3A_2138, %dma_start3A_2139] : memref<10000x128xf32, #tpu.memory_space<vmem_shared>> -> memref<10000x128xf32, #tpu.memory_space<vmem_shared>>
      tpu.enqueue_indirect_dma source(%arg11 : memref<80x128xf32, #tpu.memory_space<vmem>>) target(%dma_start3A_2140 : memref<10000x128xf32, #tpu.memory_space<vmem_shared>>) offsets(%dma_start3A_2137 : memref<80xi32, #tpu.memory_space<vmem>>) semaphore(%arg18 : memref<!tpu.dma_semaphore, #tpu.memory_space<semaphore_mem>>) {add = true}
      %dma_wait3A_2141 = arith.constant 0 : i32
      %dma_wait3A_2142 = arith.constant 0 : i32
      %dma_wait3A_2143 = tpu.memref_slice %arg6[%dma_wait3A_2141, %dma_wait3A_2142] : memref<5x80xi32, #tpu.memory_space<vmem>> -> memref<1x80xi32, #tpu.memory_space<vmem>>
      %dma_wait3A_2144 = tpu.memref_squeeze %dma_wait3A_2143 : memref<1x80xi32, #tpu.memory_space<vmem>> -> memref<80xi32, #tpu.memory_space<vmem>>
      %dma_wait3A_2145 = arith.constant 0 : i32
      %dma_wait3A_2146 = arith.constant 0 : i32
      %dma_wait3A_2147 = tpu.memref_slice %arg14[%dma_wait3A_2145, %dma_wait3A_2146] : memref<10000x128xf32, #tpu.memory_space<vmem_shared>> -> memref<10000x128xf32, #tpu.memory_space<vmem_shared>>
      tpu.wait_indirect_dma semaphore(%arg18 : memref<!tpu.dma_semaphore, #tpu.memory_space<semaphore_mem>>) src(%arg11 : memref<80x128xf32, #tpu.memory_space<vmem>>) dst(%dma_wait3A_2147 : memref<10000x128xf32, #tpu.memory_space<vmem_shared>>)
      %dma_start3A_2148 = arith.constant 3 : i32
      %dma_start3A_2149 = arith.constant 0 : i32
      %dma_start3A_2150 = tpu.memref_slice %arg5[%dma_start3A_2148, %dma_start3A_2149] : memref<5x80xi32, #tpu.memory_space<vmem>> -> memref<1x80xi32, #tpu.memory_space<vmem>>
      %dma_start3A_2151 = tpu.memref_squeeze %dma_start3A_2150 : memref<1x80xi32, #tpu.memory_space<vmem>> -> memref<80xi32, #tpu.memory_space<vmem>>
      %dma_start3A_2152 = arith.constant 0 : i32
      %dma_start3A_2153 = arith.constant 0 : i32
      %dma_start3A_2154 = tpu.memref_slice %arg2[%dma_start3A_2152, %dma_start3A_2153] : memref<10000x128xf32, #tpu.memory_space<hbm>> -> memref<10000x128xf32, #tpu.memory_space<hbm>>
      tpu.enqueue_indirect_dma source(%dma_start3A_2154 : memref<10000x128xf32, #tpu.memory_space<hbm>>) target(%arg11 : memref<80x128xf32, #tpu.memory_space<vmem>>) offsets(%dma_start3A_2151 : memref<80xi32, #tpu.memory_space<vmem>>) semaphore(%arg15 : memref<!tpu.dma_semaphore, #tpu.memory_space<semaphore_mem>>)
      %dma_wait3A_2155 = arith.constant 0 : i32
      %dma_wait3A_2156 = arith.constant 0 : i32
      %dma_wait3A_2157 = tpu.memref_slice %arg5[%dma_wait3A_2155, %dma_wait3A_2156] : memref<5x80xi32, #tpu.memory_space<vmem>> -> memref<1x80xi32, #tpu.memory_space<vmem>>
      %dma_wait3A_2158 = tpu.memref_squeeze %dma_wait3A_2157 : memref<1x80xi32, #tpu.memory_space<vmem>> -> memref<80xi32, #tpu.memory_space<vmem>>
      %dma_wait3A_2159 = arith.constant 0 : i32
      %dma_wait3A_2160 = arith.constant 0 : i32
      %dma_wait3A_2161 = tpu.memref_slice %arg2[%dma_wait3A_2159, %dma_wait3A_2160] : memref<10000x128xf32, #tpu.memory_space<hbm>> -> memref<10000x128xf32, #tpu.memory_space<hbm>>
      tpu.wait_indirect_dma semaphore(%arg16 : memref<!tpu.dma_semaphore, #tpu.memory_space<semaphore_mem>>) src(%dma_wait3A_2161 : memref<10000x128xf32, #tpu.memory_space<hbm>>) dst(%arg12 : memref<80x128xf32, #tpu.memory_space<vmem>>)
      %dma_start3A_2162 = arith.constant 1 : i32
      %dma_start3A_2163 = arith.constant 0 : i32
      %dma_start3A_2164 = tpu.memref_slice %arg6[%dma_start3A_2162, %dma_start3A_2163] : memref<5x80xi32, #tpu.memory_space<vmem>> -> memref<1x80xi32, #tpu.memory_space<vmem>>
      %dma_start3A_2165 = tpu.memref_squeeze %dma_start3A_2164 : memref<1x80xi32, #tpu.memory_space<vmem>> -> memref<80xi32, #tpu.memory_space<vmem>>
      %dma_start3A_2166 = arith.constant 0 : i32
      %dma_start3A_2167 = arith.constant 0 : i32
      %dma_start3A_2168 = tpu.memref_slice %arg14[%dma_start3A_2166, %dma_start3A_2167] : memref<10000x128xf32, #tpu.memory_space<vmem_shared>> -> memref<10000x128xf32, #tpu.memory_space<vmem_shared>>
      tpu.enqueue_indirect_dma source(%arg12 : memref<80x128xf32, #tpu.memory_space<vmem>>) target(%dma_start3A_2168 : memref<10000x128xf32, #tpu.memory_space<vmem_shared>>) offsets(%dma_start3A_2165 : memref<80xi32, #tpu.memory_space<vmem>>) semaphore(%arg19 : memref<!tpu.dma_semaphore, #tpu.memory_space<semaphore_mem>>) {add = true}
      %dma_wait3A_2169 = arith.constant 0 : i32
      %dma_wait3A_2170 = arith.constant 0 : i32
      %dma_wait3A_2171 = tpu.memref_slice %arg6[%dma_wait3A_2169, %dma_wait3A_2170] : memref<5x80xi32, #tpu.memory_space<vmem>> -> memref<1x80xi32, #tpu.memory_space<vmem>>
      %dma_wait3A_2172 = tpu.memref_squeeze %dma_wait3A_2171 : memref<1x80xi32, #tpu.memory_space<vmem>> -> memref<80xi32, #tpu.memory_space<vmem>>
      %dma_wait3A_2173 = arith.constant 0 : i32
      %dma_wait3A_2174 = arith.constant 0 : i32
      %dma_wait3A_2175 = tpu.memref_slice %arg14[%dma_wait3A_2173, %dma_wait3A_2174] : memref<10000x128xf32, #tpu.memory_space<vmem_shared>> -> memref<10000x128xf32, #tpu.memory_space<vmem_shared>>
      tpu.wait_indirect_dma semaphore(%arg19 : memref<!tpu.dma_semaphore, #tpu.memory_space<semaphore_mem>>) src(%arg12 : memref<80x128xf32, #tpu.memory_space<vmem>>) dst(%dma_wait3A_2175 : memref<10000x128xf32, #tpu.memory_space<vmem_shared>>)
      %dma_start3A_2176 = arith.constant 4 : i32
      %dma_start3A_2177 = arith.constant 0 : i32
      %dma_start3A_2178 = tpu.memref_slice %arg5[%dma_start3A_2176, %dma_start3A_2177] : memref<5x80xi32, #tpu.memory_space<vmem>> -> memref<1x80xi32, #tpu.memory_space<vmem>>
      %dma_start3A_2179 = tpu.memref_squeeze %dma_start3A_2178 : memref<1x80xi32, #tpu.memory_space<vmem>> -> memref<80xi32, #tpu.memory_space<vmem>>
      %dma_start3A_2180 = arith.constant 0 : i32
      %dma_start3A_2181 = arith.constant 0 : i32
      %dma_start3A_2182 = tpu.memref_slice %arg2[%dma_start3A_2180, %dma_start3A_2181] : memref<10000x128xf32, #tpu.memory_space<hbm>> -> memref<10000x128xf32, #tpu.memory_space<hbm>>
      tpu.enqueue_indirect_dma source(%dma_start3A_2182 : memref<10000x128xf32, #tpu.memory_space<hbm>>) target(%arg12 : memref<80x128xf32, #tpu.memory_space<vmem>>) offsets(%dma_start3A_2179 : memref<80xi32, #tpu.memory_space<vmem>>) semaphore(%arg16 : memref<!tpu.dma_semaphore, #tpu.memory_space<semaphore_mem>>)
      %dma_wait3A_2183 = arith.constant 0 : i32
      %dma_wait3A_2184 = arith.constant 0 : i32
      %dma_wait3A_2185 = tpu.memref_slice %arg5[%dma_wait3A_2183, %dma_wait3A_2184] : memref<5x80xi32, #tpu.memory_space<vmem>> -> memref<1x80xi32, #tpu.memory_space<vmem>>
      %dma_wait3A_2186 = tpu.memref_squeeze %dma_wait3A_2185 : memref<1x80xi32, #tpu.memory_space<vmem>> -> memref<80xi32, #tpu.memory_space<vmem>>
      %dma_wait3A_2187 = arith.constant 0 : i32
      %dma_wait3A_2188 = arith.constant 0 : i32
      %dma_wait3A_2189 = tpu.memref_slice %arg2[%dma_wait3A_2187, %dma_wait3A_2188] : memref<10000x128xf32, #tpu.memory_space<hbm>> -> memref<10000x128xf32, #tpu.memory_space<hbm>>
      tpu.wait_indirect_dma semaphore(%arg17 : memref<!tpu.dma_semaphore, #tpu.memory_space<semaphore_mem>>) src(%dma_wait3A_2189 : memref<10000x128xf32, #tpu.memory_space<hbm>>) dst(%arg13 : memref<80x128xf32, #tpu.memory_space<vmem>>)
      %dma_start3A_2190 = arith.constant 2 : i32
      %dma_start3A_2191 = arith.constant 0 : i32
      %dma_start3A_2192 = tpu.memref_slice %arg6[%dma_start3A_2190, %dma_start3A_2191] : memref<5x80xi32, #tpu.memory_space<vmem>> -> memref<1x80xi32, #tpu.memory_space<vmem>>
      %dma_start3A_2193 = tpu.memref_squeeze %dma_start3A_2192 : memref<1x80xi32, #tpu.memory_space<vmem>> -> memref<80xi32, #tpu.memory_space<vmem>>
      %dma_start3A_2194 = arith.constant 0 : i32
      %dma_start3A_2195 = arith.constant 0 : i32
      %dma_start3A_2196 = tpu.memref_slice %arg14[%dma_start3A_2194, %dma_start3A_2195] : memref<10000x128xf32, #tpu.memory_space<vmem_shared>> -> memref<10000x128xf32, #tpu.memory_space<vmem_shared>>
      tpu.enqueue_indirect_dma source(%arg13 : memref<80x128xf32, #tpu.memory_space<vmem>>) target(%dma_start3A_2196 : memref<10000x128xf32, #tpu.memory_space<vmem_shared>>) offsets(%dma_start3A_2193 : memref<80xi32, #tpu.memory_space<vmem>>) semaphore(%arg20 : memref<!tpu.dma_semaphore, #tpu.memory_space<semaphore_mem>>) {add = true}
      %dma_wait3A_2197 = arith.constant 0 : i32
      %dma_wait3A_2198 = arith.constant 0 : i32
      %dma_wait3A_2199 = tpu.memref_slice %arg6[%dma_wait3A_2197, %dma_wait3A_2198] : memref<5x80xi32, #tpu.memory_space<vmem>> -> memref<1x80xi32, #tpu.memory_space<vmem>>
      %dma_wait3A_2200 = tpu.memref_squeeze %dma_wait3A_2199 : memref<1x80xi32, #tpu.memory_space<vmem>> -> memref<80xi32, #tpu.memory_space<vmem>>
      %dma_wait3A_2201 = arith.constant 0 : i32
      %dma_wait3A_2202 = arith.constant 0 : i32
      %dma_wait3A_2203 = tpu.memref_slice %arg14[%dma_wait3A_2201, %dma_wait3A_2202] : memref<10000x128xf32, #tpu.memory_space<vmem_shared>> -> memref<10000x128xf32, #tpu.memory_space<vmem_shared>>
      tpu.wait_indirect_dma semaphore(%arg20 : memref<!tpu.dma_semaphore, #tpu.memory_space<semaphore_mem>>) src(%arg13 : memref<80x128xf32, #tpu.memory_space<vmem>>) dst(%dma_wait3A_2203 : memref<10000x128xf32, #tpu.memory_space<vmem_shared>>)
      %dma_wait3A_2204 = arith.constant 0 : i32
      %dma_wait3A_2205 = arith.constant 0 : i32
      %dma_wait3A_2206 = arith.constant 0 : i32
      %dma_wait3A_2207 = arith.constant 0 : i32
      %dma_wait3A_2208 = arith.constant 0 : i32
      %dma_wait3A_2209 = arith.constant 0 : i32
      %dma_wait3A_2210 = tpu.memref_slice %arg3[%dma_wait3A_2204, %dma_wait3A_2206, %dma_wait3A_2207, %dma_wait3A_2208, %dma_wait3A_2209] : memref<2x32x25x5x80xi32, #tpu.memory_space<hbm>> -> memref<1x32x25x5x80xi32, #tpu.memory_space<hbm>>
      %dma_wait3A_2211 = tpu.memref_squeeze %dma_wait3A_2210 : memref<1x32x25x5x80xi32, #tpu.memory_space<hbm>> -> memref<32x25x5x80xi32, #tpu.memory_space<hbm>>
      %dma_wait3A_2212 = arith.constant 0 : i32
      %dma_wait3A_2213 = arith.constant 0 : i32
      %dma_wait3A_2214 = arith.constant 0 : i32
      %dma_wait3A_2215 = tpu.memref_slice %dma_wait3A_2211[%add3A, %dma_wait3A_2212, %dma_wait3A_2213, %dma_wait3A_2214] : memref<32x25x5x80xi32, #tpu.memory_space<hbm>> -> memref<1x25x5x80xi32, #tpu.memory_space<hbm>>
      %dma_wait3A_2216 = tpu.memref_squeeze %dma_wait3A_2215 : memref<1x25x5x80xi32, #tpu.memory_space<hbm>> -> memref<25x5x80xi32, #tpu.memory_space<hbm>>
      %dma_wait3A_2217 = arith.constant 0 : i32
      %dma_wait3A_2218 = arith.constant 0 : i32
      %dma_wait3A_2219 = tpu.memref_slice %dma_wait3A_2216[%dma_wait3A_2205, %dma_wait3A_2217, %dma_wait3A_2218] : memref<25x5x80xi32, #tpu.memory_space<hbm>> -> memref<1x5x80xi32, #tpu.memory_space<hbm>>
      %dma_wait3A_2220 = tpu.memref_squeeze %dma_wait3A_2219 : memref<1x5x80xi32, #tpu.memory_space<hbm>> -> memref<5x80xi32, #tpu.memory_space<hbm>>
      %dma_wait3A_2221 = arith.constant 0 : i32
      %dma_wait3A_2222 = arith.constant 0 : i32
      %dma_wait3A_2223 = arith.constant 0 : i32
      %dma_wait3A_2224 = arith.constant 0 : i32
      %dma_wait3A_2225 = tpu.memref_slice %arg3[%dma_wait3A_2204, %dma_wait3A_2221, %dma_wait3A_2222, %dma_wait3A_2223, %dma_wait3A_2224] : memref<2x32x25x5x80xi32, #tpu.memory_space<hbm>> -> memref<1x32x25x5x80xi32, #tpu.memory_space<hbm>>
      %dma_wait3A_2226 = tpu.memref_squeeze %dma_wait3A_2225 : memref<1x32x25x5x80xi32, #tpu.memory_space<hbm>> -> memref<32x25x5x80xi32, #tpu.memory_space<hbm>>
      %dma_wait3A_2227 = arith.constant 0 : i32
      %dma_wait3A_2228 = arith.constant 0 : i32
      %dma_wait3A_2229 = arith.constant 0 : i32
      %dma_wait3A_2230 = tpu.memref_slice %dma_wait3A_2226[%add3A, %dma_wait3A_2227, %dma_wait3A_2228, %dma_wait3A_2229] : memref<32x25x5x80xi32, #tpu.memory_space<hbm>> -> memref<1x25x5x80xi32, #tpu.memory_space<hbm>>
      %dma_wait3A_2231 = tpu.memref_squeeze %dma_wait3A_2230 : memref<1x25x5x80xi32, #tpu.memory_space<hbm>> -> memref<25x5x80xi32, #tpu.memory_space<hbm>>
      %dma_wait3A_2232 = arith.constant 0 : i32
      %dma_wait3A_2233 = arith.constant 0 : i32
      %dma_wait3A_2234 = tpu.memref_slice %dma_wait3A_2231[%dma_wait3A_2205, %dma_wait3A_2232, %dma_wait3A_2233] : memref<25x5x80xi32, #tpu.memory_space<hbm>> -> memref<1x5x80xi32, #tpu.memory_space<hbm>>
      %dma_wait3A_2235 = tpu.memref_squeeze %dma_wait3A_2234 : memref<1x5x80xi32, #tpu.memory_space<hbm>> -> memref<5x80xi32, #tpu.memory_space<hbm>>
      tpu.wait_dma2 semaphore(%arg22 : memref<!tpu.dma_semaphore, #tpu.memory_space<semaphore_mem>>) src(%dma_wait3A_2235 : memref<5x80xi32, #tpu.memory_space<hbm>>) dst(%arg7 : memref<5x80xi32, #tpu.memory_space<vmem>>)
      %dma_wait3A_2236 = arith.constant 1 : i32
      %dma_wait3A_2237 = arith.constant 0 : i32
      %dma_wait3A_2238 = arith.constant 0 : i32
      %dma_wait3A_2239 = arith.constant 0 : i32
      %dma_wait3A_2240 = arith.constant 0 : i32
      %dma_wait3A_2241 = arith.constant 0 : i32
      %dma_wait3A_2242 = tpu.memref_slice %arg3[%dma_wait3A_2236, %dma_wait3A_2238, %dma_wait3A_2239, %dma_wait3A_2240, %dma_wait3A_2241] : memref<2x32x25x5x80xi32, #tpu.memory_space<hbm>> -> memref<1x32x25x5x80xi32, #tpu.memory_space<hbm>>
      %dma_wait3A_2243 = tpu.memref_squeeze %dma_wait3A_2242 : memref<1x32x25x5x80xi32, #tpu.memory_space<hbm>> -> memref<32x25x5x80xi32, #tpu.memory_space<hbm>>
      %dma_wait3A_2244 = arith.constant 0 : i32
      %dma_wait3A_2245 = arith.constant 0 : i32
      %dma_wait3A_2246 = arith.constant 0 : i32
      %dma_wait3A_2247 = tpu.memref_slice %dma_wait3A_2243[%add3A, %dma_wait3A_2244, %dma_wait3A_2245, %dma_wait3A_2246] : memref<32x25x5x80xi32, #tpu.memory_space<hbm>> -> memref<1x25x5x80xi32, #tpu.memory_space<hbm>>
      %dma_wait3A_2248 = tpu.memref_squeeze %dma_wait3A_2247 : memref<1x25x5x80xi32, #tpu.memory_space<hbm>> -> memref<25x5x80xi32, #tpu.memory_space<hbm>>
      %dma_wait3A_2249 = arith.constant 0 : i32
      %dma_wait3A_2250 = arith.constant 0 : i32
      %dma_wait3A_2251 = tpu.memref_slice %dma_wait3A_2248[%dma_wait3A_2237, %dma_wait3A_2249, %dma_wait3A_2250] : memref<25x5x80xi32, #tpu.memory_space<hbm>> -> memref<1x5x80xi32, #tpu.memory_space<hbm>>
      %dma_wait3A_2252 = tpu.memref_squeeze %dma_wait3A_2251 : memref<1x5x80xi32, #tpu.memory_space<hbm>> -> memref<5x80xi32, #tpu.memory_space<hbm>>
      %dma_wait3A_2253 = arith.constant 0 : i32
      %dma_wait3A_2254 = arith.constant 0 : i32
      %dma_wait3A_2255 = arith.constant 0 : i32
      %dma_wait3A_2256 = arith.constant 0 : i32
      %dma_wait3A_2257 = tpu.memref_slice %arg3[%dma_wait3A_2236, %dma_wait3A_2253, %dma_wait3A_2254, %dma_wait3A_2255, %dma_wait3A_2256] : memref<2x32x25x5x80xi32, #tpu.memory_space<hbm>> -> memref<1x32x25x5x80xi32, #tpu.memory_space<hbm>>
      %dma_wait3A_2258 = tpu.memref_squeeze %dma_wait3A_2257 : memref<1x32x25x5x80xi32, #tpu.memory_space<hbm>> -> memref<32x25x5x80xi32, #tpu.memory_space<hbm>>
      %dma_wait3A_2259 = arith.constant 0 : i32
      %dma_wait3A_2260 = arith.constant 0 : i32
      %dma_wait3A_2261 = arith.constant 0 : i32
      %dma_wait3A_2262 = tpu.memref_slice %dma_wait3A_2258[%add3A, %dma_wait3A_2259, %dma_wait3A_2260, %dma_wait3A_2261] : memref<32x25x5x80xi32, #tpu.memory_space<hbm>> -> memref<1x25x5x80xi32, #tpu.memory_space<hbm>>
      %dma_wait3A_2263 = tpu.memref_squeeze %dma_wait3A_2262 : memref<1x25x5x80xi32, #tpu.memory_space<hbm>> -> memref<25x5x80xi32, #tpu.memory_space<hbm>>
      %dma_wait3A_2264 = arith.constant 0 : i32
      %dma_wait3A_2265 = arith.constant 0 : i32
      %dma_wait3A_2266 = tpu.memref_slice %dma_wait3A_2263[%dma_wait3A_2237, %dma_wait3A_2264, %dma_wait3A_2265] : memref<25x5x80xi32, #tpu.memory_space<hbm>> -> memref<1x5x80xi32, #tpu.memory_space<hbm>>
      %dma_wait3A_2267 = tpu.memref_squeeze %dma_wait3A_2266 : memref<1x5x80xi32, #tpu.memory_space<hbm>> -> memref<5x80xi32, #tpu.memory_space<hbm>>
      tpu.wait_dma2 semaphore(%arg22 : memref<!tpu.dma_semaphore, #tpu.memory_space<semaphore_mem>>) src(%dma_wait3A_2267 : memref<5x80xi32, #tpu.memory_space<hbm>>) dst(%arg8 : memref<5x80xi32, #tpu.memory_space<vmem>>)
      %dma_start3A_2268 = arith.constant 0 : i32
      %dma_start3A_2269 = arith.constant 0 : i32
      %dma_start3A_2270 = tpu.memref_slice %arg7[%dma_start3A_2268, %dma_start3A_2269] : memref<5x80xi32, #tpu.memory_space<vmem>> -> memref<1x80xi32, #tpu.memory_space<vmem>>
      %dma_start3A_2271 = tpu.memref_squeeze %dma_start3A_2270 : memref<1x80xi32, #tpu.memory_space<vmem>> -> memref<80xi32, #tpu.memory_space<vmem>>
      %dma_start3A_2272 = arith.constant 0 : i32
      %dma_start3A_2273 = arith.constant 0 : i32
      %dma_start3A_2274 = tpu.memref_slice %arg2[%dma_start3A_2272, %dma_start3A_2273] : memref<10000x128xf32, #tpu.memory_space<hbm>> -> memref<10000x128xf32, #tpu.memory_space<hbm>>
      tpu.enqueue_indirect_dma source(%dma_start3A_2274 : memref<10000x128xf32, #tpu.memory_space<hbm>>) target(%arg13 : memref<80x128xf32, #tpu.memory_space<vmem>>) offsets(%dma_start3A_2271 : memref<80xi32, #tpu.memory_space<vmem>>) semaphore(%arg17 : memref<!tpu.dma_semaphore, #tpu.memory_space<semaphore_mem>>)
      %dma_wait3A_2275 = arith.constant 0 : i32
      %dma_wait3A_2276 = arith.constant 0 : i32
      %dma_wait3A_2277 = tpu.memref_slice %arg5[%dma_wait3A_2275, %dma_wait3A_2276] : memref<5x80xi32, #tpu.memory_space<vmem>> -> memref<1x80xi32, #tpu.memory_space<vmem>>
      %dma_wait3A_2278 = tpu.memref_squeeze %dma_wait3A_2277 : memref<1x80xi32, #tpu.memory_space<vmem>> -> memref<80xi32, #tpu.memory_space<vmem>>
      %dma_wait3A_2279 = arith.constant 0 : i32
      %dma_wait3A_2280 = arith.constant 0 : i32
      %dma_wait3A_2281 = tpu.memref_slice %arg2[%dma_wait3A_2279, %dma_wait3A_2280] : memref<10000x128xf32, #tpu.memory_space<hbm>> -> memref<10000x128xf32, #tpu.memory_space<hbm>>
      tpu.wait_indirect_dma semaphore(%arg15 : memref<!tpu.dma_semaphore, #tpu.memory_space<semaphore_mem>>) src(%dma_wait3A_2281 : memref<10000x128xf32, #tpu.memory_space<hbm>>) dst(%arg11 : memref<80x128xf32, #tpu.memory_space<vmem>>)
      %dma_start3A_2282 = arith.constant 3 : i32
      %dma_start3A_2283 = arith.constant 0 : i32
      %dma_start3A_2284 = tpu.memref_slice %arg6[%dma_start3A_2282, %dma_start3A_2283] : memref<5x80xi32, #tpu.memory_space<vmem>> -> memref<1x80xi32, #tpu.memory_space<vmem>>
      %dma_start3A_2285 = tpu.memref_squeeze %dma_start3A_2284 : memref<1x80xi32, #tpu.memory_space<vmem>> -> memref<80xi32, #tpu.memory_space<vmem>>
      %dma_start3A_2286 = arith.constant 0 : i32
      %dma_start3A_2287 = arith.constant 0 : i32
      %dma_start3A_2288 = tpu.memref_slice %arg14[%dma_start3A_2286, %dma_start3A_2287] : memref<10000x128xf32, #tpu.memory_space<vmem_shared>> -> memref<10000x128xf32, #tpu.memory_space<vmem_shared>>
      tpu.enqueue_indirect_dma source(%arg11 : memref<80x128xf32, #tpu.memory_space<vmem>>) target(%dma_start3A_2288 : memref<10000x128xf32, #tpu.memory_space<vmem_shared>>) offsets(%dma_start3A_2285 : memref<80xi32, #tpu.memory_space<vmem>>) semaphore(%arg18 : memref<!tpu.dma_semaphore, #tpu.memory_space<semaphore_mem>>) {add = true}
      %dma_wait3A_2289 = arith.constant 0 : i32
      %dma_wait3A_2290 = arith.constant 0 : i32
      %dma_wait3A_2291 = tpu.memref_slice %arg6[%dma_wait3A_2289, %dma_wait3A_2290] : memref<5x80xi32, #tpu.memory_space<vmem>> -> memref<1x80xi32, #tpu.memory_space<vmem>>
      %dma_wait3A_2292 = tpu.memref_squeeze %dma_wait3A_2291 : memref<1x80xi32, #tpu.memory_space<vmem>> -> memref<80xi32, #tpu.memory_space<vmem>>
      %dma_wait3A_2293 = arith.constant 0 : i32
      %dma_wait3A_2294 = arith.constant 0 : i32
      %dma_wait3A_2295 = tpu.memref_slice %arg14[%dma_wait3A_2293, %dma_wait3A_2294] : memref<10000x128xf32, #tpu.memory_space<vmem_shared>> -> memref<10000x128xf32, #tpu.memory_space<vmem_shared>>
      tpu.wait_indirect_dma semaphore(%arg18 : memref<!tpu.dma_semaphore, #tpu.memory_space<semaphore_mem>>) src(%arg11 : memref<80x128xf32, #tpu.memory_space<vmem>>) dst(%dma_wait3A_2295 : memref<10000x128xf32, #tpu.memory_space<vmem_shared>>)
      %dma_start3A_2296 = arith.constant 1 : i32
      %dma_start3A_2297 = arith.constant 0 : i32
      %dma_start3A_2298 = tpu.memref_slice %arg7[%dma_start3A_2296, %dma_start3A_2297] : memref<5x80xi32, #tpu.memory_space<vmem>> -> memref<1x80xi32, #tpu.memory_space<vmem>>
      %dma_start3A_2299 = tpu.memref_squeeze %dma_start3A_2298 : memref<1x80xi32, #tpu.memory_space<vmem>> -> memref<80xi32, #tpu.memory_space<vmem>>
      %dma_start3A_2300 = arith.constant 0 : i32
      %dma_start3A_2301 = arith.constant 0 : i32
      %dma_start3A_2302 = tpu.memref_slice %arg2[%dma_start3A_2300, %dma_start3A_2301] : memref<10000x128xf32, #tpu.memory_space<hbm>> -> memref<10000x128xf32, #tpu.memory_space<hbm>>
      tpu.enqueue_indirect_dma source(%dma_start3A_2302 : memref<10000x128xf32, #tpu.memory_space<hbm>>) target(%arg11 : memref<80x128xf32, #tpu.memory_space<vmem>>) offsets(%dma_start3A_2299 : memref<80xi32, #tpu.memory_space<vmem>>) semaphore(%arg15 : memref<!tpu.dma_semaphore, #tpu.memory_space<semaphore_mem>>)
      %dma_wait3A_2303 = arith.constant 0 : i32
      %dma_wait3A_2304 = arith.constant 0 : i32
      %dma_wait3A_2305 = tpu.memref_slice %arg5[%dma_wait3A_2303, %dma_wait3A_2304] : memref<5x80xi32, #tpu.memory_space<vmem>> -> memref<1x80xi32, #tpu.memory_space<vmem>>
      %dma_wait3A_2306 = tpu.memref_squeeze %dma_wait3A_2305 : memref<1x80xi32, #tpu.memory_space<vmem>> -> memref<80xi32, #tpu.memory_space<vmem>>
      %dma_wait3A_2307 = arith.constant 0 : i32
      %dma_wait3A_2308 = arith.constant 0 : i32
      %dma_wait3A_2309 = tpu.memref_slice %arg2[%dma_wait3A_2307, %dma_wait3A_2308] : memref<10000x128xf32, #tpu.memory_space<hbm>> -> memref<10000x128xf32, #tpu.memory_space<hbm>>
      tpu.wait_indirect_dma semaphore(%arg16 : memref<!tpu.dma_semaphore, #tpu.memory_space<semaphore_mem>>) src(%dma_wait3A_2309 : memref<10000x128xf32, #tpu.memory_space<hbm>>) dst(%arg12 : memref<80x128xf32, #tpu.memory_space<vmem>>)
      %dma_start3A_2310 = arith.constant 4 : i32
      %dma_start3A_2311 = arith.constant 0 : i32
      %dma_start3A_2312 = tpu.memref_slice %arg6[%dma_start3A_2310, %dma_start3A_2311] : memref<5x80xi32, #tpu.memory_space<vmem>> -> memref<1x80xi32, #tpu.memory_space<vmem>>
      %dma_start3A_2313 = tpu.memref_squeeze %dma_start3A_2312 : memref<1x80xi32, #tpu.memory_space<vmem>> -> memref<80xi32, #tpu.memory_space<vmem>>
      %dma_start3A_2314 = arith.constant 0 : i32
      %dma_start3A_2315 = arith.constant 0 : i32
      %dma_start3A_2316 = tpu.memref_slice %arg14[%dma_start3A_2314, %dma_start3A_2315] : memref<10000x128xf32, #tpu.memory_space<vmem_shared>> -> memref<10000x128xf32, #tpu.memory_space<vmem_shared>>
      tpu.enqueue_indirect_dma source(%arg12 : memref<80x128xf32, #tpu.memory_space<vmem>>) target(%dma_start3A_2316 : memref<10000x128xf32, #tpu.memory_space<vmem_shared>>) offsets(%dma_start3A_2313 : memref<80xi32, #tpu.memory_space<vmem>>) semaphore(%arg19 : memref<!tpu.dma_semaphore, #tpu.memory_space<semaphore_mem>>) {add = true}
      %dma_wait3A_2317 = arith.constant 0 : i32
      %dma_wait3A_2318 = arith.constant 0 : i32
      %dma_wait3A_2319 = tpu.memref_slice %arg6[%dma_wait3A_2317, %dma_wait3A_2318] : memref<5x80xi32, #tpu.memory_space<vmem>> -> memref<1x80xi32, #tpu.memory_space<vmem>>
      %dma_wait3A_2320 = tpu.memref_squeeze %dma_wait3A_2319 : memref<1x80xi32, #tpu.memory_space<vmem>> -> memref<80xi32, #tpu.memory_space<vmem>>
      %dma_wait3A_2321 = arith.constant 0 : i32
      %dma_wait3A_2322 = arith.constant 0 : i32
      %dma_wait3A_2323 = tpu.memref_slice %arg14[%dma_wait3A_2321, %dma_wait3A_2322] : memref<10000x128xf32, #tpu.memory_space<vmem_shared>> -> memref<10000x128xf32, #tpu.memory_space<vmem_shared>>
      tpu.wait_indirect_dma semaphore(%arg19 : memref<!tpu.dma_semaphore, #tpu.memory_space<semaphore_mem>>) src(%arg12 : memref<80x128xf32, #tpu.memory_space<vmem>>) dst(%dma_wait3A_2323 : memref<10000x128xf32, #tpu.memory_space<vmem_shared>>)
      %add3A_2324 = arith.constant 1 : i32
      %add3A_2325 = arith.addi %mul3A_2046, %add3A_2324 : i32
      %add3A_2326 = arith.constant 2 : i32
      %add3A_2327 = arith.addi %add3A_2325, %add3A_2326 : i32
      %dma_start3A_2328 = arith.constant 0 : i32
      %dma_start3A_2329 = arith.constant 0 : i32
      %dma_start3A_2330 = arith.constant 0 : i32
      %dma_start3A_2331 = arith.constant 0 : i32
      %dma_start3A_2332 = arith.constant 0 : i32
      %dma_start3A_2333 = tpu.memref_slice %arg3[%dma_start3A_2328, %dma_start3A_2329, %dma_start3A_2330, %dma_start3A_2331, %dma_start3A_2332] : memref<2x32x25x5x80xi32, #tpu.memory_space<hbm>> -> memref<1x32x25x5x80xi32, #tpu.memory_space<hbm>>
      %dma_start3A_2334 = tpu.memref_squeeze %dma_start3A_2333 : memref<1x32x25x5x80xi32, #tpu.memory_space<hbm>> -> memref<32x25x5x80xi32, #tpu.memory_space<hbm>>
      %dma_start3A_2335 = arith.constant 0 : i32
      %dma_start3A_2336 = arith.constant 0 : i32
      %dma_start3A_2337 = arith.constant 0 : i32
      %dma_start3A_2338 = tpu.memref_slice %dma_start3A_2334[%add3A, %dma_start3A_2335, %dma_start3A_2336, %dma_start3A_2337] : memref<32x25x5x80xi32, #tpu.memory_space<hbm>> -> memref<1x25x5x80xi32, #tpu.memory_space<hbm>>
      %dma_start3A_2339 = tpu.memref_squeeze %dma_start3A_2338 : memref<1x25x5x80xi32, #tpu.memory_space<hbm>> -> memref<25x5x80xi32, #tpu.memory_space<hbm>>
      %dma_start3A_2340 = arith.constant 0 : i32
      %dma_start3A_2341 = arith.constant 0 : i32
      %dma_start3A_2342 = tpu.memref_slice %dma_start3A_2339[%add3A_2327, %dma_start3A_2340, %dma_start3A_2341] : memref<25x5x80xi32, #tpu.memory_space<hbm>> -> memref<1x5x80xi32, #tpu.memory_space<hbm>>
      %dma_start3A_2343 = tpu.memref_squeeze %dma_start3A_2342 : memref<1x5x80xi32, #tpu.memory_space<hbm>> -> memref<5x80xi32, #tpu.memory_space<hbm>>
      %dma_start3A_2344 = arith.constant 0 : i32
      %dma_start3A_2345 = arith.constant 0 : i32
      %dma_start3A_2346 = arith.constant 0 : i32
      %dma_start3A_2347 = arith.constant 0 : i32
      %dma_start3A_2348 = tpu.memref_slice %arg3[%dma_start3A_2328, %dma_start3A_2344, %dma_start3A_2345, %dma_start3A_2346, %dma_start3A_2347] : memref<2x32x25x5x80xi32, #tpu.memory_space<hbm>> -> memref<1x32x25x5x80xi32, #tpu.memory_space<hbm>>
      %dma_start3A_2349 = tpu.memref_squeeze %dma_start3A_2348 : memref<1x32x25x5x80xi32, #tpu.memory_space<hbm>> -> memref<32x25x5x80xi32, #tpu.memory_space<hbm>>
      %dma_start3A_2350 = arith.constant 0 : i32
      %dma_start3A_2351 = arith.constant 0 : i32
      %dma_start3A_2352 = arith.constant 0 : i32
      %dma_start3A_2353 = tpu.memref_slice %dma_start3A_2349[%add3A, %dma_start3A_2350, %dma_start3A_2351, %dma_start3A_2352] : memref<32x25x5x80xi32, #tpu.memory_space<hbm>> -> memref<1x25x5x80xi32, #tpu.memory_space<hbm>>
      %dma_start3A_2354 = tpu.memref_squeeze %dma_start3A_2353 : memref<1x25x5x80xi32, #tpu.memory_space<hbm>> -> memref<25x5x80xi32, #tpu.memory_space<hbm>>
      %dma_start3A_2355 = arith.constant 0 : i32
      %dma_start3A_2356 = arith.constant 0 : i32
      %dma_start3A_2357 = tpu.memref_slice %dma_start3A_2354[%add3A_2327, %dma_start3A_2355, %dma_start3A_2356] : memref<25x5x80xi32, #tpu.memory_space<hbm>> -> memref<1x5x80xi32, #tpu.memory_space<hbm>>
      %dma_start3A_2358 = tpu.memref_squeeze %dma_start3A_2357 : memref<1x5x80xi32, #tpu.memory_space<hbm>> -> memref<5x80xi32, #tpu.memory_space<hbm>>
      tpu.enqueue_dma source(%dma_start3A_2358 : memref<5x80xi32, #tpu.memory_space<hbm>>) target(%arg5 : memref<5x80xi32, #tpu.memory_space<vmem>>) target_semaphore(%arg21 : memref<!tpu.dma_semaphore, #tpu.memory_space<semaphore_mem>>)
      %dma_start3A_2359 = arith.constant 1 : i32
      %dma_start3A_2360 = arith.constant 0 : i32
      %dma_start3A_2361 = arith.constant 0 : i32
      %dma_start3A_2362 = arith.constant 0 : i32
      %dma_start3A_2363 = arith.constant 0 : i32
      %dma_start3A_2364 = tpu.memref_slice %arg3[%dma_start3A_2359, %dma_start3A_2360, %dma_start3A_2361, %dma_start3A_2362, %dma_start3A_2363] : memref<2x32x25x5x80xi32, #tpu.memory_space<hbm>> -> memref<1x32x25x5x80xi32, #tpu.memory_space<hbm>>
      %dma_start3A_2365 = tpu.memref_squeeze %dma_start3A_2364 : memref<1x32x25x5x80xi32, #tpu.memory_space<hbm>> -> memref<32x25x5x80xi32, #tpu.memory_space<hbm>>
      %dma_start3A_2366 = arith.constant 0 : i32
      %dma_start3A_2367 = arith.constant 0 : i32
      %dma_start3A_2368 = arith.constant 0 : i32
      %dma_start3A_2369 = tpu.memref_slice %dma_start3A_2365[%add3A, %dma_start3A_2366, %dma_start3A_2367, %dma_start3A_2368] : memref<32x25x5x80xi32, #tpu.memory_space<hbm>> -> memref<1x25x5x80xi32, #tpu.memory_space<hbm>>
      %dma_start3A_2370 = tpu.memref_squeeze %dma_start3A_2369 : memref<1x25x5x80xi32, #tpu.memory_space<hbm>> -> memref<25x5x80xi32, #tpu.memory_space<hbm>>
      %dma_start3A_2371 = arith.constant 0 : i32
      %dma_start3A_2372 = arith.constant 0 : i32
      %dma_start3A_2373 = tpu.memref_slice %dma_start3A_2370[%add3A_2327, %dma_start3A_2371, %dma_start3A_2372] : memref<25x5x80xi32, #tpu.memory_space<hbm>> -> memref<1x5x80xi32, #tpu.memory_space<hbm>>
      %dma_start3A_2374 = tpu.memref_squeeze %dma_start3A_2373 : memref<1x5x80xi32, #tpu.memory_space<hbm>> -> memref<5x80xi32, #tpu.memory_space<hbm>>
      %dma_start3A_2375 = arith.constant 0 : i32
      %dma_start3A_2376 = arith.constant 0 : i32
      %dma_start3A_2377 = arith.constant 0 : i32
      %dma_start3A_2378 = arith.constant 0 : i32
      %dma_start3A_2379 = tpu.memref_slice %arg3[%dma_start3A_2359, %dma_start3A_2375, %dma_start3A_2376, %dma_start3A_2377, %dma_start3A_2378] : memref<2x32x25x5x80xi32, #tpu.memory_space<hbm>> -> memref<1x32x25x5x80xi32, #tpu.memory_space<hbm>>
      %dma_start3A_2380 = tpu.memref_squeeze %dma_start3A_2379 : memref<1x32x25x5x80xi32, #tpu.memory_space<hbm>> -> memref<32x25x5x80xi32, #tpu.memory_space<hbm>>
      %dma_start3A_2381 = arith.constant 0 : i32
      %dma_start3A_2382 = arith.constant 0 : i32
      %dma_start3A_2383 = arith.constant 0 : i32
      %dma_start3A_2384 = tpu.memref_slice %dma_start3A_2380[%add3A, %dma_start3A_2381, %dma_start3A_2382, %dma_start3A_2383] : memref<32x25x5x80xi32, #tpu.memory_space<hbm>> -> memref<1x25x5x80xi32, #tpu.memory_space<hbm>>
      %dma_start3A_2385 = tpu.memref_squeeze %dma_start3A_2384 : memref<1x25x5x80xi32, #tpu.memory_space<hbm>> -> memref<25x5x80xi32, #tpu.memory_space<hbm>>
      %dma_start3A_2386 = arith.constant 0 : i32
      %dma_start3A_2387 = arith.constant 0 : i32
      %dma_start3A_2388 = tpu.memref_slice %dma_start3A_2385[%add3A_2327, %dma_start3A_2386, %dma_start3A_2387] : memref<25x5x80xi32, #tpu.memory_space<hbm>> -> memref<1x5x80xi32, #tpu.memory_space<hbm>>
      %dma_start3A_2389 = tpu.memref_squeeze %dma_start3A_2388 : memref<1x5x80xi32, #tpu.memory_space<hbm>> -> memref<5x80xi32, #tpu.memory_space<hbm>>
      tpu.enqueue_dma source(%dma_start3A_2389 : memref<5x80xi32, #tpu.memory_space<hbm>>) target(%arg6 : memref<5x80xi32, #tpu.memory_space<vmem>>) target_semaphore(%arg21 : memref<!tpu.dma_semaphore, #tpu.memory_space<semaphore_mem>>)
      %dma_start3A_2390 = arith.constant 2 : i32
      %dma_start3A_2391 = arith.constant 0 : i32
      %dma_start3A_2392 = tpu.memref_slice %arg7[%dma_start3A_2390, %dma_start3A_2391] : memref<5x80xi32, #tpu.memory_space<vmem>> -> memref<1x80xi32, #tpu.memory_space<vmem>>
      %dma_start3A_2393 = tpu.memref_squeeze %dma_start3A_2392 : memref<1x80xi32, #tpu.memory_space<vmem>> -> memref<80xi32, #tpu.memory_space<vmem>>
      %dma_start3A_2394 = arith.constant 0 : i32
      %dma_start3A_2395 = arith.constant 0 : i32
      %dma_start3A_2396 = tpu.memref_slice %arg2[%dma_start3A_2394, %dma_start3A_2395] : memref<10000x128xf32, #tpu.memory_space<hbm>> -> memref<10000x128xf32, #tpu.memory_space<hbm>>
      tpu.enqueue_indirect_dma source(%dma_start3A_2396 : memref<10000x128xf32, #tpu.memory_space<hbm>>) target(%arg12 : memref<80x128xf32, #tpu.memory_space<vmem>>) offsets(%dma_start3A_2393 : memref<80xi32, #tpu.memory_space<vmem>>) semaphore(%arg16 : memref<!tpu.dma_semaphore, #tpu.memory_space<semaphore_mem>>)
      %dma_wait3A_2397 = arith.constant 0 : i32
      %dma_wait3A_2398 = arith.constant 0 : i32
      %dma_wait3A_2399 = tpu.memref_slice %arg5[%dma_wait3A_2397, %dma_wait3A_2398] : memref<5x80xi32, #tpu.memory_space<vmem>> -> memref<1x80xi32, #tpu.memory_space<vmem>>
      %dma_wait3A_2400 = tpu.memref_squeeze %dma_wait3A_2399 : memref<1x80xi32, #tpu.memory_space<vmem>> -> memref<80xi32, #tpu.memory_space<vmem>>
      %dma_wait3A_2401 = arith.constant 0 : i32
      %dma_wait3A_2402 = arith.constant 0 : i32
      %dma_wait3A_2403 = tpu.memref_slice %arg2[%dma_wait3A_2401, %dma_wait3A_2402] : memref<10000x128xf32, #tpu.memory_space<hbm>> -> memref<10000x128xf32, #tpu.memory_space<hbm>>
      tpu.wait_indirect_dma semaphore(%arg17 : memref<!tpu.dma_semaphore, #tpu.memory_space<semaphore_mem>>) src(%dma_wait3A_2403 : memref<10000x128xf32, #tpu.memory_space<hbm>>) dst(%arg13 : memref<80x128xf32, #tpu.memory_space<vmem>>)
      %dma_start3A_2404 = arith.constant 0 : i32
      %dma_start3A_2405 = arith.constant 0 : i32
      %dma_start3A_2406 = tpu.memref_slice %arg8[%dma_start3A_2404, %dma_start3A_2405] : memref<5x80xi32, #tpu.memory_space<vmem>> -> memref<1x80xi32, #tpu.memory_space<vmem>>
      %dma_start3A_2407 = tpu.memref_squeeze %dma_start3A_2406 : memref<1x80xi32, #tpu.memory_space<vmem>> -> memref<80xi32, #tpu.memory_space<vmem>>
      %dma_start3A_2408 = arith.constant 0 : i32
      %dma_start3A_2409 = arith.constant 0 : i32
      %dma_start3A_2410 = tpu.memref_slice %arg14[%dma_start3A_2408, %dma_start3A_2409] : memref<10000x128xf32, #tpu.memory_space<vmem_shared>> -> memref<10000x128xf32, #tpu.memory_space<vmem_shared>>
      tpu.enqueue_indirect_dma source(%arg13 : memref<80x128xf32, #tpu.memory_space<vmem>>) target(%dma_start3A_2410 : memref<10000x128xf32, #tpu.memory_space<vmem_shared>>) offsets(%dma_start3A_2407 : memref<80xi32, #tpu.memory_space<vmem>>) semaphore(%arg20 : memref<!tpu.dma_semaphore, #tpu.memory_space<semaphore_mem>>) {add = true}
      %dma_wait3A_2411 = arith.constant 0 : i32
      %dma_wait3A_2412 = arith.constant 0 : i32
      %dma_wait3A_2413 = tpu.memref_slice %arg6[%dma_wait3A_2411, %dma_wait3A_2412] : memref<5x80xi32, #tpu.memory_space<vmem>> -> memref<1x80xi32, #tpu.memory_space<vmem>>
      %dma_wait3A_2414 = tpu.memref_squeeze %dma_wait3A_2413 : memref<1x80xi32, #tpu.memory_space<vmem>> -> memref<80xi32, #tpu.memory_space<vmem>>
      %dma_wait3A_2415 = arith.constant 0 : i32
      %dma_wait3A_2416 = arith.constant 0 : i32
      %dma_wait3A_2417 = tpu.memref_slice %arg14[%dma_wait3A_2415, %dma_wait3A_2416] : memref<10000x128xf32, #tpu.memory_space<vmem_shared>> -> memref<10000x128xf32, #tpu.memory_space<vmem_shared>>
      tpu.wait_indirect_dma semaphore(%arg20 : memref<!tpu.dma_semaphore, #tpu.memory_space<semaphore_mem>>) src(%arg13 : memref<80x128xf32, #tpu.memory_space<vmem>>) dst(%dma_wait3A_2417 : memref<10000x128xf32, #tpu.memory_space<vmem_shared>>)
      %dma_start3A_2418 = arith.constant 3 : i32
      %dma_start3A_2419 = arith.constant 0 : i32
      %dma_start3A_2420 = tpu.memref_slice %arg7[%dma_start3A_2418, %dma_start3A_2419] : memref<5x80xi32, #tpu.memory_space<vmem>> -> memref<1x80xi32, #tpu.memory_space<vmem>>
      %dma_start3A_2421 = tpu.memref_squeeze %dma_start3A_2420 : memref<1x80xi32, #tpu.memory_space<vmem>> -> memref<80xi32, #tpu.memory_space<vmem>>
      %dma_start3A_2422 = arith.constant 0 : i32
      %dma_start3A_2423 = arith.constant 0 : i32
      %dma_start3A_2424 = tpu.memref_slice %arg2[%dma_start3A_2422, %dma_start3A_2423] : memref<10000x128xf32, #tpu.memory_space<hbm>> -> memref<10000x128xf32, #tpu.memory_space<hbm>>
      tpu.enqueue_indirect_dma source(%dma_start3A_2424 : memref<10000x128xf32, #tpu.memory_space<hbm>>) target(%arg13 : memref<80x128xf32, #tpu.memory_space<vmem>>) offsets(%dma_start3A_2421 : memref<80xi32, #tpu.memory_space<vmem>>) semaphore(%arg17 : memref<!tpu.dma_semaphore, #tpu.memory_space<semaphore_mem>>)
      %dma_wait3A_2425 = arith.constant 0 : i32
      %dma_wait3A_2426 = arith.constant 0 : i32
      %dma_wait3A_2427 = tpu.memref_slice %arg5[%dma_wait3A_2425, %dma_wait3A_2426] : memref<5x80xi32, #tpu.memory_space<vmem>> -> memref<1x80xi32, #tpu.memory_space<vmem>>
      %dma_wait3A_2428 = tpu.memref_squeeze %dma_wait3A_2427 : memref<1x80xi32, #tpu.memory_space<vmem>> -> memref<80xi32, #tpu.memory_space<vmem>>
      %dma_wait3A_2429 = arith.constant 0 : i32
      %dma_wait3A_2430 = arith.constant 0 : i32
      %dma_wait3A_2431 = tpu.memref_slice %arg2[%dma_wait3A_2429, %dma_wait3A_2430] : memref<10000x128xf32, #tpu.memory_space<hbm>> -> memref<10000x128xf32, #tpu.memory_space<hbm>>
      tpu.wait_indirect_dma semaphore(%arg15 : memref<!tpu.dma_semaphore, #tpu.memory_space<semaphore_mem>>) src(%dma_wait3A_2431 : memref<10000x128xf32, #tpu.memory_space<hbm>>) dst(%arg11 : memref<80x128xf32, #tpu.memory_space<vmem>>)
      %dma_start3A_2432 = arith.constant 1 : i32
      %dma_start3A_2433 = arith.constant 0 : i32
      %dma_start3A_2434 = tpu.memref_slice %arg8[%dma_start3A_2432, %dma_start3A_2433] : memref<5x80xi32, #tpu.memory_space<vmem>> -> memref<1x80xi32, #tpu.memory_space<vmem>>
      %dma_start3A_2435 = tpu.memref_squeeze %dma_start3A_2434 : memref<1x80xi32, #tpu.memory_space<vmem>> -> memref<80xi32, #tpu.memory_space<vmem>>
      %dma_start3A_2436 = arith.constant 0 : i32
      %dma_start3A_2437 = arith.constant 0 : i32
      %dma_start3A_2438 = tpu.memref_slice %arg14[%dma_start3A_2436, %dma_start3A_2437] : memref<10000x128xf32, #tpu.memory_space<vmem_shared>> -> memref<10000x128xf32, #tpu.memory_space<vmem_shared>>
      tpu.enqueue_indirect_dma source(%arg11 : memref<80x128xf32, #tpu.memory_space<vmem>>) target(%dma_start3A_2438 : memref<10000x128xf32, #tpu.memory_space<vmem_shared>>) offsets(%dma_start3A_2435 : memref<80xi32, #tpu.memory_space<vmem>>) semaphore(%arg18 : memref<!tpu.dma_semaphore, #tpu.memory_space<semaphore_mem>>) {add = true}
      %dma_wait3A_2439 = arith.constant 0 : i32
      %dma_wait3A_2440 = arith.constant 0 : i32
      %dma_wait3A_2441 = tpu.memref_slice %arg6[%dma_wait3A_2439, %dma_wait3A_2440] : memref<5x80xi32, #tpu.memory_space<vmem>> -> memref<1x80xi32, #tpu.memory_space<vmem>>
      %dma_wait3A_2442 = tpu.memref_squeeze %dma_wait3A_2441 : memref<1x80xi32, #tpu.memory_space<vmem>> -> memref<80xi32, #tpu.memory_space<vmem>>
      %dma_wait3A_2443 = arith.constant 0 : i32
      %dma_wait3A_2444 = arith.constant 0 : i32
      %dma_wait3A_2445 = tpu.memref_slice %arg14[%dma_wait3A_2443, %dma_wait3A_2444] : memref<10000x128xf32, #tpu.memory_space<vmem_shared>> -> memref<10000x128xf32, #tpu.memory_space<vmem_shared>>
      tpu.wait_indirect_dma semaphore(%arg18 : memref<!tpu.dma_semaphore, #tpu.memory_space<semaphore_mem>>) src(%arg11 : memref<80x128xf32, #tpu.memory_space<vmem>>) dst(%dma_wait3A_2445 : memref<10000x128xf32, #tpu.memory_space<vmem_shared>>)
      %dma_start3A_2446 = arith.constant 4 : i32
      %dma_start3A_2447 = arith.constant 0 : i32
      %dma_start3A_2448 = tpu.memref_slice %arg7[%dma_start3A_2446, %dma_start3A_2447] : memref<5x80xi32, #tpu.memory_space<vmem>> -> memref<1x80xi32, #tpu.memory_space<vmem>>
      %dma_start3A_2449 = tpu.memref_squeeze %dma_start3A_2448 : memref<1x80xi32, #tpu.memory_space<vmem>> -> memref<80xi32, #tpu.memory_space<vmem>>
      %dma_start3A_2450 = arith.constant 0 : i32
      %dma_start3A_2451 = arith.constant 0 : i32
      %dma_start3A_2452 = tpu.memref_slice %arg2[%dma_start3A_2450, %dma_start3A_2451] : memref<10000x128xf32, #tpu.memory_space<hbm>> -> memref<10000x128xf32, #tpu.memory_space<hbm>>
      tpu.enqueue_indirect_dma source(%dma_start3A_2452 : memref<10000x128xf32, #tpu.memory_space<hbm>>) target(%arg11 : memref<80x128xf32, #tpu.memory_space<vmem>>) offsets(%dma_start3A_2449 : memref<80xi32, #tpu.memory_space<vmem>>) semaphore(%arg15 : memref<!tpu.dma_semaphore, #tpu.memory_space<semaphore_mem>>)
      %dma_wait3A_2453 = arith.constant 0 : i32
      %dma_wait3A_2454 = arith.constant 0 : i32
      %dma_wait3A_2455 = tpu.memref_slice %arg5[%dma_wait3A_2453, %dma_wait3A_2454] : memref<5x80xi32, #tpu.memory_space<vmem>> -> memref<1x80xi32, #tpu.memory_space<vmem>>
      %dma_wait3A_2456 = tpu.memref_squeeze %dma_wait3A_2455 : memref<1x80xi32, #tpu.memory_space<vmem>> -> memref<80xi32, #tpu.memory_space<vmem>>
      %dma_wait3A_2457 = arith.constant 0 : i32
      %dma_wait3A_2458 = arith.constant 0 : i32
      %dma_wait3A_2459 = tpu.memref_slice %arg2[%dma_wait3A_2457, %dma_wait3A_2458] : memref<10000x128xf32, #tpu.memory_space<hbm>> -> memref<10000x128xf32, #tpu.memory_space<hbm>>
      tpu.wait_indirect_dma semaphore(%arg16 : memref<!tpu.dma_semaphore, #tpu.memory_space<semaphore_mem>>) src(%dma_wait3A_2459 : memref<10000x128xf32, #tpu.memory_space<hbm>>) dst(%arg12 : memref<80x128xf32, #tpu.memory_space<vmem>>)
      %dma_start3A_2460 = arith.constant 2 : i32
      %dma_start3A_2461 = arith.constant 0 : i32
      %dma_start3A_2462 = tpu.memref_slice %arg8[%dma_start3A_2460, %dma_start3A_2461] : memref<5x80xi32, #tpu.memory_space<vmem>> -> memref<1x80xi32, #tpu.memory_space<vmem>>
      %dma_start3A_2463 = tpu.memref_squeeze %dma_start3A_2462 : memref<1x80xi32, #tpu.memory_space<vmem>> -> memref<80xi32, #tpu.memory_space<vmem>>
      %dma_start3A_2464 = arith.constant 0 : i32
      %dma_start3A_2465 = arith.constant 0 : i32
      %dma_start3A_2466 = tpu.memref_slice %arg14[%dma_start3A_2464, %dma_start3A_2465] : memref<10000x128xf32, #tpu.memory_space<vmem_shared>> -> memref<10000x128xf32, #tpu.memory_space<vmem_shared>>
      tpu.enqueue_indirect_dma source(%arg12 : memref<80x128xf32, #tpu.memory_space<vmem>>) target(%dma_start3A_2466 : memref<10000x128xf32, #tpu.memory_space<vmem_shared>>) offsets(%dma_start3A_2463 : memref<80xi32, #tpu.memory_space<vmem>>) semaphore(%arg19 : memref<!tpu.dma_semaphore, #tpu.memory_space<semaphore_mem>>) {add = true}
      %dma_wait3A_2467 = arith.constant 0 : i32
      %dma_wait3A_2468 = arith.constant 0 : i32
      %dma_wait3A_2469 = tpu.memref_slice %arg6[%dma_wait3A_2467, %dma_wait3A_2468] : memref<5x80xi32, #tpu.memory_space<vmem>> -> memref<1x80xi32, #tpu.memory_space<vmem>>
      %dma_wait3A_2470 = tpu.memref_squeeze %dma_wait3A_2469 : memref<1x80xi32, #tpu.memory_space<vmem>> -> memref<80xi32, #tpu.memory_space<vmem>>
      %dma_wait3A_2471 = arith.constant 0 : i32
      %dma_wait3A_2472 = arith.constant 0 : i32
      %dma_wait3A_2473 = tpu.memref_slice %arg14[%dma_wait3A_2471, %dma_wait3A_2472] : memref<10000x128xf32, #tpu.memory_space<vmem_shared>> -> memref<10000x128xf32, #tpu.memory_space<vmem_shared>>
      tpu.wait_indirect_dma semaphore(%arg19 : memref<!tpu.dma_semaphore, #tpu.memory_space<semaphore_mem>>) src(%arg12 : memref<80x128xf32, #tpu.memory_space<vmem>>) dst(%dma_wait3A_2473 : memref<10000x128xf32, #tpu.memory_space<vmem_shared>>)
      %dma_wait3A_2474 = arith.constant 0 : i32
      %dma_wait3A_2475 = arith.constant 0 : i32
      %dma_wait3A_2476 = arith.constant 0 : i32
      %dma_wait3A_2477 = arith.constant 0 : i32
      %dma_wait3A_2478 = arith.constant 0 : i32
      %dma_wait3A_2479 = arith.constant 0 : i32
      %dma_wait3A_2480 = tpu.memref_slice %arg3[%dma_wait3A_2474, %dma_wait3A_2476, %dma_wait3A_2477, %dma_wait3A_2478, %dma_wait3A_2479] : memref<2x32x25x5x80xi32, #tpu.memory_space<hbm>> -> memref<1x32x25x5x80xi32, #tpu.memory_space<hbm>>
      %dma_wait3A_2481 = tpu.memref_squeeze %dma_wait3A_2480 : memref<1x32x25x5x80xi32, #tpu.memory_space<hbm>> -> memref<32x25x5x80xi32, #tpu.memory_space<hbm>>
      %dma_wait3A_2482 = arith.constant 0 : i32
      %dma_wait3A_2483 = arith.constant 0 : i32
      %dma_wait3A_2484 = arith.constant 0 : i32
      %dma_wait3A_2485 = tpu.memref_slice %dma_wait3A_2481[%add3A, %dma_wait3A_2482, %dma_wait3A_2483, %dma_wait3A_2484] : memref<32x25x5x80xi32, #tpu.memory_space<hbm>> -> memref<1x25x5x80xi32, #tpu.memory_space<hbm>>
      %dma_wait3A_2486 = tpu.memref_squeeze %dma_wait3A_2485 : memref<1x25x5x80xi32, #tpu.memory_space<hbm>> -> memref<25x5x80xi32, #tpu.memory_space<hbm>>
      %dma_wait3A_2487 = arith.constant 0 : i32
      %dma_wait3A_2488 = arith.constant 0 : i32
      %dma_wait3A_2489 = tpu.memref_slice %dma_wait3A_2486[%dma_wait3A_2475, %dma_wait3A_2487, %dma_wait3A_2488] : memref<25x5x80xi32, #tpu.memory_space<hbm>> -> memref<1x5x80xi32, #tpu.memory_space<hbm>>
      %dma_wait3A_2490 = tpu.memref_squeeze %dma_wait3A_2489 : memref<1x5x80xi32, #tpu.memory_space<hbm>> -> memref<5x80xi32, #tpu.memory_space<hbm>>
      %dma_wait3A_2491 = arith.constant 0 : i32
      %dma_wait3A_2492 = arith.constant 0 : i32
      %dma_wait3A_2493 = arith.constant 0 : i32
      %dma_wait3A_2494 = arith.constant 0 : i32
      %dma_wait3A_2495 = tpu.memref_slice %arg3[%dma_wait3A_2474, %dma_wait3A_2491, %dma_wait3A_2492, %dma_wait3A_2493, %dma_wait3A_2494] : memref<2x32x25x5x80xi32, #tpu.memory_space<hbm>> -> memref<1x32x25x5x80xi32, #tpu.memory_space<hbm>>
      %dma_wait3A_2496 = tpu.memref_squeeze %dma_wait3A_2495 : memref<1x32x25x5x80xi32, #tpu.memory_space<hbm>> -> memref<32x25x5x80xi32, #tpu.memory_space<hbm>>
      %dma_wait3A_2497 = arith.constant 0 : i32
      %dma_wait3A_2498 = arith.constant 0 : i32
      %dma_wait3A_2499 = arith.constant 0 : i32
      %dma_wait3A_2500 = tpu.memref_slice %dma_wait3A_2496[%add3A, %dma_wait3A_2497, %dma_wait3A_2498, %dma_wait3A_2499] : memref<32x25x5x80xi32, #tpu.memory_space<hbm>> -> memref<1x25x5x80xi32, #tpu.memory_space<hbm>>
      %dma_wait3A_2501 = tpu.memref_squeeze %dma_wait3A_2500 : memref<1x25x5x80xi32, #tpu.memory_space<hbm>> -> memref<25x5x80xi32, #tpu.memory_space<hbm>>
      %dma_wait3A_2502 = arith.constant 0 : i32
      %dma_wait3A_2503 = arith.constant 0 : i32
      %dma_wait3A_2504 = tpu.memref_slice %dma_wait3A_2501[%dma_wait3A_2475, %dma_wait3A_2502, %dma_wait3A_2503] : memref<25x5x80xi32, #tpu.memory_space<hbm>> -> memref<1x5x80xi32, #tpu.memory_space<hbm>>
      %dma_wait3A_2505 = tpu.memref_squeeze %dma_wait3A_2504 : memref<1x5x80xi32, #tpu.memory_space<hbm>> -> memref<5x80xi32, #tpu.memory_space<hbm>>
      tpu.wait_dma2 semaphore(%arg23 : memref<!tpu.dma_semaphore, #tpu.memory_space<semaphore_mem>>) src(%dma_wait3A_2505 : memref<5x80xi32, #tpu.memory_space<hbm>>) dst(%arg9 : memref<5x80xi32, #tpu.memory_space<vmem>>)
      %dma_wait3A_2506 = arith.constant 1 : i32
      %dma_wait3A_2507 = arith.constant 0 : i32
      %dma_wait3A_2508 = arith.constant 0 : i32
      %dma_wait3A_2509 = arith.constant 0 : i32
      %dma_wait3A_2510 = arith.constant 0 : i32
      %dma_wait3A_2511 = arith.constant 0 : i32
      %dma_wait3A_2512 = tpu.memref_slice %arg3[%dma_wait3A_2506, %dma_wait3A_2508, %dma_wait3A_2509, %dma_wait3A_2510, %dma_wait3A_2511] : memref<2x32x25x5x80xi32, #tpu.memory_space<hbm>> -> memref<1x32x25x5x80xi32, #tpu.memory_space<hbm>>
      %dma_wait3A_2513 = tpu.memref_squeeze %dma_wait3A_2512 : memref<1x32x25x5x80xi32, #tpu.memory_space<hbm>> -> memref<32x25x5x80xi32, #tpu.memory_space<hbm>>
      %dma_wait3A_2514 = arith.constant 0 : i32
      %dma_wait3A_2515 = arith.constant 0 : i32
      %dma_wait3A_2516 = arith.constant 0 : i32
      %dma_wait3A_2517 = tpu.memref_slice %dma_wait3A_2513[%add3A, %dma_wait3A_2514, %dma_wait3A_2515, %dma_wait3A_2516] : memref<32x25x5x80xi32, #tpu.memory_space<hbm>> -> memref<1x25x5x80xi32, #tpu.memory_space<hbm>>
      %dma_wait3A_2518 = tpu.memref_squeeze %dma_wait3A_2517 : memref<1x25x5x80xi32, #tpu.memory_space<hbm>> -> memref<25x5x80xi32, #tpu.memory_space<hbm>>
      %dma_wait3A_2519 = arith.constant 0 : i32
      %dma_wait3A_2520 = arith.constant 0 : i32
      %dma_wait3A_2521 = tpu.memref_slice %dma_wait3A_2518[%dma_wait3A_2507, %dma_wait3A_2519, %dma_wait3A_2520] : memref<25x5x80xi32, #tpu.memory_space<hbm>> -> memref<1x5x80xi32, #tpu.memory_space<hbm>>
      %dma_wait3A_2522 = tpu.memref_squeeze %dma_wait3A_2521 : memref<1x5x80xi32, #tpu.memory_space<hbm>> -> memref<5x80xi32, #tpu.memory_space<hbm>>
      %dma_wait3A_2523 = arith.constant 0 : i32
      %dma_wait3A_2524 = arith.constant 0 : i32
      %dma_wait3A_2525 = arith.constant 0 : i32
      %dma_wait3A_2526 = arith.constant 0 : i32
      %dma_wait3A_2527 = tpu.memref_slice %arg3[%dma_wait3A_2506, %dma_wait3A_2523, %dma_wait3A_2524, %dma_wait3A_2525, %dma_wait3A_2526] : memref<2x32x25x5x80xi32, #tpu.memory_space<hbm>> -> memref<1x32x25x5x80xi32, #tpu.memory_space<hbm>>
      %dma_wait3A_2528 = tpu.memref_squeeze %dma_wait3A_2527 : memref<1x32x25x5x80xi32, #tpu.memory_space<hbm>> -> memref<32x25x5x80xi32, #tpu.memory_space<hbm>>
      %dma_wait3A_2529 = arith.constant 0 : i32
      %dma_wait3A_2530 = arith.constant 0 : i32
      %dma_wait3A_2531 = arith.constant 0 : i32
      %dma_wait3A_2532 = tpu.memref_slice %dma_wait3A_2528[%add3A, %dma_wait3A_2529, %dma_wait3A_2530, %dma_wait3A_2531] : memref<32x25x5x80xi32, #tpu.memory_space<hbm>> -> memref<1x25x5x80xi32, #tpu.memory_space<hbm>>
      %dma_wait3A_2533 = tpu.memref_squeeze %dma_wait3A_2532 : memref<1x25x5x80xi32, #tpu.memory_space<hbm>> -> memref<25x5x80xi32, #tpu.memory_space<hbm>>
      %dma_wait3A_2534 = arith.constant 0 : i32
      %dma_wait3A_2535 = arith.constant 0 : i32
      %dma_wait3A_2536 = tpu.memref_slice %dma_wait3A_2533[%dma_wait3A_2507, %dma_wait3A_2534, %dma_wait3A_2535] : memref<25x5x80xi32, #tpu.memory_space<hbm>> -> memref<1x5x80xi32, #tpu.memory_space<hbm>>
      %dma_wait3A_2537 = tpu.memref_squeeze %dma_wait3A_2536 : memref<1x5x80xi32, #tpu.memory_space<hbm>> -> memref<5x80xi32, #tpu.memory_space<hbm>>
      tpu.wait_dma2 semaphore(%arg23 : memref<!tpu.dma_semaphore, #tpu.memory_space<semaphore_mem>>) src(%dma_wait3A_2537 : memref<5x80xi32, #tpu.memory_space<hbm>>) dst(%arg10 : memref<5x80xi32, #tpu.memory_space<vmem>>)
      %dma_start3A_2538 = arith.constant 0 : i32
      %dma_start3A_2539 = arith.constant 0 : i32
      %dma_start3A_2540 = tpu.memref_slice %arg9[%dma_start3A_2538, %dma_start3A_2539] : memref<5x80xi32, #tpu.memory_space<vmem>> -> memref<1x80xi32, #tpu.memory_space<vmem>>
      %dma_start3A_2541 = tpu.memref_squeeze %dma_start3A_2540 : memref<1x80xi32, #tpu.memory_space<vmem>> -> memref<80xi32, #tpu.memory_space<vmem>>
      %dma_start3A_2542 = arith.constant 0 : i32
      %dma_start3A_2543 = arith.constant 0 : i32
      %dma_start3A_2544 = tpu.memref_slice %arg2[%dma_start3A_2542, %dma_start3A_2543] : memref<10000x128xf32, #tpu.memory_space<hbm>> -> memref<10000x128xf32, #tpu.memory_space<hbm>>
      tpu.enqueue_indirect_dma source(%dma_start3A_2544 : memref<10000x128xf32, #tpu.memory_space<hbm>>) target(%arg12 : memref<80x128xf32, #tpu.memory_space<vmem>>) offsets(%dma_start3A_2541 : memref<80xi32, #tpu.memory_space<vmem>>) semaphore(%arg16 : memref<!tpu.dma_semaphore, #tpu.memory_space<semaphore_mem>>)
      %dma_wait3A_2545 = arith.constant 0 : i32
      %dma_wait3A_2546 = arith.constant 0 : i32
      %dma_wait3A_2547 = tpu.memref_slice %arg5[%dma_wait3A_2545, %dma_wait3A_2546] : memref<5x80xi32, #tpu.memory_space<vmem>> -> memref<1x80xi32, #tpu.memory_space<vmem>>
      %dma_wait3A_2548 = tpu.memref_squeeze %dma_wait3A_2547 : memref<1x80xi32, #tpu.memory_space<vmem>> -> memref<80xi32, #tpu.memory_space<vmem>>
      %dma_wait3A_2549 = arith.constant 0 : i32
      %dma_wait3A_2550 = arith.constant 0 : i32
      %dma_wait3A_2551 = tpu.memref_slice %arg2[%dma_wait3A_2549, %dma_wait3A_2550] : memref<10000x128xf32, #tpu.memory_space<hbm>> -> memref<10000x128xf32, #tpu.memory_space<hbm>>
      tpu.wait_indirect_dma semaphore(%arg17 : memref<!tpu.dma_semaphore, #tpu.memory_space<semaphore_mem>>) src(%dma_wait3A_2551 : memref<10000x128xf32, #tpu.memory_space<hbm>>) dst(%arg13 : memref<80x128xf32, #tpu.memory_space<vmem>>)
      %dma_start3A_2552 = arith.constant 3 : i32
      %dma_start3A_2553 = arith.constant 0 : i32
      %dma_start3A_2554 = tpu.memref_slice %arg8[%dma_start3A_2552, %dma_start3A_2553] : memref<5x80xi32, #tpu.memory_space<vmem>> -> memref<1x80xi32, #tpu.memory_space<vmem>>
      %dma_start3A_2555 = tpu.memref_squeeze %dma_start3A_2554 : memref<1x80xi32, #tpu.memory_space<vmem>> -> memref<80xi32, #tpu.memory_space<vmem>>
      %dma_start3A_2556 = arith.constant 0 : i32
      %dma_start3A_2557 = arith.constant 0 : i32
      %dma_start3A_2558 = tpu.memref_slice %arg14[%dma_start3A_2556, %dma_start3A_2557] : memref<10000x128xf32, #tpu.memory_space<vmem_shared>> -> memref<10000x128xf32, #tpu.memory_space<vmem_shared>>
      tpu.enqueue_indirect_dma source(%arg13 : memref<80x128xf32, #tpu.memory_space<vmem>>) target(%dma_start3A_2558 : memref<10000x128xf32, #tpu.memory_space<vmem_shared>>) offsets(%dma_start3A_2555 : memref<80xi32, #tpu.memory_space<vmem>>) semaphore(%arg20 : memref<!tpu.dma_semaphore, #tpu.memory_space<semaphore_mem>>) {add = true}
      %dma_wait3A_2559 = arith.constant 0 : i32
      %dma_wait3A_2560 = arith.constant 0 : i32
      %dma_wait3A_2561 = tpu.memref_slice %arg6[%dma_wait3A_2559, %dma_wait3A_2560] : memref<5x80xi32, #tpu.memory_space<vmem>> -> memref<1x80xi32, #tpu.memory_space<vmem>>
      %dma_wait3A_2562 = tpu.memref_squeeze %dma_wait3A_2561 : memref<1x80xi32, #tpu.memory_space<vmem>> -> memref<80xi32, #tpu.memory_space<vmem>>
      %dma_wait3A_2563 = arith.constant 0 : i32
      %dma_wait3A_2564 = arith.constant 0 : i32
      %dma_wait3A_2565 = tpu.memref_slice %arg14[%dma_wait3A_2563, %dma_wait3A_2564] : memref<10000x128xf32, #tpu.memory_space<vmem_shared>> -> memref<10000x128xf32, #tpu.memory_space<vmem_shared>>
      tpu.wait_indirect_dma semaphore(%arg20 : memref<!tpu.dma_semaphore, #tpu.memory_space<semaphore_mem>>) src(%arg13 : memref<80x128xf32, #tpu.memory_space<vmem>>) dst(%dma_wait3A_2565 : memref<10000x128xf32, #tpu.memory_space<vmem_shared>>)
      %dma_start3A_2566 = arith.constant 1 : i32
      %dma_start3A_2567 = arith.constant 0 : i32
      %dma_start3A_2568 = tpu.memref_slice %arg9[%dma_start3A_2566, %dma_start3A_2567] : memref<5x80xi32, #tpu.memory_space<vmem>> -> memref<1x80xi32, #tpu.memory_space<vmem>>
      %dma_start3A_2569 = tpu.memref_squeeze %dma_start3A_2568 : memref<1x80xi32, #tpu.memory_space<vmem>> -> memref<80xi32, #tpu.memory_space<vmem>>
      %dma_start3A_2570 = arith.constant 0 : i32
      %dma_start3A_2571 = arith.constant 0 : i32
      %dma_start3A_2572 = tpu.memref_slice %arg2[%dma_start3A_2570, %dma_start3A_2571] : memref<10000x128xf32, #tpu.memory_space<hbm>> -> memref<10000x128xf32, #tpu.memory_space<hbm>>
      tpu.enqueue_indirect_dma source(%dma_start3A_2572 : memref<10000x128xf32, #tpu.memory_space<hbm>>) target(%arg13 : memref<80x128xf32, #tpu.memory_space<vmem>>) offsets(%dma_start3A_2569 : memref<80xi32, #tpu.memory_space<vmem>>) semaphore(%arg17 : memref<!tpu.dma_semaphore, #tpu.memory_space<semaphore_mem>>)
      %dma_wait3A_2573 = arith.constant 0 : i32
      %dma_wait3A_2574 = arith.constant 0 : i32
      %dma_wait3A_2575 = tpu.memref_slice %arg5[%dma_wait3A_2573, %dma_wait3A_2574] : memref<5x80xi32, #tpu.memory_space<vmem>> -> memref<1x80xi32, #tpu.memory_space<vmem>>
      %dma_wait3A_2576 = tpu.memref_squeeze %dma_wait3A_2575 : memref<1x80xi32, #tpu.memory_space<vmem>> -> memref<80xi32, #tpu.memory_space<vmem>>
      %dma_wait3A_2577 = arith.constant 0 : i32
      %dma_wait3A_2578 = arith.constant 0 : i32
      %dma_wait3A_2579 = tpu.memref_slice %arg2[%dma_wait3A_2577, %dma_wait3A_2578] : memref<10000x128xf32, #tpu.memory_space<hbm>> -> memref<10000x128xf32, #tpu.memory_space<hbm>>
      tpu.wait_indirect_dma semaphore(%arg15 : memref<!tpu.dma_semaphore, #tpu.memory_space<semaphore_mem>>) src(%dma_wait3A_2579 : memref<10000x128xf32, #tpu.memory_space<hbm>>) dst(%arg11 : memref<80x128xf32, #tpu.memory_space<vmem>>)
      %dma_start3A_2580 = arith.constant 4 : i32
      %dma_start3A_2581 = arith.constant 0 : i32
      %dma_start3A_2582 = tpu.memref_slice %arg8[%dma_start3A_2580, %dma_start3A_2581] : memref<5x80xi32, #tpu.memory_space<vmem>> -> memref<1x80xi32, #tpu.memory_space<vmem>>
      %dma_start3A_2583 = tpu.memref_squeeze %dma_start3A_2582 : memref<1x80xi32, #tpu.memory_space<vmem>> -> memref<80xi32, #tpu.memory_space<vmem>>
      %dma_start3A_2584 = arith.constant 0 : i32
      %dma_start3A_2585 = arith.constant 0 : i32
      %dma_start3A_2586 = tpu.memref_slice %arg14[%dma_start3A_2584, %dma_start3A_2585] : memref<10000x128xf32, #tpu.memory_space<vmem_shared>> -> memref<10000x128xf32, #tpu.memory_space<vmem_shared>>
      tpu.enqueue_indirect_dma source(%arg11 : memref<80x128xf32, #tpu.memory_space<vmem>>) target(%dma_start3A_2586 : memref<10000x128xf32, #tpu.memory_space<vmem_shared>>) offsets(%dma_start3A_2583 : memref<80xi32, #tpu.memory_space<vmem>>) semaphore(%arg18 : memref<!tpu.dma_semaphore, #tpu.memory_space<semaphore_mem>>) {add = true}
      %dma_wait3A_2587 = arith.constant 0 : i32
      %dma_wait3A_2588 = arith.constant 0 : i32
      %dma_wait3A_2589 = tpu.memref_slice %arg6[%dma_wait3A_2587, %dma_wait3A_2588] : memref<5x80xi32, #tpu.memory_space<vmem>> -> memref<1x80xi32, #tpu.memory_space<vmem>>
      %dma_wait3A_2590 = tpu.memref_squeeze %dma_wait3A_2589 : memref<1x80xi32, #tpu.memory_space<vmem>> -> memref<80xi32, #tpu.memory_space<vmem>>
      %dma_wait3A_2591 = arith.constant 0 : i32
      %dma_wait3A_2592 = arith.constant 0 : i32
      %dma_wait3A_2593 = tpu.memref_slice %arg14[%dma_wait3A_2591, %dma_wait3A_2592] : memref<10000x128xf32, #tpu.memory_space<vmem_shared>> -> memref<10000x128xf32, #tpu.memory_space<vmem_shared>>
      tpu.wait_indirect_dma semaphore(%arg18 : memref<!tpu.dma_semaphore, #tpu.memory_space<semaphore_mem>>) src(%arg11 : memref<80x128xf32, #tpu.memory_space<vmem>>) dst(%dma_wait3A_2593 : memref<10000x128xf32, #tpu.memory_space<vmem_shared>>)
      %add3A_2594 = arith.constant 2 : i32
      %add3A_2595 = arith.addi %mul3A_2046, %add3A_2594 : i32
      %add3A_2596 = arith.constant 2 : i32
      %add3A_2597 = arith.addi %add3A_2595, %add3A_2596 : i32
      %dma_start3A_2598 = arith.constant 0 : i32
      %dma_start3A_2599 = arith.constant 0 : i32
      %dma_start3A_2600 = arith.constant 0 : i32
      %dma_start3A_2601 = arith.constant 0 : i32
      %dma_start3A_2602 = arith.constant 0 : i32
      %dma_start3A_2603 = tpu.memref_slice %arg3[%dma_start3A_2598, %dma_start3A_2599, %dma_start3A_2600, %dma_start3A_2601, %dma_start3A_2602] : memref<2x32x25x5x80xi32, #tpu.memory_space<hbm>> -> memref<1x32x25x5x80xi32, #tpu.memory_space<hbm>>
      %dma_start3A_2604 = tpu.memref_squeeze %dma_start3A_2603 : memref<1x32x25x5x80xi32, #tpu.memory_space<hbm>> -> memref<32x25x5x80xi32, #tpu.memory_space<hbm>>
      %dma_start3A_2605 = arith.constant 0 : i32
      %dma_start3A_2606 = arith.constant 0 : i32
      %dma_start3A_2607 = arith.constant 0 : i32
      %dma_start3A_2608 = tpu.memref_slice %dma_start3A_2604[%add3A, %dma_start3A_2605, %dma_start3A_2606, %dma_start3A_2607] : memref<32x25x5x80xi32, #tpu.memory_space<hbm>> -> memref<1x25x5x80xi32, #tpu.memory_space<hbm>>
      %dma_start3A_2609 = tpu.memref_squeeze %dma_start3A_2608 : memref<1x25x5x80xi32, #tpu.memory_space<hbm>> -> memref<25x5x80xi32, #tpu.memory_space<hbm>>
      %dma_start3A_2610 = arith.constant 0 : i32
      %dma_start3A_2611 = arith.constant 0 : i32
      %dma_start3A_2612 = tpu.memref_slice %dma_start3A_2609[%add3A_2597, %dma_start3A_2610, %dma_start3A_2611] : memref<25x5x80xi32, #tpu.memory_space<hbm>> -> memref<1x5x80xi32, #tpu.memory_space<hbm>>
      %dma_start3A_2613 = tpu.memref_squeeze %dma_start3A_2612 : memref<1x5x80xi32, #tpu.memory_space<hbm>> -> memref<5x80xi32, #tpu.memory_space<hbm>>
      %dma_start3A_2614 = arith.constant 0 : i32
      %dma_start3A_2615 = arith.constant 0 : i32
      %dma_start3A_2616 = arith.constant 0 : i32
      %dma_start3A_2617 = arith.constant 0 : i32
      %dma_start3A_2618 = tpu.memref_slice %arg3[%dma_start3A_2598, %dma_start3A_2614, %dma_start3A_2615, %dma_start3A_2616, %dma_start3A_2617] : memref<2x32x25x5x80xi32, #tpu.memory_space<hbm>> -> memref<1x32x25x5x80xi32, #tpu.memory_space<hbm>>
      %dma_start3A_2619 = tpu.memref_squeeze %dma_start3A_2618 : memref<1x32x25x5x80xi32, #tpu.memory_space<hbm>> -> memref<32x25x5x80xi32, #tpu.memory_space<hbm>>
      %dma_start3A_2620 = arith.constant 0 : i32
      %dma_start3A_2621 = arith.constant 0 : i32
      %dma_start3A_2622 = arith.constant 0 : i32
      %dma_start3A_2623 = tpu.memref_slice %dma_start3A_2619[%add3A, %dma_start3A_2620, %dma_start3A_2621, %dma_start3A_2622] : memref<32x25x5x80xi32, #tpu.memory_space<hbm>> -> memref<1x25x5x80xi32, #tpu.memory_space<hbm>>
      %dma_start3A_2624 = tpu.memref_squeeze %dma_start3A_2623 : memref<1x25x5x80xi32, #tpu.memory_space<hbm>> -> memref<25x5x80xi32, #tpu.memory_space<hbm>>
      %dma_start3A_2625 = arith.constant 0 : i32
      %dma_start3A_2626 = arith.constant 0 : i32
      %dma_start3A_2627 = tpu.memref_slice %dma_start3A_2624[%add3A_2597, %dma_start3A_2625, %dma_start3A_2626] : memref<25x5x80xi32, #tpu.memory_space<hbm>> -> memref<1x5x80xi32, #tpu.memory_space<hbm>>
      %dma_start3A_2628 = tpu.memref_squeeze %dma_start3A_2627 : memref<1x5x80xi32, #tpu.memory_space<hbm>> -> memref<5x80xi32, #tpu.memory_space<hbm>>
      tpu.enqueue_dma source(%dma_start3A_2628 : memref<5x80xi32, #tpu.memory_space<hbm>>) target(%arg7 : memref<5x80xi32, #tpu.memory_space<vmem>>) target_semaphore(%arg22 : memref<!tpu.dma_semaphore, #tpu.memory_space<semaphore_mem>>)
      %dma_start3A_2629 = arith.constant 1 : i32
      %dma_start3A_2630 = arith.constant 0 : i32
      %dma_start3A_2631 = arith.constant 0 : i32
      %dma_start3A_2632 = arith.constant 0 : i32
      %dma_start3A_2633 = arith.constant 0 : i32
      %dma_start3A_2634 = tpu.memref_slice %arg3[%dma_start3A_2629, %dma_start3A_2630, %dma_start3A_2631, %dma_start3A_2632, %dma_start3A_2633] : memref<2x32x25x5x80xi32, #tpu.memory_space<hbm>> -> memref<1x32x25x5x80xi32, #tpu.memory_space<hbm>>
      %dma_start3A_2635 = tpu.memref_squeeze %dma_start3A_2634 : memref<1x32x25x5x80xi32, #tpu.memory_space<hbm>> -> memref<32x25x5x80xi32, #tpu.memory_space<hbm>>
      %dma_start3A_2636 = arith.constant 0 : i32
      %dma_start3A_2637 = arith.constant 0 : i32
      %dma_start3A_2638 = arith.constant 0 : i32
      %dma_start3A_2639 = tpu.memref_slice %dma_start3A_2635[%add3A, %dma_start3A_2636, %dma_start3A_2637, %dma_start3A_2638] : memref<32x25x5x80xi32, #tpu.memory_space<hbm>> -> memref<1x25x5x80xi32, #tpu.memory_space<hbm>>
      %dma_start3A_2640 = tpu.memref_squeeze %dma_start3A_2639 : memref<1x25x5x80xi32, #tpu.memory_space<hbm>> -> memref<25x5x80xi32, #tpu.memory_space<hbm>>
      %dma_start3A_2641 = arith.constant 0 : i32
      %dma_start3A_2642 = arith.constant 0 : i32
      %dma_start3A_2643 = tpu.memref_slice %dma_start3A_2640[%add3A_2597, %dma_start3A_2641, %dma_start3A_2642] : memref<25x5x80xi32, #tpu.memory_space<hbm>> -> memref<1x5x80xi32, #tpu.memory_space<hbm>>
      %dma_start3A_2644 = tpu.memref_squeeze %dma_start3A_2643 : memref<1x5x80xi32, #tpu.memory_space<hbm>> -> memref<5x80xi32, #tpu.memory_space<hbm>>
      %dma_start3A_2645 = arith.constant 0 : i32
      %dma_start3A_2646 = arith.constant 0 : i32
      %dma_start3A_2647 = arith.constant 0 : i32
      %dma_start3A_2648 = arith.constant 0 : i32
      %dma_start3A_2649 = tpu.memref_slice %arg3[%dma_start3A_2629, %dma_start3A_2645, %dma_start3A_2646, %dma_start3A_2647, %dma_start3A_2648] : memref<2x32x25x5x80xi32, #tpu.memory_space<hbm>> -> memref<1x32x25x5x80xi32, #tpu.memory_space<hbm>>
      %dma_start3A_2650 = tpu.memref_squeeze %dma_start3A_2649 : memref<1x32x25x5x80xi32, #tpu.memory_space<hbm>> -> memref<32x25x5x80xi32, #tpu.memory_space<hbm>>
      %dma_start3A_2651 = arith.constant 0 : i32
      %dma_start3A_2652 = arith.constant 0 : i32
      %dma_start3A_2653 = arith.constant 0 : i32
      %dma_start3A_2654 = tpu.memref_slice %dma_start3A_2650[%add3A, %dma_start3A_2651, %dma_start3A_2652, %dma_start3A_2653] : memref<32x25x5x80xi32, #tpu.memory_space<hbm>> -> memref<1x25x5x80xi32, #tpu.memory_space<hbm>>
      %dma_start3A_2655 = tpu.memref_squeeze %dma_start3A_2654 : memref<1x25x5x80xi32, #tpu.memory_space<hbm>> -> memref<25x5x80xi32, #tpu.memory_space<hbm>>
      %dma_start3A_2656 = arith.constant 0 : i32
      %dma_start3A_2657 = arith.constant 0 : i32
      %dma_start3A_2658 = tpu.memref_slice %dma_start3A_2655[%add3A_2597, %dma_start3A_2656, %dma_start3A_2657] : memref<25x5x80xi32, #tpu.memory_space<hbm>> -> memref<1x5x80xi32, #tpu.memory_space<hbm>>
      %dma_start3A_2659 = tpu.memref_squeeze %dma_start3A_2658 : memref<1x5x80xi32, #tpu.memory_space<hbm>> -> memref<5x80xi32, #tpu.memory_space<hbm>>
      tpu.enqueue_dma source(%dma_start3A_2659 : memref<5x80xi32, #tpu.memory_space<hbm>>) target(%arg8 : memref<5x80xi32, #tpu.memory_space<vmem>>) target_semaphore(%arg22 : memref<!tpu.dma_semaphore, #tpu.memory_space<semaphore_mem>>)
      %dma_start3A_2660 = arith.constant 2 : i32
      %dma_start3A_2661 = arith.constant 0 : i32
      %dma_start3A_2662 = tpu.memref_slice %arg9[%dma_start3A_2660, %dma_start3A_2661] : memref<5x80xi32, #tpu.memory_space<vmem>> -> memref<1x80xi32, #tpu.memory_space<vmem>>
      %dma_start3A_2663 = tpu.memref_squeeze %dma_start3A_2662 : memref<1x80xi32, #tpu.memory_space<vmem>> -> memref<80xi32, #tpu.memory_space<vmem>>
      %dma_start3A_2664 = arith.constant 0 : i32
      %dma_start3A_2665 = arith.constant 0 : i32
      %dma_start3A_2666 = tpu.memref_slice %arg2[%dma_start3A_2664, %dma_start3A_2665] : memref<10000x128xf32, #tpu.memory_space<hbm>> -> memref<10000x128xf32, #tpu.memory_space<hbm>>
      tpu.enqueue_indirect_dma source(%dma_start3A_2666 : memref<10000x128xf32, #tpu.memory_space<hbm>>) target(%arg11 : memref<80x128xf32, #tpu.memory_space<vmem>>) offsets(%dma_start3A_2663 : memref<80xi32, #tpu.memory_space<vmem>>) semaphore(%arg15 : memref<!tpu.dma_semaphore, #tpu.memory_space<semaphore_mem>>)
      %dma_wait3A_2667 = arith.constant 0 : i32
      %dma_wait3A_2668 = arith.constant 0 : i32
      %dma_wait3A_2669 = tpu.memref_slice %arg5[%dma_wait3A_2667, %dma_wait3A_2668] : memref<5x80xi32, #tpu.memory_space<vmem>> -> memref<1x80xi32, #tpu.memory_space<vmem>>
      %dma_wait3A_2670 = tpu.memref_squeeze %dma_wait3A_2669 : memref<1x80xi32, #tpu.memory_space<vmem>> -> memref<80xi32, #tpu.memory_space<vmem>>
      %dma_wait3A_2671 = arith.constant 0 : i32
      %dma_wait3A_2672 = arith.constant 0 : i32
      %dma_wait3A_2673 = tpu.memref_slice %arg2[%dma_wait3A_2671, %dma_wait3A_2672] : memref<10000x128xf32, #tpu.memory_space<hbm>> -> memref<10000x128xf32, #tpu.memory_space<hbm>>
      tpu.wait_indirect_dma semaphore(%arg16 : memref<!tpu.dma_semaphore, #tpu.memory_space<semaphore_mem>>) src(%dma_wait3A_2673 : memref<10000x128xf32, #tpu.memory_space<hbm>>) dst(%arg12 : memref<80x128xf32, #tpu.memory_space<vmem>>)
      %dma_start3A_2674 = arith.constant 0 : i32
      %dma_start3A_2675 = arith.constant 0 : i32
      %dma_start3A_2676 = tpu.memref_slice %arg10[%dma_start3A_2674, %dma_start3A_2675] : memref<5x80xi32, #tpu.memory_space<vmem>> -> memref<1x80xi32, #tpu.memory_space<vmem>>
      %dma_start3A_2677 = tpu.memref_squeeze %dma_start3A_2676 : memref<1x80xi32, #tpu.memory_space<vmem>> -> memref<80xi32, #tpu.memory_space<vmem>>
      %dma_start3A_2678 = arith.constant 0 : i32
      %dma_start3A_2679 = arith.constant 0 : i32
      %dma_start3A_2680 = tpu.memref_slice %arg14[%dma_start3A_2678, %dma_start3A_2679] : memref<10000x128xf32, #tpu.memory_space<vmem_shared>> -> memref<10000x128xf32, #tpu.memory_space<vmem_shared>>
      tpu.enqueue_indirect_dma source(%arg12 : memref<80x128xf32, #tpu.memory_space<vmem>>) target(%dma_start3A_2680 : memref<10000x128xf32, #tpu.memory_space<vmem_shared>>) offsets(%dma_start3A_2677 : memref<80xi32, #tpu.memory_space<vmem>>) semaphore(%arg19 : memref<!tpu.dma_semaphore, #tpu.memory_space<semaphore_mem>>) {add = true}
      %dma_wait3A_2681 = arith.constant 0 : i32
      %dma_wait3A_2682 = arith.constant 0 : i32
      %dma_wait3A_2683 = tpu.memref_slice %arg6[%dma_wait3A_2681, %dma_wait3A_2682] : memref<5x80xi32, #tpu.memory_space<vmem>> -> memref<1x80xi32, #tpu.memory_space<vmem>>
      %dma_wait3A_2684 = tpu.memref_squeeze %dma_wait3A_2683 : memref<1x80xi32, #tpu.memory_space<vmem>> -> memref<80xi32, #tpu.memory_space<vmem>>
      %dma_wait3A_2685 = arith.constant 0 : i32
      %dma_wait3A_2686 = arith.constant 0 : i32
      %dma_wait3A_2687 = tpu.memref_slice %arg14[%dma_wait3A_2685, %dma_wait3A_2686] : memref<10000x128xf32, #tpu.memory_space<vmem_shared>> -> memref<10000x128xf32, #tpu.memory_space<vmem_shared>>
      tpu.wait_indirect_dma semaphore(%arg19 : memref<!tpu.dma_semaphore, #tpu.memory_space<semaphore_mem>>) src(%arg12 : memref<80x128xf32, #tpu.memory_space<vmem>>) dst(%dma_wait3A_2687 : memref<10000x128xf32, #tpu.memory_space<vmem_shared>>)
      %dma_start3A_2688 = arith.constant 3 : i32
      %dma_start3A_2689 = arith.constant 0 : i32
      %dma_start3A_2690 = tpu.memref_slice %arg9[%dma_start3A_2688, %dma_start3A_2689] : memref<5x80xi32, #tpu.memory_space<vmem>> -> memref<1x80xi32, #tpu.memory_space<vmem>>
      %dma_start3A_2691 = tpu.memref_squeeze %dma_start3A_2690 : memref<1x80xi32, #tpu.memory_space<vmem>> -> memref<80xi32, #tpu.memory_space<vmem>>
      %dma_start3A_2692 = arith.constant 0 : i32
      %dma_start3A_2693 = arith.constant 0 : i32
      %dma_start3A_2694 = tpu.memref_slice %arg2[%dma_start3A_2692, %dma_start3A_2693] : memref<10000x128xf32, #tpu.memory_space<hbm>> -> memref<10000x128xf32, #tpu.memory_space<hbm>>
      tpu.enqueue_indirect_dma source(%dma_start3A_2694 : memref<10000x128xf32, #tpu.memory_space<hbm>>) target(%arg12 : memref<80x128xf32, #tpu.memory_space<vmem>>) offsets(%dma_start3A_2691 : memref<80xi32, #tpu.memory_space<vmem>>) semaphore(%arg16 : memref<!tpu.dma_semaphore, #tpu.memory_space<semaphore_mem>>)
      %dma_wait3A_2695 = arith.constant 0 : i32
      %dma_wait3A_2696 = arith.constant 0 : i32
      %dma_wait3A_2697 = tpu.memref_slice %arg5[%dma_wait3A_2695, %dma_wait3A_2696] : memref<5x80xi32, #tpu.memory_space<vmem>> -> memref<1x80xi32, #tpu.memory_space<vmem>>
      %dma_wait3A_2698 = tpu.memref_squeeze %dma_wait3A_2697 : memref<1x80xi32, #tpu.memory_space<vmem>> -> memref<80xi32, #tpu.memory_space<vmem>>
      %dma_wait3A_2699 = arith.constant 0 : i32
      %dma_wait3A_2700 = arith.constant 0 : i32
      %dma_wait3A_2701 = tpu.memref_slice %arg2[%dma_wait3A_2699, %dma_wait3A_2700] : memref<10000x128xf32, #tpu.memory_space<hbm>> -> memref<10000x128xf32, #tpu.memory_space<hbm>>
      tpu.wait_indirect_dma semaphore(%arg17 : memref<!tpu.dma_semaphore, #tpu.memory_space<semaphore_mem>>) src(%dma_wait3A_2701 : memref<10000x128xf32, #tpu.memory_space<hbm>>) dst(%arg13 : memref<80x128xf32, #tpu.memory_space<vmem>>)
      %dma_start3A_2702 = arith.constant 1 : i32
      %dma_start3A_2703 = arith.constant 0 : i32
      %dma_start3A_2704 = tpu.memref_slice %arg10[%dma_start3A_2702, %dma_start3A_2703] : memref<5x80xi32, #tpu.memory_space<vmem>> -> memref<1x80xi32, #tpu.memory_space<vmem>>
      %dma_start3A_2705 = tpu.memref_squeeze %dma_start3A_2704 : memref<1x80xi32, #tpu.memory_space<vmem>> -> memref<80xi32, #tpu.memory_space<vmem>>
      %dma_start3A_2706 = arith.constant 0 : i32
      %dma_start3A_2707 = arith.constant 0 : i32
      %dma_start3A_2708 = tpu.memref_slice %arg14[%dma_start3A_2706, %dma_start3A_2707] : memref<10000x128xf32, #tpu.memory_space<vmem_shared>> -> memref<10000x128xf32, #tpu.memory_space<vmem_shared>>
      tpu.enqueue_indirect_dma source(%arg13 : memref<80x128xf32, #tpu.memory_space<vmem>>) target(%dma_start3A_2708 : memref<10000x128xf32, #tpu.memory_space<vmem_shared>>) offsets(%dma_start3A_2705 : memref<80xi32, #tpu.memory_space<vmem>>) semaphore(%arg20 : memref<!tpu.dma_semaphore, #tpu.memory_space<semaphore_mem>>) {add = true}
      %dma_wait3A_2709 = arith.constant 0 : i32
      %dma_wait3A_2710 = arith.constant 0 : i32
      %dma_wait3A_2711 = tpu.memref_slice %arg6[%dma_wait3A_2709, %dma_wait3A_2710] : memref<5x80xi32, #tpu.memory_space<vmem>> -> memref<1x80xi32, #tpu.memory_space<vmem>>
      %dma_wait3A_2712 = tpu.memref_squeeze %dma_wait3A_2711 : memref<1x80xi32, #tpu.memory_space<vmem>> -> memref<80xi32, #tpu.memory_space<vmem>>
      %dma_wait3A_2713 = arith.constant 0 : i32
      %dma_wait3A_2714 = arith.constant 0 : i32
      %dma_wait3A_2715 = tpu.memref_slice %arg14[%dma_wait3A_2713, %dma_wait3A_2714] : memref<10000x128xf32, #tpu.memory_space<vmem_shared>> -> memref<10000x128xf32, #tpu.memory_space<vmem_shared>>
      tpu.wait_indirect_dma semaphore(%arg20 : memref<!tpu.dma_semaphore, #tpu.memory_space<semaphore_mem>>) src(%arg13 : memref<80x128xf32, #tpu.memory_space<vmem>>) dst(%dma_wait3A_2715 : memref<10000x128xf32, #tpu.memory_space<vmem_shared>>)
      %dma_start3A_2716 = arith.constant 4 : i32
      %dma_start3A_2717 = arith.constant 0 : i32
      %dma_start3A_2718 = tpu.memref_slice %arg9[%dma_start3A_2716, %dma_start3A_2717] : memref<5x80xi32, #tpu.memory_space<vmem>> -> memref<1x80xi32, #tpu.memory_space<vmem>>
      %dma_start3A_2719 = tpu.memref_squeeze %dma_start3A_2718 : memref<1x80xi32, #tpu.memory_space<vmem>> -> memref<80xi32, #tpu.memory_space<vmem>>
      %dma_start3A_2720 = arith.constant 0 : i32
      %dma_start3A_2721 = arith.constant 0 : i32
      %dma_start3A_2722 = tpu.memref_slice %arg2[%dma_start3A_2720, %dma_start3A_2721] : memref<10000x128xf32, #tpu.memory_space<hbm>> -> memref<10000x128xf32, #tpu.memory_space<hbm>>
      tpu.enqueue_indirect_dma source(%dma_start3A_2722 : memref<10000x128xf32, #tpu.memory_space<hbm>>) target(%arg13 : memref<80x128xf32, #tpu.memory_space<vmem>>) offsets(%dma_start3A_2719 : memref<80xi32, #tpu.memory_space<vmem>>) semaphore(%arg17 : memref<!tpu.dma_semaphore, #tpu.memory_space<semaphore_mem>>)
      %dma_wait3A_2723 = arith.constant 0 : i32
      %dma_wait3A_2724 = arith.constant 0 : i32
      %dma_wait3A_2725 = tpu.memref_slice %arg5[%dma_wait3A_2723, %dma_wait3A_2724] : memref<5x80xi32, #tpu.memory_space<vmem>> -> memref<1x80xi32, #tpu.memory_space<vmem>>
      %dma_wait3A_2726 = tpu.memref_squeeze %dma_wait3A_2725 : memref<1x80xi32, #tpu.memory_space<vmem>> -> memref<80xi32, #tpu.memory_space<vmem>>
      %dma_wait3A_2727 = arith.constant 0 : i32
      %dma_wait3A_2728 = arith.constant 0 : i32
      %dma_wait3A_2729 = tpu.memref_slice %arg2[%dma_wait3A_2727, %dma_wait3A_2728] : memref<10000x128xf32, #tpu.memory_space<hbm>> -> memref<10000x128xf32, #tpu.memory_space<hbm>>
      tpu.wait_indirect_dma semaphore(%arg15 : memref<!tpu.dma_semaphore, #tpu.memory_space<semaphore_mem>>) src(%dma_wait3A_2729 : memref<10000x128xf32, #tpu.memory_space<hbm>>) dst(%arg11 : memref<80x128xf32, #tpu.memory_space<vmem>>)
      %dma_start3A_2730 = arith.constant 2 : i32
      %dma_start3A_2731 = arith.constant 0 : i32
      %dma_start3A_2732 = tpu.memref_slice %arg10[%dma_start3A_2730, %dma_start3A_2731] : memref<5x80xi32, #tpu.memory_space<vmem>> -> memref<1x80xi32, #tpu.memory_space<vmem>>
      %dma_start3A_2733 = tpu.memref_squeeze %dma_start3A_2732 : memref<1x80xi32, #tpu.memory_space<vmem>> -> memref<80xi32, #tpu.memory_space<vmem>>
      %dma_start3A_2734 = arith.constant 0 : i32
      %dma_start3A_2735 = arith.constant 0 : i32
      %dma_start3A_2736 = tpu.memref_slice %arg14[%dma_start3A_2734, %dma_start3A_2735] : memref<10000x128xf32, #tpu.memory_space<vmem_shared>> -> memref<10000x128xf32, #tpu.memory_space<vmem_shared>>
      tpu.enqueue_indirect_dma source(%arg11 : memref<80x128xf32, #tpu.memory_space<vmem>>) target(%dma_start3A_2736 : memref<10000x128xf32, #tpu.memory_space<vmem_shared>>) offsets(%dma_start3A_2733 : memref<80xi32, #tpu.memory_space<vmem>>) semaphore(%arg18 : memref<!tpu.dma_semaphore, #tpu.memory_space<semaphore_mem>>) {add = true}
      %dma_wait3A_2737 = arith.constant 0 : i32
      %dma_wait3A_2738 = arith.constant 0 : i32
      %dma_wait3A_2739 = tpu.memref_slice %arg6[%dma_wait3A_2737, %dma_wait3A_2738] : memref<5x80xi32, #tpu.memory_space<vmem>> -> memref<1x80xi32, #tpu.memory_space<vmem>>
      %dma_wait3A_2740 = tpu.memref_squeeze %dma_wait3A_2739 : memref<1x80xi32, #tpu.memory_space<vmem>> -> memref<80xi32, #tpu.memory_space<vmem>>
      %dma_wait3A_2741 = arith.constant 0 : i32
      %dma_wait3A_2742 = arith.constant 0 : i32
      %dma_wait3A_2743 = tpu.memref_slice %arg14[%dma_wait3A_2741, %dma_wait3A_2742] : memref<10000x128xf32, #tpu.memory_space<vmem_shared>> -> memref<10000x128xf32, #tpu.memory_space<vmem_shared>>
      tpu.wait_indirect_dma semaphore(%arg18 : memref<!tpu.dma_semaphore, #tpu.memory_space<semaphore_mem>>) src(%arg11 : memref<80x128xf32, #tpu.memory_space<vmem>>) dst(%dma_wait3A_2743 : memref<10000x128xf32, #tpu.memory_space<vmem_shared>>)
      %dma_wait3A_2744 = arith.constant 0 : i32
      %dma_wait3A_2745 = arith.constant 0 : i32
      %dma_wait3A_2746 = arith.constant 0 : i32
      %dma_wait3A_2747 = arith.constant 0 : i32
      %dma_wait3A_2748 = arith.constant 0 : i32
      %dma_wait3A_2749 = arith.constant 0 : i32
      %dma_wait3A_2750 = tpu.memref_slice %arg3[%dma_wait3A_2744, %dma_wait3A_2746, %dma_wait3A_2747, %dma_wait3A_2748, %dma_wait3A_2749] : memref<2x32x25x5x80xi32, #tpu.memory_space<hbm>> -> memref<1x32x25x5x80xi32, #tpu.memory_space<hbm>>
      %dma_wait3A_2751 = tpu.memref_squeeze %dma_wait3A_2750 : memref<1x32x25x5x80xi32, #tpu.memory_space<hbm>> -> memref<32x25x5x80xi32, #tpu.memory_space<hbm>>
      %dma_wait3A_2752 = arith.constant 0 : i32
      %dma_wait3A_2753 = arith.constant 0 : i32
      %dma_wait3A_2754 = arith.constant 0 : i32
      %dma_wait3A_2755 = tpu.memref_slice %dma_wait3A_2751[%add3A, %dma_wait3A_2752, %dma_wait3A_2753, %dma_wait3A_2754] : memref<32x25x5x80xi32, #tpu.memory_space<hbm>> -> memref<1x25x5x80xi32, #tpu.memory_space<hbm>>
      %dma_wait3A_2756 = tpu.memref_squeeze %dma_wait3A_2755 : memref<1x25x5x80xi32, #tpu.memory_space<hbm>> -> memref<25x5x80xi32, #tpu.memory_space<hbm>>
      %dma_wait3A_2757 = arith.constant 0 : i32
      %dma_wait3A_2758 = arith.constant 0 : i32
      %dma_wait3A_2759 = tpu.memref_slice %dma_wait3A_2756[%dma_wait3A_2745, %dma_wait3A_2757, %dma_wait3A_2758] : memref<25x5x80xi32, #tpu.memory_space<hbm>> -> memref<1x5x80xi32, #tpu.memory_space<hbm>>
      %dma_wait3A_2760 = tpu.memref_squeeze %dma_wait3A_2759 : memref<1x5x80xi32, #tpu.memory_space<hbm>> -> memref<5x80xi32, #tpu.memory_space<hbm>>
      %dma_wait3A_2761 = arith.constant 0 : i32
      %dma_wait3A_2762 = arith.constant 0 : i32
      %dma_wait3A_2763 = arith.constant 0 : i32
      %dma_wait3A_2764 = arith.constant 0 : i32
      %dma_wait3A_2765 = tpu.memref_slice %arg3[%dma_wait3A_2744, %dma_wait3A_2761, %dma_wait3A_2762, %dma_wait3A_2763, %dma_wait3A_2764] : memref<2x32x25x5x80xi32, #tpu.memory_space<hbm>> -> memref<1x32x25x5x80xi32, #tpu.memory_space<hbm>>
      %dma_wait3A_2766 = tpu.memref_squeeze %dma_wait3A_2765 : memref<1x32x25x5x80xi32, #tpu.memory_space<hbm>> -> memref<32x25x5x80xi32, #tpu.memory_space<hbm>>
      %dma_wait3A_2767 = arith.constant 0 : i32
      %dma_wait3A_2768 = arith.constant 0 : i32
      %dma_wait3A_2769 = arith.constant 0 : i32
      %dma_wait3A_2770 = tpu.memref_slice %dma_wait3A_2766[%add3A, %dma_wait3A_2767, %dma_wait3A_2768, %dma_wait3A_2769] : memref<32x25x5x80xi32, #tpu.memory_space<hbm>> -> memref<1x25x5x80xi32, #tpu.memory_space<hbm>>
      %dma_wait3A_2771 = tpu.memref_squeeze %dma_wait3A_2770 : memref<1x25x5x80xi32, #tpu.memory_space<hbm>> -> memref<25x5x80xi32, #tpu.memory_space<hbm>>
      %dma_wait3A_2772 = arith.constant 0 : i32
      %dma_wait3A_2773 = arith.constant 0 : i32
      %dma_wait3A_2774 = tpu.memref_slice %dma_wait3A_2771[%dma_wait3A_2745, %dma_wait3A_2772, %dma_wait3A_2773] : memref<25x5x80xi32, #tpu.memory_space<hbm>> -> memref<1x5x80xi32, #tpu.memory_space<hbm>>
      %dma_wait3A_2775 = tpu.memref_squeeze %dma_wait3A_2774 : memref<1x5x80xi32, #tpu.memory_space<hbm>> -> memref<5x80xi32, #tpu.memory_space<hbm>>
      tpu.wait_dma2 semaphore(%arg21 : memref<!tpu.dma_semaphore, #tpu.memory_space<semaphore_mem>>) src(%dma_wait3A_2775 : memref<5x80xi32, #tpu.memory_space<hbm>>) dst(%arg5 : memref<5x80xi32, #tpu.memory_space<vmem>>)
      %dma_wait3A_2776 = arith.constant 1 : i32
      %dma_wait3A_2777 = arith.constant 0 : i32
      %dma_wait3A_2778 = arith.constant 0 : i32
      %dma_wait3A_2779 = arith.constant 0 : i32
      %dma_wait3A_2780 = arith.constant 0 : i32
      %dma_wait3A_2781 = arith.constant 0 : i32
      %dma_wait3A_2782 = tpu.memref_slice %arg3[%dma_wait3A_2776, %dma_wait3A_2778, %dma_wait3A_2779, %dma_wait3A_2780, %dma_wait3A_2781] : memref<2x32x25x5x80xi32, #tpu.memory_space<hbm>> -> memref<1x32x25x5x80xi32, #tpu.memory_space<hbm>>
      %dma_wait3A_2783 = tpu.memref_squeeze %dma_wait3A_2782 : memref<1x32x25x5x80xi32, #tpu.memory_space<hbm>> -> memref<32x25x5x80xi32, #tpu.memory_space<hbm>>
      %dma_wait3A_2784 = arith.constant 0 : i32
      %dma_wait3A_2785 = arith.constant 0 : i32
      %dma_wait3A_2786 = arith.constant 0 : i32
      %dma_wait3A_2787 = tpu.memref_slice %dma_wait3A_2783[%add3A, %dma_wait3A_2784, %dma_wait3A_2785, %dma_wait3A_2786] : memref<32x25x5x80xi32, #tpu.memory_space<hbm>> -> memref<1x25x5x80xi32, #tpu.memory_space<hbm>>
      %dma_wait3A_2788 = tpu.memref_squeeze %dma_wait3A_2787 : memref<1x25x5x80xi32, #tpu.memory_space<hbm>> -> memref<25x5x80xi32, #tpu.memory_space<hbm>>
      %dma_wait3A_2789 = arith.constant 0 : i32
      %dma_wait3A_2790 = arith.constant 0 : i32
      %dma_wait3A_2791 = tpu.memref_slice %dma_wait3A_2788[%dma_wait3A_2777, %dma_wait3A_2789, %dma_wait3A_2790] : memref<25x5x80xi32, #tpu.memory_space<hbm>> -> memref<1x5x80xi32, #tpu.memory_space<hbm>>
      %dma_wait3A_2792 = tpu.memref_squeeze %dma_wait3A_2791 : memref<1x5x80xi32, #tpu.memory_space<hbm>> -> memref<5x80xi32, #tpu.memory_space<hbm>>
      %dma_wait3A_2793 = arith.constant 0 : i32
      %dma_wait3A_2794 = arith.constant 0 : i32
      %dma_wait3A_2795 = arith.constant 0 : i32
      %dma_wait3A_2796 = arith.constant 0 : i32
      %dma_wait3A_2797 = tpu.memref_slice %arg3[%dma_wait3A_2776, %dma_wait3A_2793, %dma_wait3A_2794, %dma_wait3A_2795, %dma_wait3A_2796] : memref<2x32x25x5x80xi32, #tpu.memory_space<hbm>> -> memref<1x32x25x5x80xi32, #tpu.memory_space<hbm>>
      %dma_wait3A_2798 = tpu.memref_squeeze %dma_wait3A_2797 : memref<1x32x25x5x80xi32, #tpu.memory_space<hbm>> -> memref<32x25x5x80xi32, #tpu.memory_space<hbm>>
      %dma_wait3A_2799 = arith.constant 0 : i32
      %dma_wait3A_2800 = arith.constant 0 : i32
      %dma_wait3A_2801 = arith.constant 0 : i32
      %dma_wait3A_2802 = tpu.memref_slice %dma_wait3A_2798[%add3A, %dma_wait3A_2799, %dma_wait3A_2800, %dma_wait3A_2801] : memref<32x25x5x80xi32, #tpu.memory_space<hbm>> -> memref<1x25x5x80xi32, #tpu.memory_space<hbm>>
      %dma_wait3A_2803 = tpu.memref_squeeze %dma_wait3A_2802 : memref<1x25x5x80xi32, #tpu.memory_space<hbm>> -> memref<25x5x80xi32, #tpu.memory_space<hbm>>
      %dma_wait3A_2804 = arith.constant 0 : i32
      %dma_wait3A_2805 = arith.constant 0 : i32
      %dma_wait3A_2806 = tpu.memref_slice %dma_wait3A_2803[%dma_wait3A_2777, %dma_wait3A_2804, %dma_wait3A_2805] : memref<25x5x80xi32, #tpu.memory_space<hbm>> -> memref<1x5x80xi32, #tpu.memory_space<hbm>>
      %dma_wait3A_2807 = tpu.memref_squeeze %dma_wait3A_2806 : memref<1x5x80xi32, #tpu.memory_space<hbm>> -> memref<5x80xi32, #tpu.memory_space<hbm>>
      tpu.wait_dma2 semaphore(%arg21 : memref<!tpu.dma_semaphore, #tpu.memory_space<semaphore_mem>>) src(%dma_wait3A_2807 : memref<5x80xi32, #tpu.memory_space<hbm>>) dst(%arg6 : memref<5x80xi32, #tpu.memory_space<vmem>>)
      %dma_start3A_2808 = arith.constant 0 : i32
      %dma_start3A_2809 = arith.constant 0 : i32
      %dma_start3A_2810 = tpu.memref_slice %arg5[%dma_start3A_2808, %dma_start3A_2809] : memref<5x80xi32, #tpu.memory_space<vmem>> -> memref<1x80xi32, #tpu.memory_space<vmem>>
      %dma_start3A_2811 = tpu.memref_squeeze %dma_start3A_2810 : memref<1x80xi32, #tpu.memory_space<vmem>> -> memref<80xi32, #tpu.memory_space<vmem>>
      %dma_start3A_2812 = arith.constant 0 : i32
      %dma_start3A_2813 = arith.constant 0 : i32
      %dma_start3A_2814 = tpu.memref_slice %arg2[%dma_start3A_2812, %dma_start3A_2813] : memref<10000x128xf32, #tpu.memory_space<hbm>> -> memref<10000x128xf32, #tpu.memory_space<hbm>>
      tpu.enqueue_indirect_dma source(%dma_start3A_2814 : memref<10000x128xf32, #tpu.memory_space<hbm>>) target(%arg11 : memref<80x128xf32, #tpu.memory_space<vmem>>) offsets(%dma_start3A_2811 : memref<80xi32, #tpu.memory_space<vmem>>) semaphore(%arg15 : memref<!tpu.dma_semaphore, #tpu.memory_space<semaphore_mem>>)
      %dma_wait3A_2815 = arith.constant 0 : i32
      %dma_wait3A_2816 = arith.constant 0 : i32
      %dma_wait3A_2817 = tpu.memref_slice %arg5[%dma_wait3A_2815, %dma_wait3A_2816] : memref<5x80xi32, #tpu.memory_space<vmem>> -> memref<1x80xi32, #tpu.memory_space<vmem>>
      %dma_wait3A_2818 = tpu.memref_squeeze %dma_wait3A_2817 : memref<1x80xi32, #tpu.memory_space<vmem>> -> memref<80xi32, #tpu.memory_space<vmem>>
      %dma_wait3A_2819 = arith.constant 0 : i32
      %dma_wait3A_2820 = arith.constant 0 : i32
      %dma_wait3A_2821 = tpu.memref_slice %arg2[%dma_wait3A_2819, %dma_wait3A_2820] : memref<10000x128xf32, #tpu.memory_space<hbm>> -> memref<10000x128xf32, #tpu.memory_space<hbm>>
      tpu.wait_indirect_dma semaphore(%arg16 : memref<!tpu.dma_semaphore, #tpu.memory_space<semaphore_mem>>) src(%dma_wait3A_2821 : memref<10000x128xf32, #tpu.memory_space<hbm>>) dst(%arg12 : memref<80x128xf32, #tpu.memory_space<vmem>>)
      %dma_start3A_2822 = arith.constant 3 : i32
      %dma_start3A_2823 = arith.constant 0 : i32
      %dma_start3A_2824 = tpu.memref_slice %arg10[%dma_start3A_2822, %dma_start3A_2823] : memref<5x80xi32, #tpu.memory_space<vmem>> -> memref<1x80xi32, #tpu.memory_space<vmem>>
      %dma_start3A_2825 = tpu.memref_squeeze %dma_start3A_2824 : memref<1x80xi32, #tpu.memory_space<vmem>> -> memref<80xi32, #tpu.memory_space<vmem>>
      %dma_start3A_2826 = arith.constant 0 : i32
      %dma_start3A_2827 = arith.constant 0 : i32
      %dma_start3A_2828 = tpu.memref_slice %arg14[%dma_start3A_2826, %dma_start3A_2827] : memref<10000x128xf32, #tpu.memory_space<vmem_shared>> -> memref<10000x128xf32, #tpu.memory_space<vmem_shared>>
      tpu.enqueue_indirect_dma source(%arg12 : memref<80x128xf32, #tpu.memory_space<vmem>>) target(%dma_start3A_2828 : memref<10000x128xf32, #tpu.memory_space<vmem_shared>>) offsets(%dma_start3A_2825 : memref<80xi32, #tpu.memory_space<vmem>>) semaphore(%arg19 : memref<!tpu.dma_semaphore, #tpu.memory_space<semaphore_mem>>) {add = true}
      %dma_wait3A_2829 = arith.constant 0 : i32
      %dma_wait3A_2830 = arith.constant 0 : i32
      %dma_wait3A_2831 = tpu.memref_slice %arg6[%dma_wait3A_2829, %dma_wait3A_2830] : memref<5x80xi32, #tpu.memory_space<vmem>> -> memref<1x80xi32, #tpu.memory_space<vmem>>
      %dma_wait3A_2832 = tpu.memref_squeeze %dma_wait3A_2831 : memref<1x80xi32, #tpu.memory_space<vmem>> -> memref<80xi32, #tpu.memory_space<vmem>>
      %dma_wait3A_2833 = arith.constant 0 : i32
      %dma_wait3A_2834 = arith.constant 0 : i32
      %dma_wait3A_2835 = tpu.memref_slice %arg14[%dma_wait3A_2833, %dma_wait3A_2834] : memref<10000x128xf32, #tpu.memory_space<vmem_shared>> -> memref<10000x128xf32, #tpu.memory_space<vmem_shared>>
      tpu.wait_indirect_dma semaphore(%arg19 : memref<!tpu.dma_semaphore, #tpu.memory_space<semaphore_mem>>) src(%arg12 : memref<80x128xf32, #tpu.memory_space<vmem>>) dst(%dma_wait3A_2835 : memref<10000x128xf32, #tpu.memory_space<vmem_shared>>)
      %dma_start3A_2836 = arith.constant 1 : i32
      %dma_start3A_2837 = arith.constant 0 : i32
      %dma_start3A_2838 = tpu.memref_slice %arg5[%dma_start3A_2836, %dma_start3A_2837] : memref<5x80xi32, #tpu.memory_space<vmem>> -> memref<1x80xi32, #tpu.memory_space<vmem>>
      %dma_start3A_2839 = tpu.memref_squeeze %dma_start3A_2838 : memref<1x80xi32, #tpu.memory_space<vmem>> -> memref<80xi32, #tpu.memory_space<vmem>>
      %dma_start3A_2840 = arith.constant 0 : i32
      %dma_start3A_2841 = arith.constant 0 : i32
      %dma_start3A_2842 = tpu.memref_slice %arg2[%dma_start3A_2840, %dma_start3A_2841] : memref<10000x128xf32, #tpu.memory_space<hbm>> -> memref<10000x128xf32, #tpu.memory_space<hbm>>
      tpu.enqueue_indirect_dma source(%dma_start3A_2842 : memref<10000x128xf32, #tpu.memory_space<hbm>>) target(%arg12 : memref<80x128xf32, #tpu.memory_space<vmem>>) offsets(%dma_start3A_2839 : memref<80xi32, #tpu.memory_space<vmem>>) semaphore(%arg16 : memref<!tpu.dma_semaphore, #tpu.memory_space<semaphore_mem>>)
      %dma_wait3A_2843 = arith.constant 0 : i32
      %dma_wait3A_2844 = arith.constant 0 : i32
      %dma_wait3A_2845 = tpu.memref_slice %arg5[%dma_wait3A_2843, %dma_wait3A_2844] : memref<5x80xi32, #tpu.memory_space<vmem>> -> memref<1x80xi32, #tpu.memory_space<vmem>>
      %dma_wait3A_2846 = tpu.memref_squeeze %dma_wait3A_2845 : memref<1x80xi32, #tpu.memory_space<vmem>> -> memref<80xi32, #tpu.memory_space<vmem>>
      %dma_wait3A_2847 = arith.constant 0 : i32
      %dma_wait3A_2848 = arith.constant 0 : i32
      %dma_wait3A_2849 = tpu.memref_slice %arg2[%dma_wait3A_2847, %dma_wait3A_2848] : memref<10000x128xf32, #tpu.memory_space<hbm>> -> memref<10000x128xf32, #tpu.memory_space<hbm>>
      tpu.wait_indirect_dma semaphore(%arg17 : memref<!tpu.dma_semaphore, #tpu.memory_space<semaphore_mem>>) src(%dma_wait3A_2849 : memref<10000x128xf32, #tpu.memory_space<hbm>>) dst(%arg13 : memref<80x128xf32, #tpu.memory_space<vmem>>)
      %dma_start3A_2850 = arith.constant 4 : i32
      %dma_start3A_2851 = arith.constant 0 : i32
      %dma_start3A_2852 = tpu.memref_slice %arg10[%dma_start3A_2850, %dma_start3A_2851] : memref<5x80xi32, #tpu.memory_space<vmem>> -> memref<1x80xi32, #tpu.memory_space<vmem>>
      %dma_start3A_2853 = tpu.memref_squeeze %dma_start3A_2852 : memref<1x80xi32, #tpu.memory_space<vmem>> -> memref<80xi32, #tpu.memory_space<vmem>>
      %dma_start3A_2854 = arith.constant 0 : i32
      %dma_start3A_2855 = arith.constant 0 : i32
      %dma_start3A_2856 = tpu.memref_slice %arg14[%dma_start3A_2854, %dma_start3A_2855] : memref<10000x128xf32, #tpu.memory_space<vmem_shared>> -> memref<10000x128xf32, #tpu.memory_space<vmem_shared>>
      tpu.enqueue_indirect_dma source(%arg13 : memref<80x128xf32, #tpu.memory_space<vmem>>) target(%dma_start3A_2856 : memref<10000x128xf32, #tpu.memory_space<vmem_shared>>) offsets(%dma_start3A_2853 : memref<80xi32, #tpu.memory_space<vmem>>) semaphore(%arg20 : memref<!tpu.dma_semaphore, #tpu.memory_space<semaphore_mem>>) {add = true}
    }
    %scan3A_1160 = arith.constant 6 : i32
    %dma_wait3A_1161 = arith.constant 0 : i32
    %dma_wait3A_1162 = arith.constant 0 : i32
    %dma_wait3A_1163 = tpu.memref_slice %arg6[%dma_wait3A_1161, %dma_wait3A_1162] : memref<5x80xi32, #tpu.memory_space<vmem>> -> memref<1x80xi32, #tpu.memory_space<vmem>>
    %dma_wait3A_1164 = tpu.memref_squeeze %dma_wait3A_1163 : memref<1x80xi32, #tpu.memory_space<vmem>> -> memref<80xi32, #tpu.memory_space<vmem>>
    %dma_wait3A_1165 = arith.constant 0 : i32
    %dma_wait3A_1166 = arith.constant 0 : i32
    %dma_wait3A_1167 = tpu.memref_slice %arg14[%dma_wait3A_1165, %dma_wait3A_1166] : memref<10000x128xf32, #tpu.memory_space<vmem_shared>> -> memref<10000x128xf32, #tpu.memory_space<vmem_shared>>
    tpu.wait_indirect_dma semaphore(%arg20 : memref<!tpu.dma_semaphore, #tpu.memory_space<semaphore_mem>>) src(%arg13 : memref<80x128xf32, #tpu.memory_space<vmem>>) dst(%dma_wait3A_1167 : memref<10000x128xf32, #tpu.memory_space<vmem_shared>>)
    %dma_start3A_1168 = arith.constant 0 : i32
    %dma_start3A_1169 = arith.constant 23 : i32
    %dma_start3A_1170 = arith.constant 0 : i32
    %dma_start3A_1171 = arith.constant 0 : i32
    %dma_start3A_1172 = arith.constant 0 : i32
    %dma_start3A_1173 = arith.constant 0 : i32
    %dma_start3A_1174 = tpu.memref_slice %arg3[%dma_start3A_1168, %dma_start3A_1170, %dma_start3A_1171, %dma_start3A_1172, %dma_start3A_1173] : memref<2x32x25x5x80xi32, #tpu.memory_space<hbm>> -> memref<1x32x25x5x80xi32, #tpu.memory_space<hbm>>
    %dma_start3A_1175 = tpu.memref_squeeze %dma_start3A_1174 : memref<1x32x25x5x80xi32, #tpu.memory_space<hbm>> -> memref<32x25x5x80xi32, #tpu.memory_space<hbm>>
    %dma_start3A_1176 = arith.constant 0 : i32
    %dma_start3A_1177 = arith.constant 0 : i32
    %dma_start3A_1178 = arith.constant 0 : i32
    %dma_start3A_1179 = tpu.memref_slice %dma_start3A_1175[%add3A, %dma_start3A_1176, %dma_start3A_1177, %dma_start3A_1178] : memref<32x25x5x80xi32, #tpu.memory_space<hbm>> -> memref<1x25x5x80xi32, #tpu.memory_space<hbm>>
    %dma_start3A_1180 = tpu.memref_squeeze %dma_start3A_1179 : memref<1x25x5x80xi32, #tpu.memory_space<hbm>> -> memref<25x5x80xi32, #tpu.memory_space<hbm>>
    %dma_start3A_1181 = arith.constant 0 : i32
    %dma_start3A_1182 = arith.constant 0 : i32
    %dma_start3A_1183 = tpu.memref_slice %dma_start3A_1180[%dma_start3A_1169, %dma_start3A_1181, %dma_start3A_1182] : memref<25x5x80xi32, #tpu.memory_space<hbm>> -> memref<1x5x80xi32, #tpu.memory_space<hbm>>
    %dma_start3A_1184 = tpu.memref_squeeze %dma_start3A_1183 : memref<1x5x80xi32, #tpu.memory_space<hbm>> -> memref<5x80xi32, #tpu.memory_space<hbm>>
    %dma_start3A_1185 = arith.constant 0 : i32
    %dma_start3A_1186 = arith.constant 0 : i32
    %dma_start3A_1187 = arith.constant 0 : i32
    %dma_start3A_1188 = arith.constant 0 : i32
    %dma_start3A_1189 = tpu.memref_slice %arg3[%dma_start3A_1168, %dma_start3A_1185, %dma_start3A_1186, %dma_start3A_1187, %dma_start3A_1188] : memref<2x32x25x5x80xi32, #tpu.memory_space<hbm>> -> memref<1x32x25x5x80xi32, #tpu.memory_space<hbm>>
    %dma_start3A_1190 = tpu.memref_squeeze %dma_start3A_1189 : memref<1x32x25x5x80xi32, #tpu.memory_space<hbm>> -> memref<32x25x5x80xi32, #tpu.memory_space<hbm>>
    %dma_start3A_1191 = arith.constant 0 : i32
    %dma_start3A_1192 = arith.constant 0 : i32
    %dma_start3A_1193 = arith.constant 0 : i32
    %dma_start3A_1194 = tpu.memref_slice %dma_start3A_1190[%add3A, %dma_start3A_1191, %dma_start3A_1192, %dma_start3A_1193] : memref<32x25x5x80xi32, #tpu.memory_space<hbm>> -> memref<1x25x5x80xi32, #tpu.memory_space<hbm>>
    %dma_start3A_1195 = tpu.memref_squeeze %dma_start3A_1194 : memref<1x25x5x80xi32, #tpu.memory_space<hbm>> -> memref<25x5x80xi32, #tpu.memory_space<hbm>>
    %dma_start3A_1196 = arith.constant 0 : i32
    %dma_start3A_1197 = arith.constant 0 : i32
    %dma_start3A_1198 = tpu.memref_slice %dma_start3A_1195[%dma_start3A_1169, %dma_start3A_1196, %dma_start3A_1197] : memref<25x5x80xi32, #tpu.memory_space<hbm>> -> memref<1x5x80xi32, #tpu.memory_space<hbm>>
    %dma_start3A_1199 = tpu.memref_squeeze %dma_start3A_1198 : memref<1x5x80xi32, #tpu.memory_space<hbm>> -> memref<5x80xi32, #tpu.memory_space<hbm>>
    tpu.enqueue_dma source(%dma_start3A_1199 : memref<5x80xi32, #tpu.memory_space<hbm>>) target(%arg9 : memref<5x80xi32, #tpu.memory_space<vmem>>) target_semaphore(%arg23 : memref<!tpu.dma_semaphore, #tpu.memory_space<semaphore_mem>>)
    %dma_start3A_1200 = arith.constant 1 : i32
    %dma_start3A_1201 = arith.constant 23 : i32
    %dma_start3A_1202 = arith.constant 0 : i32
    %dma_start3A_1203 = arith.constant 0 : i32
    %dma_start3A_1204 = arith.constant 0 : i32
    %dma_start3A_1205 = arith.constant 0 : i32
    %dma_start3A_1206 = tpu.memref_slice %arg3[%dma_start3A_1200, %dma_start3A_1202, %dma_start3A_1203, %dma_start3A_1204, %dma_start3A_1205] : memref<2x32x25x5x80xi32, #tpu.memory_space<hbm>> -> memref<1x32x25x5x80xi32, #tpu.memory_space<hbm>>
    %dma_start3A_1207 = tpu.memref_squeeze %dma_start3A_1206 : memref<1x32x25x5x80xi32, #tpu.memory_space<hbm>> -> memref<32x25x5x80xi32, #tpu.memory_space<hbm>>
    %dma_start3A_1208 = arith.constant 0 : i32
    %dma_start3A_1209 = arith.constant 0 : i32
    %dma_start3A_1210 = arith.constant 0 : i32
    %dma_start3A_1211 = tpu.memref_slice %dma_start3A_1207[%add3A, %dma_start3A_1208, %dma_start3A_1209, %dma_start3A_1210] : memref<32x25x5x80xi32, #tpu.memory_space<hbm>> -> memref<1x25x5x80xi32, #tpu.memory_space<hbm>>
    %dma_start3A_1212 = tpu.memref_squeeze %dma_start3A_1211 : memref<1x25x5x80xi32, #tpu.memory_space<hbm>> -> memref<25x5x80xi32, #tpu.memory_space<hbm>>
    %dma_start3A_1213 = arith.constant 0 : i32
    %dma_start3A_1214 = arith.constant 0 : i32
    %dma_start3A_1215 = tpu.memref_slice %dma_start3A_1212[%dma_start3A_1201, %dma_start3A_1213, %dma_start3A_1214] : memref<25x5x80xi32, #tpu.memory_space<hbm>> -> memref<1x5x80xi32, #tpu.memory_space<hbm>>
    %dma_start3A_1216 = tpu.memref_squeeze %dma_start3A_1215 : memref<1x5x80xi32, #tpu.memory_space<hbm>> -> memref<5x80xi32, #tpu.memory_space<hbm>>
    %dma_start3A_1217 = arith.constant 0 : i32
    %dma_start3A_1218 = arith.constant 0 : i32
    %dma_start3A_1219 = arith.constant 0 : i32
    %dma_start3A_1220 = arith.constant 0 : i32
    %dma_start3A_1221 = tpu.memref_slice %arg3[%dma_start3A_1200, %dma_start3A_1217, %dma_start3A_1218, %dma_start3A_1219, %dma_start3A_1220] : memref<2x32x25x5x80xi32, #tpu.memory_space<hbm>> -> memref<1x32x25x5x80xi32, #tpu.memory_space<hbm>>
    %dma_start3A_1222 = tpu.memref_squeeze %dma_start3A_1221 : memref<1x32x25x5x80xi32, #tpu.memory_space<hbm>> -> memref<32x25x5x80xi32, #tpu.memory_space<hbm>>
    %dma_start3A_1223 = arith.constant 0 : i32
    %dma_start3A_1224 = arith.constant 0 : i32
    %dma_start3A_1225 = arith.constant 0 : i32
    %dma_start3A_1226 = tpu.memref_slice %dma_start3A_1222[%add3A, %dma_start3A_1223, %dma_start3A_1224, %dma_start3A_1225] : memref<32x25x5x80xi32, #tpu.memory_space<hbm>> -> memref<1x25x5x80xi32, #tpu.memory_space<hbm>>
    %dma_start3A_1227 = tpu.memref_squeeze %dma_start3A_1226 : memref<1x25x5x80xi32, #tpu.memory_space<hbm>> -> memref<25x5x80xi32, #tpu.memory_space<hbm>>
    %dma_start3A_1228 = arith.constant 0 : i32
    %dma_start3A_1229 = arith.constant 0 : i32
    %dma_start3A_1230 = tpu.memref_slice %dma_start3A_1227[%dma_start3A_1201, %dma_start3A_1228, %dma_start3A_1229] : memref<25x5x80xi32, #tpu.memory_space<hbm>> -> memref<1x5x80xi32, #tpu.memory_space<hbm>>
    %dma_start3A_1231 = tpu.memref_squeeze %dma_start3A_1230 : memref<1x5x80xi32, #tpu.memory_space<hbm>> -> memref<5x80xi32, #tpu.memory_space<hbm>>
    tpu.enqueue_dma source(%dma_start3A_1231 : memref<5x80xi32, #tpu.memory_space<hbm>>) target(%arg10 : memref<5x80xi32, #tpu.memory_space<vmem>>) target_semaphore(%arg23 : memref<!tpu.dma_semaphore, #tpu.memory_space<semaphore_mem>>)
    %dma_start3A_1232 = arith.constant 2 : i32
    %dma_start3A_1233 = arith.constant 0 : i32
    %dma_start3A_1234 = tpu.memref_slice %arg5[%dma_start3A_1232, %dma_start3A_1233] : memref<5x80xi32, #tpu.memory_space<vmem>> -> memref<1x80xi32, #tpu.memory_space<vmem>>
    %dma_start3A_1235 = tpu.memref_squeeze %dma_start3A_1234 : memref<1x80xi32, #tpu.memory_space<vmem>> -> memref<80xi32, #tpu.memory_space<vmem>>
    %dma_start3A_1236 = arith.constant 0 : i32
    %dma_start3A_1237 = arith.constant 0 : i32
    %dma_start3A_1238 = tpu.memref_slice %arg2[%dma_start3A_1236, %dma_start3A_1237] : memref<10000x128xf32, #tpu.memory_space<hbm>> -> memref<10000x128xf32, #tpu.memory_space<hbm>>
    tpu.enqueue_indirect_dma source(%dma_start3A_1238 : memref<10000x128xf32, #tpu.memory_space<hbm>>) target(%arg13 : memref<80x128xf32, #tpu.memory_space<vmem>>) offsets(%dma_start3A_1235 : memref<80xi32, #tpu.memory_space<vmem>>) semaphore(%arg17 : memref<!tpu.dma_semaphore, #tpu.memory_space<semaphore_mem>>)
    %dma_wait3A_1239 = arith.constant 0 : i32
    %dma_wait3A_1240 = arith.constant 0 : i32
    %dma_wait3A_1241 = tpu.memref_slice %arg5[%dma_wait3A_1239, %dma_wait3A_1240] : memref<5x80xi32, #tpu.memory_space<vmem>> -> memref<1x80xi32, #tpu.memory_space<vmem>>
    %dma_wait3A_1242 = tpu.memref_squeeze %dma_wait3A_1241 : memref<1x80xi32, #tpu.memory_space<vmem>> -> memref<80xi32, #tpu.memory_space<vmem>>
    %dma_wait3A_1243 = arith.constant 0 : i32
    %dma_wait3A_1244 = arith.constant 0 : i32
    %dma_wait3A_1245 = tpu.memref_slice %arg2[%dma_wait3A_1243, %dma_wait3A_1244] : memref<10000x128xf32, #tpu.memory_space<hbm>> -> memref<10000x128xf32, #tpu.memory_space<hbm>>
    tpu.wait_indirect_dma semaphore(%arg15 : memref<!tpu.dma_semaphore, #tpu.memory_space<semaphore_mem>>) src(%dma_wait3A_1245 : memref<10000x128xf32, #tpu.memory_space<hbm>>) dst(%arg11 : memref<80x128xf32, #tpu.memory_space<vmem>>)
    %dma_start3A_1246 = arith.constant 0 : i32
    %dma_start3A_1247 = arith.constant 0 : i32
    %dma_start3A_1248 = tpu.memref_slice %arg6[%dma_start3A_1246, %dma_start3A_1247] : memref<5x80xi32, #tpu.memory_space<vmem>> -> memref<1x80xi32, #tpu.memory_space<vmem>>
    %dma_start3A_1249 = tpu.memref_squeeze %dma_start3A_1248 : memref<1x80xi32, #tpu.memory_space<vmem>> -> memref<80xi32, #tpu.memory_space<vmem>>
    %dma_start3A_1250 = arith.constant 0 : i32
    %dma_start3A_1251 = arith.constant 0 : i32
    %dma_start3A_1252 = tpu.memref_slice %arg14[%dma_start3A_1250, %dma_start3A_1251] : memref<10000x128xf32, #tpu.memory_space<vmem_shared>> -> memref<10000x128xf32, #tpu.memory_space<vmem_shared>>
    tpu.enqueue_indirect_dma source(%arg11 : memref<80x128xf32, #tpu.memory_space<vmem>>) target(%dma_start3A_1252 : memref<10000x128xf32, #tpu.memory_space<vmem_shared>>) offsets(%dma_start3A_1249 : memref<80xi32, #tpu.memory_space<vmem>>) semaphore(%arg18 : memref<!tpu.dma_semaphore, #tpu.memory_space<semaphore_mem>>) {add = true}
    %dma_wait3A_1253 = arith.constant 0 : i32
    %dma_wait3A_1254 = arith.constant 0 : i32
    %dma_wait3A_1255 = tpu.memref_slice %arg6[%dma_wait3A_1253, %dma_wait3A_1254] : memref<5x80xi32, #tpu.memory_space<vmem>> -> memref<1x80xi32, #tpu.memory_space<vmem>>
    %dma_wait3A_1256 = tpu.memref_squeeze %dma_wait3A_1255 : memref<1x80xi32, #tpu.memory_space<vmem>> -> memref<80xi32, #tpu.memory_space<vmem>>
    %dma_wait3A_1257 = arith.constant 0 : i32
    %dma_wait3A_1258 = arith.constant 0 : i32
    %dma_wait3A_1259 = tpu.memref_slice %arg14[%dma_wait3A_1257, %dma_wait3A_1258] : memref<10000x128xf32, #tpu.memory_space<vmem_shared>> -> memref<10000x128xf32, #tpu.memory_space<vmem_shared>>
    tpu.wait_indirect_dma semaphore(%arg18 : memref<!tpu.dma_semaphore, #tpu.memory_space<semaphore_mem>>) src(%arg11 : memref<80x128xf32, #tpu.memory_space<vmem>>) dst(%dma_wait3A_1259 : memref<10000x128xf32, #tpu.memory_space<vmem_shared>>)
    %dma_start3A_1260 = arith.constant 3 : i32
    %dma_start3A_1261 = arith.constant 0 : i32
    %dma_start3A_1262 = tpu.memref_slice %arg5[%dma_start3A_1260, %dma_start3A_1261] : memref<5x80xi32, #tpu.memory_space<vmem>> -> memref<1x80xi32, #tpu.memory_space<vmem>>
    %dma_start3A_1263 = tpu.memref_squeeze %dma_start3A_1262 : memref<1x80xi32, #tpu.memory_space<vmem>> -> memref<80xi32, #tpu.memory_space<vmem>>
    %dma_start3A_1264 = arith.constant 0 : i32
    %dma_start3A_1265 = arith.constant 0 : i32
    %dma_start3A_1266 = tpu.memref_slice %arg2[%dma_start3A_1264, %dma_start3A_1265] : memref<10000x128xf32, #tpu.memory_space<hbm>> -> memref<10000x128xf32, #tpu.memory_space<hbm>>
    tpu.enqueue_indirect_dma source(%dma_start3A_1266 : memref<10000x128xf32, #tpu.memory_space<hbm>>) target(%arg11 : memref<80x128xf32, #tpu.memory_space<vmem>>) offsets(%dma_start3A_1263 : memref<80xi32, #tpu.memory_space<vmem>>) semaphore(%arg15 : memref<!tpu.dma_semaphore, #tpu.memory_space<semaphore_mem>>)
    %dma_wait3A_1267 = arith.constant 0 : i32
    %dma_wait3A_1268 = arith.constant 0 : i32
    %dma_wait3A_1269 = tpu.memref_slice %arg5[%dma_wait3A_1267, %dma_wait3A_1268] : memref<5x80xi32, #tpu.memory_space<vmem>> -> memref<1x80xi32, #tpu.memory_space<vmem>>
    %dma_wait3A_1270 = tpu.memref_squeeze %dma_wait3A_1269 : memref<1x80xi32, #tpu.memory_space<vmem>> -> memref<80xi32, #tpu.memory_space<vmem>>
    %dma_wait3A_1271 = arith.constant 0 : i32
    %dma_wait3A_1272 = arith.constant 0 : i32
    %dma_wait3A_1273 = tpu.memref_slice %arg2[%dma_wait3A_1271, %dma_wait3A_1272] : memref<10000x128xf32, #tpu.memory_space<hbm>> -> memref<10000x128xf32, #tpu.memory_space<hbm>>
    tpu.wait_indirect_dma semaphore(%arg16 : memref<!tpu.dma_semaphore, #tpu.memory_space<semaphore_mem>>) src(%dma_wait3A_1273 : memref<10000x128xf32, #tpu.memory_space<hbm>>) dst(%arg12 : memref<80x128xf32, #tpu.memory_space<vmem>>)
    %dma_start3A_1274 = arith.constant 1 : i32
    %dma_start3A_1275 = arith.constant 0 : i32
    %dma_start3A_1276 = tpu.memref_slice %arg6[%dma_start3A_1274, %dma_start3A_1275] : memref<5x80xi32, #tpu.memory_space<vmem>> -> memref<1x80xi32, #tpu.memory_space<vmem>>
    %dma_start3A_1277 = tpu.memref_squeeze %dma_start3A_1276 : memref<1x80xi32, #tpu.memory_space<vmem>> -> memref<80xi32, #tpu.memory_space<vmem>>
    %dma_start3A_1278 = arith.constant 0 : i32
    %dma_start3A_1279 = arith.constant 0 : i32
    %dma_start3A_1280 = tpu.memref_slice %arg14[%dma_start3A_1278, %dma_start3A_1279] : memref<10000x128xf32, #tpu.memory_space<vmem_shared>> -> memref<10000x128xf32, #tpu.memory_space<vmem_shared>>
    tpu.enqueue_indirect_dma source(%arg12 : memref<80x128xf32, #tpu.memory_space<vmem>>) target(%dma_start3A_1280 : memref<10000x128xf32, #tpu.memory_space<vmem_shared>>) offsets(%dma_start3A_1277 : memref<80xi32, #tpu.memory_space<vmem>>) semaphore(%arg19 : memref<!tpu.dma_semaphore, #tpu.memory_space<semaphore_mem>>) {add = true}
    %dma_wait3A_1281 = arith.constant 0 : i32
    %dma_wait3A_1282 = arith.constant 0 : i32
    %dma_wait3A_1283 = tpu.memref_slice %arg6[%dma_wait3A_1281, %dma_wait3A_1282] : memref<5x80xi32, #tpu.memory_space<vmem>> -> memref<1x80xi32, #tpu.memory_space<vmem>>
    %dma_wait3A_1284 = tpu.memref_squeeze %dma_wait3A_1283 : memref<1x80xi32, #tpu.memory_space<vmem>> -> memref<80xi32, #tpu.memory_space<vmem>>
    %dma_wait3A_1285 = arith.constant 0 : i32
    %dma_wait3A_1286 = arith.constant 0 : i32
    %dma_wait3A_1287 = tpu.memref_slice %arg14[%dma_wait3A_1285, %dma_wait3A_1286] : memref<10000x128xf32, #tpu.memory_space<vmem_shared>> -> memref<10000x128xf32, #tpu.memory_space<vmem_shared>>
    tpu.wait_indirect_dma semaphore(%arg19 : memref<!tpu.dma_semaphore, #tpu.memory_space<semaphore_mem>>) src(%arg12 : memref<80x128xf32, #tpu.memory_space<vmem>>) dst(%dma_wait3A_1287 : memref<10000x128xf32, #tpu.memory_space<vmem_shared>>)
    %dma_start3A_1288 = arith.constant 4 : i32
    %dma_start3A_1289 = arith.constant 0 : i32
    %dma_start3A_1290 = tpu.memref_slice %arg5[%dma_start3A_1288, %dma_start3A_1289] : memref<5x80xi32, #tpu.memory_space<vmem>> -> memref<1x80xi32, #tpu.memory_space<vmem>>
    %dma_start3A_1291 = tpu.memref_squeeze %dma_start3A_1290 : memref<1x80xi32, #tpu.memory_space<vmem>> -> memref<80xi32, #tpu.memory_space<vmem>>
    %dma_start3A_1292 = arith.constant 0 : i32
    %dma_start3A_1293 = arith.constant 0 : i32
    %dma_start3A_1294 = tpu.memref_slice %arg2[%dma_start3A_1292, %dma_start3A_1293] : memref<10000x128xf32, #tpu.memory_space<hbm>> -> memref<10000x128xf32, #tpu.memory_space<hbm>>
    tpu.enqueue_indirect_dma source(%dma_start3A_1294 : memref<10000x128xf32, #tpu.memory_space<hbm>>) target(%arg12 : memref<80x128xf32, #tpu.memory_space<vmem>>) offsets(%dma_start3A_1291 : memref<80xi32, #tpu.memory_space<vmem>>) semaphore(%arg16 : memref<!tpu.dma_semaphore, #tpu.memory_space<semaphore_mem>>)
    %dma_wait3A_1295 = arith.constant 0 : i32
    %dma_wait3A_1296 = arith.constant 0 : i32
    %dma_wait3A_1297 = tpu.memref_slice %arg5[%dma_wait3A_1295, %dma_wait3A_1296] : memref<5x80xi32, #tpu.memory_space<vmem>> -> memref<1x80xi32, #tpu.memory_space<vmem>>
    %dma_wait3A_1298 = tpu.memref_squeeze %dma_wait3A_1297 : memref<1x80xi32, #tpu.memory_space<vmem>> -> memref<80xi32, #tpu.memory_space<vmem>>
    %dma_wait3A_1299 = arith.constant 0 : i32
    %dma_wait3A_1300 = arith.constant 0 : i32
    %dma_wait3A_1301 = tpu.memref_slice %arg2[%dma_wait3A_1299, %dma_wait3A_1300] : memref<10000x128xf32, #tpu.memory_space<hbm>> -> memref<10000x128xf32, #tpu.memory_space<hbm>>
    tpu.wait_indirect_dma semaphore(%arg17 : memref<!tpu.dma_semaphore, #tpu.memory_space<semaphore_mem>>) src(%dma_wait3A_1301 : memref<10000x128xf32, #tpu.memory_space<hbm>>) dst(%arg13 : memref<80x128xf32, #tpu.memory_space<vmem>>)
    %dma_start3A_1302 = arith.constant 2 : i32
    %dma_start3A_1303 = arith.constant 0 : i32
    %dma_start3A_1304 = tpu.memref_slice %arg6[%dma_start3A_1302, %dma_start3A_1303] : memref<5x80xi32, #tpu.memory_space<vmem>> -> memref<1x80xi32, #tpu.memory_space<vmem>>
    %dma_start3A_1305 = tpu.memref_squeeze %dma_start3A_1304 : memref<1x80xi32, #tpu.memory_space<vmem>> -> memref<80xi32, #tpu.memory_space<vmem>>
    %dma_start3A_1306 = arith.constant 0 : i32
    %dma_start3A_1307 = arith.constant 0 : i32
    %dma_start3A_1308 = tpu.memref_slice %arg14[%dma_start3A_1306, %dma_start3A_1307] : memref<10000x128xf32, #tpu.memory_space<vmem_shared>> -> memref<10000x128xf32, #tpu.memory_space<vmem_shared>>
    tpu.enqueue_indirect_dma source(%arg13 : memref<80x128xf32, #tpu.memory_space<vmem>>) target(%dma_start3A_1308 : memref<10000x128xf32, #tpu.memory_space<vmem_shared>>) offsets(%dma_start3A_1305 : memref<80xi32, #tpu.memory_space<vmem>>) semaphore(%arg20 : memref<!tpu.dma_semaphore, #tpu.memory_space<semaphore_mem>>) {add = true}
    %dma_wait3A_1309 = arith.constant 0 : i32
    %dma_wait3A_1310 = arith.constant 0 : i32
    %dma_wait3A_1311 = tpu.memref_slice %arg6[%dma_wait3A_1309, %dma_wait3A_1310] : memref<5x80xi32, #tpu.memory_space<vmem>> -> memref<1x80xi32, #tpu.memory_space<vmem>>
    %dma_wait3A_1312 = tpu.memref_squeeze %dma_wait3A_1311 : memref<1x80xi32, #tpu.memory_space<vmem>> -> memref<80xi32, #tpu.memory_space<vmem>>
    %dma_wait3A_1313 = arith.constant 0 : i32
    %dma_wait3A_1314 = arith.constant 0 : i32
    %dma_wait3A_1315 = tpu.memref_slice %arg14[%dma_wait3A_1313, %dma_wait3A_1314] : memref<10000x128xf32, #tpu.memory_space<vmem_shared>> -> memref<10000x128xf32, #tpu.memory_space<vmem_shared>>
    tpu.wait_indirect_dma semaphore(%arg20 : memref<!tpu.dma_semaphore, #tpu.memory_space<semaphore_mem>>) src(%arg13 : memref<80x128xf32, #tpu.memory_space<vmem>>) dst(%dma_wait3A_1315 : memref<10000x128xf32, #tpu.memory_space<vmem_shared>>)
    %dma_wait3A_1316 = arith.constant 0 : i32
    %dma_wait3A_1317 = arith.constant 0 : i32
    %dma_wait3A_1318 = arith.constant 0 : i32
    %dma_wait3A_1319 = arith.constant 0 : i32
    %dma_wait3A_1320 = arith.constant 0 : i32
    %dma_wait3A_1321 = arith.constant 0 : i32
    %dma_wait3A_1322 = tpu.memref_slice %arg3[%dma_wait3A_1316, %dma_wait3A_1318, %dma_wait3A_1319, %dma_wait3A_1320, %dma_wait3A_1321] : memref<2x32x25x5x80xi32, #tpu.memory_space<hbm>> -> memref<1x32x25x5x80xi32, #tpu.memory_space<hbm>>
    %dma_wait3A_1323 = tpu.memref_squeeze %dma_wait3A_1322 : memref<1x32x25x5x80xi32, #tpu.memory_space<hbm>> -> memref<32x25x5x80xi32, #tpu.memory_space<hbm>>
    %dma_wait3A_1324 = arith.constant 0 : i32
    %dma_wait3A_1325 = arith.constant 0 : i32
    %dma_wait3A_1326 = arith.constant 0 : i32
    %dma_wait3A_1327 = tpu.memref_slice %dma_wait3A_1323[%add3A, %dma_wait3A_1324, %dma_wait3A_1325, %dma_wait3A_1326] : memref<32x25x5x80xi32, #tpu.memory_space<hbm>> -> memref<1x25x5x80xi32, #tpu.memory_space<hbm>>
    %dma_wait3A_1328 = tpu.memref_squeeze %dma_wait3A_1327 : memref<1x25x5x80xi32, #tpu.memory_space<hbm>> -> memref<25x5x80xi32, #tpu.memory_space<hbm>>
    %dma_wait3A_1329 = arith.constant 0 : i32
    %dma_wait3A_1330 = arith.constant 0 : i32
    %dma_wait3A_1331 = tpu.memref_slice %dma_wait3A_1328[%dma_wait3A_1317, %dma_wait3A_1329, %dma_wait3A_1330] : memref<25x5x80xi32, #tpu.memory_space<hbm>> -> memref<1x5x80xi32, #tpu.memory_space<hbm>>
    %dma_wait3A_1332 = tpu.memref_squeeze %dma_wait3A_1331 : memref<1x5x80xi32, #tpu.memory_space<hbm>> -> memref<5x80xi32, #tpu.memory_space<hbm>>
    %dma_wait3A_1333 = arith.constant 0 : i32
    %dma_wait3A_1334 = arith.constant 0 : i32
    %dma_wait3A_1335 = arith.constant 0 : i32
    %dma_wait3A_1336 = arith.constant 0 : i32
    %dma_wait3A_1337 = tpu.memref_slice %arg3[%dma_wait3A_1316, %dma_wait3A_1333, %dma_wait3A_1334, %dma_wait3A_1335, %dma_wait3A_1336] : memref<2x32x25x5x80xi32, #tpu.memory_space<hbm>> -> memref<1x32x25x5x80xi32, #tpu.memory_space<hbm>>
    %dma_wait3A_1338 = tpu.memref_squeeze %dma_wait3A_1337 : memref<1x32x25x5x80xi32, #tpu.memory_space<hbm>> -> memref<32x25x5x80xi32, #tpu.memory_space<hbm>>
    %dma_wait3A_1339 = arith.constant 0 : i32
    %dma_wait3A_1340 = arith.constant 0 : i32
    %dma_wait3A_1341 = arith.constant 0 : i32
    %dma_wait3A_1342 = tpu.memref_slice %dma_wait3A_1338[%add3A, %dma_wait3A_1339, %dma_wait3A_1340, %dma_wait3A_1341] : memref<32x25x5x80xi32, #tpu.memory_space<hbm>> -> memref<1x25x5x80xi32, #tpu.memory_space<hbm>>
    %dma_wait3A_1343 = tpu.memref_squeeze %dma_wait3A_1342 : memref<1x25x5x80xi32, #tpu.memory_space<hbm>> -> memref<25x5x80xi32, #tpu.memory_space<hbm>>
    %dma_wait3A_1344 = arith.constant 0 : i32
    %dma_wait3A_1345 = arith.constant 0 : i32
    %dma_wait3A_1346 = tpu.memref_slice %dma_wait3A_1343[%dma_wait3A_1317, %dma_wait3A_1344, %dma_wait3A_1345] : memref<25x5x80xi32, #tpu.memory_space<hbm>> -> memref<1x5x80xi32, #tpu.memory_space<hbm>>
    %dma_wait3A_1347 = tpu.memref_squeeze %dma_wait3A_1346 : memref<1x5x80xi32, #tpu.memory_space<hbm>> -> memref<5x80xi32, #tpu.memory_space<hbm>>
    tpu.wait_dma2 semaphore(%arg22 : memref<!tpu.dma_semaphore, #tpu.memory_space<semaphore_mem>>) src(%dma_wait3A_1347 : memref<5x80xi32, #tpu.memory_space<hbm>>) dst(%arg7 : memref<5x80xi32, #tpu.memory_space<vmem>>)
    %dma_wait3A_1348 = arith.constant 1 : i32
    %dma_wait3A_1349 = arith.constant 0 : i32
    %dma_wait3A_1350 = arith.constant 0 : i32
    %dma_wait3A_1351 = arith.constant 0 : i32
    %dma_wait3A_1352 = arith.constant 0 : i32
    %dma_wait3A_1353 = arith.constant 0 : i32
    %dma_wait3A_1354 = tpu.memref_slice %arg3[%dma_wait3A_1348, %dma_wait3A_1350, %dma_wait3A_1351, %dma_wait3A_1352, %dma_wait3A_1353] : memref<2x32x25x5x80xi32, #tpu.memory_space<hbm>> -> memref<1x32x25x5x80xi32, #tpu.memory_space<hbm>>
    %dma_wait3A_1355 = tpu.memref_squeeze %dma_wait3A_1354 : memref<1x32x25x5x80xi32, #tpu.memory_space<hbm>> -> memref<32x25x5x80xi32, #tpu.memory_space<hbm>>
    %dma_wait3A_1356 = arith.constant 0 : i32
    %dma_wait3A_1357 = arith.constant 0 : i32
    %dma_wait3A_1358 = arith.constant 0 : i32
    %dma_wait3A_1359 = tpu.memref_slice %dma_wait3A_1355[%add3A, %dma_wait3A_1356, %dma_wait3A_1357, %dma_wait3A_1358] : memref<32x25x5x80xi32, #tpu.memory_space<hbm>> -> memref<1x25x5x80xi32, #tpu.memory_space<hbm>>
    %dma_wait3A_1360 = tpu.memref_squeeze %dma_wait3A_1359 : memref<1x25x5x80xi32, #tpu.memory_space<hbm>> -> memref<25x5x80xi32, #tpu.memory_space<hbm>>
    %dma_wait3A_1361 = arith.constant 0 : i32
    %dma_wait3A_1362 = arith.constant 0 : i32
    %dma_wait3A_1363 = tpu.memref_slice %dma_wait3A_1360[%dma_wait3A_1349, %dma_wait3A_1361, %dma_wait3A_1362] : memref<25x5x80xi32, #tpu.memory_space<hbm>> -> memref<1x5x80xi32, #tpu.memory_space<hbm>>
    %dma_wait3A_1364 = tpu.memref_squeeze %dma_wait3A_1363 : memref<1x5x80xi32, #tpu.memory_space<hbm>> -> memref<5x80xi32, #tpu.memory_space<hbm>>
    %dma_wait3A_1365 = arith.constant 0 : i32
    %dma_wait3A_1366 = arith.constant 0 : i32
    %dma_wait3A_1367 = arith.constant 0 : i32
    %dma_wait3A_1368 = arith.constant 0 : i32
    %dma_wait3A_1369 = tpu.memref_slice %arg3[%dma_wait3A_1348, %dma_wait3A_1365, %dma_wait3A_1366, %dma_wait3A_1367, %dma_wait3A_1368] : memref<2x32x25x5x80xi32, #tpu.memory_space<hbm>> -> memref<1x32x25x5x80xi32, #tpu.memory_space<hbm>>
    %dma_wait3A_1370 = tpu.memref_squeeze %dma_wait3A_1369 : memref<1x32x25x5x80xi32, #tpu.memory_space<hbm>> -> memref<32x25x5x80xi32, #tpu.memory_space<hbm>>
    %dma_wait3A_1371 = arith.constant 0 : i32
    %dma_wait3A_1372 = arith.constant 0 : i32
    %dma_wait3A_1373 = arith.constant 0 : i32
    %dma_wait3A_1374 = tpu.memref_slice %dma_wait3A_1370[%add3A, %dma_wait3A_1371, %dma_wait3A_1372, %dma_wait3A_1373] : memref<32x25x5x80xi32, #tpu.memory_space<hbm>> -> memref<1x25x5x80xi32, #tpu.memory_space<hbm>>
    %dma_wait3A_1375 = tpu.memref_squeeze %dma_wait3A_1374 : memref<1x25x5x80xi32, #tpu.memory_space<hbm>> -> memref<25x5x80xi32, #tpu.memory_space<hbm>>
    %dma_wait3A_1376 = arith.constant 0 : i32
    %dma_wait3A_1377 = arith.constant 0 : i32
    %dma_wait3A_1378 = tpu.memref_slice %dma_wait3A_1375[%dma_wait3A_1349, %dma_wait3A_1376, %dma_wait3A_1377] : memref<25x5x80xi32, #tpu.memory_space<hbm>> -> memref<1x5x80xi32, #tpu.memory_space<hbm>>
    %dma_wait3A_1379 = tpu.memref_squeeze %dma_wait3A_1378 : memref<1x5x80xi32, #tpu.memory_space<hbm>> -> memref<5x80xi32, #tpu.memory_space<hbm>>
    tpu.wait_dma2 semaphore(%arg22 : memref<!tpu.dma_semaphore, #tpu.memory_space<semaphore_mem>>) src(%dma_wait3A_1379 : memref<5x80xi32, #tpu.memory_space<hbm>>) dst(%arg8 : memref<5x80xi32, #tpu.memory_space<vmem>>)
    %dma_start3A_1380 = arith.constant 0 : i32
    %dma_start3A_1381 = arith.constant 0 : i32
    %dma_start3A_1382 = tpu.memref_slice %arg7[%dma_start3A_1380, %dma_start3A_1381] : memref<5x80xi32, #tpu.memory_space<vmem>> -> memref<1x80xi32, #tpu.memory_space<vmem>>
    %dma_start3A_1383 = tpu.memref_squeeze %dma_start3A_1382 : memref<1x80xi32, #tpu.memory_space<vmem>> -> memref<80xi32, #tpu.memory_space<vmem>>
    %dma_start3A_1384 = arith.constant 0 : i32
    %dma_start3A_1385 = arith.constant 0 : i32
    %dma_start3A_1386 = tpu.memref_slice %arg2[%dma_start3A_1384, %dma_start3A_1385] : memref<10000x128xf32, #tpu.memory_space<hbm>> -> memref<10000x128xf32, #tpu.memory_space<hbm>>
    tpu.enqueue_indirect_dma source(%dma_start3A_1386 : memref<10000x128xf32, #tpu.memory_space<hbm>>) target(%arg13 : memref<80x128xf32, #tpu.memory_space<vmem>>) offsets(%dma_start3A_1383 : memref<80xi32, #tpu.memory_space<vmem>>) semaphore(%arg17 : memref<!tpu.dma_semaphore, #tpu.memory_space<semaphore_mem>>)
    %dma_wait3A_1387 = arith.constant 0 : i32
    %dma_wait3A_1388 = arith.constant 0 : i32
    %dma_wait3A_1389 = tpu.memref_slice %arg5[%dma_wait3A_1387, %dma_wait3A_1388] : memref<5x80xi32, #tpu.memory_space<vmem>> -> memref<1x80xi32, #tpu.memory_space<vmem>>
    %dma_wait3A_1390 = tpu.memref_squeeze %dma_wait3A_1389 : memref<1x80xi32, #tpu.memory_space<vmem>> -> memref<80xi32, #tpu.memory_space<vmem>>
    %dma_wait3A_1391 = arith.constant 0 : i32
    %dma_wait3A_1392 = arith.constant 0 : i32
    %dma_wait3A_1393 = tpu.memref_slice %arg2[%dma_wait3A_1391, %dma_wait3A_1392] : memref<10000x128xf32, #tpu.memory_space<hbm>> -> memref<10000x128xf32, #tpu.memory_space<hbm>>
    tpu.wait_indirect_dma semaphore(%arg15 : memref<!tpu.dma_semaphore, #tpu.memory_space<semaphore_mem>>) src(%dma_wait3A_1393 : memref<10000x128xf32, #tpu.memory_space<hbm>>) dst(%arg11 : memref<80x128xf32, #tpu.memory_space<vmem>>)
    %dma_start3A_1394 = arith.constant 3 : i32
    %dma_start3A_1395 = arith.constant 0 : i32
    %dma_start3A_1396 = tpu.memref_slice %arg6[%dma_start3A_1394, %dma_start3A_1395] : memref<5x80xi32, #tpu.memory_space<vmem>> -> memref<1x80xi32, #tpu.memory_space<vmem>>
    %dma_start3A_1397 = tpu.memref_squeeze %dma_start3A_1396 : memref<1x80xi32, #tpu.memory_space<vmem>> -> memref<80xi32, #tpu.memory_space<vmem>>
    %dma_start3A_1398 = arith.constant 0 : i32
    %dma_start3A_1399 = arith.constant 0 : i32
    %dma_start3A_1400 = tpu.memref_slice %arg14[%dma_start3A_1398, %dma_start3A_1399] : memref<10000x128xf32, #tpu.memory_space<vmem_shared>> -> memref<10000x128xf32, #tpu.memory_space<vmem_shared>>
    tpu.enqueue_indirect_dma source(%arg11 : memref<80x128xf32, #tpu.memory_space<vmem>>) target(%dma_start3A_1400 : memref<10000x128xf32, #tpu.memory_space<vmem_shared>>) offsets(%dma_start3A_1397 : memref<80xi32, #tpu.memory_space<vmem>>) semaphore(%arg18 : memref<!tpu.dma_semaphore, #tpu.memory_space<semaphore_mem>>) {add = true}
    %dma_wait3A_1401 = arith.constant 0 : i32
    %dma_wait3A_1402 = arith.constant 0 : i32
    %dma_wait3A_1403 = tpu.memref_slice %arg6[%dma_wait3A_1401, %dma_wait3A_1402] : memref<5x80xi32, #tpu.memory_space<vmem>> -> memref<1x80xi32, #tpu.memory_space<vmem>>
    %dma_wait3A_1404 = tpu.memref_squeeze %dma_wait3A_1403 : memref<1x80xi32, #tpu.memory_space<vmem>> -> memref<80xi32, #tpu.memory_space<vmem>>
    %dma_wait3A_1405 = arith.constant 0 : i32
    %dma_wait3A_1406 = arith.constant 0 : i32
    %dma_wait3A_1407 = tpu.memref_slice %arg14[%dma_wait3A_1405, %dma_wait3A_1406] : memref<10000x128xf32, #tpu.memory_space<vmem_shared>> -> memref<10000x128xf32, #tpu.memory_space<vmem_shared>>
    tpu.wait_indirect_dma semaphore(%arg18 : memref<!tpu.dma_semaphore, #tpu.memory_space<semaphore_mem>>) src(%arg11 : memref<80x128xf32, #tpu.memory_space<vmem>>) dst(%dma_wait3A_1407 : memref<10000x128xf32, #tpu.memory_space<vmem_shared>>)
    %dma_start3A_1408 = arith.constant 1 : i32
    %dma_start3A_1409 = arith.constant 0 : i32
    %dma_start3A_1410 = tpu.memref_slice %arg7[%dma_start3A_1408, %dma_start3A_1409] : memref<5x80xi32, #tpu.memory_space<vmem>> -> memref<1x80xi32, #tpu.memory_space<vmem>>
    %dma_start3A_1411 = tpu.memref_squeeze %dma_start3A_1410 : memref<1x80xi32, #tpu.memory_space<vmem>> -> memref<80xi32, #tpu.memory_space<vmem>>
    %dma_start3A_1412 = arith.constant 0 : i32
    %dma_start3A_1413 = arith.constant 0 : i32
    %dma_start3A_1414 = tpu.memref_slice %arg2[%dma_start3A_1412, %dma_start3A_1413] : memref<10000x128xf32, #tpu.memory_space<hbm>> -> memref<10000x128xf32, #tpu.memory_space<hbm>>
    tpu.enqueue_indirect_dma source(%dma_start3A_1414 : memref<10000x128xf32, #tpu.memory_space<hbm>>) target(%arg11 : memref<80x128xf32, #tpu.memory_space<vmem>>) offsets(%dma_start3A_1411 : memref<80xi32, #tpu.memory_space<vmem>>) semaphore(%arg15 : memref<!tpu.dma_semaphore, #tpu.memory_space<semaphore_mem>>)
    %dma_wait3A_1415 = arith.constant 0 : i32
    %dma_wait3A_1416 = arith.constant 0 : i32
    %dma_wait3A_1417 = tpu.memref_slice %arg5[%dma_wait3A_1415, %dma_wait3A_1416] : memref<5x80xi32, #tpu.memory_space<vmem>> -> memref<1x80xi32, #tpu.memory_space<vmem>>
    %dma_wait3A_1418 = tpu.memref_squeeze %dma_wait3A_1417 : memref<1x80xi32, #tpu.memory_space<vmem>> -> memref<80xi32, #tpu.memory_space<vmem>>
    %dma_wait3A_1419 = arith.constant 0 : i32
    %dma_wait3A_1420 = arith.constant 0 : i32
    %dma_wait3A_1421 = tpu.memref_slice %arg2[%dma_wait3A_1419, %dma_wait3A_1420] : memref<10000x128xf32, #tpu.memory_space<hbm>> -> memref<10000x128xf32, #tpu.memory_space<hbm>>
    tpu.wait_indirect_dma semaphore(%arg16 : memref<!tpu.dma_semaphore, #tpu.memory_space<semaphore_mem>>) src(%dma_wait3A_1421 : memref<10000x128xf32, #tpu.memory_space<hbm>>) dst(%arg12 : memref<80x128xf32, #tpu.memory_space<vmem>>)
    %dma_start3A_1422 = arith.constant 4 : i32
    %dma_start3A_1423 = arith.constant 0 : i32
    %dma_start3A_1424 = tpu.memref_slice %arg6[%dma_start3A_1422, %dma_start3A_1423] : memref<5x80xi32, #tpu.memory_space<vmem>> -> memref<1x80xi32, #tpu.memory_space<vmem>>
    %dma_start3A_1425 = tpu.memref_squeeze %dma_start3A_1424 : memref<1x80xi32, #tpu.memory_space<vmem>> -> memref<80xi32, #tpu.memory_space<vmem>>
    %dma_start3A_1426 = arith.constant 0 : i32
    %dma_start3A_1427 = arith.constant 0 : i32
    %dma_start3A_1428 = tpu.memref_slice %arg14[%dma_start3A_1426, %dma_start3A_1427] : memref<10000x128xf32, #tpu.memory_space<vmem_shared>> -> memref<10000x128xf32, #tpu.memory_space<vmem_shared>>
    tpu.enqueue_indirect_dma source(%arg12 : memref<80x128xf32, #tpu.memory_space<vmem>>) target(%dma_start3A_1428 : memref<10000x128xf32, #tpu.memory_space<vmem_shared>>) offsets(%dma_start3A_1425 : memref<80xi32, #tpu.memory_space<vmem>>) semaphore(%arg19 : memref<!tpu.dma_semaphore, #tpu.memory_space<semaphore_mem>>) {add = true}
    %dma_wait3A_1429 = arith.constant 0 : i32
    %dma_wait3A_1430 = arith.constant 0 : i32
    %dma_wait3A_1431 = tpu.memref_slice %arg6[%dma_wait3A_1429, %dma_wait3A_1430] : memref<5x80xi32, #tpu.memory_space<vmem>> -> memref<1x80xi32, #tpu.memory_space<vmem>>
    %dma_wait3A_1432 = tpu.memref_squeeze %dma_wait3A_1431 : memref<1x80xi32, #tpu.memory_space<vmem>> -> memref<80xi32, #tpu.memory_space<vmem>>
    %dma_wait3A_1433 = arith.constant 0 : i32
    %dma_wait3A_1434 = arith.constant 0 : i32
    %dma_wait3A_1435 = tpu.memref_slice %arg14[%dma_wait3A_1433, %dma_wait3A_1434] : memref<10000x128xf32, #tpu.memory_space<vmem_shared>> -> memref<10000x128xf32, #tpu.memory_space<vmem_shared>>
    tpu.wait_indirect_dma semaphore(%arg19 : memref<!tpu.dma_semaphore, #tpu.memory_space<semaphore_mem>>) src(%arg12 : memref<80x128xf32, #tpu.memory_space<vmem>>) dst(%dma_wait3A_1435 : memref<10000x128xf32, #tpu.memory_space<vmem_shared>>)
    %dma_start3A_1436 = arith.constant 0 : i32
    %dma_start3A_1437 = arith.constant 24 : i32
    %dma_start3A_1438 = arith.constant 0 : i32
    %dma_start3A_1439 = arith.constant 0 : i32
    %dma_start3A_1440 = arith.constant 0 : i32
    %dma_start3A_1441 = arith.constant 0 : i32
    %dma_start3A_1442 = tpu.memref_slice %arg3[%dma_start3A_1436, %dma_start3A_1438, %dma_start3A_1439, %dma_start3A_1440, %dma_start3A_1441] : memref<2x32x25x5x80xi32, #tpu.memory_space<hbm>> -> memref<1x32x25x5x80xi32, #tpu.memory_space<hbm>>
    %dma_start3A_1443 = tpu.memref_squeeze %dma_start3A_1442 : memref<1x32x25x5x80xi32, #tpu.memory_space<hbm>> -> memref<32x25x5x80xi32, #tpu.memory_space<hbm>>
    %dma_start3A_1444 = arith.constant 0 : i32
    %dma_start3A_1445 = arith.constant 0 : i32
    %dma_start3A_1446 = arith.constant 0 : i32
    %dma_start3A_1447 = tpu.memref_slice %dma_start3A_1443[%add3A, %dma_start3A_1444, %dma_start3A_1445, %dma_start3A_1446] : memref<32x25x5x80xi32, #tpu.memory_space<hbm>> -> memref<1x25x5x80xi32, #tpu.memory_space<hbm>>
    %dma_start3A_1448 = tpu.memref_squeeze %dma_start3A_1447 : memref<1x25x5x80xi32, #tpu.memory_space<hbm>> -> memref<25x5x80xi32, #tpu.memory_space<hbm>>
    %dma_start3A_1449 = arith.constant 0 : i32
    %dma_start3A_1450 = arith.constant 0 : i32
    %dma_start3A_1451 = tpu.memref_slice %dma_start3A_1448[%dma_start3A_1437, %dma_start3A_1449, %dma_start3A_1450] : memref<25x5x80xi32, #tpu.memory_space<hbm>> -> memref<1x5x80xi32, #tpu.memory_space<hbm>>
    %dma_start3A_1452 = tpu.memref_squeeze %dma_start3A_1451 : memref<1x5x80xi32, #tpu.memory_space<hbm>> -> memref<5x80xi32, #tpu.memory_space<hbm>>
    %dma_start3A_1453 = arith.constant 0 : i32
    %dma_start3A_1454 = arith.constant 0 : i32
    %dma_start3A_1455 = arith.constant 0 : i32
    %dma_start3A_1456 = arith.constant 0 : i32
    %dma_start3A_1457 = tpu.memref_slice %arg3[%dma_start3A_1436, %dma_start3A_1453, %dma_start3A_1454, %dma_start3A_1455, %dma_start3A_1456] : memref<2x32x25x5x80xi32, #tpu.memory_space<hbm>> -> memref<1x32x25x5x80xi32, #tpu.memory_space<hbm>>
    %dma_start3A_1458 = tpu.memref_squeeze %dma_start3A_1457 : memref<1x32x25x5x80xi32, #tpu.memory_space<hbm>> -> memref<32x25x5x80xi32, #tpu.memory_space<hbm>>
    %dma_start3A_1459 = arith.constant 0 : i32
    %dma_start3A_1460 = arith.constant 0 : i32
    %dma_start3A_1461 = arith.constant 0 : i32
    %dma_start3A_1462 = tpu.memref_slice %dma_start3A_1458[%add3A, %dma_start3A_1459, %dma_start3A_1460, %dma_start3A_1461] : memref<32x25x5x80xi32, #tpu.memory_space<hbm>> -> memref<1x25x5x80xi32, #tpu.memory_space<hbm>>
    %dma_start3A_1463 = tpu.memref_squeeze %dma_start3A_1462 : memref<1x25x5x80xi32, #tpu.memory_space<hbm>> -> memref<25x5x80xi32, #tpu.memory_space<hbm>>
    %dma_start3A_1464 = arith.constant 0 : i32
    %dma_start3A_1465 = arith.constant 0 : i32
    %dma_start3A_1466 = tpu.memref_slice %dma_start3A_1463[%dma_start3A_1437, %dma_start3A_1464, %dma_start3A_1465] : memref<25x5x80xi32, #tpu.memory_space<hbm>> -> memref<1x5x80xi32, #tpu.memory_space<hbm>>
    %dma_start3A_1467 = tpu.memref_squeeze %dma_start3A_1466 : memref<1x5x80xi32, #tpu.memory_space<hbm>> -> memref<5x80xi32, #tpu.memory_space<hbm>>
    tpu.enqueue_dma source(%dma_start3A_1467 : memref<5x80xi32, #tpu.memory_space<hbm>>) target(%arg5 : memref<5x80xi32, #tpu.memory_space<vmem>>) target_semaphore(%arg21 : memref<!tpu.dma_semaphore, #tpu.memory_space<semaphore_mem>>)
    %dma_start3A_1468 = arith.constant 1 : i32
    %dma_start3A_1469 = arith.constant 24 : i32
    %dma_start3A_1470 = arith.constant 0 : i32
    %dma_start3A_1471 = arith.constant 0 : i32
    %dma_start3A_1472 = arith.constant 0 : i32
    %dma_start3A_1473 = arith.constant 0 : i32
    %dma_start3A_1474 = tpu.memref_slice %arg3[%dma_start3A_1468, %dma_start3A_1470, %dma_start3A_1471, %dma_start3A_1472, %dma_start3A_1473] : memref<2x32x25x5x80xi32, #tpu.memory_space<hbm>> -> memref<1x32x25x5x80xi32, #tpu.memory_space<hbm>>
    %dma_start3A_1475 = tpu.memref_squeeze %dma_start3A_1474 : memref<1x32x25x5x80xi32, #tpu.memory_space<hbm>> -> memref<32x25x5x80xi32, #tpu.memory_space<hbm>>
    %dma_start3A_1476 = arith.constant 0 : i32
    %dma_start3A_1477 = arith.constant 0 : i32
    %dma_start3A_1478 = arith.constant 0 : i32
    %dma_start3A_1479 = tpu.memref_slice %dma_start3A_1475[%add3A, %dma_start3A_1476, %dma_start3A_1477, %dma_start3A_1478] : memref<32x25x5x80xi32, #tpu.memory_space<hbm>> -> memref<1x25x5x80xi32, #tpu.memory_space<hbm>>
    %dma_start3A_1480 = tpu.memref_squeeze %dma_start3A_1479 : memref<1x25x5x80xi32, #tpu.memory_space<hbm>> -> memref<25x5x80xi32, #tpu.memory_space<hbm>>
    %dma_start3A_1481 = arith.constant 0 : i32
    %dma_start3A_1482 = arith.constant 0 : i32
    %dma_start3A_1483 = tpu.memref_slice %dma_start3A_1480[%dma_start3A_1469, %dma_start3A_1481, %dma_start3A_1482] : memref<25x5x80xi32, #tpu.memory_space<hbm>> -> memref<1x5x80xi32, #tpu.memory_space<hbm>>
    %dma_start3A_1484 = tpu.memref_squeeze %dma_start3A_1483 : memref<1x5x80xi32, #tpu.memory_space<hbm>> -> memref<5x80xi32, #tpu.memory_space<hbm>>
    %dma_start3A_1485 = arith.constant 0 : i32
    %dma_start3A_1486 = arith.constant 0 : i32
    %dma_start3A_1487 = arith.constant 0 : i32
    %dma_start3A_1488 = arith.constant 0 : i32
    %dma_start3A_1489 = tpu.memref_slice %arg3[%dma_start3A_1468, %dma_start3A_1485, %dma_start3A_1486, %dma_start3A_1487, %dma_start3A_1488] : memref<2x32x25x5x80xi32, #tpu.memory_space<hbm>> -> memref<1x32x25x5x80xi32, #tpu.memory_space<hbm>>
    %dma_start3A_1490 = tpu.memref_squeeze %dma_start3A_1489 : memref<1x32x25x5x80xi32, #tpu.memory_space<hbm>> -> memref<32x25x5x80xi32, #tpu.memory_space<hbm>>
    %dma_start3A_1491 = arith.constant 0 : i32
    %dma_start3A_1492 = arith.constant 0 : i32
    %dma_start3A_1493 = arith.constant 0 : i32
    %dma_start3A_1494 = tpu.memref_slice %dma_start3A_1490[%add3A, %dma_start3A_1491, %dma_start3A_1492, %dma_start3A_1493] : memref<32x25x5x80xi32, #tpu.memory_space<hbm>> -> memref<1x25x5x80xi32, #tpu.memory_space<hbm>>
    %dma_start3A_1495 = tpu.memref_squeeze %dma_start3A_1494 : memref<1x25x5x80xi32, #tpu.memory_space<hbm>> -> memref<25x5x80xi32, #tpu.memory_space<hbm>>
    %dma_start3A_1496 = arith.constant 0 : i32
    %dma_start3A_1497 = arith.constant 0 : i32
    %dma_start3A_1498 = tpu.memref_slice %dma_start3A_1495[%dma_start3A_1469, %dma_start3A_1496, %dma_start3A_1497] : memref<25x5x80xi32, #tpu.memory_space<hbm>> -> memref<1x5x80xi32, #tpu.memory_space<hbm>>
    %dma_start3A_1499 = tpu.memref_squeeze %dma_start3A_1498 : memref<1x5x80xi32, #tpu.memory_space<hbm>> -> memref<5x80xi32, #tpu.memory_space<hbm>>
    tpu.enqueue_dma source(%dma_start3A_1499 : memref<5x80xi32, #tpu.memory_space<hbm>>) target(%arg6 : memref<5x80xi32, #tpu.memory_space<vmem>>) target_semaphore(%arg21 : memref<!tpu.dma_semaphore, #tpu.memory_space<semaphore_mem>>)
    %dma_start3A_1500 = arith.constant 2 : i32
    %dma_start3A_1501 = arith.constant 0 : i32
    %dma_start3A_1502 = tpu.memref_slice %arg7[%dma_start3A_1500, %dma_start3A_1501] : memref<5x80xi32, #tpu.memory_space<vmem>> -> memref<1x80xi32, #tpu.memory_space<vmem>>
    %dma_start3A_1503 = tpu.memref_squeeze %dma_start3A_1502 : memref<1x80xi32, #tpu.memory_space<vmem>> -> memref<80xi32, #tpu.memory_space<vmem>>
    %dma_start3A_1504 = arith.constant 0 : i32
    %dma_start3A_1505 = arith.constant 0 : i32
    %dma_start3A_1506 = tpu.memref_slice %arg2[%dma_start3A_1504, %dma_start3A_1505] : memref<10000x128xf32, #tpu.memory_space<hbm>> -> memref<10000x128xf32, #tpu.memory_space<hbm>>
    tpu.enqueue_indirect_dma source(%dma_start3A_1506 : memref<10000x128xf32, #tpu.memory_space<hbm>>) target(%arg12 : memref<80x128xf32, #tpu.memory_space<vmem>>) offsets(%dma_start3A_1503 : memref<80xi32, #tpu.memory_space<vmem>>) semaphore(%arg16 : memref<!tpu.dma_semaphore, #tpu.memory_space<semaphore_mem>>)
    %dma_wait3A_1507 = arith.constant 0 : i32
    %dma_wait3A_1508 = arith.constant 0 : i32
    %dma_wait3A_1509 = tpu.memref_slice %arg5[%dma_wait3A_1507, %dma_wait3A_1508] : memref<5x80xi32, #tpu.memory_space<vmem>> -> memref<1x80xi32, #tpu.memory_space<vmem>>
    %dma_wait3A_1510 = tpu.memref_squeeze %dma_wait3A_1509 : memref<1x80xi32, #tpu.memory_space<vmem>> -> memref<80xi32, #tpu.memory_space<vmem>>
    %dma_wait3A_1511 = arith.constant 0 : i32
    %dma_wait3A_1512 = arith.constant 0 : i32
    %dma_wait3A_1513 = tpu.memref_slice %arg2[%dma_wait3A_1511, %dma_wait3A_1512] : memref<10000x128xf32, #tpu.memory_space<hbm>> -> memref<10000x128xf32, #tpu.memory_space<hbm>>
    tpu.wait_indirect_dma semaphore(%arg17 : memref<!tpu.dma_semaphore, #tpu.memory_space<semaphore_mem>>) src(%dma_wait3A_1513 : memref<10000x128xf32, #tpu.memory_space<hbm>>) dst(%arg13 : memref<80x128xf32, #tpu.memory_space<vmem>>)
    %dma_start3A_1514 = arith.constant 0 : i32
    %dma_start3A_1515 = arith.constant 0 : i32
    %dma_start3A_1516 = tpu.memref_slice %arg8[%dma_start3A_1514, %dma_start3A_1515] : memref<5x80xi32, #tpu.memory_space<vmem>> -> memref<1x80xi32, #tpu.memory_space<vmem>>
    %dma_start3A_1517 = tpu.memref_squeeze %dma_start3A_1516 : memref<1x80xi32, #tpu.memory_space<vmem>> -> memref<80xi32, #tpu.memory_space<vmem>>
    %dma_start3A_1518 = arith.constant 0 : i32
    %dma_start3A_1519 = arith.constant 0 : i32
    %dma_start3A_1520 = tpu.memref_slice %arg14[%dma_start3A_1518, %dma_start3A_1519] : memref<10000x128xf32, #tpu.memory_space<vmem_shared>> -> memref<10000x128xf32, #tpu.memory_space<vmem_shared>>
    tpu.enqueue_indirect_dma source(%arg13 : memref<80x128xf32, #tpu.memory_space<vmem>>) target(%dma_start3A_1520 : memref<10000x128xf32, #tpu.memory_space<vmem_shared>>) offsets(%dma_start3A_1517 : memref<80xi32, #tpu.memory_space<vmem>>) semaphore(%arg20 : memref<!tpu.dma_semaphore, #tpu.memory_space<semaphore_mem>>) {add = true}
    %dma_wait3A_1521 = arith.constant 0 : i32
    %dma_wait3A_1522 = arith.constant 0 : i32
    %dma_wait3A_1523 = tpu.memref_slice %arg6[%dma_wait3A_1521, %dma_wait3A_1522] : memref<5x80xi32, #tpu.memory_space<vmem>> -> memref<1x80xi32, #tpu.memory_space<vmem>>
    %dma_wait3A_1524 = tpu.memref_squeeze %dma_wait3A_1523 : memref<1x80xi32, #tpu.memory_space<vmem>> -> memref<80xi32, #tpu.memory_space<vmem>>
    %dma_wait3A_1525 = arith.constant 0 : i32
    %dma_wait3A_1526 = arith.constant 0 : i32
    %dma_wait3A_1527 = tpu.memref_slice %arg14[%dma_wait3A_1525, %dma_wait3A_1526] : memref<10000x128xf32, #tpu.memory_space<vmem_shared>> -> memref<10000x128xf32, #tpu.memory_space<vmem_shared>>
    tpu.wait_indirect_dma semaphore(%arg20 : memref<!tpu.dma_semaphore, #tpu.memory_space<semaphore_mem>>) src(%arg13 : memref<80x128xf32, #tpu.memory_space<vmem>>) dst(%dma_wait3A_1527 : memref<10000x128xf32, #tpu.memory_space<vmem_shared>>)
    %dma_start3A_1528 = arith.constant 3 : i32
    %dma_start3A_1529 = arith.constant 0 : i32
    %dma_start3A_1530 = tpu.memref_slice %arg7[%dma_start3A_1528, %dma_start3A_1529] : memref<5x80xi32, #tpu.memory_space<vmem>> -> memref<1x80xi32, #tpu.memory_space<vmem>>
    %dma_start3A_1531 = tpu.memref_squeeze %dma_start3A_1530 : memref<1x80xi32, #tpu.memory_space<vmem>> -> memref<80xi32, #tpu.memory_space<vmem>>
    %dma_start3A_1532 = arith.constant 0 : i32
    %dma_start3A_1533 = arith.constant 0 : i32
    %dma_start3A_1534 = tpu.memref_slice %arg2[%dma_start3A_1532, %dma_start3A_1533] : memref<10000x128xf32, #tpu.memory_space<hbm>> -> memref<10000x128xf32, #tpu.memory_space<hbm>>
    tpu.enqueue_indirect_dma source(%dma_start3A_1534 : memref<10000x128xf32, #tpu.memory_space<hbm>>) target(%arg13 : memref<80x128xf32, #tpu.memory_space<vmem>>) offsets(%dma_start3A_1531 : memref<80xi32, #tpu.memory_space<vmem>>) semaphore(%arg17 : memref<!tpu.dma_semaphore, #tpu.memory_space<semaphore_mem>>)
    %dma_wait3A_1535 = arith.constant 0 : i32
    %dma_wait3A_1536 = arith.constant 0 : i32
    %dma_wait3A_1537 = tpu.memref_slice %arg5[%dma_wait3A_1535, %dma_wait3A_1536] : memref<5x80xi32, #tpu.memory_space<vmem>> -> memref<1x80xi32, #tpu.memory_space<vmem>>
    %dma_wait3A_1538 = tpu.memref_squeeze %dma_wait3A_1537 : memref<1x80xi32, #tpu.memory_space<vmem>> -> memref<80xi32, #tpu.memory_space<vmem>>
    %dma_wait3A_1539 = arith.constant 0 : i32
    %dma_wait3A_1540 = arith.constant 0 : i32
    %dma_wait3A_1541 = tpu.memref_slice %arg2[%dma_wait3A_1539, %dma_wait3A_1540] : memref<10000x128xf32, #tpu.memory_space<hbm>> -> memref<10000x128xf32, #tpu.memory_space<hbm>>
    tpu.wait_indirect_dma semaphore(%arg15 : memref<!tpu.dma_semaphore, #tpu.memory_space<semaphore_mem>>) src(%dma_wait3A_1541 : memref<10000x128xf32, #tpu.memory_space<hbm>>) dst(%arg11 : memref<80x128xf32, #tpu.memory_space<vmem>>)
    %dma_start3A_1542 = arith.constant 1 : i32
    %dma_start3A_1543 = arith.constant 0 : i32
    %dma_start3A_1544 = tpu.memref_slice %arg8[%dma_start3A_1542, %dma_start3A_1543] : memref<5x80xi32, #tpu.memory_space<vmem>> -> memref<1x80xi32, #tpu.memory_space<vmem>>
    %dma_start3A_1545 = tpu.memref_squeeze %dma_start3A_1544 : memref<1x80xi32, #tpu.memory_space<vmem>> -> memref<80xi32, #tpu.memory_space<vmem>>
    %dma_start3A_1546 = arith.constant 0 : i32
    %dma_start3A_1547 = arith.constant 0 : i32
    %dma_start3A_1548 = tpu.memref_slice %arg14[%dma_start3A_1546, %dma_start3A_1547] : memref<10000x128xf32, #tpu.memory_space<vmem_shared>> -> memref<10000x128xf32, #tpu.memory_space<vmem_shared>>
    tpu.enqueue_indirect_dma source(%arg11 : memref<80x128xf32, #tpu.memory_space<vmem>>) target(%dma_start3A_1548 : memref<10000x128xf32, #tpu.memory_space<vmem_shared>>) offsets(%dma_start3A_1545 : memref<80xi32, #tpu.memory_space<vmem>>) semaphore(%arg18 : memref<!tpu.dma_semaphore, #tpu.memory_space<semaphore_mem>>) {add = true}
    %dma_wait3A_1549 = arith.constant 0 : i32
    %dma_wait3A_1550 = arith.constant 0 : i32
    %dma_wait3A_1551 = tpu.memref_slice %arg6[%dma_wait3A_1549, %dma_wait3A_1550] : memref<5x80xi32, #tpu.memory_space<vmem>> -> memref<1x80xi32, #tpu.memory_space<vmem>>
    %dma_wait3A_1552 = tpu.memref_squeeze %dma_wait3A_1551 : memref<1x80xi32, #tpu.memory_space<vmem>> -> memref<80xi32, #tpu.memory_space<vmem>>
    %dma_wait3A_1553 = arith.constant 0 : i32
    %dma_wait3A_1554 = arith.constant 0 : i32
    %dma_wait3A_1555 = tpu.memref_slice %arg14[%dma_wait3A_1553, %dma_wait3A_1554] : memref<10000x128xf32, #tpu.memory_space<vmem_shared>> -> memref<10000x128xf32, #tpu.memory_space<vmem_shared>>
    tpu.wait_indirect_dma semaphore(%arg18 : memref<!tpu.dma_semaphore, #tpu.memory_space<semaphore_mem>>) src(%arg11 : memref<80x128xf32, #tpu.memory_space<vmem>>) dst(%dma_wait3A_1555 : memref<10000x128xf32, #tpu.memory_space<vmem_shared>>)
    %dma_start3A_1556 = arith.constant 4 : i32
    %dma_start3A_1557 = arith.constant 0 : i32
    %dma_start3A_1558 = tpu.memref_slice %arg7[%dma_start3A_1556, %dma_start3A_1557] : memref<5x80xi32, #tpu.memory_space<vmem>> -> memref<1x80xi32, #tpu.memory_space<vmem>>
    %dma_start3A_1559 = tpu.memref_squeeze %dma_start3A_1558 : memref<1x80xi32, #tpu.memory_space<vmem>> -> memref<80xi32, #tpu.memory_space<vmem>>
    %dma_start3A_1560 = arith.constant 0 : i32
    %dma_start3A_1561 = arith.constant 0 : i32
    %dma_start3A_1562 = tpu.memref_slice %arg2[%dma_start3A_1560, %dma_start3A_1561] : memref<10000x128xf32, #tpu.memory_space<hbm>> -> memref<10000x128xf32, #tpu.memory_space<hbm>>
    tpu.enqueue_indirect_dma source(%dma_start3A_1562 : memref<10000x128xf32, #tpu.memory_space<hbm>>) target(%arg11 : memref<80x128xf32, #tpu.memory_space<vmem>>) offsets(%dma_start3A_1559 : memref<80xi32, #tpu.memory_space<vmem>>) semaphore(%arg15 : memref<!tpu.dma_semaphore, #tpu.memory_space<semaphore_mem>>)
    %dma_wait3A_1563 = arith.constant 0 : i32
    %dma_wait3A_1564 = arith.constant 0 : i32
    %dma_wait3A_1565 = tpu.memref_slice %arg5[%dma_wait3A_1563, %dma_wait3A_1564] : memref<5x80xi32, #tpu.memory_space<vmem>> -> memref<1x80xi32, #tpu.memory_space<vmem>>
    %dma_wait3A_1566 = tpu.memref_squeeze %dma_wait3A_1565 : memref<1x80xi32, #tpu.memory_space<vmem>> -> memref<80xi32, #tpu.memory_space<vmem>>
    %dma_wait3A_1567 = arith.constant 0 : i32
    %dma_wait3A_1568 = arith.constant 0 : i32
    %dma_wait3A_1569 = tpu.memref_slice %arg2[%dma_wait3A_1567, %dma_wait3A_1568] : memref<10000x128xf32, #tpu.memory_space<hbm>> -> memref<10000x128xf32, #tpu.memory_space<hbm>>
    tpu.wait_indirect_dma semaphore(%arg16 : memref<!tpu.dma_semaphore, #tpu.memory_space<semaphore_mem>>) src(%dma_wait3A_1569 : memref<10000x128xf32, #tpu.memory_space<hbm>>) dst(%arg12 : memref<80x128xf32, #tpu.memory_space<vmem>>)
    %dma_start3A_1570 = arith.constant 2 : i32
    %dma_start3A_1571 = arith.constant 0 : i32
    %dma_start3A_1572 = tpu.memref_slice %arg8[%dma_start3A_1570, %dma_start3A_1571] : memref<5x80xi32, #tpu.memory_space<vmem>> -> memref<1x80xi32, #tpu.memory_space<vmem>>
    %dma_start3A_1573 = tpu.memref_squeeze %dma_start3A_1572 : memref<1x80xi32, #tpu.memory_space<vmem>> -> memref<80xi32, #tpu.memory_space<vmem>>
    %dma_start3A_1574 = arith.constant 0 : i32
    %dma_start3A_1575 = arith.constant 0 : i32
    %dma_start3A_1576 = tpu.memref_slice %arg14[%dma_start3A_1574, %dma_start3A_1575] : memref<10000x128xf32, #tpu.memory_space<vmem_shared>> -> memref<10000x128xf32, #tpu.memory_space<vmem_shared>>
    tpu.enqueue_indirect_dma source(%arg12 : memref<80x128xf32, #tpu.memory_space<vmem>>) target(%dma_start3A_1576 : memref<10000x128xf32, #tpu.memory_space<vmem_shared>>) offsets(%dma_start3A_1573 : memref<80xi32, #tpu.memory_space<vmem>>) semaphore(%arg19 : memref<!tpu.dma_semaphore, #tpu.memory_space<semaphore_mem>>) {add = true}
    %dma_wait3A_1577 = arith.constant 0 : i32
    %dma_wait3A_1578 = arith.constant 0 : i32
    %dma_wait3A_1579 = tpu.memref_slice %arg6[%dma_wait3A_1577, %dma_wait3A_1578] : memref<5x80xi32, #tpu.memory_space<vmem>> -> memref<1x80xi32, #tpu.memory_space<vmem>>
    %dma_wait3A_1580 = tpu.memref_squeeze %dma_wait3A_1579 : memref<1x80xi32, #tpu.memory_space<vmem>> -> memref<80xi32, #tpu.memory_space<vmem>>
    %dma_wait3A_1581 = arith.constant 0 : i32
    %dma_wait3A_1582 = arith.constant 0 : i32
    %dma_wait3A_1583 = tpu.memref_slice %arg14[%dma_wait3A_1581, %dma_wait3A_1582] : memref<10000x128xf32, #tpu.memory_space<vmem_shared>> -> memref<10000x128xf32, #tpu.memory_space<vmem_shared>>
    tpu.wait_indirect_dma semaphore(%arg19 : memref<!tpu.dma_semaphore, #tpu.memory_space<semaphore_mem>>) src(%arg12 : memref<80x128xf32, #tpu.memory_space<vmem>>) dst(%dma_wait3A_1583 : memref<10000x128xf32, #tpu.memory_space<vmem_shared>>)
    %dma_wait3A_1584 = arith.constant 0 : i32
    %dma_wait3A_1585 = arith.constant 0 : i32
    %dma_wait3A_1586 = arith.constant 0 : i32
    %dma_wait3A_1587 = arith.constant 0 : i32
    %dma_wait3A_1588 = arith.constant 0 : i32
    %dma_wait3A_1589 = arith.constant 0 : i32
    %dma_wait3A_1590 = tpu.memref_slice %arg3[%dma_wait3A_1584, %dma_wait3A_1586, %dma_wait3A_1587, %dma_wait3A_1588, %dma_wait3A_1589] : memref<2x32x25x5x80xi32, #tpu.memory_space<hbm>> -> memref<1x32x25x5x80xi32, #tpu.memory_space<hbm>>
    %dma_wait3A_1591 = tpu.memref_squeeze %dma_wait3A_1590 : memref<1x32x25x5x80xi32, #tpu.memory_space<hbm>> -> memref<32x25x5x80xi32, #tpu.memory_space<hbm>>
    %dma_wait3A_1592 = arith.constant 0 : i32
    %dma_wait3A_1593 = arith.constant 0 : i32
    %dma_wait3A_1594 = arith.constant 0 : i32
    %dma_wait3A_1595 = tpu.memref_slice %dma_wait3A_1591[%add3A, %dma_wait3A_1592, %dma_wait3A_1593, %dma_wait3A_1594] : memref<32x25x5x80xi32, #tpu.memory_space<hbm>> -> memref<1x25x5x80xi32, #tpu.memory_space<hbm>>
    %dma_wait3A_1596 = tpu.memref_squeeze %dma_wait3A_1595 : memref<1x25x5x80xi32, #tpu.memory_space<hbm>> -> memref<25x5x80xi32, #tpu.memory_space<hbm>>
    %dma_wait3A_1597 = arith.constant 0 : i32
    %dma_wait3A_1598 = arith.constant 0 : i32
    %dma_wait3A_1599 = tpu.memref_slice %dma_wait3A_1596[%dma_wait3A_1585, %dma_wait3A_1597, %dma_wait3A_1598] : memref<25x5x80xi32, #tpu.memory_space<hbm>> -> memref<1x5x80xi32, #tpu.memory_space<hbm>>
    %dma_wait3A_1600 = tpu.memref_squeeze %dma_wait3A_1599 : memref<1x5x80xi32, #tpu.memory_space<hbm>> -> memref<5x80xi32, #tpu.memory_space<hbm>>
    %dma_wait3A_1601 = arith.constant 0 : i32
    %dma_wait3A_1602 = arith.constant 0 : i32
    %dma_wait3A_1603 = arith.constant 0 : i32
    %dma_wait3A_1604 = arith.constant 0 : i32
    %dma_wait3A_1605 = tpu.memref_slice %arg3[%dma_wait3A_1584, %dma_wait3A_1601, %dma_wait3A_1602, %dma_wait3A_1603, %dma_wait3A_1604] : memref<2x32x25x5x80xi32, #tpu.memory_space<hbm>> -> memref<1x32x25x5x80xi32, #tpu.memory_space<hbm>>
    %dma_wait3A_1606 = tpu.memref_squeeze %dma_wait3A_1605 : memref<1x32x25x5x80xi32, #tpu.memory_space<hbm>> -> memref<32x25x5x80xi32, #tpu.memory_space<hbm>>
    %dma_wait3A_1607 = arith.constant 0 : i32
    %dma_wait3A_1608 = arith.constant 0 : i32
    %dma_wait3A_1609 = arith.constant 0 : i32
    %dma_wait3A_1610 = tpu.memref_slice %dma_wait3A_1606[%add3A, %dma_wait3A_1607, %dma_wait3A_1608, %dma_wait3A_1609] : memref<32x25x5x80xi32, #tpu.memory_space<hbm>> -> memref<1x25x5x80xi32, #tpu.memory_space<hbm>>
    %dma_wait3A_1611 = tpu.memref_squeeze %dma_wait3A_1610 : memref<1x25x5x80xi32, #tpu.memory_space<hbm>> -> memref<25x5x80xi32, #tpu.memory_space<hbm>>
    %dma_wait3A_1612 = arith.constant 0 : i32
    %dma_wait3A_1613 = arith.constant 0 : i32
    %dma_wait3A_1614 = tpu.memref_slice %dma_wait3A_1611[%dma_wait3A_1585, %dma_wait3A_1612, %dma_wait3A_1613] : memref<25x5x80xi32, #tpu.memory_space<hbm>> -> memref<1x5x80xi32, #tpu.memory_space<hbm>>
    %dma_wait3A_1615 = tpu.memref_squeeze %dma_wait3A_1614 : memref<1x5x80xi32, #tpu.memory_space<hbm>> -> memref<5x80xi32, #tpu.memory_space<hbm>>
    tpu.wait_dma2 semaphore(%arg23 : memref<!tpu.dma_semaphore, #tpu.memory_space<semaphore_mem>>) src(%dma_wait3A_1615 : memref<5x80xi32, #tpu.memory_space<hbm>>) dst(%arg9 : memref<5x80xi32, #tpu.memory_space<vmem>>)
    %dma_wait3A_1616 = arith.constant 1 : i32
    %dma_wait3A_1617 = arith.constant 0 : i32
    %dma_wait3A_1618 = arith.constant 0 : i32
    %dma_wait3A_1619 = arith.constant 0 : i32
    %dma_wait3A_1620 = arith.constant 0 : i32
    %dma_wait3A_1621 = arith.constant 0 : i32
    %dma_wait3A_1622 = tpu.memref_slice %arg3[%dma_wait3A_1616, %dma_wait3A_1618, %dma_wait3A_1619, %dma_wait3A_1620, %dma_wait3A_1621] : memref<2x32x25x5x80xi32, #tpu.memory_space<hbm>> -> memref<1x32x25x5x80xi32, #tpu.memory_space<hbm>>
    %dma_wait3A_1623 = tpu.memref_squeeze %dma_wait3A_1622 : memref<1x32x25x5x80xi32, #tpu.memory_space<hbm>> -> memref<32x25x5x80xi32, #tpu.memory_space<hbm>>
    %dma_wait3A_1624 = arith.constant 0 : i32
    %dma_wait3A_1625 = arith.constant 0 : i32
    %dma_wait3A_1626 = arith.constant 0 : i32
    %dma_wait3A_1627 = tpu.memref_slice %dma_wait3A_1623[%add3A, %dma_wait3A_1624, %dma_wait3A_1625, %dma_wait3A_1626] : memref<32x25x5x80xi32, #tpu.memory_space<hbm>> -> memref<1x25x5x80xi32, #tpu.memory_space<hbm>>
    %dma_wait3A_1628 = tpu.memref_squeeze %dma_wait3A_1627 : memref<1x25x5x80xi32, #tpu.memory_space<hbm>> -> memref<25x5x80xi32, #tpu.memory_space<hbm>>
    %dma_wait3A_1629 = arith.constant 0 : i32
    %dma_wait3A_1630 = arith.constant 0 : i32
    %dma_wait3A_1631 = tpu.memref_slice %dma_wait3A_1628[%dma_wait3A_1617, %dma_wait3A_1629, %dma_wait3A_1630] : memref<25x5x80xi32, #tpu.memory_space<hbm>> -> memref<1x5x80xi32, #tpu.memory_space<hbm>>
    %dma_wait3A_1632 = tpu.memref_squeeze %dma_wait3A_1631 : memref<1x5x80xi32, #tpu.memory_space<hbm>> -> memref<5x80xi32, #tpu.memory_space<hbm>>
    %dma_wait3A_1633 = arith.constant 0 : i32
    %dma_wait3A_1634 = arith.constant 0 : i32
    %dma_wait3A_1635 = arith.constant 0 : i32
    %dma_wait3A_1636 = arith.constant 0 : i32
    %dma_wait3A_1637 = tpu.memref_slice %arg3[%dma_wait3A_1616, %dma_wait3A_1633, %dma_wait3A_1634, %dma_wait3A_1635, %dma_wait3A_1636] : memref<2x32x25x5x80xi32, #tpu.memory_space<hbm>> -> memref<1x32x25x5x80xi32, #tpu.memory_space<hbm>>
    %dma_wait3A_1638 = tpu.memref_squeeze %dma_wait3A_1637 : memref<1x32x25x5x80xi32, #tpu.memory_space<hbm>> -> memref<32x25x5x80xi32, #tpu.memory_space<hbm>>
    %dma_wait3A_1639 = arith.constant 0 : i32
    %dma_wait3A_1640 = arith.constant 0 : i32
    %dma_wait3A_1641 = arith.constant 0 : i32
    %dma_wait3A_1642 = tpu.memref_slice %dma_wait3A_1638[%add3A, %dma_wait3A_1639, %dma_wait3A_1640, %dma_wait3A_1641] : memref<32x25x5x80xi32, #tpu.memory_space<hbm>> -> memref<1x25x5x80xi32, #tpu.memory_space<hbm>>
    %dma_wait3A_1643 = tpu.memref_squeeze %dma_wait3A_1642 : memref<1x25x5x80xi32, #tpu.memory_space<hbm>> -> memref<25x5x80xi32, #tpu.memory_space<hbm>>
    %dma_wait3A_1644 = arith.constant 0 : i32
    %dma_wait3A_1645 = arith.constant 0 : i32
    %dma_wait3A_1646 = tpu.memref_slice %dma_wait3A_1643[%dma_wait3A_1617, %dma_wait3A_1644, %dma_wait3A_1645] : memref<25x5x80xi32, #tpu.memory_space<hbm>> -> memref<1x5x80xi32, #tpu.memory_space<hbm>>
    %dma_wait3A_1647 = tpu.memref_squeeze %dma_wait3A_1646 : memref<1x5x80xi32, #tpu.memory_space<hbm>> -> memref<5x80xi32, #tpu.memory_space<hbm>>
    tpu.wait_dma2 semaphore(%arg23 : memref<!tpu.dma_semaphore, #tpu.memory_space<semaphore_mem>>) src(%dma_wait3A_1647 : memref<5x80xi32, #tpu.memory_space<hbm>>) dst(%arg10 : memref<5x80xi32, #tpu.memory_space<vmem>>)
    %dma_start3A_1648 = arith.constant 0 : i32
    %dma_start3A_1649 = arith.constant 0 : i32
    %dma_start3A_1650 = tpu.memref_slice %arg9[%dma_start3A_1648, %dma_start3A_1649] : memref<5x80xi32, #tpu.memory_space<vmem>> -> memref<1x80xi32, #tpu.memory_space<vmem>>
    %dma_start3A_1651 = tpu.memref_squeeze %dma_start3A_1650 : memref<1x80xi32, #tpu.memory_space<vmem>> -> memref<80xi32, #tpu.memory_space<vmem>>
    %dma_start3A_1652 = arith.constant 0 : i32
    %dma_start3A_1653 = arith.constant 0 : i32
    %dma_start3A_1654 = tpu.memref_slice %arg2[%dma_start3A_1652, %dma_start3A_1653] : memref<10000x128xf32, #tpu.memory_space<hbm>> -> memref<10000x128xf32, #tpu.memory_space<hbm>>
    tpu.enqueue_indirect_dma source(%dma_start3A_1654 : memref<10000x128xf32, #tpu.memory_space<hbm>>) target(%arg12 : memref<80x128xf32, #tpu.memory_space<vmem>>) offsets(%dma_start3A_1651 : memref<80xi32, #tpu.memory_space<vmem>>) semaphore(%arg16 : memref<!tpu.dma_semaphore, #tpu.memory_space<semaphore_mem>>)
    %dma_wait3A_1655 = arith.constant 0 : i32
    %dma_wait3A_1656 = arith.constant 0 : i32
    %dma_wait3A_1657 = tpu.memref_slice %arg5[%dma_wait3A_1655, %dma_wait3A_1656] : memref<5x80xi32, #tpu.memory_space<vmem>> -> memref<1x80xi32, #tpu.memory_space<vmem>>
    %dma_wait3A_1658 = tpu.memref_squeeze %dma_wait3A_1657 : memref<1x80xi32, #tpu.memory_space<vmem>> -> memref<80xi32, #tpu.memory_space<vmem>>
    %dma_wait3A_1659 = arith.constant 0 : i32
    %dma_wait3A_1660 = arith.constant 0 : i32
    %dma_wait3A_1661 = tpu.memref_slice %arg2[%dma_wait3A_1659, %dma_wait3A_1660] : memref<10000x128xf32, #tpu.memory_space<hbm>> -> memref<10000x128xf32, #tpu.memory_space<hbm>>
    tpu.wait_indirect_dma semaphore(%arg17 : memref<!tpu.dma_semaphore, #tpu.memory_space<semaphore_mem>>) src(%dma_wait3A_1661 : memref<10000x128xf32, #tpu.memory_space<hbm>>) dst(%arg13 : memref<80x128xf32, #tpu.memory_space<vmem>>)
    %dma_start3A_1662 = arith.constant 3 : i32
    %dma_start3A_1663 = arith.constant 0 : i32
    %dma_start3A_1664 = tpu.memref_slice %arg8[%dma_start3A_1662, %dma_start3A_1663] : memref<5x80xi32, #tpu.memory_space<vmem>> -> memref<1x80xi32, #tpu.memory_space<vmem>>
    %dma_start3A_1665 = tpu.memref_squeeze %dma_start3A_1664 : memref<1x80xi32, #tpu.memory_space<vmem>> -> memref<80xi32, #tpu.memory_space<vmem>>
    %dma_start3A_1666 = arith.constant 0 : i32
    %dma_start3A_1667 = arith.constant 0 : i32
    %dma_start3A_1668 = tpu.memref_slice %arg14[%dma_start3A_1666, %dma_start3A_1667] : memref<10000x128xf32, #tpu.memory_space<vmem_shared>> -> memref<10000x128xf32, #tpu.memory_space<vmem_shared>>
    tpu.enqueue_indirect_dma source(%arg13 : memref<80x128xf32, #tpu.memory_space<vmem>>) target(%dma_start3A_1668 : memref<10000x128xf32, #tpu.memory_space<vmem_shared>>) offsets(%dma_start3A_1665 : memref<80xi32, #tpu.memory_space<vmem>>) semaphore(%arg20 : memref<!tpu.dma_semaphore, #tpu.memory_space<semaphore_mem>>) {add = true}
    %dma_wait3A_1669 = arith.constant 0 : i32
    %dma_wait3A_1670 = arith.constant 0 : i32
    %dma_wait3A_1671 = tpu.memref_slice %arg6[%dma_wait3A_1669, %dma_wait3A_1670] : memref<5x80xi32, #tpu.memory_space<vmem>> -> memref<1x80xi32, #tpu.memory_space<vmem>>
    %dma_wait3A_1672 = tpu.memref_squeeze %dma_wait3A_1671 : memref<1x80xi32, #tpu.memory_space<vmem>> -> memref<80xi32, #tpu.memory_space<vmem>>
    %dma_wait3A_1673 = arith.constant 0 : i32
    %dma_wait3A_1674 = arith.constant 0 : i32
    %dma_wait3A_1675 = tpu.memref_slice %arg14[%dma_wait3A_1673, %dma_wait3A_1674] : memref<10000x128xf32, #tpu.memory_space<vmem_shared>> -> memref<10000x128xf32, #tpu.memory_space<vmem_shared>>
    tpu.wait_indirect_dma semaphore(%arg20 : memref<!tpu.dma_semaphore, #tpu.memory_space<semaphore_mem>>) src(%arg13 : memref<80x128xf32, #tpu.memory_space<vmem>>) dst(%dma_wait3A_1675 : memref<10000x128xf32, #tpu.memory_space<vmem_shared>>)
    %dma_start3A_1676 = arith.constant 1 : i32
    %dma_start3A_1677 = arith.constant 0 : i32
    %dma_start3A_1678 = tpu.memref_slice %arg9[%dma_start3A_1676, %dma_start3A_1677] : memref<5x80xi32, #tpu.memory_space<vmem>> -> memref<1x80xi32, #tpu.memory_space<vmem>>
    %dma_start3A_1679 = tpu.memref_squeeze %dma_start3A_1678 : memref<1x80xi32, #tpu.memory_space<vmem>> -> memref<80xi32, #tpu.memory_space<vmem>>
    %dma_start3A_1680 = arith.constant 0 : i32
    %dma_start3A_1681 = arith.constant 0 : i32
    %dma_start3A_1682 = tpu.memref_slice %arg2[%dma_start3A_1680, %dma_start3A_1681] : memref<10000x128xf32, #tpu.memory_space<hbm>> -> memref<10000x128xf32, #tpu.memory_space<hbm>>
    tpu.enqueue_indirect_dma source(%dma_start3A_1682 : memref<10000x128xf32, #tpu.memory_space<hbm>>) target(%arg13 : memref<80x128xf32, #tpu.memory_space<vmem>>) offsets(%dma_start3A_1679 : memref<80xi32, #tpu.memory_space<vmem>>) semaphore(%arg17 : memref<!tpu.dma_semaphore, #tpu.memory_space<semaphore_mem>>)
    %dma_wait3A_1683 = arith.constant 0 : i32
    %dma_wait3A_1684 = arith.constant 0 : i32
    %dma_wait3A_1685 = tpu.memref_slice %arg5[%dma_wait3A_1683, %dma_wait3A_1684] : memref<5x80xi32, #tpu.memory_space<vmem>> -> memref<1x80xi32, #tpu.memory_space<vmem>>
    %dma_wait3A_1686 = tpu.memref_squeeze %dma_wait3A_1685 : memref<1x80xi32, #tpu.memory_space<vmem>> -> memref<80xi32, #tpu.memory_space<vmem>>
    %dma_wait3A_1687 = arith.constant 0 : i32
    %dma_wait3A_1688 = arith.constant 0 : i32
    %dma_wait3A_1689 = tpu.memref_slice %arg2[%dma_wait3A_1687, %dma_wait3A_1688] : memref<10000x128xf32, #tpu.memory_space<hbm>> -> memref<10000x128xf32, #tpu.memory_space<hbm>>
    tpu.wait_indirect_dma semaphore(%arg15 : memref<!tpu.dma_semaphore, #tpu.memory_space<semaphore_mem>>) src(%dma_wait3A_1689 : memref<10000x128xf32, #tpu.memory_space<hbm>>) dst(%arg11 : memref<80x128xf32, #tpu.memory_space<vmem>>)
    %dma_start3A_1690 = arith.constant 4 : i32
    %dma_start3A_1691 = arith.constant 0 : i32
    %dma_start3A_1692 = tpu.memref_slice %arg8[%dma_start3A_1690, %dma_start3A_1691] : memref<5x80xi32, #tpu.memory_space<vmem>> -> memref<1x80xi32, #tpu.memory_space<vmem>>
    %dma_start3A_1693 = tpu.memref_squeeze %dma_start3A_1692 : memref<1x80xi32, #tpu.memory_space<vmem>> -> memref<80xi32, #tpu.memory_space<vmem>>
    %dma_start3A_1694 = arith.constant 0 : i32
    %dma_start3A_1695 = arith.constant 0 : i32
    %dma_start3A_1696 = tpu.memref_slice %arg14[%dma_start3A_1694, %dma_start3A_1695] : memref<10000x128xf32, #tpu.memory_space<vmem_shared>> -> memref<10000x128xf32, #tpu.memory_space<vmem_shared>>
    tpu.enqueue_indirect_dma source(%arg11 : memref<80x128xf32, #tpu.memory_space<vmem>>) target(%dma_start3A_1696 : memref<10000x128xf32, #tpu.memory_space<vmem_shared>>) offsets(%dma_start3A_1693 : memref<80xi32, #tpu.memory_space<vmem>>) semaphore(%arg18 : memref<!tpu.dma_semaphore, #tpu.memory_space<semaphore_mem>>) {add = true}
    %dma_wait3A_1697 = arith.constant 0 : i32
    %dma_wait3A_1698 = arith.constant 0 : i32
    %dma_wait3A_1699 = tpu.memref_slice %arg6[%dma_wait3A_1697, %dma_wait3A_1698] : memref<5x80xi32, #tpu.memory_space<vmem>> -> memref<1x80xi32, #tpu.memory_space<vmem>>
    %dma_wait3A_1700 = tpu.memref_squeeze %dma_wait3A_1699 : memref<1x80xi32, #tpu.memory_space<vmem>> -> memref<80xi32, #tpu.memory_space<vmem>>
    %dma_wait3A_1701 = arith.constant 0 : i32
    %dma_wait3A_1702 = arith.constant 0 : i32
    %dma_wait3A_1703 = tpu.memref_slice %arg14[%dma_wait3A_1701, %dma_wait3A_1702] : memref<10000x128xf32, #tpu.memory_space<vmem_shared>> -> memref<10000x128xf32, #tpu.memory_space<vmem_shared>>
    tpu.wait_indirect_dma semaphore(%arg18 : memref<!tpu.dma_semaphore, #tpu.memory_space<semaphore_mem>>) src(%arg11 : memref<80x128xf32, #tpu.memory_space<vmem>>) dst(%dma_wait3A_1703 : memref<10000x128xf32, #tpu.memory_space<vmem_shared>>)
    %dma_start3A_1704 = arith.constant 2 : i32
    %dma_start3A_1705 = arith.constant 0 : i32
    %dma_start3A_1706 = tpu.memref_slice %arg9[%dma_start3A_1704, %dma_start3A_1705] : memref<5x80xi32, #tpu.memory_space<vmem>> -> memref<1x80xi32, #tpu.memory_space<vmem>>
    %dma_start3A_1707 = tpu.memref_squeeze %dma_start3A_1706 : memref<1x80xi32, #tpu.memory_space<vmem>> -> memref<80xi32, #tpu.memory_space<vmem>>
    %dma_start3A_1708 = arith.constant 0 : i32
    %dma_start3A_1709 = arith.constant 0 : i32
    %dma_start3A_1710 = tpu.memref_slice %arg2[%dma_start3A_1708, %dma_start3A_1709] : memref<10000x128xf32, #tpu.memory_space<hbm>> -> memref<10000x128xf32, #tpu.memory_space<hbm>>
    tpu.enqueue_indirect_dma source(%dma_start3A_1710 : memref<10000x128xf32, #tpu.memory_space<hbm>>) target(%arg11 : memref<80x128xf32, #tpu.memory_space<vmem>>) offsets(%dma_start3A_1707 : memref<80xi32, #tpu.memory_space<vmem>>) semaphore(%arg15 : memref<!tpu.dma_semaphore, #tpu.memory_space<semaphore_mem>>)
    %dma_wait3A_1711 = arith.constant 0 : i32
    %dma_wait3A_1712 = arith.constant 0 : i32
    %dma_wait3A_1713 = tpu.memref_slice %arg5[%dma_wait3A_1711, %dma_wait3A_1712] : memref<5x80xi32, #tpu.memory_space<vmem>> -> memref<1x80xi32, #tpu.memory_space<vmem>>
    %dma_wait3A_1714 = tpu.memref_squeeze %dma_wait3A_1713 : memref<1x80xi32, #tpu.memory_space<vmem>> -> memref<80xi32, #tpu.memory_space<vmem>>
    %dma_wait3A_1715 = arith.constant 0 : i32
    %dma_wait3A_1716 = arith.constant 0 : i32
    %dma_wait3A_1717 = tpu.memref_slice %arg2[%dma_wait3A_1715, %dma_wait3A_1716] : memref<10000x128xf32, #tpu.memory_space<hbm>> -> memref<10000x128xf32, #tpu.memory_space<hbm>>
    tpu.wait_indirect_dma semaphore(%arg16 : memref<!tpu.dma_semaphore, #tpu.memory_space<semaphore_mem>>) src(%dma_wait3A_1717 : memref<10000x128xf32, #tpu.memory_space<hbm>>) dst(%arg12 : memref<80x128xf32, #tpu.memory_space<vmem>>)
    %dma_start3A_1718 = arith.constant 0 : i32
    %dma_start3A_1719 = arith.constant 0 : i32
    %dma_start3A_1720 = tpu.memref_slice %arg10[%dma_start3A_1718, %dma_start3A_1719] : memref<5x80xi32, #tpu.memory_space<vmem>> -> memref<1x80xi32, #tpu.memory_space<vmem>>
    %dma_start3A_1721 = tpu.memref_squeeze %dma_start3A_1720 : memref<1x80xi32, #tpu.memory_space<vmem>> -> memref<80xi32, #tpu.memory_space<vmem>>
    %dma_start3A_1722 = arith.constant 0 : i32
    %dma_start3A_1723 = arith.constant 0 : i32
    %dma_start3A_1724 = tpu.memref_slice %arg14[%dma_start3A_1722, %dma_start3A_1723] : memref<10000x128xf32, #tpu.memory_space<vmem_shared>> -> memref<10000x128xf32, #tpu.memory_space<vmem_shared>>
    tpu.enqueue_indirect_dma source(%arg12 : memref<80x128xf32, #tpu.memory_space<vmem>>) target(%dma_start3A_1724 : memref<10000x128xf32, #tpu.memory_space<vmem_shared>>) offsets(%dma_start3A_1721 : memref<80xi32, #tpu.memory_space<vmem>>) semaphore(%arg19 : memref<!tpu.dma_semaphore, #tpu.memory_space<semaphore_mem>>) {add = true}
    %dma_wait3A_1725 = arith.constant 0 : i32
    %dma_wait3A_1726 = arith.constant 0 : i32
    %dma_wait3A_1727 = tpu.memref_slice %arg6[%dma_wait3A_1725, %dma_wait3A_1726] : memref<5x80xi32, #tpu.memory_space<vmem>> -> memref<1x80xi32, #tpu.memory_space<vmem>>
    %dma_wait3A_1728 = tpu.memref_squeeze %dma_wait3A_1727 : memref<1x80xi32, #tpu.memory_space<vmem>> -> memref<80xi32, #tpu.memory_space<vmem>>
    %dma_wait3A_1729 = arith.constant 0 : i32
    %dma_wait3A_1730 = arith.constant 0 : i32
    %dma_wait3A_1731 = tpu.memref_slice %arg14[%dma_wait3A_1729, %dma_wait3A_1730] : memref<10000x128xf32, #tpu.memory_space<vmem_shared>> -> memref<10000x128xf32, #tpu.memory_space<vmem_shared>>
    tpu.wait_indirect_dma semaphore(%arg19 : memref<!tpu.dma_semaphore, #tpu.memory_space<semaphore_mem>>) src(%arg12 : memref<80x128xf32, #tpu.memory_space<vmem>>) dst(%dma_wait3A_1731 : memref<10000x128xf32, #tpu.memory_space<vmem_shared>>)
    %dma_start3A_1732 = arith.constant 3 : i32
    %dma_start3A_1733 = arith.constant 0 : i32
    %dma_start3A_1734 = tpu.memref_slice %arg9[%dma_start3A_1732, %dma_start3A_1733] : memref<5x80xi32, #tpu.memory_space<vmem>> -> memref<1x80xi32, #tpu.memory_space<vmem>>
    %dma_start3A_1735 = tpu.memref_squeeze %dma_start3A_1734 : memref<1x80xi32, #tpu.memory_space<vmem>> -> memref<80xi32, #tpu.memory_space<vmem>>
    %dma_start3A_1736 = arith.constant 0 : i32
    %dma_start3A_1737 = arith.constant 0 : i32
    %dma_start3A_1738 = tpu.memref_slice %arg2[%dma_start3A_1736, %dma_start3A_1737] : memref<10000x128xf32, #tpu.memory_space<hbm>> -> memref<10000x128xf32, #tpu.memory_space<hbm>>
    tpu.enqueue_indirect_dma source(%dma_start3A_1738 : memref<10000x128xf32, #tpu.memory_space<hbm>>) target(%arg12 : memref<80x128xf32, #tpu.memory_space<vmem>>) offsets(%dma_start3A_1735 : memref<80xi32, #tpu.memory_space<vmem>>) semaphore(%arg16 : memref<!tpu.dma_semaphore, #tpu.memory_space<semaphore_mem>>)
    %dma_wait3A_1739 = arith.constant 0 : i32
    %dma_wait3A_1740 = arith.constant 0 : i32
    %dma_wait3A_1741 = tpu.memref_slice %arg5[%dma_wait3A_1739, %dma_wait3A_1740] : memref<5x80xi32, #tpu.memory_space<vmem>> -> memref<1x80xi32, #tpu.memory_space<vmem>>
    %dma_wait3A_1742 = tpu.memref_squeeze %dma_wait3A_1741 : memref<1x80xi32, #tpu.memory_space<vmem>> -> memref<80xi32, #tpu.memory_space<vmem>>
    %dma_wait3A_1743 = arith.constant 0 : i32
    %dma_wait3A_1744 = arith.constant 0 : i32
    %dma_wait3A_1745 = tpu.memref_slice %arg2[%dma_wait3A_1743, %dma_wait3A_1744] : memref<10000x128xf32, #tpu.memory_space<hbm>> -> memref<10000x128xf32, #tpu.memory_space<hbm>>
    tpu.wait_indirect_dma semaphore(%arg17 : memref<!tpu.dma_semaphore, #tpu.memory_space<semaphore_mem>>) src(%dma_wait3A_1745 : memref<10000x128xf32, #tpu.memory_space<hbm>>) dst(%arg13 : memref<80x128xf32, #tpu.memory_space<vmem>>)
    %dma_start3A_1746 = arith.constant 1 : i32
    %dma_start3A_1747 = arith.constant 0 : i32
    %dma_start3A_1748 = tpu.memref_slice %arg10[%dma_start3A_1746, %dma_start3A_1747] : memref<5x80xi32, #tpu.memory_space<vmem>> -> memref<1x80xi32, #tpu.memory_space<vmem>>
    %dma_start3A_1749 = tpu.memref_squeeze %dma_start3A_1748 : memref<1x80xi32, #tpu.memory_space<vmem>> -> memref<80xi32, #tpu.memory_space<vmem>>
    %dma_start3A_1750 = arith.constant 0 : i32
    %dma_start3A_1751 = arith.constant 0 : i32
    %dma_start3A_1752 = tpu.memref_slice %arg14[%dma_start3A_1750, %dma_start3A_1751] : memref<10000x128xf32, #tpu.memory_space<vmem_shared>> -> memref<10000x128xf32, #tpu.memory_space<vmem_shared>>
    tpu.enqueue_indirect_dma source(%arg13 : memref<80x128xf32, #tpu.memory_space<vmem>>) target(%dma_start3A_1752 : memref<10000x128xf32, #tpu.memory_space<vmem_shared>>) offsets(%dma_start3A_1749 : memref<80xi32, #tpu.memory_space<vmem>>) semaphore(%arg20 : memref<!tpu.dma_semaphore, #tpu.memory_space<semaphore_mem>>) {add = true}
    %dma_wait3A_1753 = arith.constant 0 : i32
    %dma_wait3A_1754 = arith.constant 0 : i32
    %dma_wait3A_1755 = tpu.memref_slice %arg6[%dma_wait3A_1753, %dma_wait3A_1754] : memref<5x80xi32, #tpu.memory_space<vmem>> -> memref<1x80xi32, #tpu.memory_space<vmem>>
    %dma_wait3A_1756 = tpu.memref_squeeze %dma_wait3A_1755 : memref<1x80xi32, #tpu.memory_space<vmem>> -> memref<80xi32, #tpu.memory_space<vmem>>
    %dma_wait3A_1757 = arith.constant 0 : i32
    %dma_wait3A_1758 = arith.constant 0 : i32
    %dma_wait3A_1759 = tpu.memref_slice %arg14[%dma_wait3A_1757, %dma_wait3A_1758] : memref<10000x128xf32, #tpu.memory_space<vmem_shared>> -> memref<10000x128xf32, #tpu.memory_space<vmem_shared>>
    tpu.wait_indirect_dma semaphore(%arg20 : memref<!tpu.dma_semaphore, #tpu.memory_space<semaphore_mem>>) src(%arg13 : memref<80x128xf32, #tpu.memory_space<vmem>>) dst(%dma_wait3A_1759 : memref<10000x128xf32, #tpu.memory_space<vmem_shared>>)
    %dma_start3A_1760 = arith.constant 4 : i32
    %dma_start3A_1761 = arith.constant 0 : i32
    %dma_start3A_1762 = tpu.memref_slice %arg9[%dma_start3A_1760, %dma_start3A_1761] : memref<5x80xi32, #tpu.memory_space<vmem>> -> memref<1x80xi32, #tpu.memory_space<vmem>>
    %dma_start3A_1763 = tpu.memref_squeeze %dma_start3A_1762 : memref<1x80xi32, #tpu.memory_space<vmem>> -> memref<80xi32, #tpu.memory_space<vmem>>
    %dma_start3A_1764 = arith.constant 0 : i32
    %dma_start3A_1765 = arith.constant 0 : i32
    %dma_start3A_1766 = tpu.memref_slice %arg2[%dma_start3A_1764, %dma_start3A_1765] : memref<10000x128xf32, #tpu.memory_space<hbm>> -> memref<10000x128xf32, #tpu.memory_space<hbm>>
    tpu.enqueue_indirect_dma source(%dma_start3A_1766 : memref<10000x128xf32, #tpu.memory_space<hbm>>) target(%arg13 : memref<80x128xf32, #tpu.memory_space<vmem>>) offsets(%dma_start3A_1763 : memref<80xi32, #tpu.memory_space<vmem>>) semaphore(%arg17 : memref<!tpu.dma_semaphore, #tpu.memory_space<semaphore_mem>>)
    %dma_wait3A_1767 = arith.constant 0 : i32
    %dma_wait3A_1768 = arith.constant 0 : i32
    %dma_wait3A_1769 = tpu.memref_slice %arg5[%dma_wait3A_1767, %dma_wait3A_1768] : memref<5x80xi32, #tpu.memory_space<vmem>> -> memref<1x80xi32, #tpu.memory_space<vmem>>
    %dma_wait3A_1770 = tpu.memref_squeeze %dma_wait3A_1769 : memref<1x80xi32, #tpu.memory_space<vmem>> -> memref<80xi32, #tpu.memory_space<vmem>>
    %dma_wait3A_1771 = arith.constant 0 : i32
    %dma_wait3A_1772 = arith.constant 0 : i32
    %dma_wait3A_1773 = tpu.memref_slice %arg2[%dma_wait3A_1771, %dma_wait3A_1772] : memref<10000x128xf32, #tpu.memory_space<hbm>> -> memref<10000x128xf32, #tpu.memory_space<hbm>>
    tpu.wait_indirect_dma semaphore(%arg15 : memref<!tpu.dma_semaphore, #tpu.memory_space<semaphore_mem>>) src(%dma_wait3A_1773 : memref<10000x128xf32, #tpu.memory_space<hbm>>) dst(%arg11 : memref<80x128xf32, #tpu.memory_space<vmem>>)
    %dma_start3A_1774 = arith.constant 2 : i32
    %dma_start3A_1775 = arith.constant 0 : i32
    %dma_start3A_1776 = tpu.memref_slice %arg10[%dma_start3A_1774, %dma_start3A_1775] : memref<5x80xi32, #tpu.memory_space<vmem>> -> memref<1x80xi32, #tpu.memory_space<vmem>>
    %dma_start3A_1777 = tpu.memref_squeeze %dma_start3A_1776 : memref<1x80xi32, #tpu.memory_space<vmem>> -> memref<80xi32, #tpu.memory_space<vmem>>
    %dma_start3A_1778 = arith.constant 0 : i32
    %dma_start3A_1779 = arith.constant 0 : i32
    %dma_start3A_1780 = tpu.memref_slice %arg14[%dma_start3A_1778, %dma_start3A_1779] : memref<10000x128xf32, #tpu.memory_space<vmem_shared>> -> memref<10000x128xf32, #tpu.memory_space<vmem_shared>>
    tpu.enqueue_indirect_dma source(%arg11 : memref<80x128xf32, #tpu.memory_space<vmem>>) target(%dma_start3A_1780 : memref<10000x128xf32, #tpu.memory_space<vmem_shared>>) offsets(%dma_start3A_1777 : memref<80xi32, #tpu.memory_space<vmem>>) semaphore(%arg18 : memref<!tpu.dma_semaphore, #tpu.memory_space<semaphore_mem>>) {add = true}
    %dma_wait3A_1781 = arith.constant 0 : i32
    %dma_wait3A_1782 = arith.constant 0 : i32
    %dma_wait3A_1783 = tpu.memref_slice %arg6[%dma_wait3A_1781, %dma_wait3A_1782] : memref<5x80xi32, #tpu.memory_space<vmem>> -> memref<1x80xi32, #tpu.memory_space<vmem>>
    %dma_wait3A_1784 = tpu.memref_squeeze %dma_wait3A_1783 : memref<1x80xi32, #tpu.memory_space<vmem>> -> memref<80xi32, #tpu.memory_space<vmem>>
    %dma_wait3A_1785 = arith.constant 0 : i32
    %dma_wait3A_1786 = arith.constant 0 : i32
    %dma_wait3A_1787 = tpu.memref_slice %arg14[%dma_wait3A_1785, %dma_wait3A_1786] : memref<10000x128xf32, #tpu.memory_space<vmem_shared>> -> memref<10000x128xf32, #tpu.memory_space<vmem_shared>>
    tpu.wait_indirect_dma semaphore(%arg18 : memref<!tpu.dma_semaphore, #tpu.memory_space<semaphore_mem>>) src(%arg11 : memref<80x128xf32, #tpu.memory_space<vmem>>) dst(%dma_wait3A_1787 : memref<10000x128xf32, #tpu.memory_space<vmem_shared>>)
    %dma_wait3A_1788 = arith.constant 0 : i32
    %dma_wait3A_1789 = arith.constant 0 : i32
    %dma_wait3A_1790 = arith.constant 0 : i32
    %dma_wait3A_1791 = arith.constant 0 : i32
    %dma_wait3A_1792 = arith.constant 0 : i32
    %dma_wait3A_1793 = arith.constant 0 : i32
    %dma_wait3A_1794 = tpu.memref_slice %arg3[%dma_wait3A_1788, %dma_wait3A_1790, %dma_wait3A_1791, %dma_wait3A_1792, %dma_wait3A_1793] : memref<2x32x25x5x80xi32, #tpu.memory_space<hbm>> -> memref<1x32x25x5x80xi32, #tpu.memory_space<hbm>>
    %dma_wait3A_1795 = tpu.memref_squeeze %dma_wait3A_1794 : memref<1x32x25x5x80xi32, #tpu.memory_space<hbm>> -> memref<32x25x5x80xi32, #tpu.memory_space<hbm>>
    %dma_wait3A_1796 = arith.constant 0 : i32
    %dma_wait3A_1797 = arith.constant 0 : i32
    %dma_wait3A_1798 = arith.constant 0 : i32
    %dma_wait3A_1799 = tpu.memref_slice %dma_wait3A_1795[%add3A, %dma_wait3A_1796, %dma_wait3A_1797, %dma_wait3A_1798] : memref<32x25x5x80xi32, #tpu.memory_space<hbm>> -> memref<1x25x5x80xi32, #tpu.memory_space<hbm>>
    %dma_wait3A_1800 = tpu.memref_squeeze %dma_wait3A_1799 : memref<1x25x5x80xi32, #tpu.memory_space<hbm>> -> memref<25x5x80xi32, #tpu.memory_space<hbm>>
    %dma_wait3A_1801 = arith.constant 0 : i32
    %dma_wait3A_1802 = arith.constant 0 : i32
    %dma_wait3A_1803 = tpu.memref_slice %dma_wait3A_1800[%dma_wait3A_1789, %dma_wait3A_1801, %dma_wait3A_1802] : memref<25x5x80xi32, #tpu.memory_space<hbm>> -> memref<1x5x80xi32, #tpu.memory_space<hbm>>
    %dma_wait3A_1804 = tpu.memref_squeeze %dma_wait3A_1803 : memref<1x5x80xi32, #tpu.memory_space<hbm>> -> memref<5x80xi32, #tpu.memory_space<hbm>>
    %dma_wait3A_1805 = arith.constant 0 : i32
    %dma_wait3A_1806 = arith.constant 0 : i32
    %dma_wait3A_1807 = arith.constant 0 : i32
    %dma_wait3A_1808 = arith.constant 0 : i32
    %dma_wait3A_1809 = tpu.memref_slice %arg3[%dma_wait3A_1788, %dma_wait3A_1805, %dma_wait3A_1806, %dma_wait3A_1807, %dma_wait3A_1808] : memref<2x32x25x5x80xi32, #tpu.memory_space<hbm>> -> memref<1x32x25x5x80xi32, #tpu.memory_space<hbm>>
    %dma_wait3A_1810 = tpu.memref_squeeze %dma_wait3A_1809 : memref<1x32x25x5x80xi32, #tpu.memory_space<hbm>> -> memref<32x25x5x80xi32, #tpu.memory_space<hbm>>
    %dma_wait3A_1811 = arith.constant 0 : i32
    %dma_wait3A_1812 = arith.constant 0 : i32
    %dma_wait3A_1813 = arith.constant 0 : i32
    %dma_wait3A_1814 = tpu.memref_slice %dma_wait3A_1810[%add3A, %dma_wait3A_1811, %dma_wait3A_1812, %dma_wait3A_1813] : memref<32x25x5x80xi32, #tpu.memory_space<hbm>> -> memref<1x25x5x80xi32, #tpu.memory_space<hbm>>
    %dma_wait3A_1815 = tpu.memref_squeeze %dma_wait3A_1814 : memref<1x25x5x80xi32, #tpu.memory_space<hbm>> -> memref<25x5x80xi32, #tpu.memory_space<hbm>>
    %dma_wait3A_1816 = arith.constant 0 : i32
    %dma_wait3A_1817 = arith.constant 0 : i32
    %dma_wait3A_1818 = tpu.memref_slice %dma_wait3A_1815[%dma_wait3A_1789, %dma_wait3A_1816, %dma_wait3A_1817] : memref<25x5x80xi32, #tpu.memory_space<hbm>> -> memref<1x5x80xi32, #tpu.memory_space<hbm>>
    %dma_wait3A_1819 = tpu.memref_squeeze %dma_wait3A_1818 : memref<1x5x80xi32, #tpu.memory_space<hbm>> -> memref<5x80xi32, #tpu.memory_space<hbm>>
    tpu.wait_dma2 semaphore(%arg21 : memref<!tpu.dma_semaphore, #tpu.memory_space<semaphore_mem>>) src(%dma_wait3A_1819 : memref<5x80xi32, #tpu.memory_space<hbm>>) dst(%arg5 : memref<5x80xi32, #tpu.memory_space<vmem>>)
    %dma_wait3A_1820 = arith.constant 1 : i32
    %dma_wait3A_1821 = arith.constant 0 : i32
    %dma_wait3A_1822 = arith.constant 0 : i32
    %dma_wait3A_1823 = arith.constant 0 : i32
    %dma_wait3A_1824 = arith.constant 0 : i32
    %dma_wait3A_1825 = arith.constant 0 : i32
    %dma_wait3A_1826 = tpu.memref_slice %arg3[%dma_wait3A_1820, %dma_wait3A_1822, %dma_wait3A_1823, %dma_wait3A_1824, %dma_wait3A_1825] : memref<2x32x25x5x80xi32, #tpu.memory_space<hbm>> -> memref<1x32x25x5x80xi32, #tpu.memory_space<hbm>>
    %dma_wait3A_1827 = tpu.memref_squeeze %dma_wait3A_1826 : memref<1x32x25x5x80xi32, #tpu.memory_space<hbm>> -> memref<32x25x5x80xi32, #tpu.memory_space<hbm>>
    %dma_wait3A_1828 = arith.constant 0 : i32
    %dma_wait3A_1829 = arith.constant 0 : i32
    %dma_wait3A_1830 = arith.constant 0 : i32
    %dma_wait3A_1831 = tpu.memref_slice %dma_wait3A_1827[%add3A, %dma_wait3A_1828, %dma_wait3A_1829, %dma_wait3A_1830] : memref<32x25x5x80xi32, #tpu.memory_space<hbm>> -> memref<1x25x5x80xi32, #tpu.memory_space<hbm>>
    %dma_wait3A_1832 = tpu.memref_squeeze %dma_wait3A_1831 : memref<1x25x5x80xi32, #tpu.memory_space<hbm>> -> memref<25x5x80xi32, #tpu.memory_space<hbm>>
    %dma_wait3A_1833 = arith.constant 0 : i32
    %dma_wait3A_1834 = arith.constant 0 : i32
    %dma_wait3A_1835 = tpu.memref_slice %dma_wait3A_1832[%dma_wait3A_1821, %dma_wait3A_1833, %dma_wait3A_1834] : memref<25x5x80xi32, #tpu.memory_space<hbm>> -> memref<1x5x80xi32, #tpu.memory_space<hbm>>
    %dma_wait3A_1836 = tpu.memref_squeeze %dma_wait3A_1835 : memref<1x5x80xi32, #tpu.memory_space<hbm>> -> memref<5x80xi32, #tpu.memory_space<hbm>>
    %dma_wait3A_1837 = arith.constant 0 : i32
    %dma_wait3A_1838 = arith.constant 0 : i32
    %dma_wait3A_1839 = arith.constant 0 : i32
    %dma_wait3A_1840 = arith.constant 0 : i32
    %dma_wait3A_1841 = tpu.memref_slice %arg3[%dma_wait3A_1820, %dma_wait3A_1837, %dma_wait3A_1838, %dma_wait3A_1839, %dma_wait3A_1840] : memref<2x32x25x5x80xi32, #tpu.memory_space<hbm>> -> memref<1x32x25x5x80xi32, #tpu.memory_space<hbm>>
    %dma_wait3A_1842 = tpu.memref_squeeze %dma_wait3A_1841 : memref<1x32x25x5x80xi32, #tpu.memory_space<hbm>> -> memref<32x25x5x80xi32, #tpu.memory_space<hbm>>
    %dma_wait3A_1843 = arith.constant 0 : i32
    %dma_wait3A_1844 = arith.constant 0 : i32
    %dma_wait3A_1845 = arith.constant 0 : i32
    %dma_wait3A_1846 = tpu.memref_slice %dma_wait3A_1842[%add3A, %dma_wait3A_1843, %dma_wait3A_1844, %dma_wait3A_1845] : memref<32x25x5x80xi32, #tpu.memory_space<hbm>> -> memref<1x25x5x80xi32, #tpu.memory_space<hbm>>
    %dma_wait3A_1847 = tpu.memref_squeeze %dma_wait3A_1846 : memref<1x25x5x80xi32, #tpu.memory_space<hbm>> -> memref<25x5x80xi32, #tpu.memory_space<hbm>>
    %dma_wait3A_1848 = arith.constant 0 : i32
    %dma_wait3A_1849 = arith.constant 0 : i32
    %dma_wait3A_1850 = tpu.memref_slice %dma_wait3A_1847[%dma_wait3A_1821, %dma_wait3A_1848, %dma_wait3A_1849] : memref<25x5x80xi32, #tpu.memory_space<hbm>> -> memref<1x5x80xi32, #tpu.memory_space<hbm>>
    %dma_wait3A_1851 = tpu.memref_squeeze %dma_wait3A_1850 : memref<1x5x80xi32, #tpu.memory_space<hbm>> -> memref<5x80xi32, #tpu.memory_space<hbm>>
    tpu.wait_dma2 semaphore(%arg21 : memref<!tpu.dma_semaphore, #tpu.memory_space<semaphore_mem>>) src(%dma_wait3A_1851 : memref<5x80xi32, #tpu.memory_space<hbm>>) dst(%arg6 : memref<5x80xi32, #tpu.memory_space<vmem>>)
    %dma_start3A_1852 = arith.constant 0 : i32
    %dma_start3A_1853 = arith.constant 0 : i32
    %dma_start3A_1854 = tpu.memref_slice %arg5[%dma_start3A_1852, %dma_start3A_1853] : memref<5x80xi32, #tpu.memory_space<vmem>> -> memref<1x80xi32, #tpu.memory_space<vmem>>
    %dma_start3A_1855 = tpu.memref_squeeze %dma_start3A_1854 : memref<1x80xi32, #tpu.memory_space<vmem>> -> memref<80xi32, #tpu.memory_space<vmem>>
    %dma_start3A_1856 = arith.constant 0 : i32
    %dma_start3A_1857 = arith.constant 0 : i32
    %dma_start3A_1858 = tpu.memref_slice %arg2[%dma_start3A_1856, %dma_start3A_1857] : memref<10000x128xf32, #tpu.memory_space<hbm>> -> memref<10000x128xf32, #tpu.memory_space<hbm>>
    tpu.enqueue_indirect_dma source(%dma_start3A_1858 : memref<10000x128xf32, #tpu.memory_space<hbm>>) target(%arg11 : memref<80x128xf32, #tpu.memory_space<vmem>>) offsets(%dma_start3A_1855 : memref<80xi32, #tpu.memory_space<vmem>>) semaphore(%arg15 : memref<!tpu.dma_semaphore, #tpu.memory_space<semaphore_mem>>)
    %dma_wait3A_1859 = arith.constant 0 : i32
    %dma_wait3A_1860 = arith.constant 0 : i32
    %dma_wait3A_1861 = tpu.memref_slice %arg5[%dma_wait3A_1859, %dma_wait3A_1860] : memref<5x80xi32, #tpu.memory_space<vmem>> -> memref<1x80xi32, #tpu.memory_space<vmem>>
    %dma_wait3A_1862 = tpu.memref_squeeze %dma_wait3A_1861 : memref<1x80xi32, #tpu.memory_space<vmem>> -> memref<80xi32, #tpu.memory_space<vmem>>
    %dma_wait3A_1863 = arith.constant 0 : i32
    %dma_wait3A_1864 = arith.constant 0 : i32
    %dma_wait3A_1865 = tpu.memref_slice %arg2[%dma_wait3A_1863, %dma_wait3A_1864] : memref<10000x128xf32, #tpu.memory_space<hbm>> -> memref<10000x128xf32, #tpu.memory_space<hbm>>
    tpu.wait_indirect_dma semaphore(%arg16 : memref<!tpu.dma_semaphore, #tpu.memory_space<semaphore_mem>>) src(%dma_wait3A_1865 : memref<10000x128xf32, #tpu.memory_space<hbm>>) dst(%arg12 : memref<80x128xf32, #tpu.memory_space<vmem>>)
    %dma_start3A_1866 = arith.constant 3 : i32
    %dma_start3A_1867 = arith.constant 0 : i32
    %dma_start3A_1868 = tpu.memref_slice %arg10[%dma_start3A_1866, %dma_start3A_1867] : memref<5x80xi32, #tpu.memory_space<vmem>> -> memref<1x80xi32, #tpu.memory_space<vmem>>
    %dma_start3A_1869 = tpu.memref_squeeze %dma_start3A_1868 : memref<1x80xi32, #tpu.memory_space<vmem>> -> memref<80xi32, #tpu.memory_space<vmem>>
    %dma_start3A_1870 = arith.constant 0 : i32
    %dma_start3A_1871 = arith.constant 0 : i32
    %dma_start3A_1872 = tpu.memref_slice %arg14[%dma_start3A_1870, %dma_start3A_1871] : memref<10000x128xf32, #tpu.memory_space<vmem_shared>> -> memref<10000x128xf32, #tpu.memory_space<vmem_shared>>
    tpu.enqueue_indirect_dma source(%arg12 : memref<80x128xf32, #tpu.memory_space<vmem>>) target(%dma_start3A_1872 : memref<10000x128xf32, #tpu.memory_space<vmem_shared>>) offsets(%dma_start3A_1869 : memref<80xi32, #tpu.memory_space<vmem>>) semaphore(%arg19 : memref<!tpu.dma_semaphore, #tpu.memory_space<semaphore_mem>>) {add = true}
    %dma_wait3A_1873 = arith.constant 0 : i32
    %dma_wait3A_1874 = arith.constant 0 : i32
    %dma_wait3A_1875 = tpu.memref_slice %arg6[%dma_wait3A_1873, %dma_wait3A_1874] : memref<5x80xi32, #tpu.memory_space<vmem>> -> memref<1x80xi32, #tpu.memory_space<vmem>>
    %dma_wait3A_1876 = tpu.memref_squeeze %dma_wait3A_1875 : memref<1x80xi32, #tpu.memory_space<vmem>> -> memref<80xi32, #tpu.memory_space<vmem>>
    %dma_wait3A_1877 = arith.constant 0 : i32
    %dma_wait3A_1878 = arith.constant 0 : i32
    %dma_wait3A_1879 = tpu.memref_slice %arg14[%dma_wait3A_1877, %dma_wait3A_1878] : memref<10000x128xf32, #tpu.memory_space<vmem_shared>> -> memref<10000x128xf32, #tpu.memory_space<vmem_shared>>
    tpu.wait_indirect_dma semaphore(%arg19 : memref<!tpu.dma_semaphore, #tpu.memory_space<semaphore_mem>>) src(%arg12 : memref<80x128xf32, #tpu.memory_space<vmem>>) dst(%dma_wait3A_1879 : memref<10000x128xf32, #tpu.memory_space<vmem_shared>>)
    %dma_start3A_1880 = arith.constant 1 : i32
    %dma_start3A_1881 = arith.constant 0 : i32
    %dma_start3A_1882 = tpu.memref_slice %arg5[%dma_start3A_1880, %dma_start3A_1881] : memref<5x80xi32, #tpu.memory_space<vmem>> -> memref<1x80xi32, #tpu.memory_space<vmem>>
    %dma_start3A_1883 = tpu.memref_squeeze %dma_start3A_1882 : memref<1x80xi32, #tpu.memory_space<vmem>> -> memref<80xi32, #tpu.memory_space<vmem>>
    %dma_start3A_1884 = arith.constant 0 : i32
    %dma_start3A_1885 = arith.constant 0 : i32
    %dma_start3A_1886 = tpu.memref_slice %arg2[%dma_start3A_1884, %dma_start3A_1885] : memref<10000x128xf32, #tpu.memory_space<hbm>> -> memref<10000x128xf32, #tpu.memory_space<hbm>>
    tpu.enqueue_indirect_dma source(%dma_start3A_1886 : memref<10000x128xf32, #tpu.memory_space<hbm>>) target(%arg12 : memref<80x128xf32, #tpu.memory_space<vmem>>) offsets(%dma_start3A_1883 : memref<80xi32, #tpu.memory_space<vmem>>) semaphore(%arg16 : memref<!tpu.dma_semaphore, #tpu.memory_space<semaphore_mem>>)
    %dma_wait3A_1887 = arith.constant 0 : i32
    %dma_wait3A_1888 = arith.constant 0 : i32
    %dma_wait3A_1889 = tpu.memref_slice %arg5[%dma_wait3A_1887, %dma_wait3A_1888] : memref<5x80xi32, #tpu.memory_space<vmem>> -> memref<1x80xi32, #tpu.memory_space<vmem>>
    %dma_wait3A_1890 = tpu.memref_squeeze %dma_wait3A_1889 : memref<1x80xi32, #tpu.memory_space<vmem>> -> memref<80xi32, #tpu.memory_space<vmem>>
    %dma_wait3A_1891 = arith.constant 0 : i32
    %dma_wait3A_1892 = arith.constant 0 : i32
    %dma_wait3A_1893 = tpu.memref_slice %arg2[%dma_wait3A_1891, %dma_wait3A_1892] : memref<10000x128xf32, #tpu.memory_space<hbm>> -> memref<10000x128xf32, #tpu.memory_space<hbm>>
    tpu.wait_indirect_dma semaphore(%arg17 : memref<!tpu.dma_semaphore, #tpu.memory_space<semaphore_mem>>) src(%dma_wait3A_1893 : memref<10000x128xf32, #tpu.memory_space<hbm>>) dst(%arg13 : memref<80x128xf32, #tpu.memory_space<vmem>>)
    %dma_start3A_1894 = arith.constant 4 : i32
    %dma_start3A_1895 = arith.constant 0 : i32
    %dma_start3A_1896 = tpu.memref_slice %arg10[%dma_start3A_1894, %dma_start3A_1895] : memref<5x80xi32, #tpu.memory_space<vmem>> -> memref<1x80xi32, #tpu.memory_space<vmem>>
    %dma_start3A_1897 = tpu.memref_squeeze %dma_start3A_1896 : memref<1x80xi32, #tpu.memory_space<vmem>> -> memref<80xi32, #tpu.memory_space<vmem>>
    %dma_start3A_1898 = arith.constant 0 : i32
    %dma_start3A_1899 = arith.constant 0 : i32
    %dma_start3A_1900 = tpu.memref_slice %arg14[%dma_start3A_1898, %dma_start3A_1899] : memref<10000x128xf32, #tpu.memory_space<vmem_shared>> -> memref<10000x128xf32, #tpu.memory_space<vmem_shared>>
    tpu.enqueue_indirect_dma source(%arg13 : memref<80x128xf32, #tpu.memory_space<vmem>>) target(%dma_start3A_1900 : memref<10000x128xf32, #tpu.memory_space<vmem_shared>>) offsets(%dma_start3A_1897 : memref<80xi32, #tpu.memory_space<vmem>>) semaphore(%arg20 : memref<!tpu.dma_semaphore, #tpu.memory_space<semaphore_mem>>) {add = true}
    %dma_wait3A_1901 = arith.constant 0 : i32
    %dma_wait3A_1902 = arith.constant 0 : i32
    %dma_wait3A_1903 = tpu.memref_slice %arg6[%dma_wait3A_1901, %dma_wait3A_1902] : memref<5x80xi32, #tpu.memory_space<vmem>> -> memref<1x80xi32, #tpu.memory_space<vmem>>
    %dma_wait3A_1904 = tpu.memref_squeeze %dma_wait3A_1903 : memref<1x80xi32, #tpu.memory_space<vmem>> -> memref<80xi32, #tpu.memory_space<vmem>>
    %dma_wait3A_1905 = arith.constant 0 : i32
    %dma_wait3A_1906 = arith.constant 0 : i32
    %dma_wait3A_1907 = tpu.memref_slice %arg14[%dma_wait3A_1905, %dma_wait3A_1906] : memref<10000x128xf32, #tpu.memory_space<vmem_shared>> -> memref<10000x128xf32, #tpu.memory_space<vmem_shared>>
    tpu.wait_indirect_dma semaphore(%arg20 : memref<!tpu.dma_semaphore, #tpu.memory_space<semaphore_mem>>) src(%arg13 : memref<80x128xf32, #tpu.memory_space<vmem>>) dst(%dma_wait3A_1907 : memref<10000x128xf32, #tpu.memory_space<vmem_shared>>)
    %dma_start3A_1908 = arith.constant 2 : i32
    %dma_start3A_1909 = arith.constant 0 : i32
    %dma_start3A_1910 = tpu.memref_slice %arg5[%dma_start3A_1908, %dma_start3A_1909] : memref<5x80xi32, #tpu.memory_space<vmem>> -> memref<1x80xi32, #tpu.memory_space<vmem>>
    %dma_start3A_1911 = tpu.memref_squeeze %dma_start3A_1910 : memref<1x80xi32, #tpu.memory_space<vmem>> -> memref<80xi32, #tpu.memory_space<vmem>>
    %dma_start3A_1912 = arith.constant 0 : i32
    %dma_start3A_1913 = arith.constant 0 : i32
    %dma_start3A_1914 = tpu.memref_slice %arg2[%dma_start3A_1912, %dma_start3A_1913] : memref<10000x128xf32, #tpu.memory_space<hbm>> -> memref<10000x128xf32, #tpu.memory_space<hbm>>
    tpu.enqueue_indirect_dma source(%dma_start3A_1914 : memref<10000x128xf32, #tpu.memory_space<hbm>>) target(%arg13 : memref<80x128xf32, #tpu.memory_space<vmem>>) offsets(%dma_start3A_1911 : memref<80xi32, #tpu.memory_space<vmem>>) semaphore(%arg17 : memref<!tpu.dma_semaphore, #tpu.memory_space<semaphore_mem>>)
    %dma_wait3A_1915 = arith.constant 0 : i32
    %dma_wait3A_1916 = arith.constant 0 : i32
    %dma_wait3A_1917 = tpu.memref_slice %arg5[%dma_wait3A_1915, %dma_wait3A_1916] : memref<5x80xi32, #tpu.memory_space<vmem>> -> memref<1x80xi32, #tpu.memory_space<vmem>>
    %dma_wait3A_1918 = tpu.memref_squeeze %dma_wait3A_1917 : memref<1x80xi32, #tpu.memory_space<vmem>> -> memref<80xi32, #tpu.memory_space<vmem>>
    %dma_wait3A_1919 = arith.constant 0 : i32
    %dma_wait3A_1920 = arith.constant 0 : i32
    %dma_wait3A_1921 = tpu.memref_slice %arg2[%dma_wait3A_1919, %dma_wait3A_1920] : memref<10000x128xf32, #tpu.memory_space<hbm>> -> memref<10000x128xf32, #tpu.memory_space<hbm>>
    tpu.wait_indirect_dma semaphore(%arg15 : memref<!tpu.dma_semaphore, #tpu.memory_space<semaphore_mem>>) src(%dma_wait3A_1921 : memref<10000x128xf32, #tpu.memory_space<hbm>>) dst(%arg11 : memref<80x128xf32, #tpu.memory_space<vmem>>)
    %dma_start3A_1922 = arith.constant 0 : i32
    %dma_start3A_1923 = arith.constant 0 : i32
    %dma_start3A_1924 = tpu.memref_slice %arg6[%dma_start3A_1922, %dma_start3A_1923] : memref<5x80xi32, #tpu.memory_space<vmem>> -> memref<1x80xi32, #tpu.memory_space<vmem>>
    %dma_start3A_1925 = tpu.memref_squeeze %dma_start3A_1924 : memref<1x80xi32, #tpu.memory_space<vmem>> -> memref<80xi32, #tpu.memory_space<vmem>>
    %dma_start3A_1926 = arith.constant 0 : i32
    %dma_start3A_1927 = arith.constant 0 : i32
    %dma_start3A_1928 = tpu.memref_slice %arg14[%dma_start3A_1926, %dma_start3A_1927] : memref<10000x128xf32, #tpu.memory_space<vmem_shared>> -> memref<10000x128xf32, #tpu.memory_space<vmem_shared>>
    tpu.enqueue_indirect_dma source(%arg11 : memref<80x128xf32, #tpu.memory_space<vmem>>) target(%dma_start3A_1928 : memref<10000x128xf32, #tpu.memory_space<vmem_shared>>) offsets(%dma_start3A_1925 : memref<80xi32, #tpu.memory_space<vmem>>) semaphore(%arg18 : memref<!tpu.dma_semaphore, #tpu.memory_space<semaphore_mem>>) {add = true}
    %dma_wait3A_1929 = arith.constant 0 : i32
    %dma_wait3A_1930 = arith.constant 0 : i32
    %dma_wait3A_1931 = tpu.memref_slice %arg6[%dma_wait3A_1929, %dma_wait3A_1930] : memref<5x80xi32, #tpu.memory_space<vmem>> -> memref<1x80xi32, #tpu.memory_space<vmem>>
    %dma_wait3A_1932 = tpu.memref_squeeze %dma_wait3A_1931 : memref<1x80xi32, #tpu.memory_space<vmem>> -> memref<80xi32, #tpu.memory_space<vmem>>
    %dma_wait3A_1933 = arith.constant 0 : i32
    %dma_wait3A_1934 = arith.constant 0 : i32
    %dma_wait3A_1935 = tpu.memref_slice %arg14[%dma_wait3A_1933, %dma_wait3A_1934] : memref<10000x128xf32, #tpu.memory_space<vmem_shared>> -> memref<10000x128xf32, #tpu.memory_space<vmem_shared>>
    tpu.wait_indirect_dma semaphore(%arg18 : memref<!tpu.dma_semaphore, #tpu.memory_space<semaphore_mem>>) src(%arg11 : memref<80x128xf32, #tpu.memory_space<vmem>>) dst(%dma_wait3A_1935 : memref<10000x128xf32, #tpu.memory_space<vmem_shared>>)
    %dma_start3A_1936 = arith.constant 3 : i32
    %dma_start3A_1937 = arith.constant 0 : i32
    %dma_start3A_1938 = tpu.memref_slice %arg5[%dma_start3A_1936, %dma_start3A_1937] : memref<5x80xi32, #tpu.memory_space<vmem>> -> memref<1x80xi32, #tpu.memory_space<vmem>>
    %dma_start3A_1939 = tpu.memref_squeeze %dma_start3A_1938 : memref<1x80xi32, #tpu.memory_space<vmem>> -> memref<80xi32, #tpu.memory_space<vmem>>
    %dma_start3A_1940 = arith.constant 0 : i32
    %dma_start3A_1941 = arith.constant 0 : i32
    %dma_start3A_1942 = tpu.memref_slice %arg2[%dma_start3A_1940, %dma_start3A_1941] : memref<10000x128xf32, #tpu.memory_space<hbm>> -> memref<10000x128xf32, #tpu.memory_space<hbm>>
    tpu.enqueue_indirect_dma source(%dma_start3A_1942 : memref<10000x128xf32, #tpu.memory_space<hbm>>) target(%arg11 : memref<80x128xf32, #tpu.memory_space<vmem>>) offsets(%dma_start3A_1939 : memref<80xi32, #tpu.memory_space<vmem>>) semaphore(%arg15 : memref<!tpu.dma_semaphore, #tpu.memory_space<semaphore_mem>>)
    %dma_wait3A_1943 = arith.constant 0 : i32
    %dma_wait3A_1944 = arith.constant 0 : i32
    %dma_wait3A_1945 = tpu.memref_slice %arg5[%dma_wait3A_1943, %dma_wait3A_1944] : memref<5x80xi32, #tpu.memory_space<vmem>> -> memref<1x80xi32, #tpu.memory_space<vmem>>
    %dma_wait3A_1946 = tpu.memref_squeeze %dma_wait3A_1945 : memref<1x80xi32, #tpu.memory_space<vmem>> -> memref<80xi32, #tpu.memory_space<vmem>>
    %dma_wait3A_1947 = arith.constant 0 : i32
    %dma_wait3A_1948 = arith.constant 0 : i32
    %dma_wait3A_1949 = tpu.memref_slice %arg2[%dma_wait3A_1947, %dma_wait3A_1948] : memref<10000x128xf32, #tpu.memory_space<hbm>> -> memref<10000x128xf32, #tpu.memory_space<hbm>>
    tpu.wait_indirect_dma semaphore(%arg16 : memref<!tpu.dma_semaphore, #tpu.memory_space<semaphore_mem>>) src(%dma_wait3A_1949 : memref<10000x128xf32, #tpu.memory_space<hbm>>) dst(%arg12 : memref<80x128xf32, #tpu.memory_space<vmem>>)
    %dma_start3A_1950 = arith.constant 1 : i32
    %dma_start3A_1951 = arith.constant 0 : i32
    %dma_start3A_1952 = tpu.memref_slice %arg6[%dma_start3A_1950, %dma_start3A_1951] : memref<5x80xi32, #tpu.memory_space<vmem>> -> memref<1x80xi32, #tpu.memory_space<vmem>>
    %dma_start3A_1953 = tpu.memref_squeeze %dma_start3A_1952 : memref<1x80xi32, #tpu.memory_space<vmem>> -> memref<80xi32, #tpu.memory_space<vmem>>
    %dma_start3A_1954 = arith.constant 0 : i32
    %dma_start3A_1955 = arith.constant 0 : i32
    %dma_start3A_1956 = tpu.memref_slice %arg14[%dma_start3A_1954, %dma_start3A_1955] : memref<10000x128xf32, #tpu.memory_space<vmem_shared>> -> memref<10000x128xf32, #tpu.memory_space<vmem_shared>>
    tpu.enqueue_indirect_dma source(%arg12 : memref<80x128xf32, #tpu.memory_space<vmem>>) target(%dma_start3A_1956 : memref<10000x128xf32, #tpu.memory_space<vmem_shared>>) offsets(%dma_start3A_1953 : memref<80xi32, #tpu.memory_space<vmem>>) semaphore(%arg19 : memref<!tpu.dma_semaphore, #tpu.memory_space<semaphore_mem>>) {add = true}
    %dma_wait3A_1957 = arith.constant 0 : i32
    %dma_wait3A_1958 = arith.constant 0 : i32
    %dma_wait3A_1959 = tpu.memref_slice %arg6[%dma_wait3A_1957, %dma_wait3A_1958] : memref<5x80xi32, #tpu.memory_space<vmem>> -> memref<1x80xi32, #tpu.memory_space<vmem>>
    %dma_wait3A_1960 = tpu.memref_squeeze %dma_wait3A_1959 : memref<1x80xi32, #tpu.memory_space<vmem>> -> memref<80xi32, #tpu.memory_space<vmem>>
    %dma_wait3A_1961 = arith.constant 0 : i32
    %dma_wait3A_1962 = arith.constant 0 : i32
    %dma_wait3A_1963 = tpu.memref_slice %arg14[%dma_wait3A_1961, %dma_wait3A_1962] : memref<10000x128xf32, #tpu.memory_space<vmem_shared>> -> memref<10000x128xf32, #tpu.memory_space<vmem_shared>>
    tpu.wait_indirect_dma semaphore(%arg19 : memref<!tpu.dma_semaphore, #tpu.memory_space<semaphore_mem>>) src(%arg12 : memref<80x128xf32, #tpu.memory_space<vmem>>) dst(%dma_wait3A_1963 : memref<10000x128xf32, #tpu.memory_space<vmem_shared>>)
    %dma_start3A_1964 = arith.constant 4 : i32
    %dma_start3A_1965 = arith.constant 0 : i32
    %dma_start3A_1966 = tpu.memref_slice %arg5[%dma_start3A_1964, %dma_start3A_1965] : memref<5x80xi32, #tpu.memory_space<vmem>> -> memref<1x80xi32, #tpu.memory_space<vmem>>
    %dma_start3A_1967 = tpu.memref_squeeze %dma_start3A_1966 : memref<1x80xi32, #tpu.memory_space<vmem>> -> memref<80xi32, #tpu.memory_space<vmem>>
    %dma_start3A_1968 = arith.constant 0 : i32
    %dma_start3A_1969 = arith.constant 0 : i32
    %dma_start3A_1970 = tpu.memref_slice %arg2[%dma_start3A_1968, %dma_start3A_1969] : memref<10000x128xf32, #tpu.memory_space<hbm>> -> memref<10000x128xf32, #tpu.memory_space<hbm>>
    tpu.enqueue_indirect_dma source(%dma_start3A_1970 : memref<10000x128xf32, #tpu.memory_space<hbm>>) target(%arg12 : memref<80x128xf32, #tpu.memory_space<vmem>>) offsets(%dma_start3A_1967 : memref<80xi32, #tpu.memory_space<vmem>>) semaphore(%arg16 : memref<!tpu.dma_semaphore, #tpu.memory_space<semaphore_mem>>)
    %dma_wait3A_1971 = arith.constant 0 : i32
    %dma_wait3A_1972 = arith.constant 0 : i32
    %dma_wait3A_1973 = tpu.memref_slice %arg5[%dma_wait3A_1971, %dma_wait3A_1972] : memref<5x80xi32, #tpu.memory_space<vmem>> -> memref<1x80xi32, #tpu.memory_space<vmem>>
    %dma_wait3A_1974 = tpu.memref_squeeze %dma_wait3A_1973 : memref<1x80xi32, #tpu.memory_space<vmem>> -> memref<80xi32, #tpu.memory_space<vmem>>
    %dma_wait3A_1975 = arith.constant 0 : i32
    %dma_wait3A_1976 = arith.constant 0 : i32
    %dma_wait3A_1977 = tpu.memref_slice %arg2[%dma_wait3A_1975, %dma_wait3A_1976] : memref<10000x128xf32, #tpu.memory_space<hbm>> -> memref<10000x128xf32, #tpu.memory_space<hbm>>
    tpu.wait_indirect_dma semaphore(%arg17 : memref<!tpu.dma_semaphore, #tpu.memory_space<semaphore_mem>>) src(%dma_wait3A_1977 : memref<10000x128xf32, #tpu.memory_space<hbm>>) dst(%arg13 : memref<80x128xf32, #tpu.memory_space<vmem>>)
    %dma_start3A_1978 = arith.constant 2 : i32
    %dma_start3A_1979 = arith.constant 0 : i32
    %dma_start3A_1980 = tpu.memref_slice %arg6[%dma_start3A_1978, %dma_start3A_1979] : memref<5x80xi32, #tpu.memory_space<vmem>> -> memref<1x80xi32, #tpu.memory_space<vmem>>
    %dma_start3A_1981 = tpu.memref_squeeze %dma_start3A_1980 : memref<1x80xi32, #tpu.memory_space<vmem>> -> memref<80xi32, #tpu.memory_space<vmem>>
    %dma_start3A_1982 = arith.constant 0 : i32
    %dma_start3A_1983 = arith.constant 0 : i32
    %dma_start3A_1984 = tpu.memref_slice %arg14[%dma_start3A_1982, %dma_start3A_1983] : memref<10000x128xf32, #tpu.memory_space<vmem_shared>> -> memref<10000x128xf32, #tpu.memory_space<vmem_shared>>
    tpu.enqueue_indirect_dma source(%arg13 : memref<80x128xf32, #tpu.memory_space<vmem>>) target(%dma_start3A_1984 : memref<10000x128xf32, #tpu.memory_space<vmem_shared>>) offsets(%dma_start3A_1981 : memref<80xi32, #tpu.memory_space<vmem>>) semaphore(%arg20 : memref<!tpu.dma_semaphore, #tpu.memory_space<semaphore_mem>>) {add = true}
    %dma_wait3A_1985 = arith.constant 0 : i32
    %dma_wait3A_1986 = arith.constant 0 : i32
    %dma_wait3A_1987 = tpu.memref_slice %arg5[%dma_wait3A_1985, %dma_wait3A_1986] : memref<5x80xi32, #tpu.memory_space<vmem>> -> memref<1x80xi32, #tpu.memory_space<vmem>>
    %dma_wait3A_1988 = tpu.memref_squeeze %dma_wait3A_1987 : memref<1x80xi32, #tpu.memory_space<vmem>> -> memref<80xi32, #tpu.memory_space<vmem>>
    %dma_wait3A_1989 = arith.constant 0 : i32
    %dma_wait3A_1990 = arith.constant 0 : i32
    %dma_wait3A_1991 = tpu.memref_slice %arg2[%dma_wait3A_1989, %dma_wait3A_1990] : memref<10000x128xf32, #tpu.memory_space<hbm>> -> memref<10000x128xf32, #tpu.memory_space<hbm>>
    tpu.wait_indirect_dma semaphore(%arg15 : memref<!tpu.dma_semaphore, #tpu.memory_space<semaphore_mem>>) src(%dma_wait3A_1991 : memref<10000x128xf32, #tpu.memory_space<hbm>>) dst(%arg11 : memref<80x128xf32, #tpu.memory_space<vmem>>)
    %dma_start3A_1992 = arith.constant 3 : i32
    %dma_start3A_1993 = arith.constant 0 : i32
    %dma_start3A_1994 = tpu.memref_slice %arg6[%dma_start3A_1992, %dma_start3A_1993] : memref<5x80xi32, #tpu.memory_space<vmem>> -> memref<1x80xi32, #tpu.memory_space<vmem>>
    %dma_start3A_1995 = tpu.memref_squeeze %dma_start3A_1994 : memref<1x80xi32, #tpu.memory_space<vmem>> -> memref<80xi32, #tpu.memory_space<vmem>>
    %dma_start3A_1996 = arith.constant 0 : i32
    %dma_start3A_1997 = arith.constant 0 : i32
    %dma_start3A_1998 = tpu.memref_slice %arg14[%dma_start3A_1996, %dma_start3A_1997] : memref<10000x128xf32, #tpu.memory_space<vmem_shared>> -> memref<10000x128xf32, #tpu.memory_space<vmem_shared>>
    tpu.enqueue_indirect_dma source(%arg11 : memref<80x128xf32, #tpu.memory_space<vmem>>) target(%dma_start3A_1998 : memref<10000x128xf32, #tpu.memory_space<vmem_shared>>) offsets(%dma_start3A_1995 : memref<80xi32, #tpu.memory_space<vmem>>) semaphore(%arg18 : memref<!tpu.dma_semaphore, #tpu.memory_space<semaphore_mem>>) {add = true}
    %dma_wait3A_1999 = arith.constant 0 : i32
    %dma_wait3A_2000 = arith.constant 0 : i32
    %dma_wait3A_2001 = tpu.memref_slice %arg5[%dma_wait3A_1999, %dma_wait3A_2000] : memref<5x80xi32, #tpu.memory_space<vmem>> -> memref<1x80xi32, #tpu.memory_space<vmem>>
    %dma_wait3A_2002 = tpu.memref_squeeze %dma_wait3A_2001 : memref<1x80xi32, #tpu.memory_space<vmem>> -> memref<80xi32, #tpu.memory_space<vmem>>
    %dma_wait3A_2003 = arith.constant 0 : i32
    %dma_wait3A_2004 = arith.constant 0 : i32
    %dma_wait3A_2005 = tpu.memref_slice %arg2[%dma_wait3A_2003, %dma_wait3A_2004] : memref<10000x128xf32, #tpu.memory_space<hbm>> -> memref<10000x128xf32, #tpu.memory_space<hbm>>
    tpu.wait_indirect_dma semaphore(%arg16 : memref<!tpu.dma_semaphore, #tpu.memory_space<semaphore_mem>>) src(%dma_wait3A_2005 : memref<10000x128xf32, #tpu.memory_space<hbm>>) dst(%arg12 : memref<80x128xf32, #tpu.memory_space<vmem>>)
    %dma_start3A_2006 = arith.constant 4 : i32
    %dma_start3A_2007 = arith.constant 0 : i32
    %dma_start3A_2008 = tpu.memref_slice %arg6[%dma_start3A_2006, %dma_start3A_2007] : memref<5x80xi32, #tpu.memory_space<vmem>> -> memref<1x80xi32, #tpu.memory_space<vmem>>
    %dma_start3A_2009 = tpu.memref_squeeze %dma_start3A_2008 : memref<1x80xi32, #tpu.memory_space<vmem>> -> memref<80xi32, #tpu.memory_space<vmem>>
    %dma_start3A_2010 = arith.constant 0 : i32
    %dma_start3A_2011 = arith.constant 0 : i32
    %dma_start3A_2012 = tpu.memref_slice %arg14[%dma_start3A_2010, %dma_start3A_2011] : memref<10000x128xf32, #tpu.memory_space<vmem_shared>> -> memref<10000x128xf32, #tpu.memory_space<vmem_shared>>
    tpu.enqueue_indirect_dma source(%arg12 : memref<80x128xf32, #tpu.memory_space<vmem>>) target(%dma_start3A_2012 : memref<10000x128xf32, #tpu.memory_space<vmem_shared>>) offsets(%dma_start3A_2009 : memref<80xi32, #tpu.memory_space<vmem>>) semaphore(%arg19 : memref<!tpu.dma_semaphore, #tpu.memory_space<semaphore_mem>>) {add = true}
    %dma_wait3A_2013 = arith.constant 0 : i32
    %dma_wait3A_2014 = arith.constant 0 : i32
    %dma_wait3A_2015 = tpu.memref_slice %arg6[%dma_wait3A_2013, %dma_wait3A_2014] : memref<5x80xi32, #tpu.memory_space<vmem>> -> memref<1x80xi32, #tpu.memory_space<vmem>>
    %dma_wait3A_2016 = tpu.memref_squeeze %dma_wait3A_2015 : memref<1x80xi32, #tpu.memory_space<vmem>> -> memref<80xi32, #tpu.memory_space<vmem>>
    %dma_wait3A_2017 = arith.constant 0 : i32
    %dma_wait3A_2018 = arith.constant 0 : i32
    %dma_wait3A_2019 = tpu.memref_slice %arg14[%dma_wait3A_2017, %dma_wait3A_2018] : memref<10000x128xf32, #tpu.memory_space<vmem_shared>> -> memref<10000x128xf32, #tpu.memory_space<vmem_shared>>
    tpu.wait_indirect_dma semaphore(%arg20 : memref<!tpu.dma_semaphore, #tpu.memory_space<semaphore_mem>>) src(%arg13 : memref<80x128xf32, #tpu.memory_space<vmem>>) dst(%dma_wait3A_2019 : memref<10000x128xf32, #tpu.memory_space<vmem_shared>>)
    %dma_wait3A_2020 = arith.constant 0 : i32
    %dma_wait3A_2021 = arith.constant 0 : i32
    %dma_wait3A_2022 = tpu.memref_slice %arg6[%dma_wait3A_2020, %dma_wait3A_2021] : memref<5x80xi32, #tpu.memory_space<vmem>> -> memref<1x80xi32, #tpu.memory_space<vmem>>
    %dma_wait3A_2023 = tpu.memref_squeeze %dma_wait3A_2022 : memref<1x80xi32, #tpu.memory_space<vmem>> -> memref<80xi32, #tpu.memory_space<vmem>>
    %dma_wait3A_2024 = arith.constant 0 : i32
    %dma_wait3A_2025 = arith.constant 0 : i32
    %dma_wait3A_2026 = tpu.memref_slice %arg14[%dma_wait3A_2024, %dma_wait3A_2025] : memref<10000x128xf32, #tpu.memory_space<vmem_shared>> -> memref<10000x128xf32, #tpu.memory_space<vmem_shared>>
    tpu.wait_indirect_dma semaphore(%arg18 : memref<!tpu.dma_semaphore, #tpu.memory_space<semaphore_mem>>) src(%arg11 : memref<80x128xf32, #tpu.memory_space<vmem>>) dst(%dma_wait3A_2026 : memref<10000x128xf32, #tpu.memory_space<vmem_shared>>)
    %dma_wait3A_2027 = arith.constant 0 : i32
    %dma_wait3A_2028 = arith.constant 0 : i32
    %dma_wait3A_2029 = tpu.memref_slice %arg6[%dma_wait3A_2027, %dma_wait3A_2028] : memref<5x80xi32, #tpu.memory_space<vmem>> -> memref<1x80xi32, #tpu.memory_space<vmem>>
    %dma_wait3A_2030 = tpu.memref_squeeze %dma_wait3A_2029 : memref<1x80xi32, #tpu.memory_space<vmem>> -> memref<80xi32, #tpu.memory_space<vmem>>
    %dma_wait3A_2031 = arith.constant 0 : i32
    %dma_wait3A_2032 = arith.constant 0 : i32
    %dma_wait3A_2033 = tpu.memref_slice %arg14[%dma_wait3A_2031, %dma_wait3A_2032] : memref<10000x128xf32, #tpu.memory_space<vmem_shared>> -> memref<10000x128xf32, #tpu.memory_space<vmem_shared>>
    tpu.wait_indirect_dma semaphore(%arg19 : memref<!tpu.dma_semaphore, #tpu.memory_space<semaphore_mem>>) src(%arg12 : memref<80x128xf32, #tpu.memory_space<vmem>>) dst(%dma_wait3A_2033 : memref<10000x128xf32, #tpu.memory_space<vmem_shared>>)
    %barrier3A_2034 = arith.constant 0 : index
    tpu.barrier barrier_id(%barrier3A_2034)
    %mul3A_2035 = arith.constant 624 : i32
    %mul3A_2036 = arith.muli %arg1, %mul3A_2035 : i32
    %mul3A_2037 = arith.constant 624 : i32
    %mul3A_2038 = arith.muli %arg1, %mul3A_2037 : i32
    "tpu.region"() ({
      %run_scoped3A = tpu.sem_alloc : memref<!tpu.dma_semaphore, #tpu.memory_space<semaphore_mem>>
      %dma_start3A_2044 = arith.constant 0 : i32
      %dma_start3A_2045 = arith.constant 0 : i32
      %dma_start3A_2046 = tpu.memref_slice %arg4[%arg0, %dma_start3A_2044, %dma_start3A_2045] : memref<2x10000x128xf32, #tpu.memory_space<hbm>> -> memref<1x10000x128xf32, #tpu.memory_space<hbm>>
      %dma_start3A_2047 = tpu.memref_squeeze %dma_start3A_2046 : memref<1x10000x128xf32, #tpu.memory_space<hbm>> -> memref<10000x128xf32, #tpu.memory_space<hbm>>
      %dma_start3A_2048 = arith.constant 0 : i32
      %dma_start3A_2049 = tpu.memref_slice %dma_start3A_2047[%mul3A_2038, %dma_start3A_2048] : memref<10000x128xf32, #tpu.memory_space<hbm>> -> memref<624x128xf32, #tpu.memory_space<hbm>>
      %dma_start3A_2050 = arith.constant 0 : i32
      %dma_start3A_2051 = tpu.memref_slice %arg14[%mul3A_2036, %dma_start3A_2050] : memref<10000x128xf32, #tpu.memory_space<vmem_shared>> -> memref<624x128xf32, #tpu.memory_space<vmem_shared>>
      tpu.enqueue_dma source(%dma_start3A_2051 : memref<624x128xf32, #tpu.memory_space<vmem_shared>>) target(%dma_start3A_2049 : memref<624x128xf32, #tpu.memory_space<hbm>>) target_semaphore(%run_scoped3A : memref<!tpu.dma_semaphore, #tpu.memory_space<semaphore_mem>>)
      %dma_wait3A_2052 = arith.constant 0 : i32
      %dma_wait3A_2053 = arith.constant 0 : i32
      %dma_wait3A_2054 = tpu.memref_slice %arg4[%arg0, %dma_wait3A_2052, %dma_wait3A_2053] : memref<2x10000x128xf32, #tpu.memory_space<hbm>> -> memref<1x10000x128xf32, #tpu.memory_space<hbm>>
      %dma_wait3A_2055 = tpu.memref_squeeze %dma_wait3A_2054 : memref<1x10000x128xf32, #tpu.memory_space<hbm>> -> memref<10000x128xf32, #tpu.memory_space<hbm>>
      %dma_wait3A_2056 = arith.constant 0 : i32
      %dma_wait3A_2057 = tpu.memref_slice %dma_wait3A_2055[%mul3A_2038, %dma_wait3A_2056] : memref<10000x128xf32, #tpu.memory_space<hbm>> -> memref<624x128xf32, #tpu.memory_space<hbm>>
      %dma_wait3A_2058 = arith.constant 0 : i32
      %dma_wait3A_2059 = tpu.memref_slice %arg14[%mul3A_2036, %dma_wait3A_2058] : memref<10000x128xf32, #tpu.memory_space<vmem_shared>> -> memref<624x128xf32, #tpu.memory_space<vmem_shared>>
      tpu.wait_dma2 semaphore(%run_scoped3A : memref<!tpu.dma_semaphore, #tpu.memory_space<semaphore_mem>>) src(%dma_wait3A_2059 : memref<624x128xf32, #tpu.memory_space<vmem_shared>>) dst(%dma_wait3A_2057 : memref<624x128xf32, #tpu.memory_space<hbm>>)
      tpu.yield
    }) : () -> ()
    %eq3A_2039 = arith.constant 15 : i32
    %eq3A_2040 = arith.cmpi eq, %arg1, %eq3A_2039 : i32
    %convert_element_type3A_2041 = arith.extui %eq3A_2040 : i1 to i32
    %cond3A_2042 = arith.constant 0 : i32
    %cond3A_2043 = arith.cmpi ne, %convert_element_type3A_2041, %cond3A_2042 : i32
    scf.if %cond3A_2043 {
      "tpu.region"() ({
        %run_scoped3A = tpu.sem_alloc : memref<!tpu.dma_semaphore, #tpu.memory_space<semaphore_mem>>
        %dma_start3A_2044 = arith.constant 0 : i32
        %dma_start3A_2045 = arith.constant 0 : i32
        %dma_start3A_2046 = tpu.memref_slice %arg4[%arg0, %dma_start3A_2044, %dma_start3A_2045] : memref<2x10000x128xf32, #tpu.memory_space<hbm>> -> memref<1x10000x128xf32, #tpu.memory_space<hbm>>
        %dma_start3A_2047 = tpu.memref_squeeze %dma_start3A_2046 : memref<1x10000x128xf32, #tpu.memory_space<hbm>> -> memref<10000x128xf32, #tpu.memory_space<hbm>>
        %dma_start3A_2048 = arith.constant 9984 : i32
        %dma_start3A_2049 = arith.constant 0 : i32
        %dma_start3A_2050 = tpu.memref_slice %dma_start3A_2047[%dma_start3A_2048, %dma_start3A_2049] : memref<10000x128xf32, #tpu.memory_space<hbm>> -> memref<16x128xf32, #tpu.memory_space<hbm>>
        %dma_start3A_2051 = arith.constant 9984 : i32
        %dma_start3A_2052 = arith.constant 0 : i32
        %dma_start3A_2053 = tpu.memref_slice %arg14[%dma_start3A_2051, %dma_start3A_2052] : memref<10000x128xf32, #tpu.memory_space<vmem_shared>> -> memref<16x128xf32, #tpu.memory_space<vmem_shared>>
        tpu.enqueue_dma source(%dma_start3A_2053 : memref<16x128xf32, #tpu.memory_space<vmem_shared>>) target(%dma_start3A_2050 : memref<16x128xf32, #tpu.memory_space<hbm>>) target_semaphore(%run_scoped3A : memref<!tpu.dma_semaphore, #tpu.memory_space<semaphore_mem>>)
        %dma_wait3A_2054 = arith.constant 0 : i32
        %dma_wait3A_2055 = arith.constant 0 : i32
        %dma_wait3A_2056 = tpu.memref_slice %arg4[%arg0, %dma_wait3A_2054, %dma_wait3A_2055] : memref<2x10000x128xf32, #tpu.memory_space<hbm>> -> memref<1x10000x128xf32, #tpu.memory_space<hbm>>
        %dma_wait3A_2057 = tpu.memref_squeeze %dma_wait3A_2056 : memref<1x10000x128xf32, #tpu.memory_space<hbm>> -> memref<10000x128xf32, #tpu.memory_space<hbm>>
        %dma_wait3A_2058 = arith.constant 9984 : i32
        %dma_wait3A_2059 = arith.constant 0 : i32
        %dma_wait3A_2060 = tpu.memref_slice %dma_wait3A_2057[%dma_wait3A_2058, %dma_wait3A_2059] : memref<10000x128xf32, #tpu.memory_space<hbm>> -> memref<16x128xf32, #tpu.memory_space<hbm>>
        %dma_wait3A_2061 = arith.constant 9984 : i32
        %dma_wait3A_2062 = arith.constant 0 : i32
        %dma_wait3A_2063 = tpu.memref_slice %arg14[%dma_wait3A_2061, %dma_wait3A_2062] : memref<10000x128xf32, #tpu.memory_space<vmem_shared>> -> memref<16x128xf32, #tpu.memory_space<vmem_shared>>
        tpu.wait_dma2 semaphore(%run_scoped3A : memref<!tpu.dma_semaphore, #tpu.memory_space<semaphore_mem>>) src(%dma_wait3A_2063 : memref<16x128xf32, #tpu.memory_space<vmem_shared>>) dst(%dma_wait3A_2060 : memref<16x128xf32, #tpu.memory_space<hbm>>)
        tpu.yield
      }) : () -> ()
    } else {
    }
    return
  }
}

module attributes {stable_mosaic.version = 14 : i64} {
  func.func @_linear_body(%arg0: memref<2x10000x128xf32, #tpu.memory_space<vmem>>, %arg1: memref<128x128xf32, #tpu.memory_space<vmem>>, %arg2: memref<1x128xf32, #tpu.memory_space<vmem>>, %arg3: memref<10000x128xf32, #tpu.memory_space<vmem>>) attributes {dimension_semantics = [], scalar_prefetch = 0 : i64, scratch_operands = 0 : i64, tpu.core_type = #tpu.core_type<tc>} {
    %get3A = arith.constant 0 : index
    %get3A_0 = arith.constant 0 : index
    %get3A_1 = arith.constant 0 : index
    %get3A_2 = vector.load %arg0[%get3A, %get3A_0, %get3A_1] : memref<2x10000x128xf32, #tpu.memory_space<vmem>>, vector<1x10000x128xf32>
    %get3A_3 = vector.shape_cast %get3A_2 : vector<1x10000x128xf32> to vector<10000x128xf32>
    %get3A_4 = arith.constant 1 : index
    %get3A_5 = arith.constant 0 : index
    %get3A_6 = arith.constant 0 : index
    %get3A_7 = vector.load %arg0[%get3A_4, %get3A_5, %get3A_6] : memref<2x10000x128xf32, #tpu.memory_space<vmem>>, vector<1x10000x128xf32>
    %get3A_8 = vector.shape_cast %get3A_7 : vector<1x10000x128xf32> to vector<10000x128xf32>
    %add3A = arith.addf %get3A_3, %get3A_8 : vector<10000x128xf32>
    %get3A_9 = arith.constant 0 : index
    %get3A_10 = arith.constant 0 : index
    %get3A_11 = vector.load %arg1[%get3A_9, %get3A_10] : memref<128x128xf32, #tpu.memory_space<vmem>>, vector<128x128xf32>
    %dot_general3A = arith.constant dense<0.000000e+00> : vector<10000x128xf32>
    %dot_general3A_12 = tpu.matmul %add3A, %get3A_11, %dot_general3A {dimension_numbers = #tpu.dot_dimension_numbers<[1], [1], [0], [0], [0, 0, 1, 0], [], []>, transpose_lhs_hint = false} : vector<10000x128xf32>, vector<128x128xf32>, vector<10000x128xf32> -> vector<10000x128xf32>
    %get3A_13 = arith.constant 0 : index
    %get3A_14 = arith.constant 0 : index
    %get3A_15 = vector.load %arg2[%get3A_13, %get3A_14] : memref<1x128xf32, #tpu.memory_space<vmem>>, vector<1x128xf32>
    %add3A_16 = vector.broadcast %get3A_15 : vector<1x128xf32> to vector<10000x128xf32>
    %add3A_17 = arith.addf %dot_general3A_12, %add3A_16 : vector<10000x128xf32>
    %swap3A = arith.constant 0 : index
    %swap3A_18 = arith.constant 0 : index
    %swap3A_19 = vector.load %arg3[%swap3A, %swap3A_18] : memref<10000x128xf32, #tpu.memory_space<vmem>>, vector<10000x128xf32>
    tpu.vector_store %arg3[%swap3A, %swap3A_18], %add3A_17 {strides = array<i32>} : memref<10000x128xf32, #tpu.memory_space<vmem>>, vector<10000x128xf32>,
    return
  }
}

</mosaic_0001>

<sc_bundles>
// kernel: kernel.4.cloned.1.call-start
scs
__scs_entry_jumppad:
0x0: {  	(pc) =	sbr.rel $0x88, $3  }
0x1: {  	(tag) =	ssettag $0x0;
	lr =	simm.s32 $0x1  }
0x2: {  	[smem:$0x3F9D] =	sst lr;
	_ =	strace $0xD0000000  }
0x3: {  	_ = 	snop  }
0x4: {  	_ = 	snop  }
0x5: {  	_ = 	snop  }
0x6: {  	_ = 	snop  }
0x7: {  	_ = 	snop  }
__scs_overlays_trampoline_lowered:
0x8: {  	[smem:$0x3FAC] =	sst s0  }
0x9: {  	[smem:$0x3FAD] =	sst s1  }
0xa: {  	[smem:$0x3FAE] =	sst s2  }
0xb: {  	[smem:$0x3FAF] =	sst s3  }
0xc: {  	[smem:$0x3FB0] =	sst s4  }
0xd: {  	[smem:$0x3FB1] =	sst s5  }
0xe: {  	[smem:$0x3FB2] =	sst s6  }
0xf: {  	[smem:$0x3FB3] =	sst s7  }
0x10: {  	[smem:$0x3FB4] =	sst s8  }
0x11: {  	[smem:$0x3FB5] =	sst s9;
	s0 =	simm.s32 @!p0 $0x0  }
0x12: {  	s1 =	sld [smem:$0x3F9B];
	s0 =	simm.s32 @p0 $0x1  }
0x13: {  	[smem:$0x3FB6] =	sst s0;
	s0 =	simm.s32 @!p1 $0x0  }
0x14: {  	s2 =	sld [smem:$0x3F9A];
	s0 =	simm.s32 @p1 $0x1  }
0x15: {  	[smem:$0x3FB7] =	sst s0;
	s0 =	simm.s32 @!p2 $0x0  }
0x16: {  	s3 =	sld [smem:$0x3FDB];
	s0 =	simm.s32 @p2 $0x1  }
0x17: {  	s4 =	simm.s32 $0x1BF5;
	[smem:$0x3FB9] =	sst s0  }
0x18: {  	s0 =	sld [smem:$0x3F9C];
	_ =	swait.ge [sflag:s4], $0x0  }
0x19: {  	s7 =	sld [smem:$0x3F9D]  }
0x1a: {  	s8 =	sadd.s32 $0xFFFFE003, lr  }
0x1b: {  	s9 =	sadd.s32 $0xFFFFFEF7, lr;
	s5 =	simm.s32 $0xFFFFFFFF;
	p2 =	slt.u32 s8, $0xFFFFF086  }
0x1c: {  	p1 =	slt.u32 s9, $0xF7A;
	s5 =	simm.s32 @!p2 $0x0  }
0x1d: {  	s5 =	simm.s32 @p1 $0x1;
	p0 =	seq.s32 s7, s2  }
0x1e: {  	s7 =	smul.u32 @!p0 $0xF7A, s2;
	p2 =	seq.s32 @!p0 s5, $0x0  }
0x1f: {  	s9 =	smul.u32 $0xF7A, s1;
	s8 =	simm.s32 @!p0 $0x1BF5;
	p2 =	por !p2, p0  }
0x20: {  	[sflag:s8] =	ssyncset.s32 @!p0 $0xFFFFF086;
	s6 =	sadd.s32 @!p0 s3, s7;
	s7 =	simm.s32 @!p0 $0x108  }
0x21: {  	s3 =	sadd.s32 s3, s9;
	s6 =	sadd.s32 @!p0 $0x88, s6;
	s7 =	simm.s32 @p2 $0x1082  }
0x22: {  	[simem:s7], [sflag:s8] =	dma.local @!p0 [hbm:s6], $0xF7A  }
0x23: {  	s9 =	sor.u32 $0xD0000000, s2;
	s6 =	simm.s32 $0x108;
	_ =	swait.ge @!p0 [sflag:s8], $0x0  }
0x24: {  	s3 =	sadd.s32 $0x88, s3;
	s6 =	simm.s32 @!p1 $0x1082;
	[sflag:s4] =	ssyncset.s32 $0xFFFFF086  }
0x25: {  	[simem:s6], [sflag:s4] =	dma.local [hbm:s3], $0xF7A  }
0x26: {  	[smem:$0x3F9D] =	sst s1;
	(tag) =	ssettag s2;
	_ =	strace s9  }
0x27: {  	s1 =	sld [smem:$0x3FAD]  }
0x28: {  	s2 =	sld [smem:$0x3FAE]  }
0x29: {  	s4 =	sld [smem:$0x3FB0]  }
0x2a: {  	p0 =	seq.s32 s5, $0x0;
	s5 =	sld [smem:$0x3FB1]  }
0x2b: {  	s6 =	sld [smem:$0x3FB2]  }
0x2c: {  	s7 =	sld [smem:$0x3FB3]  }
0x2d: {  	s3 =	simm.s32 $0x108;
	s8 =	sld [smem:$0x3FB4]  }
0x2e: {  	s3 =	simm.s32 @!p0 $0x1082;
	s9 =	sld [smem:$0x3FB5]  }
0x2f: {  	lr =	sadd.s32 s0, s3;
	s0 =	sld [smem:$0x3FAC]  }
0x30: {  	s3 =	sld [smem:$0x3FAF]  }
0x31: {  	[smem:$0x3FB8] =	sst s10  }
0x32: {  	s10 =	sld [smem:$0x3FB6];
	_ =	sdelay $0x3  }
0x33: {  	p0 =	seq.s32 s10, $0x1;
	s10 =	sld [smem:$0x3FB8];
	_ =	sdelay $0x3  }
0x34: {  	[smem:$0x3FB8] =	sst s10  }
0x35: {  	s10 =	sld [smem:$0x3FB7];
	_ =	sdelay $0x3  }
0x36: {  	p1 =	seq.s32 s10, $0x1;
	s10 =	sld [smem:$0x3FB8];
	_ =	sdelay $0x3  }
0x37: {  	[smem:$0x3FB8] =	sst s10  }
0x38: {  	s10 =	sld [smem:$0x3FB9]  }
0x39: {  	_ = 	snop;
	(pc) =	sbr.ind lr, $3  }
0x3a: {  	_ = 	snop  }
0x3b: {  	_ = 	snop  }
0x3c: {  	p2 =	seq.s32 s10, $0x1;
	s10 =	sld [smem:$0x3FB8]  }
0x3d: {  	_ =	shalt  }
0x3e: {  	_ =	shalt  }
0x3f: {  	_ =	shalt  }
0x40: {  	_ =	shalt  }
0x41: {  	_ =	shalt  }
0x42: {  	_ =	shalt  }
0x43: {  	_ =	shalt  }
0x44: {  	_ =	shalt  }
0x45: {  	_ =	shalt  }
0x46: {  	_ =	shalt  }
0x47: {  	_ =	shalt  }
0x48: {  	_ =	shalt  }
0x49: {  	_ =	shalt  }
0x4a: {  	_ =	shalt  }
0x4b: {  	_ =	shalt  }
0x4c: {  	_ =	shalt  }
0x4d: {  	_ =	shalt  }
0x4e: {  	_ =	shalt  }
0x4f: {  	_ =	shalt  }
0x50: {  	_ =	shalt  }
0x51: {  	_ =	shalt  }
0x52: {  	_ =	shalt  }
0x53: {  	_ =	shalt  }
0x54: {  	_ =	shalt  }
0x55: {  	_ =	shalt  }
0x56: {  	_ =	shalt  }
0x57: {  	_ =	shalt  }
0x58: {  	_ =	shalt  }
0x59: {  	_ =	shalt  }
0x5a: {  	_ =	shalt  }
0x5b: {  	_ =	shalt  }
0x5c: {  	_ =	shalt  }
0x5d: {  	_ =	shalt  }
0x5e: {  	_ =	shalt  }
0x5f: {  	_ =	shalt  }
0x60: {  	_ =	shalt  }
0x61: {  	_ =	shalt  }
0x62: {  	_ =	shalt  }
0x63: {  	_ =	shalt  }
0x64: {  	_ =	shalt  }
0x65: {  	_ =	shalt  }
0x66: {  	_ =	shalt  }
0x67: {  	_ =	shalt  }
0x68: {  	_ =	shalt  }
0x69: {  	_ =	shalt  }
0x6a: {  	_ =	shalt  }
0x6b: {  	_ =	shalt  }
0x6c: {  	_ =	shalt  }
0x6d: {  	_ =	shalt  }
0x6e: {  	_ =	shalt  }
0x6f: {  	_ =	shalt  }
0x70: {  	_ =	shalt  }
0x71: {  	_ =	shalt  }
0x72: {  	_ =	shalt  }
0x73: {  	_ =	shalt  }
0x74: {  	_ =	shalt  }
0x75: {  	_ =	shalt  }
0x76: {  	_ =	shalt  }
0x77: {  	_ =	shalt  }
0x78: {  	_ =	shalt  }
0x79: {  	_ =	shalt  }
0x7a: {  	_ =	shalt  }
0x7b: {  	_ =	shalt  }
0x7c: {  	_ =	shalt  }
0x7d: {  	_ =	shalt  }
0x7e: {  	_ =	shalt  }
0x7f: {  	_ =	shalt  }
0x80: {  	_ =	shalt  }
0x81: {  	_ =	shalt  }
0x82: {  	_ =	shalt  }
0x83: {  	_ =	shalt  }
0x84: {  	_ =	shalt  }
0x85: {  	_ =	shalt  }
0x86: {  	_ =	shalt  }
0x87: {  	_ =	shalt  }
.Lfunc_end0:
.L_simem_size_0:
called_computation_lowered:
.L_overlay_start_0:
0x88: {  	s2 =	sld [smem:$0x3FD9]  }
0x89: {  	s3 =	sld [smem:$0x3FFE];
	_ =	sdelay $0x1  }
0x8a: {  	s1 =	srdreg.scid  }
0x8b: {  	s0 =	sand.u32 $0x1, s1  }
0x8c: {  	s17 =	sshll.u32 s0, $0xA;
	s2 =	sadd.s32 s3, s2  }
0x8d: {  	s2 =	sadd.s32 s2, s17  }
0x8e: {  	[smem:$0x3FC4] =	sst s2  }
0x8f: {  	_ = 	snop  }
0x90: {  	s2 =	sld [smem:$0x3FC9];
	(tm) =	ssettm $0x1  }
0x91: {  	s18 =	sld [smem:$0x3FFB];
	_ =	sdelay $0x3  }
0x92: {  	_ =	strace s18  }
0x93: {  	s3 =	sld [smem:$0x3FFC];
	_ =	sdelay $0x3  }
0x94: {  	_ =	strace s3  }
0x95: {  	s3 =	sld [smem:$0x3FFD];
	_ =	sdelay $0x3  }
0x96: {  	_ =	strace s3  }
0x97: {  	_ =	strace $0x8FFFFFFF  }
0x98: {  	s19 =	sld [smem:$0x3FDB];
	_ =	sdelay $0x1  }
0x99: {  	s4 =	simm.s32 $_scs_section_size  }
0x9a: {  	s5 =	simm.s32 $_size__tile_overlayer_lowered;
	s6 =	simm.s32 $_tile_overlayer_lowered  }
0x9b: {  	s22 =	simm.s32 $0x1BFF;
	s21 =	sshll.u32 s6, $0x1;
	s3 =	sadd.s32 s4, s19  }
0x9c: {  	s7 =	simm.s32 $0x0;
	s20 =	sshll.u32 s5, $0x1;
	s5 =	sadd.s32 s21, s3  }
0x9d: {  	[timem:s7], [sflag:s22] =	dma.local [hbm:s5], s20  }
0x9e: {  	_ =	swait.ge [sflag:s22], s20  }
0x9f: {  	s4 =	ssub.s32 $0x0, s20;
	[sflag:s22] =	ssyncset.done $0x0  }
0xa0: {  	[sflag:s22] =	ssyncadd.s32 s4;
	_ =	sdelay $0x1  }
0xa1: {  	s23 =	simm.s32 $0x1B8B  }
0xa2: {  	_ =	swait.ge [sflag:s23], $0x1  }
0xa3: {  	[sflag:s23] =	ssyncset.done $0x0  }
0xa4: {  	s25 =	simm.s32 $0x1B8E;
	s24 =	sld [smem:$0x3FFE];
	[sflag:s23] =	ssyncadd.s32 $0xFFFFFFFF  }
0xa5: {  	s26 =	simm.s32 $execute0_lowered;
	[smem:$0x3FD2] =	sst s25  }
0xa6: {  	s5 =	sshll.u32 s26, $0x1;
	_ =	strace $0x80000046;
	[dreg:$0x1] =	wrdreg $0xFFFFFFFF  }
0xa7: {  	s28 =	simm.s32 $_size_execute0_lowered;
	s3 =	sadd.s32 s3, s5;
	[dreg:$0x0] =	wrdreg $0x0  }
0xa8: {  	s5 =	sshll.u32 s28, $0x1;
	[dreg:$0x2] =	wrdreg s3  }
0xa9: {  	[dreg:$0x3] =	wrdreg s5  }
0xaa: {  	[dreg:$0x4] =	wrdreg $0xC0  }
0xab: {  	_ =	task [dreg:s7], $0x5FFFF  }
0xac: {  	[dreg:$0x1] =	wrdreg $0xFFFFFFFF  }
0xad: {  	[dreg:$0x0] =	wrdreg $0x60  }
0xae: {  	[dreg:$0x2] =	wrdreg s2  }
0xaf: {  	[dreg:$0x3] =	wrdreg s24  }
0xb0: {  	[dreg:$0x4] =	wrdreg $0x90000  }
0xb1: {  	[dreg:$0x5] =	wrdreg $0x9  }
0xb2: {  	_ =	task.clear_ibuf [dreg:s7], $0x6FFFF;
	_ =	strace $0x90000046  }
0xb3: {  	s29 =	simm.s32 $0x9;
	_ =	strace $0x80000048  }
0xb4: {  	_ =	swait.ge [sflag:s29], $0x1  }
0xb5: {  	[sflag:s29] =	ssyncadd.s32 $0xFFFFFFFF  }
0xb6: {  	_ =	strace $0x90000048  }
0xb7: {  	_ =	sfence  }
0xb8: {  	s30 =	sld [smem:$0x0];
	_ =	sdelay $0x2  }
0xb9: {  	s31 =	sshll.u32 s1, $0xD;
	s1 =	sshrl.u32 s1, $0x2  }
0xba: {  	s3 =	sand.u32 $0x4000, s31;
	s1 =	sadd.s32 s1, s30  }
0xbb: {  	s0 =	sor.u32 s3, s0;
	s1 =	sshll.u32 s1, $0x11  }
0xbc: {  	s0 =	sor.u32 s1, s0  }
0xbd: {  	s0 =	sadd.s32 $0x8F2B, s0  }
0xbe: {  	[sflag:s0] =	ssyncadd.remote.s32 $0x1  }
0xbf: {  	_ =	sfence.sel $0xFFFF  }
0xc0: {  	[dreg:$0x0] =	wrdreg $0xFFFFFFFF;
	(pc) =	sbr.abs _section_cstart, $3  }
0xc1: {  	[dreg:$0x1] =	wrdreg $0xFFFFFFFF  }
0xc2: {  	_ =	task.clear_ibuf [dreg:s7], $0x2FFFF;
	_ =	strace $0x9FFFFFFF  }
0xc3: {  	(tm) =	ssettm $0x7FFFFFFF  }
tec
execute0_lowered:
.L_overlay_start_1:
0x0: {  	(tag) =	ssettag $0x1  }
0x1: {  	s1 =	rddreg [dreg:$0x0]  }
0x2: {  	s0 =	rddreg [dreg:$0x1]  }
0x3: {  	s2 =	srdreg.scid;
	s9 =	stileid.u32  }
0x4: {  	s3 =	rddreg [dreg:$0x2];
	s8 =	smul.u32 $0x4E000, s9  }
0x5: {  	s4 =	simm.s32 $0x0;
	s2 =	sand.u32 $0x1, s2;
	s5 =	sshll.u32 s9, $0x1  }
0x6: {  	[smem:$0x7FF] =	sst s4;
	s5 =	sor.u32 s2, s5;
	s8 =	sshrl.u32 s8, $0x2  }
0x7: {  	_ =	strace $0x80000047;
	s6 =	smul.u32 $0x27100, s2;
	s31 =	sadd.s32 s8, s3  }
0x8: {  	s2 =	ssub.s32 $0x2, s2;
	s11 =	sadd.s32 $0x2800, s31;
	[dreg:$0x7] =	wrdreg s31  }
0x9: {  	s24 =	sshrl.u32 s2, $0x1;
	s12 =	sadd.s32 $0x5000, s31;
	[dreg:$0x9] =	wrdreg s11  }
0xa: {  	s2 =	ssub.s32 s2, s24;
	s13 =	sadd.s32 $0x7800, s31;
	[dreg:$0xa] =	wrdreg s12  }
0xb: {  	s5 =	smul.u32 $0xC80, s5;
	s2 =	smax.u32 s2, $0x1;
	[dreg:$0xb] =	wrdreg s13  }
0xc: {  	s22 =	sadd.s32 $0xA000, s31;
	[dreg:$0x15] =	wrdreg s2  }
0xd: {  	s7 =	sadd.s32 s5, s0;
	s24 =	sadd.s32 $0xC800, s31;
	[dreg:$0x17] =	wrdreg s22  }
0xe: {  	s10 =	sadd.s32 $0xA80, s7;
	[dreg:$0x18] =	wrdreg s24  }
0xf: {  	s28 =	simm.s32 $0x3;
	s25 =	sadd.s32 $0x19A80, s7;
	[dreg:$0x4] =	wrdreg s10  }
0x10: {  	s30 =	simm.s32 $0x8;
	s26 =	sadd.s32 $0xB00, s7;
	[dreg:$0x5] =	wrdreg s25  }
0x11: {  	s29 =	simm.s32 $0x9;
	s5 =	sadd.s32 $0x19B00, s7;
	[dreg:$0x6] =	wrdreg s26  }
0x12: {  	s21 =	smul.u32 $0x2700, s9;
	s14 =	sadd.s32 $0xB80, s7;
	[dreg:$0x8] =	wrdreg s5  }
0x13: {  	p0 =	sne.s32 s9, $0xF;
	s15 =	sadd.s32 $0x19B80, s7;
	[dreg:$0xc] =	wrdreg s14  }
0x14: {  	s9 =	simm.s32 $0x1000;
	s16 =	sadd.s32 $0xC00, s7;
	[dreg:$0xd] =	wrdreg s15  }
0x15: {  	s0 =	sadd.s32 s6, s0;
	s17 =	sadd.s32 $0x19C00, s7;
	[dreg:$0xe] =	wrdreg s16  }
0x16: {  	s6 =	sadd.s32 $0xA00, s7;
	s18 =	sadd.s32 $0x1580, s7;
	[dreg:$0xf] =	wrdreg s17  }
0x17: {  	s23 =	sadd.s32 $0x19A00, s7;
	s19 =	sadd.s32 $0x1A580, s7;
	[dreg:$0x10] =	wrdreg s18  }
0x18: {  	s20 =	sadd.s32 $0x1600, s7;
	s7 =	sadd.s32 $0x1A600, s7;
	[dreg:$0x11] =	wrdreg s19  }
0x19: {  	s0 =	sadd.s32 $0x32A00, s0;
	s11 =	simm.s32 $0x1800;
	[dreg:$0x12] =	wrdreg s20  }
0x1a: {  	s12 =	simm.s32 $0x4;
	s13 =	simm.s32 $0x5;
	[dreg:$0x13] =	wrdreg s7  }
0x1b: {  	s24 =	simm.s32 $0x2;
	[dreg:$0x14] =	wrdreg s0;
	s0 =	sadd.s32 s21, s0  }
0x1c: {  	s25 =	sadd.s32 $0xF000, s31;
	s26 =	sadd.s32 $0x11800, s31;
	s31 =	sadd.s32 $0x138000, s3  }
0x1d: {  	s14 =	simm.s32 $0x6;
	s15 =	simm.s32 $0x7;
	[dreg:$0x16] =	wrdreg s0  }
0x1e: {  	s16 =	simm.s32 $0x50;
	s18 =	simm.s32 $0x4000;
	[dreg:$0x19] =	wrdreg s25  }
0x1f: {  	s20 =	simm.s32 $0x6800;
	s21 =	simm.s32 $0x1;
	[dreg:$0x1a] =	wrdreg s26  }
0x20: {  	v0 =	vimm.f32 $0.0e+00;
	s19 =	simm.s32 $0x0;
	[dreg:$0x1b] =	wrdreg s31;
	s25 =	simm.s32 $0x1400  }
.LBB2_1:
0x21: {  	s10 =	sand.u32 $0xFE00, s4  }
0x22: {  	[dreg:$0x1c] =	wrdreg s19;
	s17 =	sand.u32 $0x70, s4;
	s31 =	sshrl.u32 s10, $0x2  }
0x23: {  	s10 =	simm.s32 $0x40;
	s19 =	sor.u32 s17, s31;
	s17 =	simm.s32 $0x0  }
.LBB2_2:
0x24: {  	p1 =	sne.s32 s10, $0x9FC0  }
0x25: {  	[tilespmem:s19+$0x1800] =	vst v0;
	s17 =	sadd.s32 $0x10, s17;
	s19 =	smov.u32 s10;
	s10 =	sadd.s32 $0x40, s10  }
.Ltmp0:
0x26: {  	(pc) =	sbr.rel @p1 .LBB2_2-.Ltmp0, $4  }
0x27: {  	_ = 	snop  }
0x28: {  	s19 =	sand.u32 $0xFE00, s19  }
0x29: {  	s22 =	sand.u32 $0x70, s17;
	s19 =	sshrl.u32 s19, $0x2  }
0x2a: {  	s19 =	sor.u32 s22, s19  }
0x2b: {  	[tilespmem:s19+$0x1800] =	vst v0  }
0x2c: {  	[tilespmem:s4], [sflag:$0x7] =	stream.linear.gather [hbm4b:s6+s4], $0x280, $0x38;
	[tilespmem:$0x1C880] =	vst v63  }
0x2d: {  	s0 =	simm.s32 $0x400  }
0x2e: {  	[tilespmem:s0], [sflag:$0x7] =	stream.linear.gather [hbm4b:s23+s4], $0x280, $0x38;
	[tilespmem:$0x1C880] =	vst v63  }
0x2f: {  	s10 =	rddreg [dreg:$0x4];
	s7 =	simm.s32 $0x800  }
0x30: {  	[tilespmem:s7], [sflag:$0x8] =	stream.linear.gather [hbm4b:s10+s4], $0x280, $0x38;
	[tilespmem:$0x1C880] =	vst v63  }
0x31: {  	s31 =	rddreg [dreg:$0x5];
	s8 =	simm.s32 $0xC00  }
0x32: {  	[tilespmem:s8], [sflag:$0x8] =	stream.linear.gather [hbm4b:s31+s4], $0x280, $0x38;
	[tilespmem:$0x1C880] =	vst v63  }
0x33: {  	s2 =	rddreg [dreg:$0x6]  }
0x34: {  	[tilespmem:s9], [sflag:$0x9] =	stream.linear.gather [hbm4b:s2+s4], $0x280, $0x38;
	[tilespmem:$0x1C880] =	vst v63  }
0x35: {  	s5 =	rddreg [dreg:$0x8]  }
0x36: {  	[tilespmem:s25], [sflag:$0x9] =	stream.linear.gather [hbm4b:s5+s4], $0x280, $0x38;
	[tilespmem:$0x1C880] =	vst v63  }
0x37: {  	s17 =	rddreg [dreg:$0x7]  }
0x38: {  	[spmem:s17] =	stream.linear.scatter [tilespmem:s11], [sflag:$0x4], $0x2800, $0x38;
	[tilespmem:$0x1C880] =	vst v63  }
0x39: {  	s19 =	rddreg [dreg:$0x9]  }
0x3a: {  	[spmem:s19] =	stream.linear.scatter [tilespmem:s11], [sflag:$0x5], $0x2800, $0x38;
	[tilespmem:$0x1C880] =	vst v63  }
0x3b: {  	s22 =	rddreg [dreg:$0xa]  }
0x3c: {  	[spmem:s22] =	stream.linear.scatter [tilespmem:s11], [sflag:$0x6], $0x2800, $0x38;
	[tilespmem:$0x1C880] =	vst v63  }
0x3d: {  	s26 =	rddreg [dreg:$0xb]  }
0x3e: {  	[spmem:s26] =	stream.linear.scatter [tilespmem:s11], [sflag:$0x4], $0x2800, $0x38;
	[tilespmem:$0x1C880] =	vst v63  }
0x3f: {  	s31 =	rddreg [dreg:$0x17]  }
0x40: {  	[spmem:s31] =	stream.linear.scatter [tilespmem:s11], [sflag:$0x5], $0x2800, $0x38;
	[tilespmem:$0x1C880] =	vst v63  }
0x41: {  	s2 =	rddreg [dreg:$0x18]  }
0x42: {  	[spmem:s2] =	stream.linear.scatter [tilespmem:s11], [sflag:$0x6], $0x2800, $0x38;
	[tilespmem:$0x1C880] =	vst v63  }
0x43: {  	s5 =	rddreg [dreg:$0x19]  }
0x44: {  	[spmem:s5] =	stream.linear.scatter [tilespmem:s11], [sflag:$0x4], $0x2800, $0x38;
	[tilespmem:$0x1C880] =	vst v63  }
0x45: {  	s17 =	rddreg [dreg:$0x1a]  }
0x46: {  	[spmem:s17] =	stream.linear.scatter [tilespmem:s11], [sflag:$0x5], $0x2000, $0x38;
	[tilespmem:$0x1C880] =	vst v63  }
0x47: {  	s10 =	simm.s32 @!p0 $0x1800;
	s17 =	rddreg [dreg:$0x1b]  }
0x48: {  	[spmem:s17] =	stream.linear.scatter @!p0 [tilespmem:s10], [sflag:$0x6], $0x800, $0x38;
	[tilespmem:$0x1C880] =	vst v63  }
0x49: {  	_ =	swait.ge [sflag:s12], $0x2800  }
0x4a: {  	[sflag:s12] =	ssyncset.done $0x0  }
0x4b: {  	[sflag:s12] =	ssyncadd.s32 $0xFFFFD800  }
0x4c: {  	_ =	swait.ge [sflag:s13], $0x2800  }
0x4d: {  	[sflag:s13] =	ssyncset.done $0x0  }
0x4e: {  	[sflag:s13] =	ssyncadd.s32 $0xFFFFD800  }
0x4f: {  	_ =	swait.ge [sflag:s14], $0x2800  }
0x50: {  	[sflag:s14] =	ssyncset.done $0x0  }
0x51: {  	[sflag:s14] =	ssyncadd.s32 $0xFFFFD800  }
0x52: {  	_ =	swait.ge [sflag:s12], $0x2800  }
0x53: {  	[sflag:s12] =	ssyncset.done $0x0  }
0x54: {  	[sflag:s12] =	ssyncadd.s32 $0xFFFFD800  }
0x55: {  	_ =	swait.ge [sflag:s13], $0x2800  }
0x56: {  	[sflag:s13] =	ssyncset.done $0x0  }
0x57: {  	[sflag:s13] =	ssyncadd.s32 $0xFFFFD800  }
0x58: {  	_ =	swait.ge [sflag:s14], $0x2800  }
0x59: {  	[sflag:s14] =	ssyncset.done $0x0  }
0x5a: {  	[sflag:s14] =	ssyncadd.s32 $0xFFFFD800  }
0x5b: {  	_ =	swait.ge [sflag:s12], $0x2800  }
0x5c: {  	[sflag:s12] =	ssyncset.done $0x0  }
0x5d: {  	[sflag:s12] =	ssyncadd.s32 $0xFFFFD800  }
0x5e: {  	_ =	swait.ge [sflag:s13], $0x2000  }
0x5f: {  	[sflag:s13] =	ssyncset.done $0x0  }
0x60: {  	s10 =	simm.s32 @!p0 $0x6;
	[sflag:s13] =	ssyncadd.s32 $0xFFFFE000  }
0x61: {  	_ =	swait.ge @!p0 [sflag:s10], $0x800  }
0x62: {  	[sflag:s10] =	ssyncset.done @!p0 $0x0  }
0x63: {  	[sflag:s10] =	ssyncadd.s32 @!p0 $0xFFFFF800  }
0x64: {  	[bflag:$0x0] =	sbarrier.arrive $0xFFFF  }
0x65: {  	_ =	swait.ge [sflag:s15], $0x280  }
0x66: {  	[sflag:s15] =	ssyncset.done $0x0  }
0x67: {  	[sflag:s15] =	ssyncadd.s32 $0xFFFFFD80  }
0x68: {  	_ =	swait.ge [sflag:s15], $0x280  }
0x69: {  	[sflag:s15] =	ssyncset.done $0x0  }
0x6a: {  	s10 =	simm.s32 $0x0;
	[sflag:s15] =	ssyncadd.s32 $0xFFFFFD80  }
0x6b: {  	[tilespmem:s11], [sflag:$0x1] =	stream.indirect.gather [hbm4b:s1+s16], $0x80, s10, s16, $0xb8;
	[tilespmem:$0x1C880] =	vst v63  }
0x6c: {  	s2 =	simm.s32 $0x80  }
0x6d: {  	[tilespmem:s18], [sflag:$0x2] =	stream.indirect.gather [hbm4b:s1+s16], $0x80, s2, s16, $0xb8;
	[tilespmem:$0x1C880] =	vst v63  }
0x6e: {  	s22 =	simm.s32 $0x100  }
0x6f: {  	[tilespmem:s20], [sflag:$0x3] =	stream.indirect.gather [hbm4b:s1+s16], $0x80, s22, s16, $0xb8;
	[tilespmem:$0x1C880] =	vst v63  }
0x70: {  	_ =	swait.ge [sflag:s21], $0x2800  }
0x71: {  	[sflag:s21] =	ssyncset.done $0x0  }
0x72: {  	[sflag:s21] =	ssyncadd.s32 $0xFFFFD800  }
0x73: {  	[spmem:s3] =	stream.indirect.scatter.add.f32 [tilespmem:s11], [sflag:$0x4], $0x80, s0, s16, $0xb8;
	[tilespmem:$0x1C880] =	vst v63  }
0x74: {  	_ =	swait.ge [sflag:s12], $0x2800  }
0x75: {  	[sflag:s12] =	ssyncset.done $0x0  }
0x76: {  	s5 =	simm.s32 $0x180;
	[sflag:s12] =	ssyncadd.s32 $0xFFFFD800  }
0x77: {  	[tilespmem:s11], [sflag:$0x1] =	stream.indirect.gather [hbm4b:s1+s16], $0x80, s5, s16, $0xb8;
	[tilespmem:$0x1C880] =	vst v63  }
0x78: {  	_ =	swait.ge [sflag:s24], $0x2800  }
0x79: {  	[sflag:s24] =	ssyncset.done $0x0  }
0x7a: {  	s19 =	simm.s32 $0x480;
	[sflag:s24] =	ssyncadd.s32 $0xFFFFD800  }
0x7b: {  	[spmem:s3] =	stream.indirect.scatter.add.f32 [tilespmem:s18], [sflag:$0x5], $0x80, s19, s16, $0xb8;
	[tilespmem:$0x1C880] =	vst v63  }
0x7c: {  	_ =	swait.ge [sflag:s13], $0x2800  }
0x7d: {  	[sflag:s13] =	ssyncset.done $0x0  }
0x7e: {  	s26 =	simm.s32 $0x200;
	[sflag:s13] =	ssyncadd.s32 $0xFFFFD800  }
0x7f: {  	[tilespmem:s18], [sflag:$0x2] =	stream.indirect.gather [hbm4b:s1+s16], $0x80, s26, s16, $0xb8;
	[tilespmem:$0x1C880] =	vst v63  }
0x80: {  	_ =	swait.ge [sflag:s28], $0x2800  }
0x81: {  	[sflag:s28] =	ssyncset.done $0x0  }
0x82: {  	s31 =	simm.s32 $0x500;
	[sflag:s28] =	ssyncadd.s32 $0xFFFFD800  }
0x83: {  	[spmem:s3] =	stream.indirect.scatter.add.f32 [tilespmem:s20], [sflag:$0x6], $0x80, s31, s16, $0xb8;
	[tilespmem:$0x1C880] =	vst v63  }
0x84: {  	_ =	swait.ge [sflag:s14], $0x2800  }
0x85: {  	[sflag:s14] =	ssyncset.done $0x0  }
0x86: {  	[sflag:s14] =	ssyncadd.s32 $0xFFFFD800  }
0x87: {  	_ =	swait.ge [sflag:s30], $0x280  }
0x88: {  	[sflag:s30] =	ssyncset.done $0x0  }
0x89: {  	[sflag:s30] =	ssyncadd.s32 $0xFFFFFD80  }
0x8a: {  	_ =	swait.ge [sflag:s30], $0x280  }
0x8b: {  	[sflag:s30] =	ssyncset.done $0x0  }
0x8c: {  	[sflag:s30] =	ssyncadd.s32 $0xFFFFFD80  }
0x8d: {  	[tilespmem:s20], [sflag:$0x3] =	stream.indirect.gather [hbm4b:s1+s16], $0x80, s7, s16, $0xb8;
	[tilespmem:$0x1C880] =	vst v63  }
0x8e: {  	_ =	swait.ge [sflag:s21], $0x2800  }
0x8f: {  	[sflag:s21] =	ssyncset.done $0x0  }
0x90: {  	s17 =	simm.s32 $0x580;
	[sflag:s21] =	ssyncadd.s32 $0xFFFFD800  }
0x91: {  	[spmem:s3] =	stream.indirect.scatter.add.f32 [tilespmem:s11], [sflag:$0x4], $0x80, s17, s16, $0xb8;
	[tilespmem:$0x1C880] =	vst v63  }
0x92: {  	_ =	swait.ge [sflag:s12], $0x2800  }
0x93: {  	[sflag:s12] =	ssyncset.done $0x0  }
0x94: {  	s26 =	simm.s32 $0x880;
	[sflag:s12] =	ssyncadd.s32 $0xFFFFD800  }
0x95: {  	[tilespmem:s11], [sflag:$0x1] =	stream.indirect.gather [hbm4b:s1+s16], $0x80, s26, s16, $0xb8;
	[tilespmem:$0x1C880] =	vst v63  }
0x96: {  	_ =	swait.ge [sflag:s24], $0x2800  }
0x97: {  	[sflag:s24] =	ssyncset.done $0x0  }
0x98: {  	s19 =	simm.s32 $0x600;
	[sflag:s24] =	ssyncadd.s32 $0xFFFFD800  }
0x99: {  	[spmem:s3] =	stream.indirect.scatter.add.f32 [tilespmem:s18], [sflag:$0x5], $0x80, s19, s16, $0xb8;
	[tilespmem:$0x1C880] =	vst v63  }
0x9a: {  	_ =	swait.ge [sflag:s13], $0x2800  }
0x9b: {  	[sflag:s13] =	ssyncset.done $0x0  }
0x9c: {  	s31 =	rddreg [dreg:$0xc];
	[sflag:s13] =	ssyncadd.s32 $0xFFFFD800  }
0x9d: {  	[tilespmem:s10], [sflag:$0x7] =	stream.linear.gather [hbm4b:s31+s10], $0x280, $0x38;
	[tilespmem:$0x1C880] =	vst v63  }
0x9e: {  	s5 =	rddreg [dreg:$0xd]  }
0x9f: {  	[tilespmem:s0], [sflag:$0x7] =	stream.linear.gather [hbm4b:s5+s10], $0x280, $0x38;
	[tilespmem:$0x1C880] =	vst v63  }
0xa0: {  	s17 =	simm.s32 $0x900  }
0xa1: {  	[tilespmem:s18], [sflag:$0x2] =	stream.indirect.gather [hbm4b:s1+s16], $0x80, s17, s16, $0xb8;
	[tilespmem:$0x1C880] =	vst v63  }
0xa2: {  	_ =	swait.ge [sflag:s28], $0x2800  }
0xa3: {  	[sflag:s28] =	ssyncset.done $0x0  }
0xa4: {  	[sflag:s28] =	ssyncadd.s32 $0xFFFFD800  }
0xa5: {  	[spmem:s3] =	stream.indirect.scatter.add.f32 [tilespmem:s20], [sflag:$0x6], $0x80, s8, s16, $0xb8;
	[tilespmem:$0x1C880] =	vst v63  }
0xa6: {  	_ =	swait.ge [sflag:s14], $0x2800  }
0xa7: {  	[sflag:s14] =	ssyncset.done $0x0  }
0xa8: {  	s31 =	simm.s32 $0x980;
	[sflag:s14] =	ssyncadd.s32 $0xFFFFD800  }
0xa9: {  	[tilespmem:s20], [sflag:$0x3] =	stream.indirect.gather [hbm4b:s1+s16], $0x80, s31, s16, $0xb8;
	[tilespmem:$0x1C880] =	vst v63  }
0xaa: {  	_ =	swait.ge [sflag:s21], $0x2800  }
0xab: {  	[sflag:s21] =	ssyncset.done $0x0  }
0xac: {  	s19 =	simm.s32 $0xC80;
	[sflag:s21] =	ssyncadd.s32 $0xFFFFD800  }
0xad: {  	[spmem:s3] =	stream.indirect.scatter.add.f32 [tilespmem:s11], [sflag:$0x4], $0x80, s19, s16, $0xb8;
	[tilespmem:$0x1C880] =	vst v63  }
0xae: {  	_ =	swait.ge [sflag:s12], $0x2800  }
0xaf: {  	[sflag:s12] =	ssyncset.done $0x0  }
0xb0: {  	s17 =	simm.s32 $0xA00;
	[sflag:s12] =	ssyncadd.s32 $0xFFFFD800  }
0xb1: {  	[tilespmem:s11], [sflag:$0x1] =	stream.indirect.gather [hbm4b:s1+s16], $0x80, s17, s16, $0xb8;
	[tilespmem:$0x1C880] =	vst v63  }
0xb2: {  	_ =	swait.ge [sflag:s24], $0x2800  }
0xb3: {  	[sflag:s24] =	ssyncset.done $0x0  }
0xb4: {  	s19 =	simm.s32 $0xD00;
	[sflag:s24] =	ssyncadd.s32 $0xFFFFD800  }
0xb5: {  	[spmem:s3] =	stream.indirect.scatter.add.f32 [tilespmem:s18], [sflag:$0x5], $0x80, s19, s16, $0xb8;
	[tilespmem:$0x1C880] =	vst v63  }
0xb6: {  	_ =	swait.ge [sflag:s13], $0x2800  }
0xb7: {  	[sflag:s13] =	ssyncset.done $0x0  }
0xb8: {  	[sflag:s13] =	ssyncadd.s32 $0xFFFFD800  }
0xb9: {  	_ =	swait.ge [sflag:s29], $0x280  }
0xba: {  	[sflag:s29] =	ssyncset.done $0x0  }
0xbb: {  	[sflag:s29] =	ssyncadd.s32 $0xFFFFFD80  }
0xbc: {  	_ =	swait.ge [sflag:s29], $0x280  }
0xbd: {  	[sflag:s29] =	ssyncset.done $0x0  }
0xbe: {  	[sflag:s29] =	ssyncadd.s32 $0xFFFFFD80  }
0xbf: {  	[tilespmem:s18], [sflag:$0x2] =	stream.indirect.gather [hbm4b:s1+s16], $0x80, s9, s16, $0xb8;
	[tilespmem:$0x1C880] =	vst v63  }
0xc0: {  	_ =	swait.ge [sflag:s28], $0x2800  }
0xc1: {  	[sflag:s28] =	ssyncset.done $0x0  }
0xc2: {  	s17 =	simm.s32 $0xD80;
	[sflag:s28] =	ssyncadd.s32 $0xFFFFD800  }
0xc3: {  	[spmem:s3] =	stream.indirect.scatter.add.f32 [tilespmem:s20], [sflag:$0x6], $0x80, s17, s16, $0xb8;
	[tilespmem:$0x1C880] =	vst v63  }
0xc4: {  	_ =	swait.ge [sflag:s14], $0x2800  }
0xc5: {  	[sflag:s14] =	ssyncset.done $0x0  }
0xc6: {  	s19 =	simm.s32 $0x1080;
	[sflag:s14] =	ssyncadd.s32 $0xFFFFD800  }
0xc7: {  	[tilespmem:s20], [sflag:$0x3] =	stream.indirect.gather [hbm4b:s1+s16], $0x80, s19, s16, $0xb8;
	[tilespmem:$0x1C880] =	vst v63  }
0xc8: {  	_ =	swait.ge [sflag:s21], $0x2800  }
0xc9: {  	[sflag:s21] =	ssyncset.done $0x0  }
0xca: {  	s17 =	simm.s32 $0xE00;
	[sflag:s21] =	ssyncadd.s32 $0xFFFFD800  }
0xcb: {  	[spmem:s3] =	stream.indirect.scatter.add.f32 [tilespmem:s11], [sflag:$0x4], $0x80, s17, s16, $0xb8;
	[tilespmem:$0x1C880] =	vst v63  }
0xcc: {  	_ =	swait.ge [sflag:s12], $0x2800  }
0xcd: {  	[sflag:s12] =	ssyncset.done $0x0  }
0xce: {  	s19 =	rddreg [dreg:$0xe];
	[sflag:s12] =	ssyncadd.s32 $0xFFFFD800  }
0xcf: {  	[tilespmem:s7], [sflag:$0x8] =	stream.linear.gather [hbm4b:s19+s10], $0x280, $0x38;
	[tilespmem:$0x1C880] =	vst v63  }
0xd0: {  	s5 =	rddreg [dreg:$0xf]  }
0xd1: {  	[tilespmem:s8], [sflag:$0x8] =	stream.linear.gather [hbm4b:s5+s10], $0x280, $0x38;
	[tilespmem:$0x1C880] =	vst v63  }
0xd2: {  	s19 =	simm.s32 $0x1100  }
0xd3: {  	[tilespmem:s11], [sflag:$0x1] =	stream.indirect.gather [hbm4b:s1+s16], $0x80, s19, s16, $0xb8;
	[tilespmem:$0x1C880] =	vst v63  }
0xd4: {  	_ =	swait.ge [sflag:s24], $0x2800  }
0xd5: {  	[sflag:s24] =	ssyncset.done $0x0  }
0xd6: {  	[sflag:s24] =	ssyncadd.s32 $0xFFFFD800  }
0xd7: {  	[spmem:s3] =	stream.indirect.scatter.add.f32 [tilespmem:s18], [sflag:$0x5], $0x80, s25, s16, $0xb8;
	[tilespmem:$0x1C880] =	vst v63  }
0xd8: {  	_ =	swait.ge [sflag:s13], $0x2800  }
0xd9: {  	[sflag:s13] =	ssyncset.done $0x0  }
0xda: {  	s5 =	simm.s32 $0x1180;
	[sflag:s13] =	ssyncadd.s32 $0xFFFFD800  }
0xdb: {  	[tilespmem:s18], [sflag:$0x2] =	stream.indirect.gather [hbm4b:s1+s16], $0x80, s5, s16, $0xb8;
	[tilespmem:$0x1C880] =	vst v63  }
0xdc: {  	_ =	swait.ge [sflag:s28], $0x2800  }
0xdd: {  	[sflag:s28] =	ssyncset.done $0x0  }
0xde: {  	s19 =	simm.s32 $0x1480;
	[sflag:s28] =	ssyncadd.s32 $0xFFFFD800  }
0xdf: {  	[spmem:s3] =	stream.indirect.scatter.add.f32 [tilespmem:s20], [sflag:$0x6], $0x80, s19, s16, $0xb8;
	[tilespmem:$0x1C880] =	vst v63  }
0xe0: {  	_ =	swait.ge [sflag:s14], $0x2800  }
0xe1: {  	[sflag:s14] =	ssyncset.done $0x0  }
0xe2: {  	s17 =	simm.s32 $0x1200;
	[sflag:s14] =	ssyncadd.s32 $0xFFFFD800  }
0xe3: {  	[tilespmem:s20], [sflag:$0x3] =	stream.indirect.gather [hbm4b:s1+s16], $0x80, s17, s16, $0xb8;
	[tilespmem:$0x1C880] =	vst v63  }
0xe4: {  	_ =	swait.ge [sflag:s21], $0x2800  }
0xe5: {  	[sflag:s21] =	ssyncset.done $0x0  }
0xe6: {  	s19 =	simm.s32 $0x1500;
	[sflag:s21] =	ssyncadd.s32 $0xFFFFD800  }
0xe7: {  	[spmem:s3] =	stream.indirect.scatter.add.f32 [tilespmem:s11], [sflag:$0x4], $0x80, s19, s16, $0xb8;
	[tilespmem:$0x1C880] =	vst v63  }
0xe8: {  	_ =	swait.ge [sflag:s12], $0x2800  }
0xe9: {  	[sflag:s12] =	ssyncset.done $0x0  }
0xea: {  	[sflag:s12] =	ssyncadd.s32 $0xFFFFD800  }
0xeb: {  	_ =	swait.ge [sflag:s15], $0x280  }
0xec: {  	[sflag:s15] =	ssyncset.done $0x0  }
0xed: {  	[sflag:s15] =	ssyncadd.s32 $0xFFFFFD80  }
0xee: {  	_ =	swait.ge [sflag:s15], $0x280  }
0xef: {  	[sflag:s15] =	ssyncset.done $0x0  }
0xf0: {  	[sflag:s15] =	ssyncadd.s32 $0xFFFFFD80  }
0xf1: {  	[tilespmem:s11], [sflag:$0x1] =	stream.indirect.gather [hbm4b:s1+s16], $0x80, s10, s16, $0xb8;
	[tilespmem:$0x1C880] =	vst v63  }
0xf2: {  	_ =	swait.ge [sflag:s24], $0x2800  }
0xf3: {  	[sflag:s24] =	ssyncset.done $0x0  }
0xf4: {  	s17 =	simm.s32 $0x1580;
	[sflag:s24] =	ssyncadd.s32 $0xFFFFD800  }
0xf5: {  	[spmem:s3] =	stream.indirect.scatter.add.f32 [tilespmem:s18], [sflag:$0x5], $0x80, s17, s16, $0xb8;
	[tilespmem:$0x1C880] =	vst v63  }
0xf6: {  	_ =	swait.ge [sflag:s13], $0x2800  }
0xf7: {  	[sflag:s13] =	ssyncset.done $0x0  }
0xf8: {  	s2 =	simm.s32 $0x80;
	[sflag:s13] =	ssyncadd.s32 $0xFFFFD800  }
0xf9: {  	[tilespmem:s18], [sflag:$0x2] =	stream.indirect.gather [hbm4b:s1+s16], $0x80, s2, s16, $0xb8;
	[tilespmem:$0x1C880] =	vst v63  }
0xfa: {  	_ =	swait.ge [sflag:s28], $0x2800  }
0xfb: {  	[sflag:s28] =	ssyncset.done $0x0  }
0xfc: {  	s19 =	simm.s32 $0x1600;
	[sflag:s28] =	ssyncadd.s32 $0xFFFFD800  }
0xfd: {  	[spmem:s3] =	stream.indirect.scatter.add.f32 [tilespmem:s20], [sflag:$0x6], $0x80, s19, s16, $0xb8;
	[tilespmem:$0x1C880] =	vst v63  }
0xfe: {  	_ =	swait.ge [sflag:s14], $0x2800  }
0xff: {  	s10 =	sadd.s32 $0x0, s6;
	[sflag:s14] =	ssyncset.done $0x0  }
0x100: {  	s17 =	sadd.s32 $0x0, s23;
	s2 =	sadd.s32 $0x280, s10;
	[sflag:s14] =	ssyncadd.s32 $0xFFFFD800  }
0x101: {  	[tilespmem:s9], [sflag:$0x9] =	stream.linear.gather [hbm4b:s2+s4], $0x280, $0x38;
	[tilespmem:$0x1C880] =	vst v63  }
0x102: {  	s5 =	sadd.s32 $0x280, s17  }
0x103: {  	[tilespmem:s25], [sflag:$0x9] =	stream.linear.gather [hbm4b:s5+s4], $0x280, $0x38;
	[tilespmem:$0x1C880] =	vst v63  }
0x104: {  	_ = 	snop  }
0x105: {  	[tilespmem:s20], [sflag:$0x3] =	stream.indirect.gather [hbm4b:s1+s16], $0x80, s22, s16, $0xb8;
	[tilespmem:$0x1C880] =	vst v63  }
0x106: {  	_ =	swait.ge [sflag:s21], $0x2800  }
0x107: {  	[sflag:s21] =	ssyncset.done $0x0  }
0x108: {  	[sflag:s21] =	ssyncadd.s32 $0xFFFFD800  }
0x109: {  	[spmem:s3] =	stream.indirect.scatter.add.f32 [tilespmem:s11], [sflag:$0x4], $0x80, s0, s16, $0xb8;
	[tilespmem:$0x1C880] =	vst v63  }
0x10a: {  	_ =	swait.ge [sflag:s12], $0x2800  }
0x10b: {  	[sflag:s12] =	ssyncset.done $0x0  }
0x10c: {  	s19 =	simm.s32 $0x180;
	[sflag:s12] =	ssyncadd.s32 $0xFFFFD800  }
0x10d: {  	[tilespmem:s11], [sflag:$0x1] =	stream.indirect.gather [hbm4b:s1+s16], $0x80, s19, s16, $0xb8;
	[tilespmem:$0x1C880] =	vst v63  }
0x10e: {  	_ =	swait.ge [sflag:s24], $0x2800  }
0x10f: {  	[sflag:s24] =	ssyncset.done $0x0  }
0x110: {  	s22 =	simm.s32 $0x480;
	[sflag:s24] =	ssyncadd.s32 $0xFFFFD800  }
0x111: {  	[spmem:s3] =	stream.indirect.scatter.add.f32 [tilespmem:s18], [sflag:$0x5], $0x80, s22, s16, $0xb8;
	[tilespmem:$0x1C880] =	vst v63  }
0x112: {  	_ =	swait.ge [sflag:s13], $0x2800  }
0x113: {  	[sflag:s13] =	ssyncset.done $0x0  }
0x114: {  	s5 =	simm.s32 $0x200;
	[sflag:s13] =	ssyncadd.s32 $0xFFFFD800  }
0x115: {  	[tilespmem:s18], [sflag:$0x2] =	stream.indirect.gather [hbm4b:s1+s16], $0x80, s5, s16, $0xb8;
	[tilespmem:$0x1C880] =	vst v63  }
0x116: {  	_ =	swait.ge [sflag:s28], $0x2800  }
0x117: {  	[sflag:s28] =	ssyncset.done $0x0  }
0x118: {  	s19 =	simm.s32 $0x500;
	[sflag:s28] =	ssyncadd.s32 $0xFFFFD800  }
0x119: {  	[spmem:s3] =	stream.indirect.scatter.add.f32 [tilespmem:s20], [sflag:$0x6], $0x80, s19, s16, $0xb8;
	[tilespmem:$0x1C880] =	vst v63  }
0x11a: {  	_ =	swait.ge [sflag:s14], $0x2800  }
0x11b: {  	[sflag:s14] =	ssyncset.done $0x0  }
0x11c: {  	[sflag:s14] =	ssyncadd.s32 $0xFFFFD800  }
0x11d: {  	_ =	swait.ge [sflag:s30], $0x280  }
0x11e: {  	[sflag:s30] =	ssyncset.done $0x0  }
0x11f: {  	[sflag:s30] =	ssyncadd.s32 $0xFFFFFD80  }
0x120: {  	_ =	swait.ge [sflag:s30], $0x280  }
0x121: {  	[sflag:s30] =	ssyncset.done $0x0  }
0x122: {  	[sflag:s30] =	ssyncadd.s32 $0xFFFFFD80  }
0x123: {  	[tilespmem:s20], [sflag:$0x3] =	stream.indirect.gather [hbm4b:s1+s16], $0x80, s7, s16, $0xb8;
	[tilespmem:$0x1C880] =	vst v63  }
0x124: {  	_ =	swait.ge [sflag:s21], $0x2800  }
0x125: {  	[sflag:s21] =	ssyncset.done $0x0  }
0x126: {  	s22 =	simm.s32 $0x580;
	[sflag:s21] =	ssyncadd.s32 $0xFFFFD800  }
0x127: {  	[spmem:s3] =	stream.indirect.scatter.add.f32 [tilespmem:s11], [sflag:$0x4], $0x80, s22, s16, $0xb8;
	[tilespmem:$0x1C880] =	vst v63  }
0x128: {  	_ =	swait.ge [sflag:s12], $0x2800  }
0x129: {  	[sflag:s12] =	ssyncset.done $0x0  }
0x12a: {  	[sflag:s12] =	ssyncadd.s32 $0xFFFFD800  }
0x12b: {  	[tilespmem:s11], [sflag:$0x1] =	stream.indirect.gather [hbm4b:s1+s16], $0x80, s26, s16, $0xb8;
	[tilespmem:$0x1C880] =	vst v63  }
0x12c: {  	_ =	swait.ge [sflag:s24], $0x2800  }
0x12d: {  	[sflag:s24] =	ssyncset.done $0x0  }
0x12e: {  	s22 =	simm.s32 $0x600;
	[sflag:s24] =	ssyncadd.s32 $0xFFFFD800  }
0x12f: {  	[spmem:s3] =	stream.indirect.scatter.add.f32 [tilespmem:s18], [sflag:$0x5], $0x80, s22, s16, $0xb8;
	[tilespmem:$0x1C880] =	vst v63  }
0x130: {  	_ =	swait.ge [sflag:s13], $0x2800  }
0x131: {  	[sflag:s13] =	ssyncset.done $0x0  }
0x132: {  	s22 =	sadd.s32 $0x300, s10;
	[sflag:s13] =	ssyncadd.s32 $0xFFFFD800  }
0x133: {  	[tilespmem:s4], [sflag:$0x7] =	stream.linear.gather [hbm4b:s22+s4], $0x280, $0x38;
	[tilespmem:$0x1C880] =	vst v63  }
0x134: {  	s22 =	sadd.s32 $0x300, s17  }
0x135: {  	[tilespmem:s0], [sflag:$0x7] =	stream.linear.gather [hbm4b:s22+s4], $0x280, $0x38;
	[tilespmem:$0x1C880] =	vst v63  }
0x136: {  	s22 =	simm.s32 $0x900  }
0x137: {  	[tilespmem:s18], [sflag:$0x2] =	stream.indirect.gather [hbm4b:s1+s16], $0x80, s22, s16, $0xb8;
	[tilespmem:$0x1C880] =	vst v63  }
0x138: {  	_ =	swait.ge [sflag:s28], $0x2800  }
0x139: {  	[sflag:s28] =	ssyncset.done $0x0  }
0x13a: {  	[sflag:s28] =	ssyncadd.s32 $0xFFFFD800  }
0x13b: {  	[spmem:s3] =	stream.indirect.scatter.add.f32 [tilespmem:s20], [sflag:$0x6], $0x80, s8, s16, $0xb8;
	[tilespmem:$0x1C880] =	vst v63  }
0x13c: {  	_ =	swait.ge [sflag:s14], $0x2800  }
0x13d: {  	[sflag:s14] =	ssyncset.done $0x0  }
0x13e: {  	[sflag:s14] =	ssyncadd.s32 $0xFFFFD800  }
0x13f: {  	[tilespmem:s20], [sflag:$0x3] =	stream.indirect.gather [hbm4b:s1+s16], $0x80, s31, s16, $0xb8;
	[tilespmem:$0x1C880] =	vst v63  }
0x140: {  	_ =	swait.ge [sflag:s21], $0x2800  }
0x141: {  	[sflag:s21] =	ssyncset.done $0x0  }
0x142: {  	s31 =	simm.s32 $0xC80;
	[sflag:s21] =	ssyncadd.s32 $0xFFFFD800  }
0x143: {  	[spmem:s3] =	stream.indirect.scatter.add.f32 [tilespmem:s11], [sflag:$0x4], $0x80, s31, s16, $0xb8;
	[tilespmem:$0x1C880] =	vst v63  }
0x144: {  	_ =	swait.ge [sflag:s12], $0x2800  }
0x145: {  	[sflag:s12] =	ssyncset.done $0x0  }
0x146: {  	s31 =	simm.s32 $0xA00;
	[sflag:s12] =	ssyncadd.s32 $0xFFFFD800  }
0x147: {  	[tilespmem:s11], [sflag:$0x1] =	stream.indirect.gather [hbm4b:s1+s16], $0x80, s31, s16, $0xb8;
	[tilespmem:$0x1C880] =	vst v63  }
0x148: {  	_ =	swait.ge [sflag:s24], $0x2800  }
0x149: {  	[sflag:s24] =	ssyncset.done $0x0  }
0x14a: {  	s31 =	simm.s32 $0xD00;
	[sflag:s24] =	ssyncadd.s32 $0xFFFFD800  }
0x14b: {  	[spmem:s3] =	stream.indirect.scatter.add.f32 [tilespmem:s18], [sflag:$0x5], $0x80, s31, s16, $0xb8;
	[tilespmem:$0x1C880] =	vst v63  }
0x14c: {  	_ =	swait.ge [sflag:s13], $0x2800  }
0x14d: {  	[sflag:s13] =	ssyncset.done $0x0  }
0x14e: {  	[sflag:s13] =	ssyncadd.s32 $0xFFFFD800  }
0x14f: {  	_ =	swait.ge [sflag:s29], $0x280  }
0x150: {  	[sflag:s29] =	ssyncset.done $0x0  }
0x151: {  	[sflag:s29] =	ssyncadd.s32 $0xFFFFFD80  }
0x152: {  	_ =	swait.ge [sflag:s29], $0x280  }
0x153: {  	[sflag:s29] =	ssyncset.done $0x0  }
0x154: {  	[sflag:s29] =	ssyncadd.s32 $0xFFFFFD80  }
0x155: {  	[tilespmem:s18], [sflag:$0x2] =	stream.indirect.gather [hbm4b:s1+s16], $0x80, s9, s16, $0xb8;
	[tilespmem:$0x1C880] =	vst v63  }
0x156: {  	_ =	swait.ge [sflag:s28], $0x2800  }
0x157: {  	[sflag:s28] =	ssyncset.done $0x0  }
0x158: {  	s31 =	simm.s32 $0xD80;
	[sflag:s28] =	ssyncadd.s32 $0xFFFFD800  }
0x159: {  	[spmem:s3] =	stream.indirect.scatter.add.f32 [tilespmem:s20], [sflag:$0x6], $0x80, s31, s16, $0xb8;
	[tilespmem:$0x1C880] =	vst v63  }
0x15a: {  	_ =	swait.ge [sflag:s14], $0x2800  }
0x15b: {  	[sflag:s14] =	ssyncset.done $0x0  }
0x15c: {  	s31 =	simm.s32 $0x1080;
	[sflag:s14] =	ssyncadd.s32 $0xFFFFD800  }
0x15d: {  	[tilespmem:s20], [sflag:$0x3] =	stream.indirect.gather [hbm4b:s1+s16], $0x80, s31, s16, $0xb8;
	[tilespmem:$0x1C880] =	vst v63  }
0x15e: {  	_ =	swait.ge [sflag:s21], $0x2800  }
0x15f: {  	[sflag:s21] =	ssyncset.done $0x0  }
0x160: {  	s31 =	simm.s32 $0xE00;
	[sflag:s21] =	ssyncadd.s32 $0xFFFFD800  }
0x161: {  	[spmem:s3] =	stream.indirect.scatter.add.f32 [tilespmem:s11], [sflag:$0x4], $0x80, s31, s16, $0xb8;
	[tilespmem:$0x1C880] =	vst v63  }
0x162: {  	_ =	swait.ge [sflag:s12], $0x2800  }
0x163: {  	[sflag:s12] =	ssyncset.done $0x0  }
0x164: {  	s10 =	sadd.s32 $0x380, s10;
	[sflag:s12] =	ssyncadd.s32 $0xFFFFD800  }
0x165: {  	[tilespmem:s7], [sflag:$0x8] =	stream.linear.gather [hbm4b:s10+s4], $0x280, $0x38;
	[tilespmem:$0x1C880] =	vst v63  }
0x166: {  	s17 =	sadd.s32 $0x380, s17  }
0x167: {  	[tilespmem:s8], [sflag:$0x8] =	stream.linear.gather [hbm4b:s17+s4], $0x280, $0x38;
	[tilespmem:$0x1C880] =	vst v63  }
0x168: {  	s22 =	simm.s32 $0x1100  }
0x169: {  	[tilespmem:s11], [sflag:$0x1] =	stream.indirect.gather [hbm4b:s1+s16], $0x80, s22, s16, $0xb8;
	[tilespmem:$0x1C880] =	vst v63  }
0x16a: {  	_ =	swait.ge [sflag:s24], $0x2800  }
0x16b: {  	[sflag:s24] =	ssyncset.done $0x0  }
0x16c: {  	[sflag:s24] =	ssyncadd.s32 $0xFFFFD800  }
0x16d: {  	[spmem:s3] =	stream.indirect.scatter.add.f32 [tilespmem:s18], [sflag:$0x5], $0x80, s25, s16, $0xb8;
	[tilespmem:$0x1C880] =	vst v63  }
0x16e: {  	_ =	swait.ge [sflag:s13], $0x2800  }
0x16f: {  	[sflag:s13] =	ssyncset.done $0x0  }
0x170: {  	s19 =	simm.s32 $0x1180;
	[sflag:s13] =	ssyncadd.s32 $0xFFFFD800  }
0x171: {  	[tilespmem:s18], [sflag:$0x2] =	stream.indirect.gather [hbm4b:s1+s16], $0x80, s19, s16, $0xb8;
	[tilespmem:$0x1C880] =	vst v63  }
0x172: {  	_ =	swait.ge [sflag:s28], $0x2800  }
0x173: {  	[sflag:s28] =	ssyncset.done $0x0  }
0x174: {  	s31 =	simm.s32 $0x1480;
	[sflag:s28] =	ssyncadd.s32 $0xFFFFD800  }
0x175: {  	[spmem:s3] =	stream.indirect.scatter.add.f32 [tilespmem:s20], [sflag:$0x6], $0x80, s31, s16, $0xb8;
	[tilespmem:$0x1C880] =	vst v63  }
0x176: {  	_ =	swait.ge [sflag:s14], $0x2800  }
0x177: {  	[sflag:s14] =	ssyncset.done $0x0  }
0x178: {  	s17 =	simm.s32 $0x1200;
	[sflag:s14] =	ssyncadd.s32 $0xFFFFD800  }
0x179: {  	[tilespmem:s20], [sflag:$0x3] =	stream.indirect.gather [hbm4b:s1+s16], $0x80, s17, s16, $0xb8;
	[tilespmem:$0x1C880] =	vst v63  }
0x17a: {  	_ =	swait.ge [sflag:s21], $0x2800  }
0x17b: {  	[sflag:s21] =	ssyncset.done $0x0  }
0x17c: {  	s19 =	simm.s32 $0x1500;
	[sflag:s21] =	ssyncadd.s32 $0xFFFFD800  }
0x17d: {  	[spmem:s3] =	stream.indirect.scatter.add.f32 [tilespmem:s11], [sflag:$0x4], $0x80, s19, s16, $0xb8;
	[tilespmem:$0x1C880] =	vst v63  }
0x17e: {  	_ =	swait.ge [sflag:s12], $0x2800  }
0x17f: {  	[sflag:s12] =	ssyncset.done $0x0  }
0x180: {  	[sflag:s12] =	ssyncadd.s32 $0xFFFFD800  }
0x181: {  	_ =	swait.ge [sflag:s15], $0x280  }
0x182: {  	[sflag:s15] =	ssyncset.done $0x0  }
0x183: {  	[sflag:s15] =	ssyncadd.s32 $0xFFFFFD80  }
0x184: {  	_ =	swait.ge [sflag:s15], $0x280  }
0x185: {  	[sflag:s15] =	ssyncset.done $0x0  }
0x186: {  	[sflag:s15] =	ssyncadd.s32 $0xFFFFFD80  }
0x187: {  	[tilespmem:s11], [sflag:$0x1] =	stream.indirect.gather [hbm4b:s1+s16], $0x80, s4, s16, $0xb8;
	[tilespmem:$0x1C880] =	vst v63  }
0x188: {  	_ =	swait.ge [sflag:s24], $0x2800  }
0x189: {  	[sflag:s24] =	ssyncset.done $0x0  }
0x18a: {  	s22 =	simm.s32 $0x1580;
	[sflag:s24] =	ssyncadd.s32 $0xFFFFD800  }
0x18b: {  	[spmem:s3] =	stream.indirect.scatter.add.f32 [tilespmem:s18], [sflag:$0x5], $0x80, s22, s16, $0xb8;
	[tilespmem:$0x1C880] =	vst v63  }
0x18c: {  	_ =	swait.ge [sflag:s13], $0x2800  }
0x18d: {  	[sflag:s13] =	ssyncset.done $0x0  }
0x18e: {  	s31 =	simm.s32 $0x80;
	[sflag:s13] =	ssyncadd.s32 $0xFFFFD800  }
0x18f: {  	[tilespmem:s18], [sflag:$0x2] =	stream.indirect.gather [hbm4b:s1+s16], $0x80, s31, s16, $0xb8;
	[tilespmem:$0x1C880] =	vst v63  }
0x190: {  	_ =	swait.ge [sflag:s28], $0x2800  }
0x191: {  	s2 =	simm.s32 $0x580;
	s5 =	simm.s32 $0x500;
	[sflag:s28] =	ssyncset.done $0x0  }
0x192: {  	s26 =	simm.s32 $0x600;
	s10 =	simm.s32 $0x180;
	[sflag:s28] =	ssyncadd.s32 $0xFFFFD800  }
.LBB2_4:
0x193: {  	s17 =	simm.s32 $0x1600;
	s19 =	smov.u32 s10  }
0x194: {  	[spmem:s3] =	stream.indirect.scatter.add.f32 [tilespmem:s20], [sflag:$0x6], $0x80, s17, s16, $0xb8;
	[tilespmem:$0x1C880] =	vst v63  }
0x195: {  	p1 =	sne.s32 s10, $0x780;
	s10 =	sadd.s32 $0x180, s10;
	_ =	swait.ge [sflag:s14], $0x2800  }
0x196: {  	s17 =	sadd.s32 s19, s6;
	[sflag:s14] =	ssyncset.done $0x0  }
0x197: {  	s19 =	sadd.s32 s19, s23;
	s22 =	sadd.s32 $0x280, s17;
	[sflag:s14] =	ssyncadd.s32 $0xFFFFD800  }
0x198: {  	[tilespmem:s9], [sflag:$0x9] =	stream.linear.gather [hbm4b:s22+s4], $0x280, $0x38;
	[tilespmem:$0x1C880] =	vst v63  }
0x199: {  	s22 =	sadd.s32 $0x280, s19  }
0x19a: {  	[tilespmem:s25], [sflag:$0x9] =	stream.linear.gather [hbm4b:s22+s4], $0x280, $0x38;
	[tilespmem:$0x1C880] =	vst v63  }
0x19b: {  	s22 =	simm.s32 $0x100  }
0x19c: {  	[tilespmem:s20], [sflag:$0x3] =	stream.indirect.gather [hbm4b:s1+s16], $0x80, s22, s16, $0xb8;
	[tilespmem:$0x1C880] =	vst v63  }
0x19d: {  	_ =	swait.ge [sflag:s21], $0x2800  }
0x19e: {  	[sflag:s21] =	ssyncset.done $0x0  }
0x19f: {  	[sflag:s21] =	ssyncadd.s32 $0xFFFFD800  }
0x1a0: {  	[spmem:s3] =	stream.indirect.scatter.add.f32 [tilespmem:s11], [sflag:$0x4], $0x80, s0, s16, $0xb8;
	[tilespmem:$0x1C880] =	vst v63  }
0x1a1: {  	_ =	swait.ge [sflag:s12], $0x2800  }
0x1a2: {  	[sflag:s12] =	ssyncset.done $0x0  }
0x1a3: {  	s22 =	simm.s32 $0x180;
	[sflag:s12] =	ssyncadd.s32 $0xFFFFD800  }
0x1a4: {  	[tilespmem:s11], [sflag:$0x1] =	stream.indirect.gather [hbm4b:s1+s16], $0x80, s22, s16, $0xb8;
	[tilespmem:$0x1C880] =	vst v63  }
0x1a5: {  	_ =	swait.ge [sflag:s24], $0x2800  }
0x1a6: {  	[sflag:s24] =	ssyncset.done $0x0  }
0x1a7: {  	s22 =	simm.s32 $0x480;
	[sflag:s24] =	ssyncadd.s32 $0xFFFFD800  }
0x1a8: {  	[spmem:s3] =	stream.indirect.scatter.add.f32 [tilespmem:s18], [sflag:$0x5], $0x80, s22, s16, $0xb8;
	[tilespmem:$0x1C880] =	vst v63  }
0x1a9: {  	_ =	swait.ge [sflag:s13], $0x2800  }
0x1aa: {  	[sflag:s13] =	ssyncset.done $0x0  }
0x1ab: {  	s22 =	simm.s32 $0x200;
	[sflag:s13] =	ssyncadd.s32 $0xFFFFD800  }
0x1ac: {  	[tilespmem:s18], [sflag:$0x2] =	stream.indirect.gather [hbm4b:s1+s16], $0x80, s22, s16, $0xb8;
	[tilespmem:$0x1C880] =	vst v63  }
0x1ad: {  	_ =	swait.ge [sflag:s28], $0x2800  }
0x1ae: {  	[sflag:s28] =	ssyncset.done $0x0  }
0x1af: {  	[sflag:s28] =	ssyncadd.s32 $0xFFFFD800  }
0x1b0: {  	[spmem:s3] =	stream.indirect.scatter.add.f32 [tilespmem:s20], [sflag:$0x6], $0x80, s5, s16, $0xb8;
	[tilespmem:$0x1C880] =	vst v63  }
0x1b1: {  	_ =	swait.ge [sflag:s14], $0x2800  }
0x1b2: {  	[sflag:s14] =	ssyncset.done $0x0  }
0x1b3: {  	[sflag:s14] =	ssyncadd.s32 $0xFFFFD800  }
0x1b4: {  	_ =	swait.ge [sflag:s30], $0x280  }
0x1b5: {  	[sflag:s30] =	ssyncset.done $0x0  }
0x1b6: {  	[sflag:s30] =	ssyncadd.s32 $0xFFFFFD80  }
0x1b7: {  	_ =	swait.ge [sflag:s30], $0x280  }
0x1b8: {  	[sflag:s30] =	ssyncset.done $0x0  }
0x1b9: {  	[sflag:s30] =	ssyncadd.s32 $0xFFFFFD80  }
0x1ba: {  	[tilespmem:s20], [sflag:$0x3] =	stream.indirect.gather [hbm4b:s1+s16], $0x80, s7, s16, $0xb8;
	[tilespmem:$0x1C880] =	vst v63  }
0x1bb: {  	_ =	swait.ge [sflag:s21], $0x2800  }
0x1bc: {  	[sflag:s21] =	ssyncset.done $0x0  }
0x1bd: {  	[sflag:s21] =	ssyncadd.s32 $0xFFFFD800  }
0x1be: {  	[spmem:s3] =	stream.indirect.scatter.add.f32 [tilespmem:s11], [sflag:$0x4], $0x80, s2, s16, $0xb8;
	[tilespmem:$0x1C880] =	vst v63  }
0x1bf: {  	_ =	swait.ge [sflag:s12], $0x2800  }
0x1c0: {  	[sflag:s12] =	ssyncset.done $0x0  }
0x1c1: {  	s22 =	simm.s32 $0x880;
	[sflag:s12] =	ssyncadd.s32 $0xFFFFD800  }
0x1c2: {  	[tilespmem:s11], [sflag:$0x1] =	stream.indirect.gather [hbm4b:s1+s16], $0x80, s22, s16, $0xb8;
	[tilespmem:$0x1C880] =	vst v63  }
0x1c3: {  	_ =	swait.ge [sflag:s24], $0x2800  }
0x1c4: {  	[sflag:s24] =	ssyncset.done $0x0  }
0x1c5: {  	[sflag:s24] =	ssyncadd.s32 $0xFFFFD800  }
0x1c6: {  	[spmem:s3] =	stream.indirect.scatter.add.f32 [tilespmem:s18], [sflag:$0x5], $0x80, s26, s16, $0xb8;
	[tilespmem:$0x1C880] =	vst v63  }
0x1c7: {  	_ =	swait.ge [sflag:s13], $0x2800  }
0x1c8: {  	[sflag:s13] =	ssyncset.done $0x0  }
0x1c9: {  	s22 =	sadd.s32 $0x300, s17;
	[sflag:s13] =	ssyncadd.s32 $0xFFFFD800  }
0x1ca: {  	[tilespmem:s4], [sflag:$0x7] =	stream.linear.gather [hbm4b:s22+s4], $0x280, $0x38;
	[tilespmem:$0x1C880] =	vst v63  }
0x1cb: {  	s22 =	sadd.s32 $0x300, s19  }
0x1cc: {  	[tilespmem:s0], [sflag:$0x7] =	stream.linear.gather [hbm4b:s22+s4], $0x280, $0x38;
	[tilespmem:$0x1C880] =	vst v63  }
0x1cd: {  	s22 =	simm.s32 $0x80  }
0x1ce: {  	s31 =	simm.s32 $0x900  }
0x1cf: {  	[tilespmem:s18], [sflag:$0x2] =	stream.indirect.gather [hbm4b:s1+s16], $0x80, s31, s16, $0xb8;
	[tilespmem:$0x1C880] =	vst v63  }
0x1d0: {  	_ =	swait.ge [sflag:s28], $0x2800  }
0x1d1: {  	[sflag:s28] =	ssyncset.done $0x0  }
0x1d2: {  	[sflag:s28] =	ssyncadd.s32 $0xFFFFD800  }
0x1d3: {  	[spmem:s3] =	stream.indirect.scatter.add.f32 [tilespmem:s20], [sflag:$0x6], $0x80, s8, s16, $0xb8;
	[tilespmem:$0x1C880] =	vst v63  }
0x1d4: {  	_ =	swait.ge [sflag:s14], $0x2800  }
0x1d5: {  	[sflag:s14] =	ssyncset.done $0x0  }
0x1d6: {  	s31 =	simm.s32 $0x980;
	[sflag:s14] =	ssyncadd.s32 $0xFFFFD800  }
0x1d7: {  	[tilespmem:s20], [sflag:$0x3] =	stream.indirect.gather [hbm4b:s1+s16], $0x80, s31, s16, $0xb8;
	[tilespmem:$0x1C880] =	vst v63  }
0x1d8: {  	_ =	swait.ge [sflag:s21], $0x2800  }
0x1d9: {  	[sflag:s21] =	ssyncset.done $0x0  }
0x1da: {  	s31 =	simm.s32 $0xC80;
	[sflag:s21] =	ssyncadd.s32 $0xFFFFD800  }
0x1db: {  	[spmem:s3] =	stream.indirect.scatter.add.f32 [tilespmem:s11], [sflag:$0x4], $0x80, s31, s16, $0xb8;
	[tilespmem:$0x1C880] =	vst v63  }
0x1dc: {  	_ =	swait.ge [sflag:s12], $0x2800  }
0x1dd: {  	[sflag:s12] =	ssyncset.done $0x0  }
0x1de: {  	s31 =	simm.s32 $0xA00;
	[sflag:s12] =	ssyncadd.s32 $0xFFFFD800  }
0x1df: {  	[tilespmem:s11], [sflag:$0x1] =	stream.indirect.gather [hbm4b:s1+s16], $0x80, s31, s16, $0xb8;
	[tilespmem:$0x1C880] =	vst v63  }
0x1e0: {  	_ =	swait.ge [sflag:s24], $0x2800  }
0x1e1: {  	[sflag:s24] =	ssyncset.done $0x0  }
0x1e2: {  	s31 =	simm.s32 $0xD00;
	[sflag:s24] =	ssyncadd.s32 $0xFFFFD800  }
0x1e3: {  	[spmem:s3] =	stream.indirect.scatter.add.f32 [tilespmem:s18], [sflag:$0x5], $0x80, s31, s16, $0xb8;
	[tilespmem:$0x1C880] =	vst v63  }
0x1e4: {  	_ =	swait.ge [sflag:s13], $0x2800  }
0x1e5: {  	[sflag:s13] =	ssyncset.done $0x0  }
0x1e6: {  	[sflag:s13] =	ssyncadd.s32 $0xFFFFD800  }
0x1e7: {  	_ =	swait.ge [sflag:s29], $0x280  }
0x1e8: {  	[sflag:s29] =	ssyncset.done $0x0  }
0x1e9: {  	[sflag:s29] =	ssyncadd.s32 $0xFFFFFD80  }
0x1ea: {  	_ =	swait.ge [sflag:s29], $0x280  }
0x1eb: {  	[sflag:s29] =	ssyncset.done $0x0  }
0x1ec: {  	[sflag:s29] =	ssyncadd.s32 $0xFFFFFD80  }
0x1ed: {  	[tilespmem:s18], [sflag:$0x2] =	stream.indirect.gather [hbm4b:s1+s16], $0x80, s9, s16, $0xb8;
	[tilespmem:$0x1C880] =	vst v63  }
0x1ee: {  	_ =	swait.ge [sflag:s28], $0x2800  }
0x1ef: {  	[sflag:s28] =	ssyncset.done $0x0  }
0x1f0: {  	s31 =	simm.s32 $0xD80;
	[sflag:s28] =	ssyncadd.s32 $0xFFFFD800  }
0x1f1: {  	[spmem:s3] =	stream.indirect.scatter.add.f32 [tilespmem:s20], [sflag:$0x6], $0x80, s31, s16, $0xb8;
	[tilespmem:$0x1C880] =	vst v63  }
0x1f2: {  	_ =	swait.ge [sflag:s14], $0x2800  }
0x1f3: {  	[sflag:s14] =	ssyncset.done $0x0  }
0x1f4: {  	s31 =	simm.s32 $0x1080;
	[sflag:s14] =	ssyncadd.s32 $0xFFFFD800  }
0x1f5: {  	[tilespmem:s20], [sflag:$0x3] =	stream.indirect.gather [hbm4b:s1+s16], $0x80, s31, s16, $0xb8;
	[tilespmem:$0x1C880] =	vst v63  }
0x1f6: {  	_ =	swait.ge [sflag:s21], $0x2800  }
0x1f7: {  	[sflag:s21] =	ssyncset.done $0x0  }
0x1f8: {  	s31 =	simm.s32 $0xE00;
	[sflag:s21] =	ssyncadd.s32 $0xFFFFD800  }
0x1f9: {  	[spmem:s3] =	stream.indirect.scatter.add.f32 [tilespmem:s11], [sflag:$0x4], $0x80, s31, s16, $0xb8;
	[tilespmem:$0x1C880] =	vst v63  }
0x1fa: {  	_ =	swait.ge [sflag:s12], $0x2800  }
0x1fb: {  	[sflag:s12] =	ssyncset.done $0x0  }
0x1fc: {  	s17 =	sadd.s32 $0x380, s17;
	[sflag:s12] =	ssyncadd.s32 $0xFFFFD800  }
0x1fd: {  	[tilespmem:s7], [sflag:$0x8] =	stream.linear.gather [hbm4b:s17+s4], $0x280, $0x38;
	[tilespmem:$0x1C880] =	vst v63  }
0x1fe: {  	s17 =	sadd.s32 $0x380, s19;
	s19 =	simm.s32 $0x1180  }
0x1ff: {  	[tilespmem:s8], [sflag:$0x8] =	stream.linear.gather [hbm4b:s17+s4], $0x280, $0x38;
	[tilespmem:$0x1C880] =	vst v63  }
0x200: {  	s17 =	simm.s32 $0x1100;
	_ =	sdelay $0x1  }
0x201: {  	[tilespmem:s11], [sflag:$0x1] =	stream.indirect.gather [hbm4b:s1+s16], $0x80, s17, s16, $0xb8;
	[tilespmem:$0x1C880] =	vst v63  }
0x202: {  	_ =	swait.ge [sflag:s24], $0x2800  }
0x203: {  	[sflag:s24] =	ssyncset.done $0x0  }
0x204: {  	[sflag:s24] =	ssyncadd.s32 $0xFFFFD800  }
0x205: {  	[spmem:s3] =	stream.indirect.scatter.add.f32 [tilespmem:s18], [sflag:$0x5], $0x80, s25, s16, $0xb8;
	[tilespmem:$0x1C880] =	vst v63  }
0x206: {  	_ =	swait.ge [sflag:s13], $0x2800  }
0x207: {  	[sflag:s13] =	ssyncset.done $0x0  }
0x208: {  	[sflag:s13] =	ssyncadd.s32 $0xFFFFD800  }
0x209: {  	[tilespmem:s18], [sflag:$0x2] =	stream.indirect.gather [hbm4b:s1+s16], $0x80, s19, s16, $0xb8;
	[tilespmem:$0x1C880] =	vst v63  }
0x20a: {  	_ =	swait.ge [sflag:s28], $0x2800  }
0x20b: {  	[sflag:s28] =	ssyncset.done $0x0  }
0x20c: {  	s31 =	simm.s32 $0x1480;
	[sflag:s28] =	ssyncadd.s32 $0xFFFFD800  }
0x20d: {  	[spmem:s3] =	stream.indirect.scatter.add.f32 [tilespmem:s20], [sflag:$0x6], $0x80, s31, s16, $0xb8;
	[tilespmem:$0x1C880] =	vst v63  }
0x20e: {  	_ =	swait.ge [sflag:s14], $0x2800  }
0x20f: {  	[sflag:s14] =	ssyncset.done $0x0  }
0x210: {  	s31 =	simm.s32 $0x1200;
	[sflag:s14] =	ssyncadd.s32 $0xFFFFD800  }
0x211: {  	[tilespmem:s20], [sflag:$0x3] =	stream.indirect.gather [hbm4b:s1+s16], $0x80, s31, s16, $0xb8;
	[tilespmem:$0x1C880] =	vst v63  }
0x212: {  	_ =	swait.ge [sflag:s21], $0x2800  }
0x213: {  	[sflag:s21] =	ssyncset.done $0x0  }
0x214: {  	s31 =	simm.s32 $0x1500;
	[sflag:s21] =	ssyncadd.s32 $0xFFFFD800  }
0x215: {  	[spmem:s3] =	stream.indirect.scatter.add.f32 [tilespmem:s11], [sflag:$0x4], $0x80, s31, s16, $0xb8;
	[tilespmem:$0x1C880] =	vst v63  }
0x216: {  	_ =	swait.ge [sflag:s12], $0x2800  }
0x217: {  	[sflag:s12] =	ssyncset.done $0x0  }
0x218: {  	[sflag:s12] =	ssyncadd.s32 $0xFFFFD800  }
0x219: {  	_ =	swait.ge [sflag:s15], $0x280  }
0x21a: {  	[sflag:s15] =	ssyncset.done $0x0  }
0x21b: {  	[sflag:s15] =	ssyncadd.s32 $0xFFFFFD80  }
0x21c: {  	_ =	swait.ge [sflag:s15], $0x280  }
0x21d: {  	[sflag:s15] =	ssyncset.done $0x0  }
0x21e: {  	[sflag:s15] =	ssyncadd.s32 $0xFFFFFD80  }
0x21f: {  	[tilespmem:s11], [sflag:$0x1] =	stream.indirect.gather [hbm4b:s1+s16], $0x80, s4, s16, $0xb8;
	[tilespmem:$0x1C880] =	vst v63  }
0x220: {  	_ =	swait.ge [sflag:s24], $0x2800  }
0x221: {  	[sflag:s24] =	ssyncset.done $0x0  }
0x222: {  	s31 =	simm.s32 $0x1580;
	[sflag:s24] =	ssyncadd.s32 $0xFFFFD800  }
0x223: {  	[spmem:s3] =	stream.indirect.scatter.add.f32 [tilespmem:s18], [sflag:$0x5], $0x80, s31, s16, $0xb8;
	[tilespmem:$0x1C880] =	vst v63  }
0x224: {  	_ =	swait.ge [sflag:s13], $0x2800  }
0x225: {  	[sflag:s13] =	ssyncset.done $0x0  }
.Ltmp1:
0x226: {  	[sflag:s13] =	ssyncadd.s32 $0xFFFFD800;
	(pc) =	sbr.rel @p1 .LBB2_4-.Ltmp1, $4  }
0x227: {  	[tilespmem:s18], [sflag:$0x2] =	stream.indirect.gather [hbm4b:s1+s16], $0x80, s22, s16, $0xb8;
	[tilespmem:$0x1C880] =	vst v63  }
0x228: {  	_ =	swait.ge [sflag:s28], $0x2800  }
0x229: {  	[sflag:s28] =	ssyncset.done $0x0  }
0x22a: {  	[sflag:s28] =	ssyncadd.s32 $0xFFFFD800  }
0x22b: {  	s2 =	simm.s32 $0x1600  }
0x22c: {  	[spmem:s3] =	stream.indirect.scatter.add.f32 [tilespmem:s20], [sflag:$0x6], $0x80, s2, s16, $0xb8;
	[tilespmem:$0x1C880] =	vst v63  }
0x22d: {  	_ =	swait.ge [sflag:s14], $0x2800  }
0x22e: {  	[sflag:s14] =	ssyncset.done $0x0  }
0x22f: {  	s10 =	rddreg [dreg:$0x10];
	[sflag:s14] =	ssyncadd.s32 $0xFFFFD800  }
0x230: {  	[tilespmem:s9], [sflag:$0x9] =	stream.linear.gather [hbm4b:s10+s4], $0x280, $0x38;
	[tilespmem:$0x1C880] =	vst v63  }
0x231: {  	s26 =	rddreg [dreg:$0x11]  }
0x232: {  	[tilespmem:s25], [sflag:$0x9] =	stream.linear.gather [hbm4b:s26+s4], $0x280, $0x38;
	[tilespmem:$0x1C880] =	vst v63  }
0x233: {  	s31 =	simm.s32 $0x100  }
0x234: {  	[tilespmem:s20], [sflag:$0x3] =	stream.indirect.gather [hbm4b:s1+s16], $0x80, s31, s16, $0xb8;
	[tilespmem:$0x1C880] =	vst v63  }
0x235: {  	_ =	swait.ge [sflag:s21], $0x2800  }
0x236: {  	[sflag:s21] =	ssyncset.done $0x0  }
0x237: {  	[sflag:s21] =	ssyncadd.s32 $0xFFFFD800  }
0x238: {  	[spmem:s3] =	stream.indirect.scatter.add.f32 [tilespmem:s11], [sflag:$0x4], $0x80, s0, s16, $0xb8;
	[tilespmem:$0x1C880] =	vst v63  }
0x239: {  	_ =	swait.ge [sflag:s12], $0x2800  }
0x23a: {  	[sflag:s12] =	ssyncset.done $0x0  }
0x23b: {  	s5 =	simm.s32 $0x180;
	[sflag:s12] =	ssyncadd.s32 $0xFFFFD800  }
0x23c: {  	[tilespmem:s11], [sflag:$0x1] =	stream.indirect.gather [hbm4b:s1+s16], $0x80, s5, s16, $0xb8;
	[tilespmem:$0x1C880] =	vst v63  }
0x23d: {  	_ =	swait.ge [sflag:s24], $0x2800  }
0x23e: {  	[sflag:s24] =	ssyncset.done $0x0  }
0x23f: {  	s26 =	simm.s32 $0x480;
	[sflag:s24] =	ssyncadd.s32 $0xFFFFD800  }
0x240: {  	[spmem:s3] =	stream.indirect.scatter.add.f32 [tilespmem:s18], [sflag:$0x5], $0x80, s26, s16, $0xb8;
	[tilespmem:$0x1C880] =	vst v63  }
0x241: {  	_ =	swait.ge [sflag:s13], $0x2800  }
0x242: {  	[sflag:s13] =	ssyncset.done $0x0  }
0x243: {  	s31 =	simm.s32 $0x200;
	[sflag:s13] =	ssyncadd.s32 $0xFFFFD800  }
0x244: {  	[tilespmem:s18], [sflag:$0x2] =	stream.indirect.gather [hbm4b:s1+s16], $0x80, s31, s16, $0xb8;
	[tilespmem:$0x1C880] =	vst v63  }
0x245: {  	_ =	swait.ge [sflag:s28], $0x2800  }
0x246: {  	[sflag:s28] =	ssyncset.done $0x0  }
0x247: {  	s5 =	simm.s32 $0x500;
	[sflag:s28] =	ssyncadd.s32 $0xFFFFD800  }
0x248: {  	[spmem:s3] =	stream.indirect.scatter.add.f32 [tilespmem:s20], [sflag:$0x6], $0x80, s5, s16, $0xb8;
	[tilespmem:$0x1C880] =	vst v63  }
0x249: {  	_ =	swait.ge [sflag:s14], $0x2800  }
0x24a: {  	[sflag:s14] =	ssyncset.done $0x0  }
0x24b: {  	[sflag:s14] =	ssyncadd.s32 $0xFFFFD800  }
0x24c: {  	_ =	swait.ge [sflag:s30], $0x280  }
0x24d: {  	[sflag:s30] =	ssyncset.done $0x0  }
0x24e: {  	[sflag:s30] =	ssyncadd.s32 $0xFFFFFD80  }
0x24f: {  	_ =	swait.ge [sflag:s30], $0x280  }
0x250: {  	[sflag:s30] =	ssyncset.done $0x0  }
0x251: {  	[sflag:s30] =	ssyncadd.s32 $0xFFFFFD80  }
0x252: {  	[tilespmem:s20], [sflag:$0x3] =	stream.indirect.gather [hbm4b:s1+s16], $0x80, s7, s16, $0xb8;
	[tilespmem:$0x1C880] =	vst v63  }
0x253: {  	_ =	swait.ge [sflag:s21], $0x2800  }
0x254: {  	[sflag:s21] =	ssyncset.done $0x0  }
0x255: {  	s2 =	simm.s32 $0x580;
	[sflag:s21] =	ssyncadd.s32 $0xFFFFD800  }
0x256: {  	[spmem:s3] =	stream.indirect.scatter.add.f32 [tilespmem:s11], [sflag:$0x4], $0x80, s2, s16, $0xb8;
	[tilespmem:$0x1C880] =	vst v63  }
0x257: {  	_ =	swait.ge [sflag:s12], $0x2800  }
0x258: {  	[sflag:s12] =	ssyncset.done $0x0  }
0x259: {  	s10 =	simm.s32 $0x880;
	[sflag:s12] =	ssyncadd.s32 $0xFFFFD800  }
0x25a: {  	[tilespmem:s11], [sflag:$0x1] =	stream.indirect.gather [hbm4b:s1+s16], $0x80, s10, s16, $0xb8;
	[tilespmem:$0x1C880] =	vst v63  }
0x25b: {  	_ =	swait.ge [sflag:s24], $0x2800  }
0x25c: {  	[sflag:s24] =	ssyncset.done $0x0  }
0x25d: {  	s7 =	simm.s32 $0x600;
	[sflag:s24] =	ssyncadd.s32 $0xFFFFD800  }
0x25e: {  	[spmem:s3] =	stream.indirect.scatter.add.f32 [tilespmem:s18], [sflag:$0x5], $0x80, s7, s16, $0xb8;
	[tilespmem:$0x1C880] =	vst v63  }
0x25f: {  	_ =	swait.ge [sflag:s13], $0x2800  }
0x260: {  	[sflag:s13] =	ssyncset.done $0x0  }
0x261: {  	s10 =	rddreg [dreg:$0x12];
	[sflag:s13] =	ssyncadd.s32 $0xFFFFD800  }
0x262: {  	[tilespmem:s4], [sflag:$0x7] =	stream.linear.gather [hbm4b:s10+s4], $0x280, $0x38;
	[tilespmem:$0x1C880] =	vst v63  }
0x263: {  	s10 =	rddreg [dreg:$0x13]  }
0x264: {  	[tilespmem:s0], [sflag:$0x7] =	stream.linear.gather [hbm4b:s10+s4], $0x280, $0x38;
	[tilespmem:$0x1C880] =	vst v63  }
0x265: {  	s10 =	simm.s32 $0x900  }
0x266: {  	[tilespmem:s18], [sflag:$0x2] =	stream.indirect.gather [hbm4b:s1+s16], $0x80, s10, s16, $0xb8;
	[tilespmem:$0x1C880] =	vst v63  }
0x267: {  	_ =	swait.ge [sflag:s28], $0x2800  }
0x268: {  	[sflag:s28] =	ssyncset.done $0x0  }
0x269: {  	[sflag:s28] =	ssyncadd.s32 $0xFFFFD800  }
0x26a: {  	[spmem:s3] =	stream.indirect.scatter.add.f32 [tilespmem:s20], [sflag:$0x6], $0x80, s8, s16, $0xb8;
	[tilespmem:$0x1C880] =	vst v63  }
0x26b: {  	_ =	swait.ge [sflag:s14], $0x2800  }
0x26c: {  	[sflag:s14] =	ssyncset.done $0x0  }
0x26d: {  	s10 =	simm.s32 $0x980;
	[sflag:s14] =	ssyncadd.s32 $0xFFFFD800  }
0x26e: {  	[tilespmem:s20], [sflag:$0x3] =	stream.indirect.gather [hbm4b:s1+s16], $0x80, s10, s16, $0xb8;
	[tilespmem:$0x1C880] =	vst v63  }
0x26f: {  	_ =	swait.ge [sflag:s21], $0x2800  }
0x270: {  	[sflag:s21] =	ssyncset.done $0x0  }
0x271: {  	s10 =	simm.s32 $0xC80;
	[sflag:s21] =	ssyncadd.s32 $0xFFFFD800  }
0x272: {  	[spmem:s3] =	stream.indirect.scatter.add.f32 [tilespmem:s11], [sflag:$0x4], $0x80, s10, s16, $0xb8;
	[tilespmem:$0x1C880] =	vst v63  }
0x273: {  	_ =	swait.ge [sflag:s12], $0x2800  }
0x274: {  	[sflag:s12] =	ssyncset.done $0x0  }
0x275: {  	s10 =	simm.s32 $0xA00;
	[sflag:s12] =	ssyncadd.s32 $0xFFFFD800  }
0x276: {  	[tilespmem:s11], [sflag:$0x1] =	stream.indirect.gather [hbm4b:s1+s16], $0x80, s10, s16, $0xb8;
	[tilespmem:$0x1C880] =	vst v63  }
0x277: {  	_ =	swait.ge [sflag:s24], $0x2800  }
0x278: {  	[sflag:s24] =	ssyncset.done $0x0  }
0x279: {  	s10 =	simm.s32 $0xD00;
	[sflag:s24] =	ssyncadd.s32 $0xFFFFD800  }
0x27a: {  	[spmem:s3] =	stream.indirect.scatter.add.f32 [tilespmem:s18], [sflag:$0x5], $0x80, s10, s16, $0xb8;
	[tilespmem:$0x1C880] =	vst v63  }
0x27b: {  	_ =	swait.ge [sflag:s13], $0x2800  }
0x27c: {  	[sflag:s13] =	ssyncset.done $0x0  }
0x27d: {  	[sflag:s13] =	ssyncadd.s32 $0xFFFFD800  }
0x27e: {  	_ =	swait.ge [sflag:s29], $0x280  }
0x27f: {  	[sflag:s29] =	ssyncset.done $0x0  }
0x280: {  	[sflag:s29] =	ssyncadd.s32 $0xFFFFFD80  }
0x281: {  	_ =	swait.ge [sflag:s29], $0x280  }
0x282: {  	[sflag:s29] =	ssyncset.done $0x0  }
0x283: {  	[sflag:s29] =	ssyncadd.s32 $0xFFFFFD80  }
0x284: {  	[tilespmem:s18], [sflag:$0x2] =	stream.indirect.gather [hbm4b:s1+s16], $0x80, s9, s16, $0xb8;
	[tilespmem:$0x1C880] =	vst v63  }
0x285: {  	_ =	swait.ge [sflag:s28], $0x2800  }
0x286: {  	[sflag:s28] =	ssyncset.done $0x0  }
0x287: {  	s10 =	simm.s32 $0xD80;
	[sflag:s28] =	ssyncadd.s32 $0xFFFFD800  }
0x288: {  	[spmem:s3] =	stream.indirect.scatter.add.f32 [tilespmem:s20], [sflag:$0x6], $0x80, s10, s16, $0xb8;
	[tilespmem:$0x1C880] =	vst v63  }
0x289: {  	_ =	swait.ge [sflag:s14], $0x2800  }
0x28a: {  	[sflag:s14] =	ssyncset.done $0x0  }
0x28b: {  	s10 =	simm.s32 $0x1080;
	[sflag:s14] =	ssyncadd.s32 $0xFFFFD800  }
0x28c: {  	[tilespmem:s20], [sflag:$0x3] =	stream.indirect.gather [hbm4b:s1+s16], $0x80, s10, s16, $0xb8;
	[tilespmem:$0x1C880] =	vst v63  }
0x28d: {  	_ =	swait.ge [sflag:s21], $0x2800  }
0x28e: {  	[sflag:s21] =	ssyncset.done $0x0  }
0x28f: {  	s10 =	simm.s32 $0xE00;
	[sflag:s21] =	ssyncadd.s32 $0xFFFFD800  }
0x290: {  	[spmem:s3] =	stream.indirect.scatter.add.f32 [tilespmem:s11], [sflag:$0x4], $0x80, s10, s16, $0xb8;
	[tilespmem:$0x1C880] =	vst v63  }
0x291: {  	_ =	swait.ge [sflag:s12], $0x2800  }
0x292: {  	[sflag:s12] =	ssyncset.done $0x0  }
0x293: {  	[sflag:s12] =	ssyncadd.s32 $0xFFFFD800  }
0x294: {  	[tilespmem:s11], [sflag:$0x1] =	stream.indirect.gather [hbm4b:s1+s16], $0x80, s17, s16, $0xb8;
	[tilespmem:$0x1C880] =	vst v63  }
0x295: {  	_ =	swait.ge [sflag:s24], $0x2800  }
0x296: {  	[sflag:s24] =	ssyncset.done $0x0  }
0x297: {  	[sflag:s24] =	ssyncadd.s32 $0xFFFFD800  }
0x298: {  	[spmem:s3] =	stream.indirect.scatter.add.f32 [tilespmem:s18], [sflag:$0x5], $0x80, s25, s16, $0xb8;
	[tilespmem:$0x1C880] =	vst v63  }
0x299: {  	_ =	swait.ge [sflag:s13], $0x2800  }
0x29a: {  	[sflag:s13] =	ssyncset.done $0x0  }
0x29b: {  	[sflag:s13] =	ssyncadd.s32 $0xFFFFD800  }
0x29c: {  	[tilespmem:s18], [sflag:$0x2] =	stream.indirect.gather [hbm4b:s1+s16], $0x80, s19, s16, $0xb8;
	[tilespmem:$0x1C880] =	vst v63  }
0x29d: {  	_ =	swait.ge [sflag:s28], $0x2800  }
0x29e: {  	[sflag:s28] =	ssyncset.done $0x0  }
0x29f: {  	s10 =	simm.s32 $0x1480;
	[sflag:s28] =	ssyncadd.s32 $0xFFFFD800  }
0x2a0: {  	[spmem:s3] =	stream.indirect.scatter.add.f32 [tilespmem:s20], [sflag:$0x6], $0x80, s10, s16, $0xb8;
	[tilespmem:$0x1C880] =	vst v63  }
0x2a1: {  	_ =	swait.ge [sflag:s14], $0x2800  }
0x2a2: {  	[sflag:s14] =	ssyncset.done $0x0  }
0x2a3: {  	s17 =	simm.s32 $0x1200;
	[sflag:s14] =	ssyncadd.s32 $0xFFFFD800  }
0x2a4: {  	[tilespmem:s20], [sflag:$0x3] =	stream.indirect.gather [hbm4b:s1+s16], $0x80, s17, s16, $0xb8;
	[tilespmem:$0x1C880] =	vst v63  }
0x2a5: {  	_ =	swait.ge [sflag:s21], $0x2800  }
0x2a6: {  	[sflag:s21] =	ssyncset.done $0x0  }
0x2a7: {  	s19 =	simm.s32 $0x1500;
	[sflag:s21] =	ssyncadd.s32 $0xFFFFD800  }
0x2a8: {  	[spmem:s3] =	stream.indirect.scatter.add.f32 [tilespmem:s11], [sflag:$0x4], $0x80, s19, s16, $0xb8;
	[tilespmem:$0x1C880] =	vst v63  }
0x2a9: {  	_ =	swait.ge [sflag:s12], $0x2800  }
0x2aa: {  	[sflag:s12] =	ssyncset.done $0x0  }
0x2ab: {  	[sflag:s12] =	ssyncadd.s32 $0xFFFFD800  }
0x2ac: {  	_ =	swait.ge [sflag:s15], $0x280  }
0x2ad: {  	[sflag:s15] =	ssyncset.done $0x0  }
0x2ae: {  	[sflag:s15] =	ssyncadd.s32 $0xFFFFFD80  }
0x2af: {  	_ =	swait.ge [sflag:s15], $0x280  }
0x2b0: {  	[sflag:s15] =	ssyncset.done $0x0  }
0x2b1: {  	[sflag:s15] =	ssyncadd.s32 $0xFFFFFD80  }
0x2b2: {  	[tilespmem:s11], [sflag:$0x1] =	stream.indirect.gather [hbm4b:s1+s16], $0x80, s4, s16, $0xb8;
	[tilespmem:$0x1C880] =	vst v63  }
0x2b3: {  	_ =	swait.ge [sflag:s24], $0x2800  }
0x2b4: {  	[sflag:s24] =	ssyncset.done $0x0  }
0x2b5: {  	s10 =	simm.s32 $0x1580;
	[sflag:s24] =	ssyncadd.s32 $0xFFFFD800  }
0x2b6: {  	[spmem:s3] =	stream.indirect.scatter.add.f32 [tilespmem:s18], [sflag:$0x5], $0x80, s10, s16, $0xb8;
	[tilespmem:$0x1C880] =	vst v63  }
0x2b7: {  	_ =	swait.ge [sflag:s13], $0x2800  }
0x2b8: {  	[sflag:s13] =	ssyncset.done $0x0  }
0x2b9: {  	[sflag:s13] =	ssyncadd.s32 $0xFFFFD800  }
0x2ba: {  	[tilespmem:s18], [sflag:$0x2] =	stream.indirect.gather [hbm4b:s1+s16], $0x80, s22, s16, $0xb8;
	[tilespmem:$0x1C880] =	vst v63  }
0x2bb: {  	_ =	swait.ge [sflag:s28], $0x2800  }
0x2bc: {  	[sflag:s28] =	ssyncset.done $0x0  }
0x2bd: {  	s17 =	simm.s32 $0x1600;
	[sflag:s28] =	ssyncadd.s32 $0xFFFFD800  }
0x2be: {  	[spmem:s3] =	stream.indirect.scatter.add.f32 [tilespmem:s20], [sflag:$0x6], $0x80, s17, s16, $0xb8;
	[tilespmem:$0x1C880] =	vst v63  }
0x2bf: {  	_ =	swait.ge [sflag:s14], $0x2800  }
0x2c0: {  	[sflag:s14] =	ssyncset.done $0x0  }
0x2c1: {  	s19 =	simm.s32 $0x100;
	[sflag:s14] =	ssyncadd.s32 $0xFFFFD800  }
0x2c2: {  	[tilespmem:s20], [sflag:$0x3] =	stream.indirect.gather [hbm4b:s1+s16], $0x80, s19, s16, $0xb8;
	[tilespmem:$0x1C880] =	vst v63  }
0x2c3: {  	_ =	swait.ge [sflag:s21], $0x2800  }
0x2c4: {  	[sflag:s21] =	ssyncset.done $0x0  }
0x2c5: {  	[sflag:s21] =	ssyncadd.s32 $0xFFFFD800  }
0x2c6: {  	[spmem:s3] =	stream.indirect.scatter.add.f32 [tilespmem:s11], [sflag:$0x4], $0x80, s0, s16, $0xb8;
	[tilespmem:$0x1C880] =	vst v63  }
0x2c7: {  	_ =	swait.ge [sflag:s12], $0x2800  }
0x2c8: {  	[sflag:s12] =	ssyncset.done $0x0  }
0x2c9: {  	s22 =	simm.s32 $0x180;
	[sflag:s12] =	ssyncadd.s32 $0xFFFFD800  }
0x2ca: {  	[tilespmem:s11], [sflag:$0x1] =	stream.indirect.gather [hbm4b:s1+s16], $0x80, s22, s16, $0xb8;
	[tilespmem:$0x1C880] =	vst v63  }
0x2cb: {  	_ =	swait.ge [sflag:s24], $0x2800  }
0x2cc: {  	[sflag:s24] =	ssyncset.done $0x0  }
0x2cd: {  	[sflag:s24] =	ssyncadd.s32 $0xFFFFD800  }
0x2ce: {  	[spmem:s3] =	stream.indirect.scatter.add.f32 [tilespmem:s18], [sflag:$0x5], $0x80, s26, s16, $0xb8;
	[tilespmem:$0x1C880] =	vst v63  }
0x2cf: {  	_ =	swait.ge [sflag:s13], $0x2800  }
0x2d0: {  	[sflag:s13] =	ssyncset.done $0x0  }
0x2d1: {  	[sflag:s13] =	ssyncadd.s32 $0xFFFFD800  }
0x2d2: {  	[tilespmem:s18], [sflag:$0x2] =	stream.indirect.gather [hbm4b:s1+s16], $0x80, s31, s16, $0xb8;
	[tilespmem:$0x1C880] =	vst v63  }
0x2d3: {  	_ =	swait.ge [sflag:s28], $0x2800  }
0x2d4: {  	[sflag:s28] =	ssyncset.done $0x0  }
0x2d5: {  	[sflag:s28] =	ssyncadd.s32 $0xFFFFD800  }
0x2d6: {  	[spmem:s3] =	stream.indirect.scatter.add.f32 [tilespmem:s20], [sflag:$0x6], $0x80, s5, s16, $0xb8;
	[tilespmem:$0x1C880] =	vst v63  }
0x2d7: {  	_ =	swait.ge [sflag:s21], $0x2800  }
0x2d8: {  	[sflag:s21] =	ssyncset.done $0x0  }
0x2d9: {  	[sflag:s21] =	ssyncadd.s32 $0xFFFFD800  }
0x2da: {  	[spmem:s3] =	stream.indirect.scatter.add.f32 [tilespmem:s11], [sflag:$0x4], $0x80, s2, s16, $0xb8;
	[tilespmem:$0x1C880] =	vst v63  }
0x2db: {  	_ =	swait.ge [sflag:s24], $0x2800  }
0x2dc: {  	[sflag:s24] =	ssyncset.done $0x0  }
0x2dd: {  	[sflag:s24] =	ssyncadd.s32 $0xFFFFD800  }
0x2de: {  	[spmem:s3] =	stream.indirect.scatter.add.f32 [tilespmem:s18], [sflag:$0x5], $0x80, s7, s16, $0xb8;
	[tilespmem:$0x1C880] =	vst v63  }
0x2df: {  	_ =	swait.ge [sflag:s14], $0x2800  }
0x2e0: {  	[sflag:s14] =	ssyncset.done $0x0  }
0x2e1: {  	[sflag:s14] =	ssyncadd.s32 $0xFFFFD800  }
0x2e2: {  	_ =	swait.ge [sflag:s12], $0x2800  }
0x2e3: {  	[sflag:s12] =	ssyncset.done $0x0  }
0x2e4: {  	[sflag:s12] =	ssyncadd.s32 $0xFFFFD800  }
0x2e5: {  	_ =	swait.ge [sflag:s13], $0x2800  }
0x2e6: {  	[sflag:s13] =	ssyncset.done $0x0  }
0x2e7: {  	[sflag:s13] =	ssyncadd.s32 $0xFFFFD800  }
0x2e8: {  	s5 =	stileid.u32;
	[bflag:$0x0] =	sbarrier.arrive $0xFFFF  }
0x2e9: {  	s22 =	simm.s32 $0xA;
	s10 =	sshll.u32 s5, $0x6;
	s7 =	rddreg [dreg:$0x7]  }
0x2ea: {  	s10 =	sor.u32 $0x1C0A, s10;
	s8 =	rddreg [dreg:$0x16];
	s17 =	sshrl.u32 s7, $0x3  }
0x2eb: {  	[hbm:s8], [sflag:s10] =	dma.local [spmem:s17], $0x2700  }
0x2ec: {  	_ =	swait.ge [sflag:s22], $0x2700  }
0x2ed: {  	s17 =	rddreg [dreg:$0x14]  }
0x2ee: {  	[sflag:s22] =	ssyncset.done $0x0;
	s19 =	rddreg [dreg:$0x1b]  }
0x2ef: {  	[sflag:s22] =	ssyncadd.s32 $0xFFFFD900;
	s17 =	sadd.s32 @!p0 $0x27000, s17;
	s19 =	sshrl.u32 @!p0 s19, $0x3  }
0x2f0: {  	[hbm:s17], [sflag:s10] =	dma.local @!p0 [spmem:s19], $0x100  }
0x2f1: {  	s10 =	simm.s32 @!p0 $0xA  }
0x2f2: {  	_ =	swait.ge @!p0 [sflag:s10], $0x100  }
0x2f3: {  	s26 =	rddreg [dreg:$0x1c]  }
0x2f4: {  	s31 =	rddreg [dreg:$0x15];
	s19 =	sadd.s32 $0x1, s26  }
0x2f5: {  	p1 =	sne.s32 s19, s31  }
.Ltmp2:
0x2f6: {  	_ = 	snop;
	(pc) =	sbr.rel @p1 .LBB2_1-.Ltmp2, $3  }
0x2f7: {  	_ =	sdelay $0x1  }
0x2f8: {  	[sflag:s10] =	ssyncset.done @!p0 $0x0  }
0x2f9: {  	[sflag:s10] =	ssyncadd.s32 @!p0 $0xFFFFFF00  }
0x2fa: {  	_ =	sfence.sel $0x180000  }
0x2fb: {  	[bflag:$0x0] =	sbarrier.arrive $0xFFFF  }
0x2fc: {  	_ =	strace $0x90000047  }
0x2fd: {  	s0 =	stileid.u32;
	[bflag:$0x2] =	sbarrier.arrive $0xFFFF  }
0x2fe: {  	p0 =	sne.s32 s0, $0x0;
	s0 =	rddreg [dreg:$0x3]  }
0x2ff: {  	s0 =	sadd.s32 @!p0 $0x100000, s0  }
0x300: {  	[sflag:s0] =	ssyncadd.tile.s32 @!p0 $0x1;
	_ =	shalt  }
.Lfunc_end2:
_tile_overlayer_lowered:
.L_overlay_start_2:
0x301: {  	(tag) =	ssettag $0x2  }
0x302: {  	s0 =	rddreg [dreg:$0x0];
	s2 =	stileid.u32  }
0x303: {  	s1 =	rddreg [dreg:$0x1];
	p0 =	sne.s32 s2, $0x0  }
0x304: {  	s3 =	rddreg [dreg:$0x2];
	[bflag:$0x3] =	sbarrier.arrive $0xFFFF;
	s2 =	simm.s32 @!p0 $0x1C0A  }
0x305: {  	[timem:s3], [sflag:s2] =	dma.local @!p0 [hbm:s0], s1  }
0x306: {  	s0 =	simm.s32 @!p0 $0xA  }
0x307: {  	_ =	swait.ge @!p0 [sflag:s0], s1  }
0x308: {  	s1 =	ssub.s32 @!p0 $0x0, s1;
	[sflag:s0] =	ssyncset.done @!p0 $0x0  }
0x309: {  	[sflag:s0] =	ssyncadd.s32 @!p0 s1  }
0x30a: {  	[bflag:$0x3] =	sbarrier.arrive $0xFFFF  }
0x30b: {  	_ =	shalt  }

</sc_bundles>
